<compile_context>
chip_gen: v7x
topology: tpu7x:2x2x1
jax: 0.10.2.dev20260603
libtpu: 0.0.44.dev20260713+nightly
codegen_flags: <defaults>
</compile_context>

<pallas_src>
import jax
import jax.numpy as jnp
from jax import lax
from jax.experimental import pallas as pl
from jax.experimental.pallas import tpu as pltpu
from jax.experimental.pallas import tpu_sc as plsc

N_NODES = 10000
D = 128
N_EDGES = 320000

NC, NS = 2, 16
NW = NC * NS
CH = 64
CPW = 160
HCH = 40
EPW = CPW * CH
E_PAD = NW * EPW
ACC_ROWS = 10112
SLAB = ACC_ROWS // NS
DEG_ROWS = 10240
DEG_SLAB = DEG_ROWS // NS
NBUF = 4
ROW_BLK = 1000

_mesh = plsc.VectorSubcoreMesh(core_axis_name="c", subcore_axis_name="s")


def _deg_body(dst_idx, zvec, out, dst_v, ones_v, acc, m0, m1, m2, m3):
    c = lax.axis_index("c")
    sid = lax.axis_index("s")
    w = c * NS + sid
    sems = (m0, m1, m2, m3)
    npipe = 4

    pltpu.sync_copy(zvec, acc.at[pl.ds(sid * DEG_SLAB, DEG_SLAB)])
    for i in range(CH // 16):
        ones_v[pl.ds(i * 16, 16)] = jnp.full((16,), 1.0, jnp.float32)
    plsc.subcore_barrier()

    pltpu.sync_copy(dst_idx.at[w], dst_v)

    for b in range(npipe):
        pltpu.async_copy(ones_v, acc.at[dst_v.at[b]], sems[b], add=True)

    @pl.loop(0, CPW - npipe, step=npipe)
    def _steady(j0):
        for b in range(npipe):
            j = j0 + b
            pltpu.make_async_copy(ones_v, acc.at[dst_v.at[j]], sems[b]).wait()
            pltpu.async_copy(ones_v, acc.at[dst_v.at[j + npipe]], sems[b],
                             add=True)

    for b in range(npipe):
        j = CPW - npipe + b
        pltpu.make_async_copy(ones_v, acc.at[dst_v.at[j]], sems[b]).wait()

    plsc.subcore_barrier()
    pltpu.sync_copy(acc.at[pl.ds(sid * DEG_SLAB, DEG_SLAB)],
                    out.at[pl.ds(c * DEG_ROWS + sid * DEG_SLAB, DEG_SLAB)])


_sc_degree = pl.kernel(
    _deg_body,
    out_type=jax.ShapeDtypeStruct((NC * DEG_ROWS,), jnp.float32),
    mesh=_mesh,
    scratch_types=[
        pltpu.VMEM((CPW, CH), jnp.int32),
        pltpu.VMEM((CH,), jnp.float32),
        pltpu.VMEM_SHARED((DEG_ROWS,), jnp.float32),
        pltpu.SemaphoreType.DMA,
        pltpu.SemaphoreType.DMA,
        pltpu.SemaphoreType.DMA,
        pltpu.SemaphoreType.DMA,
    ],
)


def _agg_body(hp, src_idx, dst_idx, zrow, out,
              src_v, dst_v, b0, b1, b2, b3, acc,
              g0, g1, g2, g3, s0, s1, s2, s3):
    c = lax.axis_index("c")
    sid = lax.axis_index("s")
    w = c * NS + sid
    bufs = (b0, b1, b2, b3)
    gsem = (g0, g1, g2, g3)
    ssem = (s0, s1, s2, s3)

    pltpu.sync_copy(zrow, acc.at[pl.ds(sid * SLAB, SLAB)])
    plsc.subcore_barrier()

    for half in range(CPW // HCH):
        pltpu.sync_copy(src_idx.at[w, pl.ds(half * HCH, HCH)], src_v)
        pltpu.sync_copy(dst_idx.at[w, pl.ds(half * HCH, HCH)], dst_v)

        pltpu.async_copy(hp.at[src_v.at[0]], bufs[0], gsem[0])
        pltpu.async_copy(hp.at[src_v.at[1]], bufs[1], gsem[1])
        for j in range(2):
            pltpu.async_copy(hp.at[src_v.at[j + 2]], bufs[j + 2],
                             gsem[j + 2])
            pltpu.make_async_copy(hp.at[src_v.at[j]], bufs[j],
                                  gsem[j]).wait()
            pltpu.async_copy(bufs[j], acc.at[dst_v.at[j]], ssem[j],
                             add=True)

        @pl.loop(2, HCH - 2, step=NBUF)
        def _steady(j0):
            for u in range(NBUF):
                j = j0 + u
                bg = u
                bs = (u + 2) % NBUF
                pltpu.make_async_copy(bufs[bg], acc.at[dst_v.at[j - 2]],
                                      ssem[bg]).wait()
                pltpu.async_copy(hp.at[src_v.at[j + 2]], bufs[bg], gsem[bg])
                pltpu.make_async_copy(hp.at[src_v.at[j]], bufs[bs],
                                      gsem[bs]).wait()
                pltpu.async_copy(bufs[bs], acc.at[dst_v.at[j]], ssem[bs],
                                 add=True)

        for u in range(2):
            j = HCH - 2 + u
            bs = (u + 2) % NBUF
            pltpu.make_async_copy(hp.at[src_v.at[j]], bufs[bs],
                                  gsem[bs]).wait()
            pltpu.async_copy(bufs[bs], acc.at[dst_v.at[j]], ssem[bs],
                             add=True)
        for b in range(NBUF):
            j = HCH - NBUF + b
            pltpu.make_async_copy(bufs[b], acc.at[dst_v.at[j]],
                                  ssem[b]).wait()

    plsc.subcore_barrier()
    pltpu.sync_copy(acc.at[pl.ds(sid * SLAB, SLAB)],
                    out.at[c, pl.ds(sid * SLAB, SLAB)])


_sc_agg = pl.kernel(
    _agg_body,
    out_type=jax.ShapeDtypeStruct((NC, ACC_ROWS, D), jnp.float32),
    mesh=_mesh,
    scratch_types=[
        pltpu.VMEM((HCH, CH), jnp.int32),
        pltpu.VMEM((HCH, CH), jnp.int32),
        pltpu.VMEM((CH, D), jnp.float32),
        pltpu.VMEM((CH, D), jnp.float32),
        pltpu.VMEM((CH, D), jnp.float32),
        pltpu.VMEM((CH, D), jnp.float32),
        pltpu.VMEM_SHARED((ACC_ROWS, D), jnp.float32),
        pltpu.SemaphoreType.DMA,
        pltpu.SemaphoreType.DMA,
        pltpu.SemaphoreType.DMA,
        pltpu.SemaphoreType.DMA,
        pltpu.SemaphoreType.DMA,
        pltpu.SemaphoreType.DMA,
        pltpu.SemaphoreType.DMA,
        pltpu.SemaphoreType.DMA,
    ],
)


def _tc_in_body(x_ref, w_ref, d_ref, hp_ref, s_ref):
    deg = d_ref[0] + d_ref[1] + 1.0
    s = lax.rsqrt(deg)
    s_ref[...] = s
    h = jnp.dot(x_ref[...], w_ref[...], preferred_element_type=jnp.float32)
    hp_ref[...] = h * s


def _tc_in(x, W1, degp):
    return pl.pallas_call(
        _tc_in_body,
        grid=(N_NODES // ROW_BLK,),
        in_specs=[
            pl.BlockSpec((ROW_BLK, D), lambda i: (i, 0)),
            pl.BlockSpec((D, D), lambda i: (0, 0)),
            pl.BlockSpec((NC, ROW_BLK, 1), lambda i: (0, i, 0)),
        ],
        out_specs=[
            pl.BlockSpec((ROW_BLK, D), lambda i: (i, 0)),
            pl.BlockSpec((ROW_BLK, 1), lambda i: (i, 0)),
        ],
        out_shape=[
            jax.ShapeDtypeStruct((N_NODES, D), jnp.float32),
            jax.ShapeDtypeStruct((N_NODES, 1), jnp.float32),
        ],
    )(x, W1, degp)


def _tc_mid_body(p_ref, hp_ref, s_ref, b_ref, w_ref, o_ref):
    agg = p_ref[0] + p_ref[1] + hp_ref[...]
    s = s_ref[...]
    z = jnp.maximum(s * agg + b_ref[...], 0.0)
    o_ref[...] = jnp.dot(z, w_ref[...], preferred_element_type=jnp.float32) * s


def _tc_mid(p, hp, s, b1, W2):
    return pl.pallas_call(
        _tc_mid_body,
        grid=(N_NODES // ROW_BLK,),
        in_specs=[
            pl.BlockSpec((NC, ROW_BLK, D), lambda i: (0, i, 0)),
            pl.BlockSpec((ROW_BLK, D), lambda i: (i, 0)),
            pl.BlockSpec((ROW_BLK, 1), lambda i: (i, 0)),
            pl.BlockSpec((1, D), lambda i: (0, 0)),
            pl.BlockSpec((D, D), lambda i: (0, 0)),
        ],
        out_specs=pl.BlockSpec((ROW_BLK, D), lambda i: (i, 0)),
        out_shape=jax.ShapeDtypeStruct((N_NODES, D), jnp.float32),
    )(p, hp, s, b1, W2)


def _tc_out_body(q_ref, hp_ref, s_ref, b_ref, o_ref):
    agg = q_ref[0] + q_ref[1] + hp_ref[...]
    o_ref[...] = jnp.maximum(s_ref[...] * agg + b_ref[...], 0.0)


def _tc_out(q, hp, s, b2):
    return pl.pallas_call(
        _tc_out_body,
        grid=(N_NODES // ROW_BLK,),
        in_specs=[
            pl.BlockSpec((NC, ROW_BLK, D), lambda i: (0, i, 0)),
            pl.BlockSpec((ROW_BLK, D), lambda i: (i, 0)),
            pl.BlockSpec((ROW_BLK, 1), lambda i: (i, 0)),
            pl.BlockSpec((1, D), lambda i: (0, 0)),
        ],
        out_specs=pl.BlockSpec((ROW_BLK, D), lambda i: (i, 0)),
        out_shape=jax.ShapeDtypeStruct((N_NODES, D), jnp.float32),
    )(q, hp, s, b2)


def kernel(x, edge_index, W1, b1, W2, b2):
    src = edge_index[0].astype(jnp.int32)
    dst = edge_index[1].astype(jnp.int32)
    padn = E_PAD - N_EDGES
    src3 = jnp.concatenate(
        [src, jnp.zeros((padn,), jnp.int32)]).reshape(NW, CPW, CH)
    dst3 = jnp.concatenate(
        [dst, jnp.full((padn,), N_NODES, jnp.int32)]).reshape(NW, CPW, CH)
    zrow = jnp.zeros((SLAB, D), jnp.float32)
    zvec = jnp.zeros((DEG_SLAB,), jnp.float32)

    degp = _sc_degree(dst3, zvec).reshape(NC, DEG_ROWS)
    degp = degp[:, :N_NODES, None]
    h1p, s = _tc_in(x, W1, degp)
    p = _sc_agg(h1p, src3, dst3, zrow)
    h2p = _tc_mid(p, h1p, s, b1.reshape(1, D), W2)
    q = _sc_agg(h2p, src3, dst3, zrow)
    return _tc_out(q, h2p, s, b2.reshape(1, D))

# --- scband reference (transcript-rebuilt; emitter-appended) ---
"""Pipeline reference for scband-gnnfeature-extractor-69896297775675 (READ-ONLY COPY).

The authoritative reference and input builder live on the scoring server;
editing this copy changes nothing except your own understanding.
"""

import jax, jax.numpy as jnp
import numpy as np

N_NODES = 10000
N_EDGES = 320000
D_IN = 128
D_HID = 128
D_OUT = 128


def _gcn_layer(x, src, dst, W, b, n):
    # PyG GCNConv: h = XW, then symmetric-normalized scatter-add aggregation, then + bias
    h = x @ W
    ones = jnp.ones(src.shape[0], dtype=h.dtype)
    deg = jax.ops.segment_sum(ones, dst, num_segments=n)
    deg_inv_sqrt = jnp.where(deg > 0, deg ** -0.5, 0.0)
    norm = deg_inv_sqrt[src] * deg_inv_sqrt[dst]
    msg = h[src] * norm[:, None]
    out = jax.ops.segment_sum(msg, dst, num_segments=n)
    return out + b


def setup_inputs(seed: int = 0) -> dict:
    key = jax.random.key(seed)
    k1, k2, k3, k4 = jax.random.split(key, 4)
    x = jax.random.normal(k1, (N_NODES, D_IN), dtype=jnp.float32)
    edge_index = jax.random.randint(k2, (2, N_EDGES), 0, N_NODES).astype(jnp.int64)
    W1 = jax.random.normal(k3, (D_IN, D_HID), dtype=jnp.float32) * 0.05
    b1 = jnp.zeros((D_HID,), dtype=jnp.float32)
    W2 = jax.random.normal(k4, (D_HID, D_OUT), dtype=jnp.float32) * 0.05
    b2 = jnp.zeros((D_OUT,), dtype=jnp.float32)
    return {"x": x, "edge_index": edge_index, "W1": W1, "b1": b1, "W2": W2, "b2": b2}


def reference(x, edge_index, W1, b1, W2, b2):
    n = x.shape[0]
    # GCNConv default: add self loops before normalization
    loop = jnp.arange(n, dtype=edge_index.dtype)
    src = jnp.concatenate([edge_index[0], loop])
    dst = jnp.concatenate([edge_index[1], loop])
    h = jax.nn.relu(_gcn_layer(x, src, dst, W1, b1, n))
    h = jax.nn.relu(_gcn_layer(h, src, dst, W2, b2, n))
    return h

if __name__ == "__main__":
    import jax
    _d = setup_inputs()
    print(jax.jit(kernel)(*tuple(_d.values())))

</pallas_src>

<mosaic_0001>
#map = affine_map<(d0, d1) -> (0, 0, 0)>
#map1 = affine_map<(d0, d1) -> (0)>
module attributes {stable_mosaic.version = 14 : i64} {
  func.func @_deg_body(%arg0: i32, %arg1: i32, %arg2: memref<32x160x64xi32, #tpu.memory_space<hbm>>, %arg3: memref<640xf32, #tpu.memory_space<hbm>>, %arg4: memref<20480xf32, #tpu.memory_space<hbm>>, %arg5: memref<160x64xi32, #tpu.memory_space<vmem>>, %arg6: memref<64xf32, #tpu.memory_space<vmem>>, %arg7: memref<10240xf32, #tpu.memory_space<vmem_shared>>, %arg8: memref<!tpu.dma_semaphore, #tpu.memory_space<semaphore_mem>>, %arg9: memref<!tpu.dma_semaphore, #tpu.memory_space<semaphore_mem>>, %arg10: memref<!tpu.dma_semaphore, #tpu.memory_space<semaphore_mem>>, %arg11: memref<!tpu.dma_semaphore, #tpu.memory_space<semaphore_mem>>) attributes {dimension_semantics = [#tpu.dimension_semantics<core_parallel>, #tpu.dimension_semantics<subcore_parallel>], iteration_bounds = array<i64: 2, 16>, scalar_prefetch = 0 : i64, scratch_operands = 7 : i64, tpu.core_type = #tpu.core_type<sc_vector_subcore>, window_params = [{transform_indices = #map}, {transform_indices = #map1}, {transform_indices = #map1}]} {
    %mul3A = arith.constant 16 : i32
    %mul3A_0 = arith.muli %arg0, %mul3A : i32
    %add3A = arith.addi %mul3A_0, %arg1 : i32
    %mul3A_1 = arith.constant 640 : i32
    %mul3A_2 = arith.muli %arg1, %mul3A_1 : i32
    "tpu.region"() ({
      %run_scoped3A = tpu.sem_alloc : memref<!tpu.dma_semaphore, #tpu.memory_space<semaphore_mem>>
      %dma_start3A_83 = tpu.memref_slice %arg7[%mul3A_2] : memref<10240xf32, #tpu.memory_space<vmem_shared>> -> memref<640xf32, #tpu.memory_space<vmem_shared>>
      tpu.enqueue_dma source(%arg3 : memref<640xf32, #tpu.memory_space<hbm>>) target(%dma_start3A_83 : memref<640xf32, #tpu.memory_space<vmem_shared>>) target_semaphore(%run_scoped3A : memref<!tpu.dma_semaphore, #tpu.memory_space<semaphore_mem>>)
      %dma_wait3A_84 = tpu.memref_slice %arg7[%mul3A_2] : memref<10240xf32, #tpu.memory_space<vmem_shared>> -> memref<640xf32, #tpu.memory_space<vmem_shared>>
      tpu.wait_dma2 semaphore(%run_scoped3A : memref<!tpu.dma_semaphore, #tpu.memory_space<semaphore_mem>>) src(%arg3 : memref<640xf32, #tpu.memory_space<hbm>>) dst(%dma_wait3A_84 : memref<640xf32, #tpu.memory_space<vmem_shared>>)
      tpu.yield
    }) : () -> ()
    %broadcast_in_dim3A = arith.constant 1.000000e+00 : f32
    %broadcast_in_dim3A_3 = vector.broadcast %broadcast_in_dim3A : f32 to vector<16xf32>
    %swap3A = arith.constant 0 : index
    %swap3A_4 = tpu.vector_load %arg6[%swap3A] {strides = array<i32>} : memref<64xf32, #tpu.memory_space<vmem>>, vector<16xf32>,
    %swap3A_5 = vector.shape_cast %swap3A_4 : vector<16xf32> to vector<16xf32>
    %swap3A_6 = vector.shape_cast %broadcast_in_dim3A_3 : vector<16xf32> to vector<16xf32>
    tpu.vector_store %arg6[%swap3A], %swap3A_6 {strides = array<i32>} : memref<64xf32, #tpu.memory_space<vmem>>, vector<16xf32>,
    %broadcast_in_dim3A_7 = arith.constant 1.000000e+00 : f32
    %broadcast_in_dim3A_8 = vector.broadcast %broadcast_in_dim3A_7 : f32 to vector<16xf32>
    %swap3A_9 = arith.constant 16 : index
    %swap3A_10 = tpu.vector_load %arg6[%swap3A_9] {strides = array<i32>} : memref<64xf32, #tpu.memory_space<vmem>>, vector<16xf32>,
    %swap3A_11 = vector.shape_cast %swap3A_10 : vector<16xf32> to vector<16xf32>
    %swap3A_12 = vector.shape_cast %broadcast_in_dim3A_8 : vector<16xf32> to vector<16xf32>
    tpu.vector_store %arg6[%swap3A_9], %swap3A_12 {strides = array<i32>} : memref<64xf32, #tpu.memory_space<vmem>>, vector<16xf32>,
    %broadcast_in_dim3A_13 = arith.constant 1.000000e+00 : f32
    %broadcast_in_dim3A_14 = vector.broadcast %broadcast_in_dim3A_13 : f32 to vector<16xf32>
    %swap3A_15 = arith.constant 32 : index
    %swap3A_16 = tpu.vector_load %arg6[%swap3A_15] {strides = array<i32>} : memref<64xf32, #tpu.memory_space<vmem>>, vector<16xf32>,
    %swap3A_17 = vector.shape_cast %swap3A_16 : vector<16xf32> to vector<16xf32>
    %swap3A_18 = vector.shape_cast %broadcast_in_dim3A_14 : vector<16xf32> to vector<16xf32>
    tpu.vector_store %arg6[%swap3A_15], %swap3A_18 {strides = array<i32>} : memref<64xf32, #tpu.memory_space<vmem>>, vector<16xf32>,
    %broadcast_in_dim3A_19 = arith.constant 1.000000e+00 : f32
    %broadcast_in_dim3A_20 = vector.broadcast %broadcast_in_dim3A_19 : f32 to vector<16xf32>
    %swap3A_21 = arith.constant 48 : index
    %swap3A_22 = tpu.vector_load %arg6[%swap3A_21] {strides = array<i32>} : memref<64xf32, #tpu.memory_space<vmem>>, vector<16xf32>,
    %swap3A_23 = vector.shape_cast %swap3A_22 : vector<16xf32> to vector<16xf32>
    %swap3A_24 = vector.shape_cast %broadcast_in_dim3A_20 : vector<16xf32> to vector<16xf32>
    tpu.vector_store %arg6[%swap3A_21], %swap3A_24 {strides = array<i32>} : memref<64xf32, #tpu.memory_space<vmem>>, vector<16xf32>,
    %barrier3A = arith.constant 0 : index
    tpu.barrier barrier_id(%barrier3A)
    "tpu.region"() ({
      %run_scoped3A = tpu.sem_alloc : memref<!tpu.dma_semaphore, #tpu.memory_space<semaphore_mem>>
      %dma_start3A_83 = arith.constant 0 : i32
      %dma_start3A_84 = arith.constant 0 : i32
      %dma_start3A_85 = tpu.memref_slice %arg2[%add3A, %dma_start3A_83, %dma_start3A_84] : memref<32x160x64xi32, #tpu.memory_space<hbm>> -> memref<1x160x64xi32, #tpu.memory_space<hbm>>
      %dma_start3A_86 = tpu.memref_squeeze %dma_start3A_85 : memref<1x160x64xi32, #tpu.memory_space<hbm>> -> memref<160x64xi32, #tpu.memory_space<hbm>>
      %dma_start3A_87 = arith.constant 0 : i32
      %dma_start3A_88 = arith.constant 0 : i32
      %dma_start3A_89 = tpu.memref_slice %arg2[%add3A, %dma_start3A_87, %dma_start3A_88] : memref<32x160x64xi32, #tpu.memory_space<hbm>> -> memref<1x160x64xi32, #tpu.memory_space<hbm>>
      %dma_start3A_90 = tpu.memref_squeeze %dma_start3A_89 : memref<1x160x64xi32, #tpu.memory_space<hbm>> -> memref<160x64xi32, #tpu.memory_space<hbm>>
      tpu.enqueue_dma source(%dma_start3A_90 : memref<160x64xi32, #tpu.memory_space<hbm>>) target(%arg5 : memref<160x64xi32, #tpu.memory_space<vmem>>) target_semaphore(%run_scoped3A : memref<!tpu.dma_semaphore, #tpu.memory_space<semaphore_mem>>)
      %dma_wait3A_91 = arith.constant 0 : i32
      %dma_wait3A_92 = arith.constant 0 : i32
      %dma_wait3A_93 = tpu.memref_slice %arg2[%add3A, %dma_wait3A_91, %dma_wait3A_92] : memref<32x160x64xi32, #tpu.memory_space<hbm>> -> memref<1x160x64xi32, #tpu.memory_space<hbm>>
      %dma_wait3A_94 = tpu.memref_squeeze %dma_wait3A_93 : memref<1x160x64xi32, #tpu.memory_space<hbm>> -> memref<160x64xi32, #tpu.memory_space<hbm>>
      %dma_wait3A_95 = arith.constant 0 : i32
      %dma_wait3A_96 = arith.constant 0 : i32
      %dma_wait3A_97 = tpu.memref_slice %arg2[%add3A, %dma_wait3A_95, %dma_wait3A_96] : memref<32x160x64xi32, #tpu.memory_space<hbm>> -> memref<1x160x64xi32, #tpu.memory_space<hbm>>
      %dma_wait3A_98 = tpu.memref_squeeze %dma_wait3A_97 : memref<1x160x64xi32, #tpu.memory_space<hbm>> -> memref<160x64xi32, #tpu.memory_space<hbm>>
      tpu.wait_dma2 semaphore(%run_scoped3A : memref<!tpu.dma_semaphore, #tpu.memory_space<semaphore_mem>>) src(%dma_wait3A_98 : memref<160x64xi32, #tpu.memory_space<hbm>>) dst(%arg5 : memref<160x64xi32, #tpu.memory_space<vmem>>)
      tpu.yield
    }) : () -> ()
    %dma_start3A = arith.constant 0 : i32
    %dma_start3A_25 = arith.constant 0 : i32
    %dma_start3A_26 = tpu.memref_slice %arg5[%dma_start3A, %dma_start3A_25] : memref<160x64xi32, #tpu.memory_space<vmem>> -> memref<1x64xi32, #tpu.memory_space<vmem>>
    %dma_start3A_27 = tpu.memref_squeeze %dma_start3A_26 : memref<1x64xi32, #tpu.memory_space<vmem>> -> memref<64xi32, #tpu.memory_space<vmem>>
    %dma_start3A_28 = arith.constant 0 : i32
    %dma_start3A_29 = tpu.memref_slice %arg7[%dma_start3A_28] : memref<10240xf32, #tpu.memory_space<vmem_shared>> -> memref<10240xf32, #tpu.memory_space<vmem_shared>>
    tpu.enqueue_indirect_dma source(%arg6 : memref<64xf32, #tpu.memory_space<vmem>>) target(%dma_start3A_29 : memref<10240xf32, #tpu.memory_space<vmem_shared>>) offsets(%dma_start3A_27 : memref<64xi32, #tpu.memory_space<vmem>>) semaphore(%arg8 : memref<!tpu.dma_semaphore, #tpu.memory_space<semaphore_mem>>) {add = true}
    %dma_start3A_30 = arith.constant 1 : i32
    %dma_start3A_31 = arith.constant 0 : i32
    %dma_start3A_32 = tpu.memref_slice %arg5[%dma_start3A_30, %dma_start3A_31] : memref<160x64xi32, #tpu.memory_space<vmem>> -> memref<1x64xi32, #tpu.memory_space<vmem>>
    %dma_start3A_33 = tpu.memref_squeeze %dma_start3A_32 : memref<1x64xi32, #tpu.memory_space<vmem>> -> memref<64xi32, #tpu.memory_space<vmem>>
    %dma_start3A_34 = arith.constant 0 : i32
    %dma_start3A_35 = tpu.memref_slice %arg7[%dma_start3A_34] : memref<10240xf32, #tpu.memory_space<vmem_shared>> -> memref<10240xf32, #tpu.memory_space<vmem_shared>>
    tpu.enqueue_indirect_dma source(%arg6 : memref<64xf32, #tpu.memory_space<vmem>>) target(%dma_start3A_35 : memref<10240xf32, #tpu.memory_space<vmem_shared>>) offsets(%dma_start3A_33 : memref<64xi32, #tpu.memory_space<vmem>>) semaphore(%arg9 : memref<!tpu.dma_semaphore, #tpu.memory_space<semaphore_mem>>) {add = true}
    %dma_start3A_36 = arith.constant 2 : i32
    %dma_start3A_37 = arith.constant 0 : i32
    %dma_start3A_38 = tpu.memref_slice %arg5[%dma_start3A_36, %dma_start3A_37] : memref<160x64xi32, #tpu.memory_space<vmem>> -> memref<1x64xi32, #tpu.memory_space<vmem>>
    %dma_start3A_39 = tpu.memref_squeeze %dma_start3A_38 : memref<1x64xi32, #tpu.memory_space<vmem>> -> memref<64xi32, #tpu.memory_space<vmem>>
    %dma_start3A_40 = arith.constant 0 : i32
    %dma_start3A_41 = tpu.memref_slice %arg7[%dma_start3A_40] : memref<10240xf32, #tpu.memory_space<vmem_shared>> -> memref<10240xf32, #tpu.memory_space<vmem_shared>>
    tpu.enqueue_indirect_dma source(%arg6 : memref<64xf32, #tpu.memory_space<vmem>>) target(%dma_start3A_41 : memref<10240xf32, #tpu.memory_space<vmem_shared>>) offsets(%dma_start3A_39 : memref<64xi32, #tpu.memory_space<vmem>>) semaphore(%arg10 : memref<!tpu.dma_semaphore, #tpu.memory_space<semaphore_mem>>) {add = true}
    %dma_start3A_42 = arith.constant 3 : i32
    %dma_start3A_43 = arith.constant 0 : i32
    %dma_start3A_44 = tpu.memref_slice %arg5[%dma_start3A_42, %dma_start3A_43] : memref<160x64xi32, #tpu.memory_space<vmem>> -> memref<1x64xi32, #tpu.memory_space<vmem>>
    %dma_start3A_45 = tpu.memref_squeeze %dma_start3A_44 : memref<1x64xi32, #tpu.memory_space<vmem>> -> memref<64xi32, #tpu.memory_space<vmem>>
    %dma_start3A_46 = arith.constant 0 : i32
    %dma_start3A_47 = tpu.memref_slice %arg7[%dma_start3A_46] : memref<10240xf32, #tpu.memory_space<vmem_shared>> -> memref<10240xf32, #tpu.memory_space<vmem_shared>>
    tpu.enqueue_indirect_dma source(%arg6 : memref<64xf32, #tpu.memory_space<vmem>>) target(%dma_start3A_47 : memref<10240xf32, #tpu.memory_space<vmem_shared>>) offsets(%dma_start3A_45 : memref<64xi32, #tpu.memory_space<vmem>>) semaphore(%arg11 : memref<!tpu.dma_semaphore, #tpu.memory_space<semaphore_mem>>) {add = true}
    %scan3A = arith.constant 0 : i32
    %scan3A_48 = arith.constant 39 : i32
    %scan3A_49 = arith.addi %scan3A, %scan3A_48 : i32
    %scan3A_50 = arith.constant 1 : i32
    scf.for %scan3A_83 = %scan3A to %scan3A_49 step %scan3A_50  : i32 {
      %mul3A_84 = arith.constant 4 : i32
      %mul3A_85 = arith.muli %scan3A_83, %mul3A_84 : i32
      %add3A_86 = arith.constant 0 : i32
      %add3A_87 = arith.addi %add3A_86, %mul3A_85 : i32
      %add3A_88 = arith.constant 0 : i32
      %add3A_89 = arith.addi %add3A_87, %add3A_88 : i32
      %dma_wait3A_90 = arith.constant 0 : i32
      %dma_wait3A_91 = tpu.memref_slice %arg5[%add3A_89, %dma_wait3A_90] : memref<160x64xi32, #tpu.memory_space<vmem>> -> memref<1x64xi32, #tpu.memory_space<vmem>>
      %dma_wait3A_92 = tpu.memref_squeeze %dma_wait3A_91 : memref<1x64xi32, #tpu.memory_space<vmem>> -> memref<64xi32, #tpu.memory_space<vmem>>
      %dma_wait3A_93 = arith.constant 0 : i32
      %dma_wait3A_94 = tpu.memref_slice %arg7[%dma_wait3A_93] : memref<10240xf32, #tpu.memory_space<vmem_shared>> -> memref<10240xf32, #tpu.memory_space<vmem_shared>>
      tpu.wait_indirect_dma semaphore(%arg8 : memref<!tpu.dma_semaphore, #tpu.memory_space<semaphore_mem>>) src(%arg6 : memref<64xf32, #tpu.memory_space<vmem>>) dst(%dma_wait3A_94 : memref<10240xf32, #tpu.memory_space<vmem_shared>>)
      %add3A_95 = arith.constant 4 : i32
      %add3A_96 = arith.addi %add3A_89, %add3A_95 : i32
      %dma_start3A_97 = arith.constant 0 : i32
      %dma_start3A_98 = tpu.memref_slice %arg5[%add3A_96, %dma_start3A_97] : memref<160x64xi32, #tpu.memory_space<vmem>> -> memref<1x64xi32, #tpu.memory_space<vmem>>
      %dma_start3A_99 = tpu.memref_squeeze %dma_start3A_98 : memref<1x64xi32, #tpu.memory_space<vmem>> -> memref<64xi32, #tpu.memory_space<vmem>>
      %dma_start3A_100 = arith.constant 0 : i32
      %dma_start3A_101 = tpu.memref_slice %arg7[%dma_start3A_100] : memref<10240xf32, #tpu.memory_space<vmem_shared>> -> memref<10240xf32, #tpu.memory_space<vmem_shared>>
      tpu.enqueue_indirect_dma source(%arg6 : memref<64xf32, #tpu.memory_space<vmem>>) target(%dma_start3A_101 : memref<10240xf32, #tpu.memory_space<vmem_shared>>) offsets(%dma_start3A_99 : memref<64xi32, #tpu.memory_space<vmem>>) semaphore(%arg8 : memref<!tpu.dma_semaphore, #tpu.memory_space<semaphore_mem>>) {add = true}
      %add3A_102 = arith.constant 1 : i32
      %add3A_103 = arith.addi %add3A_87, %add3A_102 : i32
      %dma_wait3A_104 = arith.constant 0 : i32
      %dma_wait3A_105 = tpu.memref_slice %arg5[%add3A_103, %dma_wait3A_104] : memref<160x64xi32, #tpu.memory_space<vmem>> -> memref<1x64xi32, #tpu.memory_space<vmem>>
      %dma_wait3A_106 = tpu.memref_squeeze %dma_wait3A_105 : memref<1x64xi32, #tpu.memory_space<vmem>> -> memref<64xi32, #tpu.memory_space<vmem>>
      %dma_wait3A_107 = arith.constant 0 : i32
      %dma_wait3A_108 = tpu.memref_slice %arg7[%dma_wait3A_107] : memref<10240xf32, #tpu.memory_space<vmem_shared>> -> memref<10240xf32, #tpu.memory_space<vmem_shared>>
      tpu.wait_indirect_dma semaphore(%arg9 : memref<!tpu.dma_semaphore, #tpu.memory_space<semaphore_mem>>) src(%arg6 : memref<64xf32, #tpu.memory_space<vmem>>) dst(%dma_wait3A_108 : memref<10240xf32, #tpu.memory_space<vmem_shared>>)
      %add3A_109 = arith.constant 4 : i32
      %add3A_110 = arith.addi %add3A_103, %add3A_109 : i32
      %dma_start3A_111 = arith.constant 0 : i32
      %dma_start3A_112 = tpu.memref_slice %arg5[%add3A_110, %dma_start3A_111] : memref<160x64xi32, #tpu.memory_space<vmem>> -> memref<1x64xi32, #tpu.memory_space<vmem>>
      %dma_start3A_113 = tpu.memref_squeeze %dma_start3A_112 : memref<1x64xi32, #tpu.memory_space<vmem>> -> memref<64xi32, #tpu.memory_space<vmem>>
      %dma_start3A_114 = arith.constant 0 : i32
      %dma_start3A_115 = tpu.memref_slice %arg7[%dma_start3A_114] : memref<10240xf32, #tpu.memory_space<vmem_shared>> -> memref<10240xf32, #tpu.memory_space<vmem_shared>>
      tpu.enqueue_indirect_dma source(%arg6 : memref<64xf32, #tpu.memory_space<vmem>>) target(%dma_start3A_115 : memref<10240xf32, #tpu.memory_space<vmem_shared>>) offsets(%dma_start3A_113 : memref<64xi32, #tpu.memory_space<vmem>>) semaphore(%arg9 : memref<!tpu.dma_semaphore, #tpu.memory_space<semaphore_mem>>) {add = true}
      %add3A_116 = arith.constant 2 : i32
      %add3A_117 = arith.addi %add3A_87, %add3A_116 : i32
      %dma_wait3A_118 = arith.constant 0 : i32
      %dma_wait3A_119 = tpu.memref_slice %arg5[%add3A_117, %dma_wait3A_118] : memref<160x64xi32, #tpu.memory_space<vmem>> -> memref<1x64xi32, #tpu.memory_space<vmem>>
      %dma_wait3A_120 = tpu.memref_squeeze %dma_wait3A_119 : memref<1x64xi32, #tpu.memory_space<vmem>> -> memref<64xi32, #tpu.memory_space<vmem>>
      %dma_wait3A_121 = arith.constant 0 : i32
      %dma_wait3A_122 = tpu.memref_slice %arg7[%dma_wait3A_121] : memref<10240xf32, #tpu.memory_space<vmem_shared>> -> memref<10240xf32, #tpu.memory_space<vmem_shared>>
      tpu.wait_indirect_dma semaphore(%arg10 : memref<!tpu.dma_semaphore, #tpu.memory_space<semaphore_mem>>) src(%arg6 : memref<64xf32, #tpu.memory_space<vmem>>) dst(%dma_wait3A_122 : memref<10240xf32, #tpu.memory_space<vmem_shared>>)
      %add3A_123 = arith.constant 4 : i32
      %add3A_124 = arith.addi %add3A_117, %add3A_123 : i32
      %dma_start3A_125 = arith.constant 0 : i32
      %dma_start3A_126 = tpu.memref_slice %arg5[%add3A_124, %dma_start3A_125] : memref<160x64xi32, #tpu.memory_space<vmem>> -> memref<1x64xi32, #tpu.memory_space<vmem>>
      %dma_start3A_127 = tpu.memref_squeeze %dma_start3A_126 : memref<1x64xi32, #tpu.memory_space<vmem>> -> memref<64xi32, #tpu.memory_space<vmem>>
      %dma_start3A_128 = arith.constant 0 : i32
      %dma_start3A_129 = tpu.memref_slice %arg7[%dma_start3A_128] : memref<10240xf32, #tpu.memory_space<vmem_shared>> -> memref<10240xf32, #tpu.memory_space<vmem_shared>>
      tpu.enqueue_indirect_dma source(%arg6 : memref<64xf32, #tpu.memory_space<vmem>>) target(%dma_start3A_129 : memref<10240xf32, #tpu.memory_space<vmem_shared>>) offsets(%dma_start3A_127 : memref<64xi32, #tpu.memory_space<vmem>>) semaphore(%arg10 : memref<!tpu.dma_semaphore, #tpu.memory_space<semaphore_mem>>) {add = true}
      %add3A_130 = arith.constant 3 : i32
      %add3A_131 = arith.addi %add3A_87, %add3A_130 : i32
      %dma_wait3A_132 = arith.constant 0 : i32
      %dma_wait3A_133 = tpu.memref_slice %arg5[%add3A_131, %dma_wait3A_132] : memref<160x64xi32, #tpu.memory_space<vmem>> -> memref<1x64xi32, #tpu.memory_space<vmem>>
      %dma_wait3A_134 = tpu.memref_squeeze %dma_wait3A_133 : memref<1x64xi32, #tpu.memory_space<vmem>> -> memref<64xi32, #tpu.memory_space<vmem>>
      %dma_wait3A_135 = arith.constant 0 : i32
      %dma_wait3A_136 = tpu.memref_slice %arg7[%dma_wait3A_135] : memref<10240xf32, #tpu.memory_space<vmem_shared>> -> memref<10240xf32, #tpu.memory_space<vmem_shared>>
      tpu.wait_indirect_dma semaphore(%arg11 : memref<!tpu.dma_semaphore, #tpu.memory_space<semaphore_mem>>) src(%arg6 : memref<64xf32, #tpu.memory_space<vmem>>) dst(%dma_wait3A_136 : memref<10240xf32, #tpu.memory_space<vmem_shared>>)
      %add3A_137 = arith.constant 4 : i32
      %add3A_138 = arith.addi %add3A_131, %add3A_137 : i32
      %dma_start3A_139 = arith.constant 0 : i32
      %dma_start3A_140 = tpu.memref_slice %arg5[%add3A_138, %dma_start3A_139] : memref<160x64xi32, #tpu.memory_space<vmem>> -> memref<1x64xi32, #tpu.memory_space<vmem>>
      %dma_start3A_141 = tpu.memref_squeeze %dma_start3A_140 : memref<1x64xi32, #tpu.memory_space<vmem>> -> memref<64xi32, #tpu.memory_space<vmem>>
      %dma_start3A_142 = arith.constant 0 : i32
      %dma_start3A_143 = tpu.memref_slice %arg7[%dma_start3A_142] : memref<10240xf32, #tpu.memory_space<vmem_shared>> -> memref<10240xf32, #tpu.memory_space<vmem_shared>>
      tpu.enqueue_indirect_dma source(%arg6 : memref<64xf32, #tpu.memory_space<vmem>>) target(%dma_start3A_143 : memref<10240xf32, #tpu.memory_space<vmem_shared>>) offsets(%dma_start3A_141 : memref<64xi32, #tpu.memory_space<vmem>>) semaphore(%arg11 : memref<!tpu.dma_semaphore, #tpu.memory_space<semaphore_mem>>) {add = true}
    }
    %scan3A_51 = arith.constant 39 : i32
    %dma_wait3A = arith.constant 156 : i32
    %dma_wait3A_52 = arith.constant 0 : i32
    %dma_wait3A_53 = tpu.memref_slice %arg5[%dma_wait3A, %dma_wait3A_52] : memref<160x64xi32, #tpu.memory_space<vmem>> -> memref<1x64xi32, #tpu.memory_space<vmem>>
    %dma_wait3A_54 = tpu.memref_squeeze %dma_wait3A_53 : memref<1x64xi32, #tpu.memory_space<vmem>> -> memref<64xi32, #tpu.memory_space<vmem>>
    %dma_wait3A_55 = arith.constant 0 : i32
    %dma_wait3A_56 = tpu.memref_slice %arg7[%dma_wait3A_55] : memref<10240xf32, #tpu.memory_space<vmem_shared>> -> memref<10240xf32, #tpu.memory_space<vmem_shared>>
    tpu.wait_indirect_dma semaphore(%arg8 : memref<!tpu.dma_semaphore, #tpu.memory_space<semaphore_mem>>) src(%arg6 : memref<64xf32, #tpu.memory_space<vmem>>) dst(%dma_wait3A_56 : memref<10240xf32, #tpu.memory_space<vmem_shared>>)
    %dma_wait3A_57 = arith.constant 157 : i32
    %dma_wait3A_58 = arith.constant 0 : i32
    %dma_wait3A_59 = tpu.memref_slice %arg5[%dma_wait3A_57, %dma_wait3A_58] : memref<160x64xi32, #tpu.memory_space<vmem>> -> memref<1x64xi32, #tpu.memory_space<vmem>>
    %dma_wait3A_60 = tpu.memref_squeeze %dma_wait3A_59 : memref<1x64xi32, #tpu.memory_space<vmem>> -> memref<64xi32, #tpu.memory_space<vmem>>
    %dma_wait3A_61 = arith.constant 0 : i32
    %dma_wait3A_62 = tpu.memref_slice %arg7[%dma_wait3A_61] : memref<10240xf32, #tpu.memory_space<vmem_shared>> -> memref<10240xf32, #tpu.memory_space<vmem_shared>>
    tpu.wait_indirect_dma semaphore(%arg9 : memref<!tpu.dma_semaphore, #tpu.memory_space<semaphore_mem>>) src(%arg6 : memref<64xf32, #tpu.memory_space<vmem>>) dst(%dma_wait3A_62 : memref<10240xf32, #tpu.memory_space<vmem_shared>>)
    %dma_wait3A_63 = arith.constant 158 : i32
    %dma_wait3A_64 = arith.constant 0 : i32
    %dma_wait3A_65 = tpu.memref_slice %arg5[%dma_wait3A_63, %dma_wait3A_64] : memref<160x64xi32, #tpu.memory_space<vmem>> -> memref<1x64xi32, #tpu.memory_space<vmem>>
    %dma_wait3A_66 = tpu.memref_squeeze %dma_wait3A_65 : memref<1x64xi32, #tpu.memory_space<vmem>> -> memref<64xi32, #tpu.memory_space<vmem>>
    %dma_wait3A_67 = arith.constant 0 : i32
    %dma_wait3A_68 = tpu.memref_slice %arg7[%dma_wait3A_67] : memref<10240xf32, #tpu.memory_space<vmem_shared>> -> memref<10240xf32, #tpu.memory_space<vmem_shared>>
    tpu.wait_indirect_dma semaphore(%arg10 : memref<!tpu.dma_semaphore, #tpu.memory_space<semaphore_mem>>) src(%arg6 : memref<64xf32, #tpu.memory_space<vmem>>) dst(%dma_wait3A_68 : memref<10240xf32, #tpu.memory_space<vmem_shared>>)
    %dma_wait3A_69 = arith.constant 159 : i32
    %dma_wait3A_70 = arith.constant 0 : i32
    %dma_wait3A_71 = tpu.memref_slice %arg5[%dma_wait3A_69, %dma_wait3A_70] : memref<160x64xi32, #tpu.memory_space<vmem>> -> memref<1x64xi32, #tpu.memory_space<vmem>>
    %dma_wait3A_72 = tpu.memref_squeeze %dma_wait3A_71 : memref<1x64xi32, #tpu.memory_space<vmem>> -> memref<64xi32, #tpu.memory_space<vmem>>
    %dma_wait3A_73 = arith.constant 0 : i32
    %dma_wait3A_74 = tpu.memref_slice %arg7[%dma_wait3A_73] : memref<10240xf32, #tpu.memory_space<vmem_shared>> -> memref<10240xf32, #tpu.memory_space<vmem_shared>>
    tpu.wait_indirect_dma semaphore(%arg11 : memref<!tpu.dma_semaphore, #tpu.memory_space<semaphore_mem>>) src(%arg6 : memref<64xf32, #tpu.memory_space<vmem>>) dst(%dma_wait3A_74 : memref<10240xf32, #tpu.memory_space<vmem_shared>>)
    %barrier3A_75 = arith.constant 0 : index
    tpu.barrier barrier_id(%barrier3A_75)
    %mul3A_76 = arith.constant 640 : i32
    %mul3A_77 = arith.muli %arg1, %mul3A_76 : i32
    %mul3A_78 = arith.constant 10240 : i32
    %mul3A_79 = arith.muli %arg0, %mul3A_78 : i32
    %mul3A_80 = arith.constant 640 : i32
    %mul3A_81 = arith.muli %arg1, %mul3A_80 : i32
    %add3A_82 = arith.addi %mul3A_79, %mul3A_81 : i32
    "tpu.region"() ({
      %run_scoped3A = tpu.sem_alloc : memref<!tpu.dma_semaphore, #tpu.memory_space<semaphore_mem>>
      %dma_start3A_83 = tpu.memref_slice %arg4[%add3A_82] : memref<20480xf32, #tpu.memory_space<hbm>> -> memref<640xf32, #tpu.memory_space<hbm>>
      %dma_start3A_84 = tpu.memref_slice %arg7[%mul3A_77] : memref<10240xf32, #tpu.memory_space<vmem_shared>> -> memref<640xf32, #tpu.memory_space<vmem_shared>>
      tpu.enqueue_dma source(%dma_start3A_84 : memref<640xf32, #tpu.memory_space<vmem_shared>>) target(%dma_start3A_83 : memref<640xf32, #tpu.memory_space<hbm>>) target_semaphore(%run_scoped3A : memref<!tpu.dma_semaphore, #tpu.memory_space<semaphore_mem>>)
      %dma_wait3A_85 = tpu.memref_slice %arg4[%add3A_82] : memref<20480xf32, #tpu.memory_space<hbm>> -> memref<640xf32, #tpu.memory_space<hbm>>
      %dma_wait3A_86 = tpu.memref_slice %arg7[%mul3A_77] : memref<10240xf32, #tpu.memory_space<vmem_shared>> -> memref<640xf32, #tpu.memory_space<vmem_shared>>
      tpu.wait_dma2 semaphore(%run_scoped3A : memref<!tpu.dma_semaphore, #tpu.memory_space<semaphore_mem>>) src(%dma_wait3A_86 : memref<640xf32, #tpu.memory_space<vmem_shared>>) dst(%dma_wait3A_85 : memref<640xf32, #tpu.memory_space<hbm>>)
      tpu.yield
    }) : () -> ()
    return
  }
}

#map = affine_map<(d0, d1) -> (0, 0)>
#map1 = affine_map<(d0, d1) -> (0, 0, 0)>
module attributes {stable_mosaic.version = 14 : i64} {
  func.func @_agg_body(%arg0: i32, %arg1: i32, %arg2: memref<10000x128xf32, #tpu.memory_space<hbm>>, %arg3: memref<32x160x64xi32, #tpu.memory_space<hbm>>, %arg4: memref<32x160x64xi32, #tpu.memory_space<hbm>>, %arg5: memref<632x128xf32, #tpu.memory_space<hbm>>, %arg6: memref<2x10112x128xf32, #tpu.memory_space<hbm>>, %arg7: memref<40x64xi32, #tpu.memory_space<vmem>>, %arg8: memref<40x64xi32, #tpu.memory_space<vmem>>, %arg9: memref<64x128xf32, #tpu.memory_space<vmem>>, %arg10: memref<64x128xf32, #tpu.memory_space<vmem>>, %arg11: memref<64x128xf32, #tpu.memory_space<vmem>>, %arg12: memref<64x128xf32, #tpu.memory_space<vmem>>, %arg13: memref<10112x128xf32, #tpu.memory_space<vmem_shared>>, %arg14: memref<!tpu.dma_semaphore, #tpu.memory_space<semaphore_mem>>, %arg15: memref<!tpu.dma_semaphore, #tpu.memory_space<semaphore_mem>>, %arg16: memref<!tpu.dma_semaphore, #tpu.memory_space<semaphore_mem>>, %arg17: memref<!tpu.dma_semaphore, #tpu.memory_space<semaphore_mem>>, %arg18: memref<!tpu.dma_semaphore, #tpu.memory_space<semaphore_mem>>, %arg19: memref<!tpu.dma_semaphore, #tpu.memory_space<semaphore_mem>>, %arg20: memref<!tpu.dma_semaphore, #tpu.memory_space<semaphore_mem>>, %arg21: memref<!tpu.dma_semaphore, #tpu.memory_space<semaphore_mem>>) attributes {dimension_semantics = [#tpu.dimension_semantics<core_parallel>, #tpu.dimension_semantics<subcore_parallel>], iteration_bounds = array<i64: 2, 16>, scalar_prefetch = 0 : i64, scratch_operands = 15 : i64, tpu.core_type = #tpu.core_type<sc_vector_subcore>, window_params = [{transform_indices = #map}, {transform_indices = #map1}, {transform_indices = #map1}, {transform_indices = #map}, {transform_indices = #map1}]} {
    %mul3A = arith.constant 16 : i32
    %mul3A_0 = arith.muli %arg0, %mul3A : i32
    %add3A = arith.addi %mul3A_0, %arg1 : i32
    %mul3A_1 = arith.constant 632 : i32
    %mul3A_2 = arith.muli %arg1, %mul3A_1 : i32
    "tpu.region"() ({
      %run_scoped3A = tpu.sem_alloc : memref<!tpu.dma_semaphore, #tpu.memory_space<semaphore_mem>>
      %dma_start3A_473 = arith.constant 0 : i32
      %dma_start3A_474 = tpu.memref_slice %arg13[%mul3A_2, %dma_start3A_473] : memref<10112x128xf32, #tpu.memory_space<vmem_shared>> -> memref<632x128xf32, #tpu.memory_space<vmem_shared>>
      tpu.enqueue_dma source(%arg5 : memref<632x128xf32, #tpu.memory_space<hbm>>) target(%dma_start3A_474 : memref<632x128xf32, #tpu.memory_space<vmem_shared>>) target_semaphore(%run_scoped3A : memref<!tpu.dma_semaphore, #tpu.memory_space<semaphore_mem>>)
      %dma_wait3A_475 = arith.constant 0 : i32
      %dma_wait3A_476 = tpu.memref_slice %arg13[%mul3A_2, %dma_wait3A_475] : memref<10112x128xf32, #tpu.memory_space<vmem_shared>> -> memref<632x128xf32, #tpu.memory_space<vmem_shared>>
      tpu.wait_dma2 semaphore(%run_scoped3A : memref<!tpu.dma_semaphore, #tpu.memory_space<semaphore_mem>>) src(%arg5 : memref<632x128xf32, #tpu.memory_space<hbm>>) dst(%dma_wait3A_476 : memref<632x128xf32, #tpu.memory_space<vmem_shared>>)
      tpu.yield
    }) : () -> ()
    %barrier3A = arith.constant 0 : index
    tpu.barrier barrier_id(%barrier3A)
    "tpu.region"() ({
      %run_scoped3A = tpu.sem_alloc : memref<!tpu.dma_semaphore, #tpu.memory_space<semaphore_mem>>
      %dma_start3A_473 = arith.constant 0 : i32
      %dma_start3A_474 = arith.constant 0 : i32
      %dma_start3A_475 = tpu.memref_slice %arg3[%add3A, %dma_start3A_473, %dma_start3A_474] : memref<32x160x64xi32, #tpu.memory_space<hbm>> -> memref<1x40x64xi32, #tpu.memory_space<hbm>>
      %dma_start3A_476 = tpu.memref_squeeze %dma_start3A_475 : memref<1x40x64xi32, #tpu.memory_space<hbm>> -> memref<40x64xi32, #tpu.memory_space<hbm>>
      %dma_start3A_477 = arith.constant 0 : i32
      %dma_start3A_478 = arith.constant 0 : i32
      %dma_start3A_479 = tpu.memref_slice %arg3[%add3A, %dma_start3A_477, %dma_start3A_478] : memref<32x160x64xi32, #tpu.memory_space<hbm>> -> memref<1x40x64xi32, #tpu.memory_space<hbm>>
      %dma_start3A_480 = tpu.memref_squeeze %dma_start3A_479 : memref<1x40x64xi32, #tpu.memory_space<hbm>> -> memref<40x64xi32, #tpu.memory_space<hbm>>
      tpu.enqueue_dma source(%dma_start3A_480 : memref<40x64xi32, #tpu.memory_space<hbm>>) target(%arg7 : memref<40x64xi32, #tpu.memory_space<vmem>>) target_semaphore(%run_scoped3A : memref<!tpu.dma_semaphore, #tpu.memory_space<semaphore_mem>>)
      %dma_wait3A_481 = arith.constant 0 : i32
      %dma_wait3A_482 = arith.constant 0 : i32
      %dma_wait3A_483 = tpu.memref_slice %arg3[%add3A, %dma_wait3A_481, %dma_wait3A_482] : memref<32x160x64xi32, #tpu.memory_space<hbm>> -> memref<1x40x64xi32, #tpu.memory_space<hbm>>
      %dma_wait3A_484 = tpu.memref_squeeze %dma_wait3A_483 : memref<1x40x64xi32, #tpu.memory_space<hbm>> -> memref<40x64xi32, #tpu.memory_space<hbm>>
      %dma_wait3A_485 = arith.constant 0 : i32
      %dma_wait3A_486 = arith.constant 0 : i32
      %dma_wait3A_487 = tpu.memref_slice %arg3[%add3A, %dma_wait3A_485, %dma_wait3A_486] : memref<32x160x64xi32, #tpu.memory_space<hbm>> -> memref<1x40x64xi32, #tpu.memory_space<hbm>>
      %dma_wait3A_488 = tpu.memref_squeeze %dma_wait3A_487 : memref<1x40x64xi32, #tpu.memory_space<hbm>> -> memref<40x64xi32, #tpu.memory_space<hbm>>
      tpu.wait_dma2 semaphore(%run_scoped3A : memref<!tpu.dma_semaphore, #tpu.memory_space<semaphore_mem>>) src(%dma_wait3A_488 : memref<40x64xi32, #tpu.memory_space<hbm>>) dst(%arg7 : memref<40x64xi32, #tpu.memory_space<vmem>>)
      tpu.yield
    }) : () -> ()
    "tpu.region"() ({
      %run_scoped3A = tpu.sem_alloc : memref<!tpu.dma_semaphore, #tpu.memory_space<semaphore_mem>>
      %dma_start3A_473 = arith.constant 0 : i32
      %dma_start3A_474 = arith.constant 0 : i32
      %dma_start3A_475 = tpu.memref_slice %arg4[%add3A, %dma_start3A_473, %dma_start3A_474] : memref<32x160x64xi32, #tpu.memory_space<hbm>> -> memref<1x40x64xi32, #tpu.memory_space<hbm>>
      %dma_start3A_476 = tpu.memref_squeeze %dma_start3A_475 : memref<1x40x64xi32, #tpu.memory_space<hbm>> -> memref<40x64xi32, #tpu.memory_space<hbm>>
      %dma_start3A_477 = arith.constant 0 : i32
      %dma_start3A_478 = arith.constant 0 : i32
      %dma_start3A_479 = tpu.memref_slice %arg4[%add3A, %dma_start3A_477, %dma_start3A_478] : memref<32x160x64xi32, #tpu.memory_space<hbm>> -> memref<1x40x64xi32, #tpu.memory_space<hbm>>
      %dma_start3A_480 = tpu.memref_squeeze %dma_start3A_479 : memref<1x40x64xi32, #tpu.memory_space<hbm>> -> memref<40x64xi32, #tpu.memory_space<hbm>>
      tpu.enqueue_dma source(%dma_start3A_480 : memref<40x64xi32, #tpu.memory_space<hbm>>) target(%arg8 : memref<40x64xi32, #tpu.memory_space<vmem>>) target_semaphore(%run_scoped3A : memref<!tpu.dma_semaphore, #tpu.memory_space<semaphore_mem>>)
      %dma_wait3A_481 = arith.constant 0 : i32
      %dma_wait3A_482 = arith.constant 0 : i32
      %dma_wait3A_483 = tpu.memref_slice %arg4[%add3A, %dma_wait3A_481, %dma_wait3A_482] : memref<32x160x64xi32, #tpu.memory_space<hbm>> -> memref<1x40x64xi32, #tpu.memory_space<hbm>>
      %dma_wait3A_484 = tpu.memref_squeeze %dma_wait3A_483 : memref<1x40x64xi32, #tpu.memory_space<hbm>> -> memref<40x64xi32, #tpu.memory_space<hbm>>
      %dma_wait3A_485 = arith.constant 0 : i32
      %dma_wait3A_486 = arith.constant 0 : i32
      %dma_wait3A_487 = tpu.memref_slice %arg4[%add3A, %dma_wait3A_485, %dma_wait3A_486] : memref<32x160x64xi32, #tpu.memory_space<hbm>> -> memref<1x40x64xi32, #tpu.memory_space<hbm>>
      %dma_wait3A_488 = tpu.memref_squeeze %dma_wait3A_487 : memref<1x40x64xi32, #tpu.memory_space<hbm>> -> memref<40x64xi32, #tpu.memory_space<hbm>>
      tpu.wait_dma2 semaphore(%run_scoped3A : memref<!tpu.dma_semaphore, #tpu.memory_space<semaphore_mem>>) src(%dma_wait3A_488 : memref<40x64xi32, #tpu.memory_space<hbm>>) dst(%arg8 : memref<40x64xi32, #tpu.memory_space<vmem>>)
      tpu.yield
    }) : () -> ()
    %dma_start3A = arith.constant 0 : i32
    %dma_start3A_3 = arith.constant 0 : i32
    %dma_start3A_4 = tpu.memref_slice %arg7[%dma_start3A, %dma_start3A_3] : memref<40x64xi32, #tpu.memory_space<vmem>> -> memref<1x64xi32, #tpu.memory_space<vmem>>
    %dma_start3A_5 = tpu.memref_squeeze %dma_start3A_4 : memref<1x64xi32, #tpu.memory_space<vmem>> -> memref<64xi32, #tpu.memory_space<vmem>>
    %dma_start3A_6 = arith.constant 0 : i32
    %dma_start3A_7 = arith.constant 0 : i32
    %dma_start3A_8 = tpu.memref_slice %arg2[%dma_start3A_6, %dma_start3A_7] : memref<10000x128xf32, #tpu.memory_space<hbm>> -> memref<10000x128xf32, #tpu.memory_space<hbm>>
    tpu.enqueue_indirect_dma source(%dma_start3A_8 : memref<10000x128xf32, #tpu.memory_space<hbm>>) target(%arg9 : memref<64x128xf32, #tpu.memory_space<vmem>>) offsets(%dma_start3A_5 : memref<64xi32, #tpu.memory_space<vmem>>) semaphore(%arg14 : memref<!tpu.dma_semaphore, #tpu.memory_space<semaphore_mem>>)
    %dma_start3A_9 = arith.constant 1 : i32
    %dma_start3A_10 = arith.constant 0 : i32
    %dma_start3A_11 = tpu.memref_slice %arg7[%dma_start3A_9, %dma_start3A_10] : memref<40x64xi32, #tpu.memory_space<vmem>> -> memref<1x64xi32, #tpu.memory_space<vmem>>
    %dma_start3A_12 = tpu.memref_squeeze %dma_start3A_11 : memref<1x64xi32, #tpu.memory_space<vmem>> -> memref<64xi32, #tpu.memory_space<vmem>>
    %dma_start3A_13 = arith.constant 0 : i32
    %dma_start3A_14 = arith.constant 0 : i32
    %dma_start3A_15 = tpu.memref_slice %arg2[%dma_start3A_13, %dma_start3A_14] : memref<10000x128xf32, #tpu.memory_space<hbm>> -> memref<10000x128xf32, #tpu.memory_space<hbm>>
    tpu.enqueue_indirect_dma source(%dma_start3A_15 : memref<10000x128xf32, #tpu.memory_space<hbm>>) target(%arg10 : memref<64x128xf32, #tpu.memory_space<vmem>>) offsets(%dma_start3A_12 : memref<64xi32, #tpu.memory_space<vmem>>) semaphore(%arg15 : memref<!tpu.dma_semaphore, #tpu.memory_space<semaphore_mem>>)
    %dma_start3A_16 = arith.constant 2 : i32
    %dma_start3A_17 = arith.constant 0 : i32
    %dma_start3A_18 = tpu.memref_slice %arg7[%dma_start3A_16, %dma_start3A_17] : memref<40x64xi32, #tpu.memory_space<vmem>> -> memref<1x64xi32, #tpu.memory_space<vmem>>
    %dma_start3A_19 = tpu.memref_squeeze %dma_start3A_18 : memref<1x64xi32, #tpu.memory_space<vmem>> -> memref<64xi32, #tpu.memory_space<vmem>>
    %dma_start3A_20 = arith.constant 0 : i32
    %dma_start3A_21 = arith.constant 0 : i32
    %dma_start3A_22 = tpu.memref_slice %arg2[%dma_start3A_20, %dma_start3A_21] : memref<10000x128xf32, #tpu.memory_space<hbm>> -> memref<10000x128xf32, #tpu.memory_space<hbm>>
    tpu.enqueue_indirect_dma source(%dma_start3A_22 : memref<10000x128xf32, #tpu.memory_space<hbm>>) target(%arg11 : memref<64x128xf32, #tpu.memory_space<vmem>>) offsets(%dma_start3A_19 : memref<64xi32, #tpu.memory_space<vmem>>) semaphore(%arg16 : memref<!tpu.dma_semaphore, #tpu.memory_space<semaphore_mem>>)
    %dma_wait3A = arith.constant 0 : i32
    %dma_wait3A_23 = arith.constant 0 : i32
    %dma_wait3A_24 = tpu.memref_slice %arg7[%dma_wait3A, %dma_wait3A_23] : memref<40x64xi32, #tpu.memory_space<vmem>> -> memref<1x64xi32, #tpu.memory_space<vmem>>
    %dma_wait3A_25 = tpu.memref_squeeze %dma_wait3A_24 : memref<1x64xi32, #tpu.memory_space<vmem>> -> memref<64xi32, #tpu.memory_space<vmem>>
    %dma_wait3A_26 = arith.constant 0 : i32
    %dma_wait3A_27 = arith.constant 0 : i32
    %dma_wait3A_28 = tpu.memref_slice %arg2[%dma_wait3A_26, %dma_wait3A_27] : memref<10000x128xf32, #tpu.memory_space<hbm>> -> memref<10000x128xf32, #tpu.memory_space<hbm>>
    tpu.wait_indirect_dma semaphore(%arg14 : memref<!tpu.dma_semaphore, #tpu.memory_space<semaphore_mem>>) src(%dma_wait3A_28 : memref<10000x128xf32, #tpu.memory_space<hbm>>) dst(%arg9 : memref<64x128xf32, #tpu.memory_space<vmem>>)
    %dma_start3A_29 = arith.constant 0 : i32
    %dma_start3A_30 = arith.constant 0 : i32
    %dma_start3A_31 = tpu.memref_slice %arg8[%dma_start3A_29, %dma_start3A_30] : memref<40x64xi32, #tpu.memory_space<vmem>> -> memref<1x64xi32, #tpu.memory_space<vmem>>
    %dma_start3A_32 = tpu.memref_squeeze %dma_start3A_31 : memref<1x64xi32, #tpu.memory_space<vmem>> -> memref<64xi32, #tpu.memory_space<vmem>>
    %dma_start3A_33 = arith.constant 0 : i32
    %dma_start3A_34 = arith.constant 0 : i32
    %dma_start3A_35 = tpu.memref_slice %arg13[%dma_start3A_33, %dma_start3A_34] : memref<10112x128xf32, #tpu.memory_space<vmem_shared>> -> memref<10112x128xf32, #tpu.memory_space<vmem_shared>>
    tpu.enqueue_indirect_dma source(%arg9 : memref<64x128xf32, #tpu.memory_space<vmem>>) target(%dma_start3A_35 : memref<10112x128xf32, #tpu.memory_space<vmem_shared>>) offsets(%dma_start3A_32 : memref<64xi32, #tpu.memory_space<vmem>>) semaphore(%arg18 : memref<!tpu.dma_semaphore, #tpu.memory_space<semaphore_mem>>) {add = true}
    %dma_start3A_36 = arith.constant 3 : i32
    %dma_start3A_37 = arith.constant 0 : i32
    %dma_start3A_38 = tpu.memref_slice %arg7[%dma_start3A_36, %dma_start3A_37] : memref<40x64xi32, #tpu.memory_space<vmem>> -> memref<1x64xi32, #tpu.memory_space<vmem>>
    %dma_start3A_39 = tpu.memref_squeeze %dma_start3A_38 : memref<1x64xi32, #tpu.memory_space<vmem>> -> memref<64xi32, #tpu.memory_space<vmem>>
    %dma_start3A_40 = arith.constant 0 : i32
    %dma_start3A_41 = arith.constant 0 : i32
    %dma_start3A_42 = tpu.memref_slice %arg2[%dma_start3A_40, %dma_start3A_41] : memref<10000x128xf32, #tpu.memory_space<hbm>> -> memref<10000x128xf32, #tpu.memory_space<hbm>>
    tpu.enqueue_indirect_dma source(%dma_start3A_42 : memref<10000x128xf32, #tpu.memory_space<hbm>>) target(%arg12 : memref<64x128xf32, #tpu.memory_space<vmem>>) offsets(%dma_start3A_39 : memref<64xi32, #tpu.memory_space<vmem>>) semaphore(%arg17 : memref<!tpu.dma_semaphore, #tpu.memory_space<semaphore_mem>>)
    %dma_wait3A_43 = arith.constant 1 : i32
    %dma_wait3A_44 = arith.constant 0 : i32
    %dma_wait3A_45 = tpu.memref_slice %arg7[%dma_wait3A_43, %dma_wait3A_44] : memref<40x64xi32, #tpu.memory_space<vmem>> -> memref<1x64xi32, #tpu.memory_space<vmem>>
    %dma_wait3A_46 = tpu.memref_squeeze %dma_wait3A_45 : memref<1x64xi32, #tpu.memory_space<vmem>> -> memref<64xi32, #tpu.memory_space<vmem>>
    %dma_wait3A_47 = arith.constant 0 : i32
    %dma_wait3A_48 = arith.constant 0 : i32
    %dma_wait3A_49 = tpu.memref_slice %arg2[%dma_wait3A_47, %dma_wait3A_48] : memref<10000x128xf32, #tpu.memory_space<hbm>> -> memref<10000x128xf32, #tpu.memory_space<hbm>>
    tpu.wait_indirect_dma semaphore(%arg15 : memref<!tpu.dma_semaphore, #tpu.memory_space<semaphore_mem>>) src(%dma_wait3A_49 : memref<10000x128xf32, #tpu.memory_space<hbm>>) dst(%arg10 : memref<64x128xf32, #tpu.memory_space<vmem>>)
    %dma_start3A_50 = arith.constant 1 : i32
    %dma_start3A_51 = arith.constant 0 : i32
    %dma_start3A_52 = tpu.memref_slice %arg8[%dma_start3A_50, %dma_start3A_51] : memref<40x64xi32, #tpu.memory_space<vmem>> -> memref<1x64xi32, #tpu.memory_space<vmem>>
    %dma_start3A_53 = tpu.memref_squeeze %dma_start3A_52 : memref<1x64xi32, #tpu.memory_space<vmem>> -> memref<64xi32, #tpu.memory_space<vmem>>
    %dma_start3A_54 = arith.constant 0 : i32
    %dma_start3A_55 = arith.constant 0 : i32
    %dma_start3A_56 = tpu.memref_slice %arg13[%dma_start3A_54, %dma_start3A_55] : memref<10112x128xf32, #tpu.memory_space<vmem_shared>> -> memref<10112x128xf32, #tpu.memory_space<vmem_shared>>
    tpu.enqueue_indirect_dma source(%arg10 : memref<64x128xf32, #tpu.memory_space<vmem>>) target(%dma_start3A_56 : memref<10112x128xf32, #tpu.memory_space<vmem_shared>>) offsets(%dma_start3A_53 : memref<64xi32, #tpu.memory_space<vmem>>) semaphore(%arg19 : memref<!tpu.dma_semaphore, #tpu.memory_space<semaphore_mem>>) {add = true}
    %scan3A = arith.constant 0 : i32
    %scan3A_57 = arith.constant 9 : i32
    %scan3A_58 = arith.addi %scan3A, %scan3A_57 : i32
    %scan3A_59 = arith.constant 1 : i32
    scf.for %scan3A_473 = %scan3A to %scan3A_58 step %scan3A_59  : i32 {
      %mul3A_474 = arith.constant 4 : i32
      %mul3A_475 = arith.muli %scan3A_473, %mul3A_474 : i32
      %add3A_476 = arith.constant 2 : i32
      %add3A_477 = arith.addi %add3A_476, %mul3A_475 : i32
      %add3A_478 = arith.constant 0 : i32
      %add3A_479 = arith.addi %add3A_477, %add3A_478 : i32
      %sub3A = arith.constant 2 : i32
      %sub3A_480 = arith.subi %add3A_479, %sub3A : i32
      %dma_wait3A_481 = arith.constant 0 : i32
      %dma_wait3A_482 = tpu.memref_slice %arg8[%sub3A_480, %dma_wait3A_481] : memref<40x64xi32, #tpu.memory_space<vmem>> -> memref<1x64xi32, #tpu.memory_space<vmem>>
      %dma_wait3A_483 = tpu.memref_squeeze %dma_wait3A_482 : memref<1x64xi32, #tpu.memory_space<vmem>> -> memref<64xi32, #tpu.memory_space<vmem>>
      %dma_wait3A_484 = arith.constant 0 : i32
      %dma_wait3A_485 = arith.constant 0 : i32
      %dma_wait3A_486 = tpu.memref_slice %arg13[%dma_wait3A_484, %dma_wait3A_485] : memref<10112x128xf32, #tpu.memory_space<vmem_shared>> -> memref<10112x128xf32, #tpu.memory_space<vmem_shared>>
      tpu.wait_indirect_dma semaphore(%arg18 : memref<!tpu.dma_semaphore, #tpu.memory_space<semaphore_mem>>) src(%arg9 : memref<64x128xf32, #tpu.memory_space<vmem>>) dst(%dma_wait3A_486 : memref<10112x128xf32, #tpu.memory_space<vmem_shared>>)
      %add3A_487 = arith.constant 2 : i32
      %add3A_488 = arith.addi %add3A_479, %add3A_487 : i32
      %dma_start3A_489 = arith.constant 0 : i32
      %dma_start3A_490 = tpu.memref_slice %arg7[%add3A_488, %dma_start3A_489] : memref<40x64xi32, #tpu.memory_space<vmem>> -> memref<1x64xi32, #tpu.memory_space<vmem>>
      %dma_start3A_491 = tpu.memref_squeeze %dma_start3A_490 : memref<1x64xi32, #tpu.memory_space<vmem>> -> memref<64xi32, #tpu.memory_space<vmem>>
      %dma_start3A_492 = arith.constant 0 : i32
      %dma_start3A_493 = arith.constant 0 : i32
      %dma_start3A_494 = tpu.memref_slice %arg2[%dma_start3A_492, %dma_start3A_493] : memref<10000x128xf32, #tpu.memory_space<hbm>> -> memref<10000x128xf32, #tpu.memory_space<hbm>>
      tpu.enqueue_indirect_dma source(%dma_start3A_494 : memref<10000x128xf32, #tpu.memory_space<hbm>>) target(%arg9 : memref<64x128xf32, #tpu.memory_space<vmem>>) offsets(%dma_start3A_491 : memref<64xi32, #tpu.memory_space<vmem>>) semaphore(%arg14 : memref<!tpu.dma_semaphore, #tpu.memory_space<semaphore_mem>>)
      %dma_wait3A_495 = arith.constant 0 : i32
      %dma_wait3A_496 = tpu.memref_slice %arg7[%add3A_479, %dma_wait3A_495] : memref<40x64xi32, #tpu.memory_space<vmem>> -> memref<1x64xi32, #tpu.memory_space<vmem>>
      %dma_wait3A_497 = tpu.memref_squeeze %dma_wait3A_496 : memref<1x64xi32, #tpu.memory_space<vmem>> -> memref<64xi32, #tpu.memory_space<vmem>>
      %dma_wait3A_498 = arith.constant 0 : i32
      %dma_wait3A_499 = arith.constant 0 : i32
      %dma_wait3A_500 = tpu.memref_slice %arg2[%dma_wait3A_498, %dma_wait3A_499] : memref<10000x128xf32, #tpu.memory_space<hbm>> -> memref<10000x128xf32, #tpu.memory_space<hbm>>
      tpu.wait_indirect_dma semaphore(%arg16 : memref<!tpu.dma_semaphore, #tpu.memory_space<semaphore_mem>>) src(%dma_wait3A_500 : memref<10000x128xf32, #tpu.memory_space<hbm>>) dst(%arg11 : memref<64x128xf32, #tpu.memory_space<vmem>>)
      %dma_start3A_501 = arith.constant 0 : i32
      %dma_start3A_502 = tpu.memref_slice %arg8[%add3A_479, %dma_start3A_501] : memref<40x64xi32, #tpu.memory_space<vmem>> -> memref<1x64xi32, #tpu.memory_space<vmem>>
      %dma_start3A_503 = tpu.memref_squeeze %dma_start3A_502 : memref<1x64xi32, #tpu.memory_space<vmem>> -> memref<64xi32, #tpu.memory_space<vmem>>
      %dma_start3A_504 = arith.constant 0 : i32
      %dma_start3A_505 = arith.constant 0 : i32
      %dma_start3A_506 = tpu.memref_slice %arg13[%dma_start3A_504, %dma_start3A_505] : memref<10112x128xf32, #tpu.memory_space<vmem_shared>> -> memref<10112x128xf32, #tpu.memory_space<vmem_shared>>
      tpu.enqueue_indirect_dma source(%arg11 : memref<64x128xf32, #tpu.memory_space<vmem>>) target(%dma_start3A_506 : memref<10112x128xf32, #tpu.memory_space<vmem_shared>>) offsets(%dma_start3A_503 : memref<64xi32, #tpu.memory_space<vmem>>) semaphore(%arg20 : memref<!tpu.dma_semaphore, #tpu.memory_space<semaphore_mem>>) {add = true}
      %add3A_507 = arith.constant 1 : i32
      %add3A_508 = arith.addi %add3A_477, %add3A_507 : i32
      %sub3A_509 = arith.constant 2 : i32
      %sub3A_510 = arith.subi %add3A_508, %sub3A_509 : i32
      %dma_wait3A_511 = arith.constant 0 : i32
      %dma_wait3A_512 = tpu.memref_slice %arg8[%sub3A_510, %dma_wait3A_511] : memref<40x64xi32, #tpu.memory_space<vmem>> -> memref<1x64xi32, #tpu.memory_space<vmem>>
      %dma_wait3A_513 = tpu.memref_squeeze %dma_wait3A_512 : memref<1x64xi32, #tpu.memory_space<vmem>> -> memref<64xi32, #tpu.memory_space<vmem>>
      %dma_wait3A_514 = arith.constant 0 : i32
      %dma_wait3A_515 = arith.constant 0 : i32
      %dma_wait3A_516 = tpu.memref_slice %arg13[%dma_wait3A_514, %dma_wait3A_515] : memref<10112x128xf32, #tpu.memory_space<vmem_shared>> -> memref<10112x128xf32, #tpu.memory_space<vmem_shared>>
      tpu.wait_indirect_dma semaphore(%arg19 : memref<!tpu.dma_semaphore, #tpu.memory_space<semaphore_mem>>) src(%arg10 : memref<64x128xf32, #tpu.memory_space<vmem>>) dst(%dma_wait3A_516 : memref<10112x128xf32, #tpu.memory_space<vmem_shared>>)
      %add3A_517 = arith.constant 2 : i32
      %add3A_518 = arith.addi %add3A_508, %add3A_517 : i32
      %dma_start3A_519 = arith.constant 0 : i32
      %dma_start3A_520 = tpu.memref_slice %arg7[%add3A_518, %dma_start3A_519] : memref<40x64xi32, #tpu.memory_space<vmem>> -> memref<1x64xi32, #tpu.memory_space<vmem>>
      %dma_start3A_521 = tpu.memref_squeeze %dma_start3A_520 : memref<1x64xi32, #tpu.memory_space<vmem>> -> memref<64xi32, #tpu.memory_space<vmem>>
      %dma_start3A_522 = arith.constant 0 : i32
      %dma_start3A_523 = arith.constant 0 : i32
      %dma_start3A_524 = tpu.memref_slice %arg2[%dma_start3A_522, %dma_start3A_523] : memref<10000x128xf32, #tpu.memory_space<hbm>> -> memref<10000x128xf32, #tpu.memory_space<hbm>>
      tpu.enqueue_indirect_dma source(%dma_start3A_524 : memref<10000x128xf32, #tpu.memory_space<hbm>>) target(%arg10 : memref<64x128xf32, #tpu.memory_space<vmem>>) offsets(%dma_start3A_521 : memref<64xi32, #tpu.memory_space<vmem>>) semaphore(%arg15 : memref<!tpu.dma_semaphore, #tpu.memory_space<semaphore_mem>>)
      %dma_wait3A_525 = arith.constant 0 : i32
      %dma_wait3A_526 = tpu.memref_slice %arg7[%add3A_508, %dma_wait3A_525] : memref<40x64xi32, #tpu.memory_space<vmem>> -> memref<1x64xi32, #tpu.memory_space<vmem>>
      %dma_wait3A_527 = tpu.memref_squeeze %dma_wait3A_526 : memref<1x64xi32, #tpu.memory_space<vmem>> -> memref<64xi32, #tpu.memory_space<vmem>>
      %dma_wait3A_528 = arith.constant 0 : i32
      %dma_wait3A_529 = arith.constant 0 : i32
      %dma_wait3A_530 = tpu.memref_slice %arg2[%dma_wait3A_528, %dma_wait3A_529] : memref<10000x128xf32, #tpu.memory_space<hbm>> -> memref<10000x128xf32, #tpu.memory_space<hbm>>
      tpu.wait_indirect_dma semaphore(%arg17 : memref<!tpu.dma_semaphore, #tpu.memory_space<semaphore_mem>>) src(%dma_wait3A_530 : memref<10000x128xf32, #tpu.memory_space<hbm>>) dst(%arg12 : memref<64x128xf32, #tpu.memory_space<vmem>>)
      %dma_start3A_531 = arith.constant 0 : i32
      %dma_start3A_532 = tpu.memref_slice %arg8[%add3A_508, %dma_start3A_531] : memref<40x64xi32, #tpu.memory_space<vmem>> -> memref<1x64xi32, #tpu.memory_space<vmem>>
      %dma_start3A_533 = tpu.memref_squeeze %dma_start3A_532 : memref<1x64xi32, #tpu.memory_space<vmem>> -> memref<64xi32, #tpu.memory_space<vmem>>
      %dma_start3A_534 = arith.constant 0 : i32
      %dma_start3A_535 = arith.constant 0 : i32
      %dma_start3A_536 = tpu.memref_slice %arg13[%dma_start3A_534, %dma_start3A_535] : memref<10112x128xf32, #tpu.memory_space<vmem_shared>> -> memref<10112x128xf32, #tpu.memory_space<vmem_shared>>
      tpu.enqueue_indirect_dma source(%arg12 : memref<64x128xf32, #tpu.memory_space<vmem>>) target(%dma_start3A_536 : memref<10112x128xf32, #tpu.memory_space<vmem_shared>>) offsets(%dma_start3A_533 : memref<64xi32, #tpu.memory_space<vmem>>) semaphore(%arg21 : memref<!tpu.dma_semaphore, #tpu.memory_space<semaphore_mem>>) {add = true}
      %add3A_537 = arith.constant 2 : i32
      %add3A_538 = arith.addi %add3A_477, %add3A_537 : i32
      %sub3A_539 = arith.constant 2 : i32
      %sub3A_540 = arith.subi %add3A_538, %sub3A_539 : i32
      %dma_wait3A_541 = arith.constant 0 : i32
      %dma_wait3A_542 = tpu.memref_slice %arg8[%sub3A_540, %dma_wait3A_541] : memref<40x64xi32, #tpu.memory_space<vmem>> -> memref<1x64xi32, #tpu.memory_space<vmem>>
      %dma_wait3A_543 = tpu.memref_squeeze %dma_wait3A_542 : memref<1x64xi32, #tpu.memory_space<vmem>> -> memref<64xi32, #tpu.memory_space<vmem>>
      %dma_wait3A_544 = arith.constant 0 : i32
      %dma_wait3A_545 = arith.constant 0 : i32
      %dma_wait3A_546 = tpu.memref_slice %arg13[%dma_wait3A_544, %dma_wait3A_545] : memref<10112x128xf32, #tpu.memory_space<vmem_shared>> -> memref<10112x128xf32, #tpu.memory_space<vmem_shared>>
      tpu.wait_indirect_dma semaphore(%arg20 : memref<!tpu.dma_semaphore, #tpu.memory_space<semaphore_mem>>) src(%arg11 : memref<64x128xf32, #tpu.memory_space<vmem>>) dst(%dma_wait3A_546 : memref<10112x128xf32, #tpu.memory_space<vmem_shared>>)
      %add3A_547 = arith.constant 2 : i32
      %add3A_548 = arith.addi %add3A_538, %add3A_547 : i32
      %dma_start3A_549 = arith.constant 0 : i32
      %dma_start3A_550 = tpu.memref_slice %arg7[%add3A_548, %dma_start3A_549] : memref<40x64xi32, #tpu.memory_space<vmem>> -> memref<1x64xi32, #tpu.memory_space<vmem>>
      %dma_start3A_551 = tpu.memref_squeeze %dma_start3A_550 : memref<1x64xi32, #tpu.memory_space<vmem>> -> memref<64xi32, #tpu.memory_space<vmem>>
      %dma_start3A_552 = arith.constant 0 : i32
      %dma_start3A_553 = arith.constant 0 : i32
      %dma_start3A_554 = tpu.memref_slice %arg2[%dma_start3A_552, %dma_start3A_553] : memref<10000x128xf32, #tpu.memory_space<hbm>> -> memref<10000x128xf32, #tpu.memory_space<hbm>>
      tpu.enqueue_indirect_dma source(%dma_start3A_554 : memref<10000x128xf32, #tpu.memory_space<hbm>>) target(%arg11 : memref<64x128xf32, #tpu.memory_space<vmem>>) offsets(%dma_start3A_551 : memref<64xi32, #tpu.memory_space<vmem>>) semaphore(%arg16 : memref<!tpu.dma_semaphore, #tpu.memory_space<semaphore_mem>>)
      %dma_wait3A_555 = arith.constant 0 : i32
      %dma_wait3A_556 = tpu.memref_slice %arg7[%add3A_538, %dma_wait3A_555] : memref<40x64xi32, #tpu.memory_space<vmem>> -> memref<1x64xi32, #tpu.memory_space<vmem>>
      %dma_wait3A_557 = tpu.memref_squeeze %dma_wait3A_556 : memref<1x64xi32, #tpu.memory_space<vmem>> -> memref<64xi32, #tpu.memory_space<vmem>>
      %dma_wait3A_558 = arith.constant 0 : i32
      %dma_wait3A_559 = arith.constant 0 : i32
      %dma_wait3A_560 = tpu.memref_slice %arg2[%dma_wait3A_558, %dma_wait3A_559] : memref<10000x128xf32, #tpu.memory_space<hbm>> -> memref<10000x128xf32, #tpu.memory_space<hbm>>
      tpu.wait_indirect_dma semaphore(%arg14 : memref<!tpu.dma_semaphore, #tpu.memory_space<semaphore_mem>>) src(%dma_wait3A_560 : memref<10000x128xf32, #tpu.memory_space<hbm>>) dst(%arg9 : memref<64x128xf32, #tpu.memory_space<vmem>>)
      %dma_start3A_561 = arith.constant 0 : i32
      %dma_start3A_562 = tpu.memref_slice %arg8[%add3A_538, %dma_start3A_561] : memref<40x64xi32, #tpu.memory_space<vmem>> -> memref<1x64xi32, #tpu.memory_space<vmem>>
      %dma_start3A_563 = tpu.memref_squeeze %dma_start3A_562 : memref<1x64xi32, #tpu.memory_space<vmem>> -> memref<64xi32, #tpu.memory_space<vmem>>
      %dma_start3A_564 = arith.constant 0 : i32
      %dma_start3A_565 = arith.constant 0 : i32
      %dma_start3A_566 = tpu.memref_slice %arg13[%dma_start3A_564, %dma_start3A_565] : memref<10112x128xf32, #tpu.memory_space<vmem_shared>> -> memref<10112x128xf32, #tpu.memory_space<vmem_shared>>
      tpu.enqueue_indirect_dma source(%arg9 : memref<64x128xf32, #tpu.memory_space<vmem>>) target(%dma_start3A_566 : memref<10112x128xf32, #tpu.memory_space<vmem_shared>>) offsets(%dma_start3A_563 : memref<64xi32, #tpu.memory_space<vmem>>) semaphore(%arg18 : memref<!tpu.dma_semaphore, #tpu.memory_space<semaphore_mem>>) {add = true}
      %add3A_567 = arith.constant 3 : i32
      %add3A_568 = arith.addi %add3A_477, %add3A_567 : i32
      %sub3A_569 = arith.constant 2 : i32
      %sub3A_570 = arith.subi %add3A_568, %sub3A_569 : i32
      %dma_wait3A_571 = arith.constant 0 : i32
      %dma_wait3A_572 = tpu.memref_slice %arg8[%sub3A_570, %dma_wait3A_571] : memref<40x64xi32, #tpu.memory_space<vmem>> -> memref<1x64xi32, #tpu.memory_space<vmem>>
      %dma_wait3A_573 = tpu.memref_squeeze %dma_wait3A_572 : memref<1x64xi32, #tpu.memory_space<vmem>> -> memref<64xi32, #tpu.memory_space<vmem>>
      %dma_wait3A_574 = arith.constant 0 : i32
      %dma_wait3A_575 = arith.constant 0 : i32
      %dma_wait3A_576 = tpu.memref_slice %arg13[%dma_wait3A_574, %dma_wait3A_575] : memref<10112x128xf32, #tpu.memory_space<vmem_shared>> -> memref<10112x128xf32, #tpu.memory_space<vmem_shared>>
      tpu.wait_indirect_dma semaphore(%arg21 : memref<!tpu.dma_semaphore, #tpu.memory_space<semaphore_mem>>) src(%arg12 : memref<64x128xf32, #tpu.memory_space<vmem>>) dst(%dma_wait3A_576 : memref<10112x128xf32, #tpu.memory_space<vmem_shared>>)
      %add3A_577 = arith.constant 2 : i32
      %add3A_578 = arith.addi %add3A_568, %add3A_577 : i32
      %dma_start3A_579 = arith.constant 0 : i32
      %dma_start3A_580 = tpu.memref_slice %arg7[%add3A_578, %dma_start3A_579] : memref<40x64xi32, #tpu.memory_space<vmem>> -> memref<1x64xi32, #tpu.memory_space<vmem>>
      %dma_start3A_581 = tpu.memref_squeeze %dma_start3A_580 : memref<1x64xi32, #tpu.memory_space<vmem>> -> memref<64xi32, #tpu.memory_space<vmem>>
      %dma_start3A_582 = arith.constant 0 : i32
      %dma_start3A_583 = arith.constant 0 : i32
      %dma_start3A_584 = tpu.memref_slice %arg2[%dma_start3A_582, %dma_start3A_583] : memref<10000x128xf32, #tpu.memory_space<hbm>> -> memref<10000x128xf32, #tpu.memory_space<hbm>>
      tpu.enqueue_indirect_dma source(%dma_start3A_584 : memref<10000x128xf32, #tpu.memory_space<hbm>>) target(%arg12 : memref<64x128xf32, #tpu.memory_space<vmem>>) offsets(%dma_start3A_581 : memref<64xi32, #tpu.memory_space<vmem>>) semaphore(%arg17 : memref<!tpu.dma_semaphore, #tpu.memory_space<semaphore_mem>>)
      %dma_wait3A_585 = arith.constant 0 : i32
      %dma_wait3A_586 = tpu.memref_slice %arg7[%add3A_568, %dma_wait3A_585] : memref<40x64xi32, #tpu.memory_space<vmem>> -> memref<1x64xi32, #tpu.memory_space<vmem>>
      %dma_wait3A_587 = tpu.memref_squeeze %dma_wait3A_586 : memref<1x64xi32, #tpu.memory_space<vmem>> -> memref<64xi32, #tpu.memory_space<vmem>>
      %dma_wait3A_588 = arith.constant 0 : i32
      %dma_wait3A_589 = arith.constant 0 : i32
      %dma_wait3A_590 = tpu.memref_slice %arg2[%dma_wait3A_588, %dma_wait3A_589] : memref<10000x128xf32, #tpu.memory_space<hbm>> -> memref<10000x128xf32, #tpu.memory_space<hbm>>
      tpu.wait_indirect_dma semaphore(%arg15 : memref<!tpu.dma_semaphore, #tpu.memory_space<semaphore_mem>>) src(%dma_wait3A_590 : memref<10000x128xf32, #tpu.memory_space<hbm>>) dst(%arg10 : memref<64x128xf32, #tpu.memory_space<vmem>>)
      %dma_start3A_591 = arith.constant 0 : i32
      %dma_start3A_592 = tpu.memref_slice %arg8[%add3A_568, %dma_start3A_591] : memref<40x64xi32, #tpu.memory_space<vmem>> -> memref<1x64xi32, #tpu.memory_space<vmem>>
      %dma_start3A_593 = tpu.memref_squeeze %dma_start3A_592 : memref<1x64xi32, #tpu.memory_space<vmem>> -> memref<64xi32, #tpu.memory_space<vmem>>
      %dma_start3A_594 = arith.constant 0 : i32
      %dma_start3A_595 = arith.constant 0 : i32
      %dma_start3A_596 = tpu.memref_slice %arg13[%dma_start3A_594, %dma_start3A_595] : memref<10112x128xf32, #tpu.memory_space<vmem_shared>> -> memref<10112x128xf32, #tpu.memory_space<vmem_shared>>
      tpu.enqueue_indirect_dma source(%arg10 : memref<64x128xf32, #tpu.memory_space<vmem>>) target(%dma_start3A_596 : memref<10112x128xf32, #tpu.memory_space<vmem_shared>>) offsets(%dma_start3A_593 : memref<64xi32, #tpu.memory_space<vmem>>) semaphore(%arg19 : memref<!tpu.dma_semaphore, #tpu.memory_space<semaphore_mem>>) {add = true}
    }
    %scan3A_60 = arith.constant 9 : i32
    %dma_wait3A_61 = arith.constant 38 : i32
    %dma_wait3A_62 = arith.constant 0 : i32
    %dma_wait3A_63 = tpu.memref_slice %arg7[%dma_wait3A_61, %dma_wait3A_62] : memref<40x64xi32, #tpu.memory_space<vmem>> -> memref<1x64xi32, #tpu.memory_space<vmem>>
    %dma_wait3A_64 = tpu.memref_squeeze %dma_wait3A_63 : memref<1x64xi32, #tpu.memory_space<vmem>> -> memref<64xi32, #tpu.memory_space<vmem>>
    %dma_wait3A_65 = arith.constant 0 : i32
    %dma_wait3A_66 = arith.constant 0 : i32
    %dma_wait3A_67 = tpu.memref_slice %arg2[%dma_wait3A_65, %dma_wait3A_66] : memref<10000x128xf32, #tpu.memory_space<hbm>> -> memref<10000x128xf32, #tpu.memory_space<hbm>>
    tpu.wait_indirect_dma semaphore(%arg16 : memref<!tpu.dma_semaphore, #tpu.memory_space<semaphore_mem>>) src(%dma_wait3A_67 : memref<10000x128xf32, #tpu.memory_space<hbm>>) dst(%arg11 : memref<64x128xf32, #tpu.memory_space<vmem>>)
    %dma_start3A_68 = arith.constant 38 : i32
    %dma_start3A_69 = arith.constant 0 : i32
    %dma_start3A_70 = tpu.memref_slice %arg8[%dma_start3A_68, %dma_start3A_69] : memref<40x64xi32, #tpu.memory_space<vmem>> -> memref<1x64xi32, #tpu.memory_space<vmem>>
    %dma_start3A_71 = tpu.memref_squeeze %dma_start3A_70 : memref<1x64xi32, #tpu.memory_space<vmem>> -> memref<64xi32, #tpu.memory_space<vmem>>
    %dma_start3A_72 = arith.constant 0 : i32
    %dma_start3A_73 = arith.constant 0 : i32
    %dma_start3A_74 = tpu.memref_slice %arg13[%dma_start3A_72, %dma_start3A_73] : memref<10112x128xf32, #tpu.memory_space<vmem_shared>> -> memref<10112x128xf32, #tpu.memory_space<vmem_shared>>
    tpu.enqueue_indirect_dma source(%arg11 : memref<64x128xf32, #tpu.memory_space<vmem>>) target(%dma_start3A_74 : memref<10112x128xf32, #tpu.memory_space<vmem_shared>>) offsets(%dma_start3A_71 : memref<64xi32, #tpu.memory_space<vmem>>) semaphore(%arg20 : memref<!tpu.dma_semaphore, #tpu.memory_space<semaphore_mem>>) {add = true}
    %dma_wait3A_75 = arith.constant 39 : i32
    %dma_wait3A_76 = arith.constant 0 : i32
    %dma_wait3A_77 = tpu.memref_slice %arg7[%dma_wait3A_75, %dma_wait3A_76] : memref<40x64xi32, #tpu.memory_space<vmem>> -> memref<1x64xi32, #tpu.memory_space<vmem>>
    %dma_wait3A_78 = tpu.memref_squeeze %dma_wait3A_77 : memref<1x64xi32, #tpu.memory_space<vmem>> -> memref<64xi32, #tpu.memory_space<vmem>>
    %dma_wait3A_79 = arith.constant 0 : i32
    %dma_wait3A_80 = arith.constant 0 : i32
    %dma_wait3A_81 = tpu.memref_slice %arg2[%dma_wait3A_79, %dma_wait3A_80] : memref<10000x128xf32, #tpu.memory_space<hbm>> -> memref<10000x128xf32, #tpu.memory_space<hbm>>
    tpu.wait_indirect_dma semaphore(%arg17 : memref<!tpu.dma_semaphore, #tpu.memory_space<semaphore_mem>>) src(%dma_wait3A_81 : memref<10000x128xf32, #tpu.memory_space<hbm>>) dst(%arg12 : memref<64x128xf32, #tpu.memory_space<vmem>>)
    %dma_start3A_82 = arith.constant 39 : i32
    %dma_start3A_83 = arith.constant 0 : i32
    %dma_start3A_84 = tpu.memref_slice %arg8[%dma_start3A_82, %dma_start3A_83] : memref<40x64xi32, #tpu.memory_space<vmem>> -> memref<1x64xi32, #tpu.memory_space<vmem>>
    %dma_start3A_85 = tpu.memref_squeeze %dma_start3A_84 : memref<1x64xi32, #tpu.memory_space<vmem>> -> memref<64xi32, #tpu.memory_space<vmem>>
    %dma_start3A_86 = arith.constant 0 : i32
    %dma_start3A_87 = arith.constant 0 : i32
    %dma_start3A_88 = tpu.memref_slice %arg13[%dma_start3A_86, %dma_start3A_87] : memref<10112x128xf32, #tpu.memory_space<vmem_shared>> -> memref<10112x128xf32, #tpu.memory_space<vmem_shared>>
    tpu.enqueue_indirect_dma source(%arg12 : memref<64x128xf32, #tpu.memory_space<vmem>>) target(%dma_start3A_88 : memref<10112x128xf32, #tpu.memory_space<vmem_shared>>) offsets(%dma_start3A_85 : memref<64xi32, #tpu.memory_space<vmem>>) semaphore(%arg21 : memref<!tpu.dma_semaphore, #tpu.memory_space<semaphore_mem>>) {add = true}
    %dma_wait3A_89 = arith.constant 36 : i32
    %dma_wait3A_90 = arith.constant 0 : i32
    %dma_wait3A_91 = tpu.memref_slice %arg8[%dma_wait3A_89, %dma_wait3A_90] : memref<40x64xi32, #tpu.memory_space<vmem>> -> memref<1x64xi32, #tpu.memory_space<vmem>>
    %dma_wait3A_92 = tpu.memref_squeeze %dma_wait3A_91 : memref<1x64xi32, #tpu.memory_space<vmem>> -> memref<64xi32, #tpu.memory_space<vmem>>
    %dma_wait3A_93 = arith.constant 0 : i32
    %dma_wait3A_94 = arith.constant 0 : i32
    %dma_wait3A_95 = tpu.memref_slice %arg13[%dma_wait3A_93, %dma_wait3A_94] : memref<10112x128xf32, #tpu.memory_space<vmem_shared>> -> memref<10112x128xf32, #tpu.memory_space<vmem_shared>>
    tpu.wait_indirect_dma semaphore(%arg18 : memref<!tpu.dma_semaphore, #tpu.memory_space<semaphore_mem>>) src(%arg9 : memref<64x128xf32, #tpu.memory_space<vmem>>) dst(%dma_wait3A_95 : memref<10112x128xf32, #tpu.memory_space<vmem_shared>>)
    %dma_wait3A_96 = arith.constant 37 : i32
    %dma_wait3A_97 = arith.constant 0 : i32
    %dma_wait3A_98 = tpu.memref_slice %arg8[%dma_wait3A_96, %dma_wait3A_97] : memref<40x64xi32, #tpu.memory_space<vmem>> -> memref<1x64xi32, #tpu.memory_space<vmem>>
    %dma_wait3A_99 = tpu.memref_squeeze %dma_wait3A_98 : memref<1x64xi32, #tpu.memory_space<vmem>> -> memref<64xi32, #tpu.memory_space<vmem>>
    %dma_wait3A_100 = arith.constant 0 : i32
    %dma_wait3A_101 = arith.constant 0 : i32
    %dma_wait3A_102 = tpu.memref_slice %arg13[%dma_wait3A_100, %dma_wait3A_101] : memref<10112x128xf32, #tpu.memory_space<vmem_shared>> -> memref<10112x128xf32, #tpu.memory_space<vmem_shared>>
    tpu.wait_indirect_dma semaphore(%arg19 : memref<!tpu.dma_semaphore, #tpu.memory_space<semaphore_mem>>) src(%arg10 : memref<64x128xf32, #tpu.memory_space<vmem>>) dst(%dma_wait3A_102 : memref<10112x128xf32, #tpu.memory_space<vmem_shared>>)
    %dma_wait3A_103 = arith.constant 38 : i32
    %dma_wait3A_104 = arith.constant 0 : i32
    %dma_wait3A_105 = tpu.memref_slice %arg8[%dma_wait3A_103, %dma_wait3A_104] : memref<40x64xi32, #tpu.memory_space<vmem>> -> memref<1x64xi32, #tpu.memory_space<vmem>>
    %dma_wait3A_106 = tpu.memref_squeeze %dma_wait3A_105 : memref<1x64xi32, #tpu.memory_space<vmem>> -> memref<64xi32, #tpu.memory_space<vmem>>
    %dma_wait3A_107 = arith.constant 0 : i32
    %dma_wait3A_108 = arith.constant 0 : i32
    %dma_wait3A_109 = tpu.memref_slice %arg13[%dma_wait3A_107, %dma_wait3A_108] : memref<10112x128xf32, #tpu.memory_space<vmem_shared>> -> memref<10112x128xf32, #tpu.memory_space<vmem_shared>>
    tpu.wait_indirect_dma semaphore(%arg20 : memref<!tpu.dma_semaphore, #tpu.memory_space<semaphore_mem>>) src(%arg11 : memref<64x128xf32, #tpu.memory_space<vmem>>) dst(%dma_wait3A_109 : memref<10112x128xf32, #tpu.memory_space<vmem_shared>>)
    %dma_wait3A_110 = arith.constant 39 : i32
    %dma_wait3A_111 = arith.constant 0 : i32
    %dma_wait3A_112 = tpu.memref_slice %arg8[%dma_wait3A_110, %dma_wait3A_111] : memref<40x64xi32, #tpu.memory_space<vmem>> -> memref<1x64xi32, #tpu.memory_space<vmem>>
    %dma_wait3A_113 = tpu.memref_squeeze %dma_wait3A_112 : memref<1x64xi32, #tpu.memory_space<vmem>> -> memref<64xi32, #tpu.memory_space<vmem>>
    %dma_wait3A_114 = arith.constant 0 : i32
    %dma_wait3A_115 = arith.constant 0 : i32
    %dma_wait3A_116 = tpu.memref_slice %arg13[%dma_wait3A_114, %dma_wait3A_115] : memref<10112x128xf32, #tpu.memory_space<vmem_shared>> -> memref<10112x128xf32, #tpu.memory_space<vmem_shared>>
    tpu.wait_indirect_dma semaphore(%arg21 : memref<!tpu.dma_semaphore, #tpu.memory_space<semaphore_mem>>) src(%arg12 : memref<64x128xf32, #tpu.memory_space<vmem>>) dst(%dma_wait3A_116 : memref<10112x128xf32, #tpu.memory_space<vmem_shared>>)
    "tpu.region"() ({
      %run_scoped3A = tpu.sem_alloc : memref<!tpu.dma_semaphore, #tpu.memory_space<semaphore_mem>>
      %dma_start3A_473 = arith.constant 40 : i32
      %dma_start3A_474 = arith.constant 0 : i32
      %dma_start3A_475 = tpu.memref_slice %arg3[%add3A, %dma_start3A_473, %dma_start3A_474] : memref<32x160x64xi32, #tpu.memory_space<hbm>> -> memref<1x40x64xi32, #tpu.memory_space<hbm>>
      %dma_start3A_476 = tpu.memref_squeeze %dma_start3A_475 : memref<1x40x64xi32, #tpu.memory_space<hbm>> -> memref<40x64xi32, #tpu.memory_space<hbm>>
      %dma_start3A_477 = arith.constant 40 : i32
      %dma_start3A_478 = arith.constant 0 : i32
      %dma_start3A_479 = tpu.memref_slice %arg3[%add3A, %dma_start3A_477, %dma_start3A_478] : memref<32x160x64xi32, #tpu.memory_space<hbm>> -> memref<1x40x64xi32, #tpu.memory_space<hbm>>
      %dma_start3A_480 = tpu.memref_squeeze %dma_start3A_479 : memref<1x40x64xi32, #tpu.memory_space<hbm>> -> memref<40x64xi32, #tpu.memory_space<hbm>>
      tpu.enqueue_dma source(%dma_start3A_480 : memref<40x64xi32, #tpu.memory_space<hbm>>) target(%arg7 : memref<40x64xi32, #tpu.memory_space<vmem>>) target_semaphore(%run_scoped3A : memref<!tpu.dma_semaphore, #tpu.memory_space<semaphore_mem>>)
      %dma_wait3A_481 = arith.constant 40 : i32
      %dma_wait3A_482 = arith.constant 0 : i32
      %dma_wait3A_483 = tpu.memref_slice %arg3[%add3A, %dma_wait3A_481, %dma_wait3A_482] : memref<32x160x64xi32, #tpu.memory_space<hbm>> -> memref<1x40x64xi32, #tpu.memory_space<hbm>>
      %dma_wait3A_484 = tpu.memref_squeeze %dma_wait3A_483 : memref<1x40x64xi32, #tpu.memory_space<hbm>> -> memref<40x64xi32, #tpu.memory_space<hbm>>
      %dma_wait3A_485 = arith.constant 40 : i32
      %dma_wait3A_486 = arith.constant 0 : i32
      %dma_wait3A_487 = tpu.memref_slice %arg3[%add3A, %dma_wait3A_485, %dma_wait3A_486] : memref<32x160x64xi32, #tpu.memory_space<hbm>> -> memref<1x40x64xi32, #tpu.memory_space<hbm>>
      %dma_wait3A_488 = tpu.memref_squeeze %dma_wait3A_487 : memref<1x40x64xi32, #tpu.memory_space<hbm>> -> memref<40x64xi32, #tpu.memory_space<hbm>>
      tpu.wait_dma2 semaphore(%run_scoped3A : memref<!tpu.dma_semaphore, #tpu.memory_space<semaphore_mem>>) src(%dma_wait3A_488 : memref<40x64xi32, #tpu.memory_space<hbm>>) dst(%arg7 : memref<40x64xi32, #tpu.memory_space<vmem>>)
      tpu.yield
    }) : () -> ()
    "tpu.region"() ({
      %run_scoped3A = tpu.sem_alloc : memref<!tpu.dma_semaphore, #tpu.memory_space<semaphore_mem>>
      %dma_start3A_473 = arith.constant 40 : i32
      %dma_start3A_474 = arith.constant 0 : i32
      %dma_start3A_475 = tpu.memref_slice %arg4[%add3A, %dma_start3A_473, %dma_start3A_474] : memref<32x160x64xi32, #tpu.memory_space<hbm>> -> memref<1x40x64xi32, #tpu.memory_space<hbm>>
      %dma_start3A_476 = tpu.memref_squeeze %dma_start3A_475 : memref<1x40x64xi32, #tpu.memory_space<hbm>> -> memref<40x64xi32, #tpu.memory_space<hbm>>
      %dma_start3A_477 = arith.constant 40 : i32
      %dma_start3A_478 = arith.constant 0 : i32
      %dma_start3A_479 = tpu.memref_slice %arg4[%add3A, %dma_start3A_477, %dma_start3A_478] : memref<32x160x64xi32, #tpu.memory_space<hbm>> -> memref<1x40x64xi32, #tpu.memory_space<hbm>>
      %dma_start3A_480 = tpu.memref_squeeze %dma_start3A_479 : memref<1x40x64xi32, #tpu.memory_space<hbm>> -> memref<40x64xi32, #tpu.memory_space<hbm>>
      tpu.enqueue_dma source(%dma_start3A_480 : memref<40x64xi32, #tpu.memory_space<hbm>>) target(%arg8 : memref<40x64xi32, #tpu.memory_space<vmem>>) target_semaphore(%run_scoped3A : memref<!tpu.dma_semaphore, #tpu.memory_space<semaphore_mem>>)
      %dma_wait3A_481 = arith.constant 40 : i32
      %dma_wait3A_482 = arith.constant 0 : i32
      %dma_wait3A_483 = tpu.memref_slice %arg4[%add3A, %dma_wait3A_481, %dma_wait3A_482] : memref<32x160x64xi32, #tpu.memory_space<hbm>> -> memref<1x40x64xi32, #tpu.memory_space<hbm>>
      %dma_wait3A_484 = tpu.memref_squeeze %dma_wait3A_483 : memref<1x40x64xi32, #tpu.memory_space<hbm>> -> memref<40x64xi32, #tpu.memory_space<hbm>>
      %dma_wait3A_485 = arith.constant 40 : i32
      %dma_wait3A_486 = arith.constant 0 : i32
      %dma_wait3A_487 = tpu.memref_slice %arg4[%add3A, %dma_wait3A_485, %dma_wait3A_486] : memref<32x160x64xi32, #tpu.memory_space<hbm>> -> memref<1x40x64xi32, #tpu.memory_space<hbm>>
      %dma_wait3A_488 = tpu.memref_squeeze %dma_wait3A_487 : memref<1x40x64xi32, #tpu.memory_space<hbm>> -> memref<40x64xi32, #tpu.memory_space<hbm>>
      tpu.wait_dma2 semaphore(%run_scoped3A : memref<!tpu.dma_semaphore, #tpu.memory_space<semaphore_mem>>) src(%dma_wait3A_488 : memref<40x64xi32, #tpu.memory_space<hbm>>) dst(%arg8 : memref<40x64xi32, #tpu.memory_space<vmem>>)
      tpu.yield
    }) : () -> ()
    %dma_start3A_117 = arith.constant 0 : i32
    %dma_start3A_118 = arith.constant 0 : i32
    %dma_start3A_119 = tpu.memref_slice %arg7[%dma_start3A_117, %dma_start3A_118] : memref<40x64xi32, #tpu.memory_space<vmem>> -> memref<1x64xi32, #tpu.memory_space<vmem>>
    %dma_start3A_120 = tpu.memref_squeeze %dma_start3A_119 : memref<1x64xi32, #tpu.memory_space<vmem>> -> memref<64xi32, #tpu.memory_space<vmem>>
    %dma_start3A_121 = arith.constant 0 : i32
    %dma_start3A_122 = arith.constant 0 : i32
    %dma_start3A_123 = tpu.memref_slice %arg2[%dma_start3A_121, %dma_start3A_122] : memref<10000x128xf32, #tpu.memory_space<hbm>> -> memref<10000x128xf32, #tpu.memory_space<hbm>>
    tpu.enqueue_indirect_dma source(%dma_start3A_123 : memref<10000x128xf32, #tpu.memory_space<hbm>>) target(%arg9 : memref<64x128xf32, #tpu.memory_space<vmem>>) offsets(%dma_start3A_120 : memref<64xi32, #tpu.memory_space<vmem>>) semaphore(%arg14 : memref<!tpu.dma_semaphore, #tpu.memory_space<semaphore_mem>>)
    %dma_start3A_124 = arith.constant 1 : i32
    %dma_start3A_125 = arith.constant 0 : i32
    %dma_start3A_126 = tpu.memref_slice %arg7[%dma_start3A_124, %dma_start3A_125] : memref<40x64xi32, #tpu.memory_space<vmem>> -> memref<1x64xi32, #tpu.memory_space<vmem>>
    %dma_start3A_127 = tpu.memref_squeeze %dma_start3A_126 : memref<1x64xi32, #tpu.memory_space<vmem>> -> memref<64xi32, #tpu.memory_space<vmem>>
    %dma_start3A_128 = arith.constant 0 : i32
    %dma_start3A_129 = arith.constant 0 : i32
    %dma_start3A_130 = tpu.memref_slice %arg2[%dma_start3A_128, %dma_start3A_129] : memref<10000x128xf32, #tpu.memory_space<hbm>> -> memref<10000x128xf32, #tpu.memory_space<hbm>>
    tpu.enqueue_indirect_dma source(%dma_start3A_130 : memref<10000x128xf32, #tpu.memory_space<hbm>>) target(%arg10 : memref<64x128xf32, #tpu.memory_space<vmem>>) offsets(%dma_start3A_127 : memref<64xi32, #tpu.memory_space<vmem>>) semaphore(%arg15 : memref<!tpu.dma_semaphore, #tpu.memory_space<semaphore_mem>>)
    %dma_start3A_131 = arith.constant 2 : i32
    %dma_start3A_132 = arith.constant 0 : i32
    %dma_start3A_133 = tpu.memref_slice %arg7[%dma_start3A_131, %dma_start3A_132] : memref<40x64xi32, #tpu.memory_space<vmem>> -> memref<1x64xi32, #tpu.memory_space<vmem>>
    %dma_start3A_134 = tpu.memref_squeeze %dma_start3A_133 : memref<1x64xi32, #tpu.memory_space<vmem>> -> memref<64xi32, #tpu.memory_space<vmem>>
    %dma_start3A_135 = arith.constant 0 : i32
    %dma_start3A_136 = arith.constant 0 : i32
    %dma_start3A_137 = tpu.memref_slice %arg2[%dma_start3A_135, %dma_start3A_136] : memref<10000x128xf32, #tpu.memory_space<hbm>> -> memref<10000x128xf32, #tpu.memory_space<hbm>>
    tpu.enqueue_indirect_dma source(%dma_start3A_137 : memref<10000x128xf32, #tpu.memory_space<hbm>>) target(%arg11 : memref<64x128xf32, #tpu.memory_space<vmem>>) offsets(%dma_start3A_134 : memref<64xi32, #tpu.memory_space<vmem>>) semaphore(%arg16 : memref<!tpu.dma_semaphore, #tpu.memory_space<semaphore_mem>>)
    %dma_wait3A_138 = arith.constant 0 : i32
    %dma_wait3A_139 = arith.constant 0 : i32
    %dma_wait3A_140 = tpu.memref_slice %arg7[%dma_wait3A_138, %dma_wait3A_139] : memref<40x64xi32, #tpu.memory_space<vmem>> -> memref<1x64xi32, #tpu.memory_space<vmem>>
    %dma_wait3A_141 = tpu.memref_squeeze %dma_wait3A_140 : memref<1x64xi32, #tpu.memory_space<vmem>> -> memref<64xi32, #tpu.memory_space<vmem>>
    %dma_wait3A_142 = arith.constant 0 : i32
    %dma_wait3A_143 = arith.constant 0 : i32
    %dma_wait3A_144 = tpu.memref_slice %arg2[%dma_wait3A_142, %dma_wait3A_143] : memref<10000x128xf32, #tpu.memory_space<hbm>> -> memref<10000x128xf32, #tpu.memory_space<hbm>>
    tpu.wait_indirect_dma semaphore(%arg14 : memref<!tpu.dma_semaphore, #tpu.memory_space<semaphore_mem>>) src(%dma_wait3A_144 : memref<10000x128xf32, #tpu.memory_space<hbm>>) dst(%arg9 : memref<64x128xf32, #tpu.memory_space<vmem>>)
    %dma_start3A_145 = arith.constant 0 : i32
    %dma_start3A_146 = arith.constant 0 : i32
    %dma_start3A_147 = tpu.memref_slice %arg8[%dma_start3A_145, %dma_start3A_146] : memref<40x64xi32, #tpu.memory_space<vmem>> -> memref<1x64xi32, #tpu.memory_space<vmem>>
    %dma_start3A_148 = tpu.memref_squeeze %dma_start3A_147 : memref<1x64xi32, #tpu.memory_space<vmem>> -> memref<64xi32, #tpu.memory_space<vmem>>
    %dma_start3A_149 = arith.constant 0 : i32
    %dma_start3A_150 = arith.constant 0 : i32
    %dma_start3A_151 = tpu.memref_slice %arg13[%dma_start3A_149, %dma_start3A_150] : memref<10112x128xf32, #tpu.memory_space<vmem_shared>> -> memref<10112x128xf32, #tpu.memory_space<vmem_shared>>
    tpu.enqueue_indirect_dma source(%arg9 : memref<64x128xf32, #tpu.memory_space<vmem>>) target(%dma_start3A_151 : memref<10112x128xf32, #tpu.memory_space<vmem_shared>>) offsets(%dma_start3A_148 : memref<64xi32, #tpu.memory_space<vmem>>) semaphore(%arg18 : memref<!tpu.dma_semaphore, #tpu.memory_space<semaphore_mem>>) {add = true}
    %dma_start3A_152 = arith.constant 3 : i32
    %dma_start3A_153 = arith.constant 0 : i32
    %dma_start3A_154 = tpu.memref_slice %arg7[%dma_start3A_152, %dma_start3A_153] : memref<40x64xi32, #tpu.memory_space<vmem>> -> memref<1x64xi32, #tpu.memory_space<vmem>>
    %dma_start3A_155 = tpu.memref_squeeze %dma_start3A_154 : memref<1x64xi32, #tpu.memory_space<vmem>> -> memref<64xi32, #tpu.memory_space<vmem>>
    %dma_start3A_156 = arith.constant 0 : i32
    %dma_start3A_157 = arith.constant 0 : i32
    %dma_start3A_158 = tpu.memref_slice %arg2[%dma_start3A_156, %dma_start3A_157] : memref<10000x128xf32, #tpu.memory_space<hbm>> -> memref<10000x128xf32, #tpu.memory_space<hbm>>
    tpu.enqueue_indirect_dma source(%dma_start3A_158 : memref<10000x128xf32, #tpu.memory_space<hbm>>) target(%arg12 : memref<64x128xf32, #tpu.memory_space<vmem>>) offsets(%dma_start3A_155 : memref<64xi32, #tpu.memory_space<vmem>>) semaphore(%arg17 : memref<!tpu.dma_semaphore, #tpu.memory_space<semaphore_mem>>)
    %dma_wait3A_159 = arith.constant 1 : i32
    %dma_wait3A_160 = arith.constant 0 : i32
    %dma_wait3A_161 = tpu.memref_slice %arg7[%dma_wait3A_159, %dma_wait3A_160] : memref<40x64xi32, #tpu.memory_space<vmem>> -> memref<1x64xi32, #tpu.memory_space<vmem>>
    %dma_wait3A_162 = tpu.memref_squeeze %dma_wait3A_161 : memref<1x64xi32, #tpu.memory_space<vmem>> -> memref<64xi32, #tpu.memory_space<vmem>>
    %dma_wait3A_163 = arith.constant 0 : i32
    %dma_wait3A_164 = arith.constant 0 : i32
    %dma_wait3A_165 = tpu.memref_slice %arg2[%dma_wait3A_163, %dma_wait3A_164] : memref<10000x128xf32, #tpu.memory_space<hbm>> -> memref<10000x128xf32, #tpu.memory_space<hbm>>
    tpu.wait_indirect_dma semaphore(%arg15 : memref<!tpu.dma_semaphore, #tpu.memory_space<semaphore_mem>>) src(%dma_wait3A_165 : memref<10000x128xf32, #tpu.memory_space<hbm>>) dst(%arg10 : memref<64x128xf32, #tpu.memory_space<vmem>>)
    %dma_start3A_166 = arith.constant 1 : i32
    %dma_start3A_167 = arith.constant 0 : i32
    %dma_start3A_168 = tpu.memref_slice %arg8[%dma_start3A_166, %dma_start3A_167] : memref<40x64xi32, #tpu.memory_space<vmem>> -> memref<1x64xi32, #tpu.memory_space<vmem>>
    %dma_start3A_169 = tpu.memref_squeeze %dma_start3A_168 : memref<1x64xi32, #tpu.memory_space<vmem>> -> memref<64xi32, #tpu.memory_space<vmem>>
    %dma_start3A_170 = arith.constant 0 : i32
    %dma_start3A_171 = arith.constant 0 : i32
    %dma_start3A_172 = tpu.memref_slice %arg13[%dma_start3A_170, %dma_start3A_171] : memref<10112x128xf32, #tpu.memory_space<vmem_shared>> -> memref<10112x128xf32, #tpu.memory_space<vmem_shared>>
    tpu.enqueue_indirect_dma source(%arg10 : memref<64x128xf32, #tpu.memory_space<vmem>>) target(%dma_start3A_172 : memref<10112x128xf32, #tpu.memory_space<vmem_shared>>) offsets(%dma_start3A_169 : memref<64xi32, #tpu.memory_space<vmem>>) semaphore(%arg19 : memref<!tpu.dma_semaphore, #tpu.memory_space<semaphore_mem>>) {add = true}
    %scan3A_173 = arith.constant 0 : i32
    %scan3A_174 = arith.constant 9 : i32
    %scan3A_175 = arith.addi %scan3A_173, %scan3A_174 : i32
    %scan3A_176 = arith.constant 1 : i32
    scf.for %scan3A_473 = %scan3A_173 to %scan3A_175 step %scan3A_176  : i32 {
      %mul3A_474 = arith.constant 4 : i32
      %mul3A_475 = arith.muli %scan3A_473, %mul3A_474 : i32
      %add3A_476 = arith.constant 2 : i32
      %add3A_477 = arith.addi %add3A_476, %mul3A_475 : i32
      %add3A_478 = arith.constant 0 : i32
      %add3A_479 = arith.addi %add3A_477, %add3A_478 : i32
      %sub3A = arith.constant 2 : i32
      %sub3A_480 = arith.subi %add3A_479, %sub3A : i32
      %dma_wait3A_481 = arith.constant 0 : i32
      %dma_wait3A_482 = tpu.memref_slice %arg8[%sub3A_480, %dma_wait3A_481] : memref<40x64xi32, #tpu.memory_space<vmem>> -> memref<1x64xi32, #tpu.memory_space<vmem>>
      %dma_wait3A_483 = tpu.memref_squeeze %dma_wait3A_482 : memref<1x64xi32, #tpu.memory_space<vmem>> -> memref<64xi32, #tpu.memory_space<vmem>>
      %dma_wait3A_484 = arith.constant 0 : i32
      %dma_wait3A_485 = arith.constant 0 : i32
      %dma_wait3A_486 = tpu.memref_slice %arg13[%dma_wait3A_484, %dma_wait3A_485] : memref<10112x128xf32, #tpu.memory_space<vmem_shared>> -> memref<10112x128xf32, #tpu.memory_space<vmem_shared>>
      tpu.wait_indirect_dma semaphore(%arg18 : memref<!tpu.dma_semaphore, #tpu.memory_space<semaphore_mem>>) src(%arg9 : memref<64x128xf32, #tpu.memory_space<vmem>>) dst(%dma_wait3A_486 : memref<10112x128xf32, #tpu.memory_space<vmem_shared>>)
      %add3A_487 = arith.constant 2 : i32
      %add3A_488 = arith.addi %add3A_479, %add3A_487 : i32
      %dma_start3A_489 = arith.constant 0 : i32
      %dma_start3A_490 = tpu.memref_slice %arg7[%add3A_488, %dma_start3A_489] : memref<40x64xi32, #tpu.memory_space<vmem>> -> memref<1x64xi32, #tpu.memory_space<vmem>>
      %dma_start3A_491 = tpu.memref_squeeze %dma_start3A_490 : memref<1x64xi32, #tpu.memory_space<vmem>> -> memref<64xi32, #tpu.memory_space<vmem>>
      %dma_start3A_492 = arith.constant 0 : i32
      %dma_start3A_493 = arith.constant 0 : i32
      %dma_start3A_494 = tpu.memref_slice %arg2[%dma_start3A_492, %dma_start3A_493] : memref<10000x128xf32, #tpu.memory_space<hbm>> -> memref<10000x128xf32, #tpu.memory_space<hbm>>
      tpu.enqueue_indirect_dma source(%dma_start3A_494 : memref<10000x128xf32, #tpu.memory_space<hbm>>) target(%arg9 : memref<64x128xf32, #tpu.memory_space<vmem>>) offsets(%dma_start3A_491 : memref<64xi32, #tpu.memory_space<vmem>>) semaphore(%arg14 : memref<!tpu.dma_semaphore, #tpu.memory_space<semaphore_mem>>)
      %dma_wait3A_495 = arith.constant 0 : i32
      %dma_wait3A_496 = tpu.memref_slice %arg7[%add3A_479, %dma_wait3A_495] : memref<40x64xi32, #tpu.memory_space<vmem>> -> memref<1x64xi32, #tpu.memory_space<vmem>>
      %dma_wait3A_497 = tpu.memref_squeeze %dma_wait3A_496 : memref<1x64xi32, #tpu.memory_space<vmem>> -> memref<64xi32, #tpu.memory_space<vmem>>
      %dma_wait3A_498 = arith.constant 0 : i32
      %dma_wait3A_499 = arith.constant 0 : i32
      %dma_wait3A_500 = tpu.memref_slice %arg2[%dma_wait3A_498, %dma_wait3A_499] : memref<10000x128xf32, #tpu.memory_space<hbm>> -> memref<10000x128xf32, #tpu.memory_space<hbm>>
      tpu.wait_indirect_dma semaphore(%arg16 : memref<!tpu.dma_semaphore, #tpu.memory_space<semaphore_mem>>) src(%dma_wait3A_500 : memref<10000x128xf32, #tpu.memory_space<hbm>>) dst(%arg11 : memref<64x128xf32, #tpu.memory_space<vmem>>)
      %dma_start3A_501 = arith.constant 0 : i32
      %dma_start3A_502 = tpu.memref_slice %arg8[%add3A_479, %dma_start3A_501] : memref<40x64xi32, #tpu.memory_space<vmem>> -> memref<1x64xi32, #tpu.memory_space<vmem>>
      %dma_start3A_503 = tpu.memref_squeeze %dma_start3A_502 : memref<1x64xi32, #tpu.memory_space<vmem>> -> memref<64xi32, #tpu.memory_space<vmem>>
      %dma_start3A_504 = arith.constant 0 : i32
      %dma_start3A_505 = arith.constant 0 : i32
      %dma_start3A_506 = tpu.memref_slice %arg13[%dma_start3A_504, %dma_start3A_505] : memref<10112x128xf32, #tpu.memory_space<vmem_shared>> -> memref<10112x128xf32, #tpu.memory_space<vmem_shared>>
      tpu.enqueue_indirect_dma source(%arg11 : memref<64x128xf32, #tpu.memory_space<vmem>>) target(%dma_start3A_506 : memref<10112x128xf32, #tpu.memory_space<vmem_shared>>) offsets(%dma_start3A_503 : memref<64xi32, #tpu.memory_space<vmem>>) semaphore(%arg20 : memref<!tpu.dma_semaphore, #tpu.memory_space<semaphore_mem>>) {add = true}
      %add3A_507 = arith.constant 1 : i32
      %add3A_508 = arith.addi %add3A_477, %add3A_507 : i32
      %sub3A_509 = arith.constant 2 : i32
      %sub3A_510 = arith.subi %add3A_508, %sub3A_509 : i32
      %dma_wait3A_511 = arith.constant 0 : i32
      %dma_wait3A_512 = tpu.memref_slice %arg8[%sub3A_510, %dma_wait3A_511] : memref<40x64xi32, #tpu.memory_space<vmem>> -> memref<1x64xi32, #tpu.memory_space<vmem>>
      %dma_wait3A_513 = tpu.memref_squeeze %dma_wait3A_512 : memref<1x64xi32, #tpu.memory_space<vmem>> -> memref<64xi32, #tpu.memory_space<vmem>>
      %dma_wait3A_514 = arith.constant 0 : i32
      %dma_wait3A_515 = arith.constant 0 : i32
      %dma_wait3A_516 = tpu.memref_slice %arg13[%dma_wait3A_514, %dma_wait3A_515] : memref<10112x128xf32, #tpu.memory_space<vmem_shared>> -> memref<10112x128xf32, #tpu.memory_space<vmem_shared>>
      tpu.wait_indirect_dma semaphore(%arg19 : memref<!tpu.dma_semaphore, #tpu.memory_space<semaphore_mem>>) src(%arg10 : memref<64x128xf32, #tpu.memory_space<vmem>>) dst(%dma_wait3A_516 : memref<10112x128xf32, #tpu.memory_space<vmem_shared>>)
      %add3A_517 = arith.constant 2 : i32
      %add3A_518 = arith.addi %add3A_508, %add3A_517 : i32
      %dma_start3A_519 = arith.constant 0 : i32
      %dma_start3A_520 = tpu.memref_slice %arg7[%add3A_518, %dma_start3A_519] : memref<40x64xi32, #tpu.memory_space<vmem>> -> memref<1x64xi32, #tpu.memory_space<vmem>>
      %dma_start3A_521 = tpu.memref_squeeze %dma_start3A_520 : memref<1x64xi32, #tpu.memory_space<vmem>> -> memref<64xi32, #tpu.memory_space<vmem>>
      %dma_start3A_522 = arith.constant 0 : i32
      %dma_start3A_523 = arith.constant 0 : i32
      %dma_start3A_524 = tpu.memref_slice %arg2[%dma_start3A_522, %dma_start3A_523] : memref<10000x128xf32, #tpu.memory_space<hbm>> -> memref<10000x128xf32, #tpu.memory_space<hbm>>
      tpu.enqueue_indirect_dma source(%dma_start3A_524 : memref<10000x128xf32, #tpu.memory_space<hbm>>) target(%arg10 : memref<64x128xf32, #tpu.memory_space<vmem>>) offsets(%dma_start3A_521 : memref<64xi32, #tpu.memory_space<vmem>>) semaphore(%arg15 : memref<!tpu.dma_semaphore, #tpu.memory_space<semaphore_mem>>)
      %dma_wait3A_525 = arith.constant 0 : i32
      %dma_wait3A_526 = tpu.memref_slice %arg7[%add3A_508, %dma_wait3A_525] : memref<40x64xi32, #tpu.memory_space<vmem>> -> memref<1x64xi32, #tpu.memory_space<vmem>>
      %dma_wait3A_527 = tpu.memref_squeeze %dma_wait3A_526 : memref<1x64xi32, #tpu.memory_space<vmem>> -> memref<64xi32, #tpu.memory_space<vmem>>
      %dma_wait3A_528 = arith.constant 0 : i32
      %dma_wait3A_529 = arith.constant 0 : i32
      %dma_wait3A_530 = tpu.memref_slice %arg2[%dma_wait3A_528, %dma_wait3A_529] : memref<10000x128xf32, #tpu.memory_space<hbm>> -> memref<10000x128xf32, #tpu.memory_space<hbm>>
      tpu.wait_indirect_dma semaphore(%arg17 : memref<!tpu.dma_semaphore, #tpu.memory_space<semaphore_mem>>) src(%dma_wait3A_530 : memref<10000x128xf32, #tpu.memory_space<hbm>>) dst(%arg12 : memref<64x128xf32, #tpu.memory_space<vmem>>)
      %dma_start3A_531 = arith.constant 0 : i32
      %dma_start3A_532 = tpu.memref_slice %arg8[%add3A_508, %dma_start3A_531] : memref<40x64xi32, #tpu.memory_space<vmem>> -> memref<1x64xi32, #tpu.memory_space<vmem>>
      %dma_start3A_533 = tpu.memref_squeeze %dma_start3A_532 : memref<1x64xi32, #tpu.memory_space<vmem>> -> memref<64xi32, #tpu.memory_space<vmem>>
      %dma_start3A_534 = arith.constant 0 : i32
      %dma_start3A_535 = arith.constant 0 : i32
      %dma_start3A_536 = tpu.memref_slice %arg13[%dma_start3A_534, %dma_start3A_535] : memref<10112x128xf32, #tpu.memory_space<vmem_shared>> -> memref<10112x128xf32, #tpu.memory_space<vmem_shared>>
      tpu.enqueue_indirect_dma source(%arg12 : memref<64x128xf32, #tpu.memory_space<vmem>>) target(%dma_start3A_536 : memref<10112x128xf32, #tpu.memory_space<vmem_shared>>) offsets(%dma_start3A_533 : memref<64xi32, #tpu.memory_space<vmem>>) semaphore(%arg21 : memref<!tpu.dma_semaphore, #tpu.memory_space<semaphore_mem>>) {add = true}
      %add3A_537 = arith.constant 2 : i32
      %add3A_538 = arith.addi %add3A_477, %add3A_537 : i32
      %sub3A_539 = arith.constant 2 : i32
      %sub3A_540 = arith.subi %add3A_538, %sub3A_539 : i32
      %dma_wait3A_541 = arith.constant 0 : i32
      %dma_wait3A_542 = tpu.memref_slice %arg8[%sub3A_540, %dma_wait3A_541] : memref<40x64xi32, #tpu.memory_space<vmem>> -> memref<1x64xi32, #tpu.memory_space<vmem>>
      %dma_wait3A_543 = tpu.memref_squeeze %dma_wait3A_542 : memref<1x64xi32, #tpu.memory_space<vmem>> -> memref<64xi32, #tpu.memory_space<vmem>>
      %dma_wait3A_544 = arith.constant 0 : i32
      %dma_wait3A_545 = arith.constant 0 : i32
      %dma_wait3A_546 = tpu.memref_slice %arg13[%dma_wait3A_544, %dma_wait3A_545] : memref<10112x128xf32, #tpu.memory_space<vmem_shared>> -> memref<10112x128xf32, #tpu.memory_space<vmem_shared>>
      tpu.wait_indirect_dma semaphore(%arg20 : memref<!tpu.dma_semaphore, #tpu.memory_space<semaphore_mem>>) src(%arg11 : memref<64x128xf32, #tpu.memory_space<vmem>>) dst(%dma_wait3A_546 : memref<10112x128xf32, #tpu.memory_space<vmem_shared>>)
      %add3A_547 = arith.constant 2 : i32
      %add3A_548 = arith.addi %add3A_538, %add3A_547 : i32
      %dma_start3A_549 = arith.constant 0 : i32
      %dma_start3A_550 = tpu.memref_slice %arg7[%add3A_548, %dma_start3A_549] : memref<40x64xi32, #tpu.memory_space<vmem>> -> memref<1x64xi32, #tpu.memory_space<vmem>>
      %dma_start3A_551 = tpu.memref_squeeze %dma_start3A_550 : memref<1x64xi32, #tpu.memory_space<vmem>> -> memref<64xi32, #tpu.memory_space<vmem>>
      %dma_start3A_552 = arith.constant 0 : i32
      %dma_start3A_553 = arith.constant 0 : i32
      %dma_start3A_554 = tpu.memref_slice %arg2[%dma_start3A_552, %dma_start3A_553] : memref<10000x128xf32, #tpu.memory_space<hbm>> -> memref<10000x128xf32, #tpu.memory_space<hbm>>
      tpu.enqueue_indirect_dma source(%dma_start3A_554 : memref<10000x128xf32, #tpu.memory_space<hbm>>) target(%arg11 : memref<64x128xf32, #tpu.memory_space<vmem>>) offsets(%dma_start3A_551 : memref<64xi32, #tpu.memory_space<vmem>>) semaphore(%arg16 : memref<!tpu.dma_semaphore, #tpu.memory_space<semaphore_mem>>)
      %dma_wait3A_555 = arith.constant 0 : i32
      %dma_wait3A_556 = tpu.memref_slice %arg7[%add3A_538, %dma_wait3A_555] : memref<40x64xi32, #tpu.memory_space<vmem>> -> memref<1x64xi32, #tpu.memory_space<vmem>>
      %dma_wait3A_557 = tpu.memref_squeeze %dma_wait3A_556 : memref<1x64xi32, #tpu.memory_space<vmem>> -> memref<64xi32, #tpu.memory_space<vmem>>
      %dma_wait3A_558 = arith.constant 0 : i32
      %dma_wait3A_559 = arith.constant 0 : i32
      %dma_wait3A_560 = tpu.memref_slice %arg2[%dma_wait3A_558, %dma_wait3A_559] : memref<10000x128xf32, #tpu.memory_space<hbm>> -> memref<10000x128xf32, #tpu.memory_space<hbm>>
      tpu.wait_indirect_dma semaphore(%arg14 : memref<!tpu.dma_semaphore, #tpu.memory_space<semaphore_mem>>) src(%dma_wait3A_560 : memref<10000x128xf32, #tpu.memory_space<hbm>>) dst(%arg9 : memref<64x128xf32, #tpu.memory_space<vmem>>)
      %dma_start3A_561 = arith.constant 0 : i32
      %dma_start3A_562 = tpu.memref_slice %arg8[%add3A_538, %dma_start3A_561] : memref<40x64xi32, #tpu.memory_space<vmem>> -> memref<1x64xi32, #tpu.memory_space<vmem>>
      %dma_start3A_563 = tpu.memref_squeeze %dma_start3A_562 : memref<1x64xi32, #tpu.memory_space<vmem>> -> memref<64xi32, #tpu.memory_space<vmem>>
      %dma_start3A_564 = arith.constant 0 : i32
      %dma_start3A_565 = arith.constant 0 : i32
      %dma_start3A_566 = tpu.memref_slice %arg13[%dma_start3A_564, %dma_start3A_565] : memref<10112x128xf32, #tpu.memory_space<vmem_shared>> -> memref<10112x128xf32, #tpu.memory_space<vmem_shared>>
      tpu.enqueue_indirect_dma source(%arg9 : memref<64x128xf32, #tpu.memory_space<vmem>>) target(%dma_start3A_566 : memref<10112x128xf32, #tpu.memory_space<vmem_shared>>) offsets(%dma_start3A_563 : memref<64xi32, #tpu.memory_space<vmem>>) semaphore(%arg18 : memref<!tpu.dma_semaphore, #tpu.memory_space<semaphore_mem>>) {add = true}
      %add3A_567 = arith.constant 3 : i32
      %add3A_568 = arith.addi %add3A_477, %add3A_567 : i32
      %sub3A_569 = arith.constant 2 : i32
      %sub3A_570 = arith.subi %add3A_568, %sub3A_569 : i32
      %dma_wait3A_571 = arith.constant 0 : i32
      %dma_wait3A_572 = tpu.memref_slice %arg8[%sub3A_570, %dma_wait3A_571] : memref<40x64xi32, #tpu.memory_space<vmem>> -> memref<1x64xi32, #tpu.memory_space<vmem>>
      %dma_wait3A_573 = tpu.memref_squeeze %dma_wait3A_572 : memref<1x64xi32, #tpu.memory_space<vmem>> -> memref<64xi32, #tpu.memory_space<vmem>>
      %dma_wait3A_574 = arith.constant 0 : i32
      %dma_wait3A_575 = arith.constant 0 : i32
      %dma_wait3A_576 = tpu.memref_slice %arg13[%dma_wait3A_574, %dma_wait3A_575] : memref<10112x128xf32, #tpu.memory_space<vmem_shared>> -> memref<10112x128xf32, #tpu.memory_space<vmem_shared>>
      tpu.wait_indirect_dma semaphore(%arg21 : memref<!tpu.dma_semaphore, #tpu.memory_space<semaphore_mem>>) src(%arg12 : memref<64x128xf32, #tpu.memory_space<vmem>>) dst(%dma_wait3A_576 : memref<10112x128xf32, #tpu.memory_space<vmem_shared>>)
      %add3A_577 = arith.constant 2 : i32
      %add3A_578 = arith.addi %add3A_568, %add3A_577 : i32
      %dma_start3A_579 = arith.constant 0 : i32
      %dma_start3A_580 = tpu.memref_slice %arg7[%add3A_578, %dma_start3A_579] : memref<40x64xi32, #tpu.memory_space<vmem>> -> memref<1x64xi32, #tpu.memory_space<vmem>>
      %dma_start3A_581 = tpu.memref_squeeze %dma_start3A_580 : memref<1x64xi32, #tpu.memory_space<vmem>> -> memref<64xi32, #tpu.memory_space<vmem>>
      %dma_start3A_582 = arith.constant 0 : i32
      %dma_start3A_583 = arith.constant 0 : i32
      %dma_start3A_584 = tpu.memref_slice %arg2[%dma_start3A_582, %dma_start3A_583] : memref<10000x128xf32, #tpu.memory_space<hbm>> -> memref<10000x128xf32, #tpu.memory_space<hbm>>
      tpu.enqueue_indirect_dma source(%dma_start3A_584 : memref<10000x128xf32, #tpu.memory_space<hbm>>) target(%arg12 : memref<64x128xf32, #tpu.memory_space<vmem>>) offsets(%dma_start3A_581 : memref<64xi32, #tpu.memory_space<vmem>>) semaphore(%arg17 : memref<!tpu.dma_semaphore, #tpu.memory_space<semaphore_mem>>)
      %dma_wait3A_585 = arith.constant 0 : i32
      %dma_wait3A_586 = tpu.memref_slice %arg7[%add3A_568, %dma_wait3A_585] : memref<40x64xi32, #tpu.memory_space<vmem>> -> memref<1x64xi32, #tpu.memory_space<vmem>>
      %dma_wait3A_587 = tpu.memref_squeeze %dma_wait3A_586 : memref<1x64xi32, #tpu.memory_space<vmem>> -> memref<64xi32, #tpu.memory_space<vmem>>
      %dma_wait3A_588 = arith.constant 0 : i32
      %dma_wait3A_589 = arith.constant 0 : i32
      %dma_wait3A_590 = tpu.memref_slice %arg2[%dma_wait3A_588, %dma_wait3A_589] : memref<10000x128xf32, #tpu.memory_space<hbm>> -> memref<10000x128xf32, #tpu.memory_space<hbm>>
      tpu.wait_indirect_dma semaphore(%arg15 : memref<!tpu.dma_semaphore, #tpu.memory_space<semaphore_mem>>) src(%dma_wait3A_590 : memref<10000x128xf32, #tpu.memory_space<hbm>>) dst(%arg10 : memref<64x128xf32, #tpu.memory_space<vmem>>)
      %dma_start3A_591 = arith.constant 0 : i32
      %dma_start3A_592 = tpu.memref_slice %arg8[%add3A_568, %dma_start3A_591] : memref<40x64xi32, #tpu.memory_space<vmem>> -> memref<1x64xi32, #tpu.memory_space<vmem>>
      %dma_start3A_593 = tpu.memref_squeeze %dma_start3A_592 : memref<1x64xi32, #tpu.memory_space<vmem>> -> memref<64xi32, #tpu.memory_space<vmem>>
      %dma_start3A_594 = arith.constant 0 : i32
      %dma_start3A_595 = arith.constant 0 : i32
      %dma_start3A_596 = tpu.memref_slice %arg13[%dma_start3A_594, %dma_start3A_595] : memref<10112x128xf32, #tpu.memory_space<vmem_shared>> -> memref<10112x128xf32, #tpu.memory_space<vmem_shared>>
      tpu.enqueue_indirect_dma source(%arg10 : memref<64x128xf32, #tpu.memory_space<vmem>>) target(%dma_start3A_596 : memref<10112x128xf32, #tpu.memory_space<vmem_shared>>) offsets(%dma_start3A_593 : memref<64xi32, #tpu.memory_space<vmem>>) semaphore(%arg19 : memref<!tpu.dma_semaphore, #tpu.memory_space<semaphore_mem>>) {add = true}
    }
    %scan3A_177 = arith.constant 9 : i32
    %dma_wait3A_178 = arith.constant 38 : i32
    %dma_wait3A_179 = arith.constant 0 : i32
    %dma_wait3A_180 = tpu.memref_slice %arg7[%dma_wait3A_178, %dma_wait3A_179] : memref<40x64xi32, #tpu.memory_space<vmem>> -> memref<1x64xi32, #tpu.memory_space<vmem>>
    %dma_wait3A_181 = tpu.memref_squeeze %dma_wait3A_180 : memref<1x64xi32, #tpu.memory_space<vmem>> -> memref<64xi32, #tpu.memory_space<vmem>>
    %dma_wait3A_182 = arith.constant 0 : i32
    %dma_wait3A_183 = arith.constant 0 : i32
    %dma_wait3A_184 = tpu.memref_slice %arg2[%dma_wait3A_182, %dma_wait3A_183] : memref<10000x128xf32, #tpu.memory_space<hbm>> -> memref<10000x128xf32, #tpu.memory_space<hbm>>
    tpu.wait_indirect_dma semaphore(%arg16 : memref<!tpu.dma_semaphore, #tpu.memory_space<semaphore_mem>>) src(%dma_wait3A_184 : memref<10000x128xf32, #tpu.memory_space<hbm>>) dst(%arg11 : memref<64x128xf32, #tpu.memory_space<vmem>>)
    %dma_start3A_185 = arith.constant 38 : i32
    %dma_start3A_186 = arith.constant 0 : i32
    %dma_start3A_187 = tpu.memref_slice %arg8[%dma_start3A_185, %dma_start3A_186] : memref<40x64xi32, #tpu.memory_space<vmem>> -> memref<1x64xi32, #tpu.memory_space<vmem>>
    %dma_start3A_188 = tpu.memref_squeeze %dma_start3A_187 : memref<1x64xi32, #tpu.memory_space<vmem>> -> memref<64xi32, #tpu.memory_space<vmem>>
    %dma_start3A_189 = arith.constant 0 : i32
    %dma_start3A_190 = arith.constant 0 : i32
    %dma_start3A_191 = tpu.memref_slice %arg13[%dma_start3A_189, %dma_start3A_190] : memref<10112x128xf32, #tpu.memory_space<vmem_shared>> -> memref<10112x128xf32, #tpu.memory_space<vmem_shared>>
    tpu.enqueue_indirect_dma source(%arg11 : memref<64x128xf32, #tpu.memory_space<vmem>>) target(%dma_start3A_191 : memref<10112x128xf32, #tpu.memory_space<vmem_shared>>) offsets(%dma_start3A_188 : memref<64xi32, #tpu.memory_space<vmem>>) semaphore(%arg20 : memref<!tpu.dma_semaphore, #tpu.memory_space<semaphore_mem>>) {add = true}
    %dma_wait3A_192 = arith.constant 39 : i32
    %dma_wait3A_193 = arith.constant 0 : i32
    %dma_wait3A_194 = tpu.memref_slice %arg7[%dma_wait3A_192, %dma_wait3A_193] : memref<40x64xi32, #tpu.memory_space<vmem>> -> memref<1x64xi32, #tpu.memory_space<vmem>>
    %dma_wait3A_195 = tpu.memref_squeeze %dma_wait3A_194 : memref<1x64xi32, #tpu.memory_space<vmem>> -> memref<64xi32, #tpu.memory_space<vmem>>
    %dma_wait3A_196 = arith.constant 0 : i32
    %dma_wait3A_197 = arith.constant 0 : i32
    %dma_wait3A_198 = tpu.memref_slice %arg2[%dma_wait3A_196, %dma_wait3A_197] : memref<10000x128xf32, #tpu.memory_space<hbm>> -> memref<10000x128xf32, #tpu.memory_space<hbm>>
    tpu.wait_indirect_dma semaphore(%arg17 : memref<!tpu.dma_semaphore, #tpu.memory_space<semaphore_mem>>) src(%dma_wait3A_198 : memref<10000x128xf32, #tpu.memory_space<hbm>>) dst(%arg12 : memref<64x128xf32, #tpu.memory_space<vmem>>)
    %dma_start3A_199 = arith.constant 39 : i32
    %dma_start3A_200 = arith.constant 0 : i32
    %dma_start3A_201 = tpu.memref_slice %arg8[%dma_start3A_199, %dma_start3A_200] : memref<40x64xi32, #tpu.memory_space<vmem>> -> memref<1x64xi32, #tpu.memory_space<vmem>>
    %dma_start3A_202 = tpu.memref_squeeze %dma_start3A_201 : memref<1x64xi32, #tpu.memory_space<vmem>> -> memref<64xi32, #tpu.memory_space<vmem>>
    %dma_start3A_203 = arith.constant 0 : i32
    %dma_start3A_204 = arith.constant 0 : i32
    %dma_start3A_205 = tpu.memref_slice %arg13[%dma_start3A_203, %dma_start3A_204] : memref<10112x128xf32, #tpu.memory_space<vmem_shared>> -> memref<10112x128xf32, #tpu.memory_space<vmem_shared>>
    tpu.enqueue_indirect_dma source(%arg12 : memref<64x128xf32, #tpu.memory_space<vmem>>) target(%dma_start3A_205 : memref<10112x128xf32, #tpu.memory_space<vmem_shared>>) offsets(%dma_start3A_202 : memref<64xi32, #tpu.memory_space<vmem>>) semaphore(%arg21 : memref<!tpu.dma_semaphore, #tpu.memory_space<semaphore_mem>>) {add = true}
    %dma_wait3A_206 = arith.constant 36 : i32
    %dma_wait3A_207 = arith.constant 0 : i32
    %dma_wait3A_208 = tpu.memref_slice %arg8[%dma_wait3A_206, %dma_wait3A_207] : memref<40x64xi32, #tpu.memory_space<vmem>> -> memref<1x64xi32, #tpu.memory_space<vmem>>
    %dma_wait3A_209 = tpu.memref_squeeze %dma_wait3A_208 : memref<1x64xi32, #tpu.memory_space<vmem>> -> memref<64xi32, #tpu.memory_space<vmem>>
    %dma_wait3A_210 = arith.constant 0 : i32
    %dma_wait3A_211 = arith.constant 0 : i32
    %dma_wait3A_212 = tpu.memref_slice %arg13[%dma_wait3A_210, %dma_wait3A_211] : memref<10112x128xf32, #tpu.memory_space<vmem_shared>> -> memref<10112x128xf32, #tpu.memory_space<vmem_shared>>
    tpu.wait_indirect_dma semaphore(%arg18 : memref<!tpu.dma_semaphore, #tpu.memory_space<semaphore_mem>>) src(%arg9 : memref<64x128xf32, #tpu.memory_space<vmem>>) dst(%dma_wait3A_212 : memref<10112x128xf32, #tpu.memory_space<vmem_shared>>)
    %dma_wait3A_213 = arith.constant 37 : i32
    %dma_wait3A_214 = arith.constant 0 : i32
    %dma_wait3A_215 = tpu.memref_slice %arg8[%dma_wait3A_213, %dma_wait3A_214] : memref<40x64xi32, #tpu.memory_space<vmem>> -> memref<1x64xi32, #tpu.memory_space<vmem>>
    %dma_wait3A_216 = tpu.memref_squeeze %dma_wait3A_215 : memref<1x64xi32, #tpu.memory_space<vmem>> -> memref<64xi32, #tpu.memory_space<vmem>>
    %dma_wait3A_217 = arith.constant 0 : i32
    %dma_wait3A_218 = arith.constant 0 : i32
    %dma_wait3A_219 = tpu.memref_slice %arg13[%dma_wait3A_217, %dma_wait3A_218] : memref<10112x128xf32, #tpu.memory_space<vmem_shared>> -> memref<10112x128xf32, #tpu.memory_space<vmem_shared>>
    tpu.wait_indirect_dma semaphore(%arg19 : memref<!tpu.dma_semaphore, #tpu.memory_space<semaphore_mem>>) src(%arg10 : memref<64x128xf32, #tpu.memory_space<vmem>>) dst(%dma_wait3A_219 : memref<10112x128xf32, #tpu.memory_space<vmem_shared>>)
    %dma_wait3A_220 = arith.constant 38 : i32
    %dma_wait3A_221 = arith.constant 0 : i32
    %dma_wait3A_222 = tpu.memref_slice %arg8[%dma_wait3A_220, %dma_wait3A_221] : memref<40x64xi32, #tpu.memory_space<vmem>> -> memref<1x64xi32, #tpu.memory_space<vmem>>
    %dma_wait3A_223 = tpu.memref_squeeze %dma_wait3A_222 : memref<1x64xi32, #tpu.memory_space<vmem>> -> memref<64xi32, #tpu.memory_space<vmem>>
    %dma_wait3A_224 = arith.constant 0 : i32
    %dma_wait3A_225 = arith.constant 0 : i32
    %dma_wait3A_226 = tpu.memref_slice %arg13[%dma_wait3A_224, %dma_wait3A_225] : memref<10112x128xf32, #tpu.memory_space<vmem_shared>> -> memref<10112x128xf32, #tpu.memory_space<vmem_shared>>
    tpu.wait_indirect_dma semaphore(%arg20 : memref<!tpu.dma_semaphore, #tpu.memory_space<semaphore_mem>>) src(%arg11 : memref<64x128xf32, #tpu.memory_space<vmem>>) dst(%dma_wait3A_226 : memref<10112x128xf32, #tpu.memory_space<vmem_shared>>)
    %dma_wait3A_227 = arith.constant 39 : i32
    %dma_wait3A_228 = arith.constant 0 : i32
    %dma_wait3A_229 = tpu.memref_slice %arg8[%dma_wait3A_227, %dma_wait3A_228] : memref<40x64xi32, #tpu.memory_space<vmem>> -> memref<1x64xi32, #tpu.memory_space<vmem>>
    %dma_wait3A_230 = tpu.memref_squeeze %dma_wait3A_229 : memref<1x64xi32, #tpu.memory_space<vmem>> -> memref<64xi32, #tpu.memory_space<vmem>>
    %dma_wait3A_231 = arith.constant 0 : i32
    %dma_wait3A_232 = arith.constant 0 : i32
    %dma_wait3A_233 = tpu.memref_slice %arg13[%dma_wait3A_231, %dma_wait3A_232] : memref<10112x128xf32, #tpu.memory_space<vmem_shared>> -> memref<10112x128xf32, #tpu.memory_space<vmem_shared>>
    tpu.wait_indirect_dma semaphore(%arg21 : memref<!tpu.dma_semaphore, #tpu.memory_space<semaphore_mem>>) src(%arg12 : memref<64x128xf32, #tpu.memory_space<vmem>>) dst(%dma_wait3A_233 : memref<10112x128xf32, #tpu.memory_space<vmem_shared>>)
    "tpu.region"() ({
      %run_scoped3A = tpu.sem_alloc : memref<!tpu.dma_semaphore, #tpu.memory_space<semaphore_mem>>
      %dma_start3A_473 = arith.constant 80 : i32
      %dma_start3A_474 = arith.constant 0 : i32
      %dma_start3A_475 = tpu.memref_slice %arg3[%add3A, %dma_start3A_473, %dma_start3A_474] : memref<32x160x64xi32, #tpu.memory_space<hbm>> -> memref<1x40x64xi32, #tpu.memory_space<hbm>>
      %dma_start3A_476 = tpu.memref_squeeze %dma_start3A_475 : memref<1x40x64xi32, #tpu.memory_space<hbm>> -> memref<40x64xi32, #tpu.memory_space<hbm>>
      %dma_start3A_477 = arith.constant 80 : i32
      %dma_start3A_478 = arith.constant 0 : i32
      %dma_start3A_479 = tpu.memref_slice %arg3[%add3A, %dma_start3A_477, %dma_start3A_478] : memref<32x160x64xi32, #tpu.memory_space<hbm>> -> memref<1x40x64xi32, #tpu.memory_space<hbm>>
      %dma_start3A_480 = tpu.memref_squeeze %dma_start3A_479 : memref<1x40x64xi32, #tpu.memory_space<hbm>> -> memref<40x64xi32, #tpu.memory_space<hbm>>
      tpu.enqueue_dma source(%dma_start3A_480 : memref<40x64xi32, #tpu.memory_space<hbm>>) target(%arg7 : memref<40x64xi32, #tpu.memory_space<vmem>>) target_semaphore(%run_scoped3A : memref<!tpu.dma_semaphore, #tpu.memory_space<semaphore_mem>>)
      %dma_wait3A_481 = arith.constant 80 : i32
      %dma_wait3A_482 = arith.constant 0 : i32
      %dma_wait3A_483 = tpu.memref_slice %arg3[%add3A, %dma_wait3A_481, %dma_wait3A_482] : memref<32x160x64xi32, #tpu.memory_space<hbm>> -> memref<1x40x64xi32, #tpu.memory_space<hbm>>
      %dma_wait3A_484 = tpu.memref_squeeze %dma_wait3A_483 : memref<1x40x64xi32, #tpu.memory_space<hbm>> -> memref<40x64xi32, #tpu.memory_space<hbm>>
      %dma_wait3A_485 = arith.constant 80 : i32
      %dma_wait3A_486 = arith.constant 0 : i32
      %dma_wait3A_487 = tpu.memref_slice %arg3[%add3A, %dma_wait3A_485, %dma_wait3A_486] : memref<32x160x64xi32, #tpu.memory_space<hbm>> -> memref<1x40x64xi32, #tpu.memory_space<hbm>>
      %dma_wait3A_488 = tpu.memref_squeeze %dma_wait3A_487 : memref<1x40x64xi32, #tpu.memory_space<hbm>> -> memref<40x64xi32, #tpu.memory_space<hbm>>
      tpu.wait_dma2 semaphore(%run_scoped3A : memref<!tpu.dma_semaphore, #tpu.memory_space<semaphore_mem>>) src(%dma_wait3A_488 : memref<40x64xi32, #tpu.memory_space<hbm>>) dst(%arg7 : memref<40x64xi32, #tpu.memory_space<vmem>>)
      tpu.yield
    }) : () -> ()
    "tpu.region"() ({
      %run_scoped3A = tpu.sem_alloc : memref<!tpu.dma_semaphore, #tpu.memory_space<semaphore_mem>>
      %dma_start3A_473 = arith.constant 80 : i32
      %dma_start3A_474 = arith.constant 0 : i32
      %dma_start3A_475 = tpu.memref_slice %arg4[%add3A, %dma_start3A_473, %dma_start3A_474] : memref<32x160x64xi32, #tpu.memory_space<hbm>> -> memref<1x40x64xi32, #tpu.memory_space<hbm>>
      %dma_start3A_476 = tpu.memref_squeeze %dma_start3A_475 : memref<1x40x64xi32, #tpu.memory_space<hbm>> -> memref<40x64xi32, #tpu.memory_space<hbm>>
      %dma_start3A_477 = arith.constant 80 : i32
      %dma_start3A_478 = arith.constant 0 : i32
      %dma_start3A_479 = tpu.memref_slice %arg4[%add3A, %dma_start3A_477, %dma_start3A_478] : memref<32x160x64xi32, #tpu.memory_space<hbm>> -> memref<1x40x64xi32, #tpu.memory_space<hbm>>
      %dma_start3A_480 = tpu.memref_squeeze %dma_start3A_479 : memref<1x40x64xi32, #tpu.memory_space<hbm>> -> memref<40x64xi32, #tpu.memory_space<hbm>>
      tpu.enqueue_dma source(%dma_start3A_480 : memref<40x64xi32, #tpu.memory_space<hbm>>) target(%arg8 : memref<40x64xi32, #tpu.memory_space<vmem>>) target_semaphore(%run_scoped3A : memref<!tpu.dma_semaphore, #tpu.memory_space<semaphore_mem>>)
      %dma_wait3A_481 = arith.constant 80 : i32
      %dma_wait3A_482 = arith.constant 0 : i32
      %dma_wait3A_483 = tpu.memref_slice %arg4[%add3A, %dma_wait3A_481, %dma_wait3A_482] : memref<32x160x64xi32, #tpu.memory_space<hbm>> -> memref<1x40x64xi32, #tpu.memory_space<hbm>>
      %dma_wait3A_484 = tpu.memref_squeeze %dma_wait3A_483 : memref<1x40x64xi32, #tpu.memory_space<hbm>> -> memref<40x64xi32, #tpu.memory_space<hbm>>
      %dma_wait3A_485 = arith.constant 80 : i32
      %dma_wait3A_486 = arith.constant 0 : i32
      %dma_wait3A_487 = tpu.memref_slice %arg4[%add3A, %dma_wait3A_485, %dma_wait3A_486] : memref<32x160x64xi32, #tpu.memory_space<hbm>> -> memref<1x40x64xi32, #tpu.memory_space<hbm>>
      %dma_wait3A_488 = tpu.memref_squeeze %dma_wait3A_487 : memref<1x40x64xi32, #tpu.memory_space<hbm>> -> memref<40x64xi32, #tpu.memory_space<hbm>>
      tpu.wait_dma2 semaphore(%run_scoped3A : memref<!tpu.dma_semaphore, #tpu.memory_space<semaphore_mem>>) src(%dma_wait3A_488 : memref<40x64xi32, #tpu.memory_space<hbm>>) dst(%arg8 : memref<40x64xi32, #tpu.memory_space<vmem>>)
      tpu.yield
    }) : () -> ()
    %dma_start3A_234 = arith.constant 0 : i32
    %dma_start3A_235 = arith.constant 0 : i32
    %dma_start3A_236 = tpu.memref_slice %arg7[%dma_start3A_234, %dma_start3A_235] : memref<40x64xi32, #tpu.memory_space<vmem>> -> memref<1x64xi32, #tpu.memory_space<vmem>>
    %dma_start3A_237 = tpu.memref_squeeze %dma_start3A_236 : memref<1x64xi32, #tpu.memory_space<vmem>> -> memref<64xi32, #tpu.memory_space<vmem>>
    %dma_start3A_238 = arith.constant 0 : i32
    %dma_start3A_239 = arith.constant 0 : i32
    %dma_start3A_240 = tpu.memref_slice %arg2[%dma_start3A_238, %dma_start3A_239] : memref<10000x128xf32, #tpu.memory_space<hbm>> -> memref<10000x128xf32, #tpu.memory_space<hbm>>
    tpu.enqueue_indirect_dma source(%dma_start3A_240 : memref<10000x128xf32, #tpu.memory_space<hbm>>) target(%arg9 : memref<64x128xf32, #tpu.memory_space<vmem>>) offsets(%dma_start3A_237 : memref<64xi32, #tpu.memory_space<vmem>>) semaphore(%arg14 : memref<!tpu.dma_semaphore, #tpu.memory_space<semaphore_mem>>)
    %dma_start3A_241 = arith.constant 1 : i32
    %dma_start3A_242 = arith.constant 0 : i32
    %dma_start3A_243 = tpu.memref_slice %arg7[%dma_start3A_241, %dma_start3A_242] : memref<40x64xi32, #tpu.memory_space<vmem>> -> memref<1x64xi32, #tpu.memory_space<vmem>>
    %dma_start3A_244 = tpu.memref_squeeze %dma_start3A_243 : memref<1x64xi32, #tpu.memory_space<vmem>> -> memref<64xi32, #tpu.memory_space<vmem>>
    %dma_start3A_245 = arith.constant 0 : i32
    %dma_start3A_246 = arith.constant 0 : i32
    %dma_start3A_247 = tpu.memref_slice %arg2[%dma_start3A_245, %dma_start3A_246] : memref<10000x128xf32, #tpu.memory_space<hbm>> -> memref<10000x128xf32, #tpu.memory_space<hbm>>
    tpu.enqueue_indirect_dma source(%dma_start3A_247 : memref<10000x128xf32, #tpu.memory_space<hbm>>) target(%arg10 : memref<64x128xf32, #tpu.memory_space<vmem>>) offsets(%dma_start3A_244 : memref<64xi32, #tpu.memory_space<vmem>>) semaphore(%arg15 : memref<!tpu.dma_semaphore, #tpu.memory_space<semaphore_mem>>)
    %dma_start3A_248 = arith.constant 2 : i32
    %dma_start3A_249 = arith.constant 0 : i32
    %dma_start3A_250 = tpu.memref_slice %arg7[%dma_start3A_248, %dma_start3A_249] : memref<40x64xi32, #tpu.memory_space<vmem>> -> memref<1x64xi32, #tpu.memory_space<vmem>>
    %dma_start3A_251 = tpu.memref_squeeze %dma_start3A_250 : memref<1x64xi32, #tpu.memory_space<vmem>> -> memref<64xi32, #tpu.memory_space<vmem>>
    %dma_start3A_252 = arith.constant 0 : i32
    %dma_start3A_253 = arith.constant 0 : i32
    %dma_start3A_254 = tpu.memref_slice %arg2[%dma_start3A_252, %dma_start3A_253] : memref<10000x128xf32, #tpu.memory_space<hbm>> -> memref<10000x128xf32, #tpu.memory_space<hbm>>
    tpu.enqueue_indirect_dma source(%dma_start3A_254 : memref<10000x128xf32, #tpu.memory_space<hbm>>) target(%arg11 : memref<64x128xf32, #tpu.memory_space<vmem>>) offsets(%dma_start3A_251 : memref<64xi32, #tpu.memory_space<vmem>>) semaphore(%arg16 : memref<!tpu.dma_semaphore, #tpu.memory_space<semaphore_mem>>)
    %dma_wait3A_255 = arith.constant 0 : i32
    %dma_wait3A_256 = arith.constant 0 : i32
    %dma_wait3A_257 = tpu.memref_slice %arg7[%dma_wait3A_255, %dma_wait3A_256] : memref<40x64xi32, #tpu.memory_space<vmem>> -> memref<1x64xi32, #tpu.memory_space<vmem>>
    %dma_wait3A_258 = tpu.memref_squeeze %dma_wait3A_257 : memref<1x64xi32, #tpu.memory_space<vmem>> -> memref<64xi32, #tpu.memory_space<vmem>>
    %dma_wait3A_259 = arith.constant 0 : i32
    %dma_wait3A_260 = arith.constant 0 : i32
    %dma_wait3A_261 = tpu.memref_slice %arg2[%dma_wait3A_259, %dma_wait3A_260] : memref<10000x128xf32, #tpu.memory_space<hbm>> -> memref<10000x128xf32, #tpu.memory_space<hbm>>
    tpu.wait_indirect_dma semaphore(%arg14 : memref<!tpu.dma_semaphore, #tpu.memory_space<semaphore_mem>>) src(%dma_wait3A_261 : memref<10000x128xf32, #tpu.memory_space<hbm>>) dst(%arg9 : memref<64x128xf32, #tpu.memory_space<vmem>>)
    %dma_start3A_262 = arith.constant 0 : i32
    %dma_start3A_263 = arith.constant 0 : i32
    %dma_start3A_264 = tpu.memref_slice %arg8[%dma_start3A_262, %dma_start3A_263] : memref<40x64xi32, #tpu.memory_space<vmem>> -> memref<1x64xi32, #tpu.memory_space<vmem>>
    %dma_start3A_265 = tpu.memref_squeeze %dma_start3A_264 : memref<1x64xi32, #tpu.memory_space<vmem>> -> memref<64xi32, #tpu.memory_space<vmem>>
    %dma_start3A_266 = arith.constant 0 : i32
    %dma_start3A_267 = arith.constant 0 : i32
    %dma_start3A_268 = tpu.memref_slice %arg13[%dma_start3A_266, %dma_start3A_267] : memref<10112x128xf32, #tpu.memory_space<vmem_shared>> -> memref<10112x128xf32, #tpu.memory_space<vmem_shared>>
    tpu.enqueue_indirect_dma source(%arg9 : memref<64x128xf32, #tpu.memory_space<vmem>>) target(%dma_start3A_268 : memref<10112x128xf32, #tpu.memory_space<vmem_shared>>) offsets(%dma_start3A_265 : memref<64xi32, #tpu.memory_space<vmem>>) semaphore(%arg18 : memref<!tpu.dma_semaphore, #tpu.memory_space<semaphore_mem>>) {add = true}
    %dma_start3A_269 = arith.constant 3 : i32
    %dma_start3A_270 = arith.constant 0 : i32
    %dma_start3A_271 = tpu.memref_slice %arg7[%dma_start3A_269, %dma_start3A_270] : memref<40x64xi32, #tpu.memory_space<vmem>> -> memref<1x64xi32, #tpu.memory_space<vmem>>
    %dma_start3A_272 = tpu.memref_squeeze %dma_start3A_271 : memref<1x64xi32, #tpu.memory_space<vmem>> -> memref<64xi32, #tpu.memory_space<vmem>>
    %dma_start3A_273 = arith.constant 0 : i32
    %dma_start3A_274 = arith.constant 0 : i32
    %dma_start3A_275 = tpu.memref_slice %arg2[%dma_start3A_273, %dma_start3A_274] : memref<10000x128xf32, #tpu.memory_space<hbm>> -> memref<10000x128xf32, #tpu.memory_space<hbm>>
    tpu.enqueue_indirect_dma source(%dma_start3A_275 : memref<10000x128xf32, #tpu.memory_space<hbm>>) target(%arg12 : memref<64x128xf32, #tpu.memory_space<vmem>>) offsets(%dma_start3A_272 : memref<64xi32, #tpu.memory_space<vmem>>) semaphore(%arg17 : memref<!tpu.dma_semaphore, #tpu.memory_space<semaphore_mem>>)
    %dma_wait3A_276 = arith.constant 1 : i32
    %dma_wait3A_277 = arith.constant 0 : i32
    %dma_wait3A_278 = tpu.memref_slice %arg7[%dma_wait3A_276, %dma_wait3A_277] : memref<40x64xi32, #tpu.memory_space<vmem>> -> memref<1x64xi32, #tpu.memory_space<vmem>>
    %dma_wait3A_279 = tpu.memref_squeeze %dma_wait3A_278 : memref<1x64xi32, #tpu.memory_space<vmem>> -> memref<64xi32, #tpu.memory_space<vmem>>
    %dma_wait3A_280 = arith.constant 0 : i32
    %dma_wait3A_281 = arith.constant 0 : i32
    %dma_wait3A_282 = tpu.memref_slice %arg2[%dma_wait3A_280, %dma_wait3A_281] : memref<10000x128xf32, #tpu.memory_space<hbm>> -> memref<10000x128xf32, #tpu.memory_space<hbm>>
    tpu.wait_indirect_dma semaphore(%arg15 : memref<!tpu.dma_semaphore, #tpu.memory_space<semaphore_mem>>) src(%dma_wait3A_282 : memref<10000x128xf32, #tpu.memory_space<hbm>>) dst(%arg10 : memref<64x128xf32, #tpu.memory_space<vmem>>)
    %dma_start3A_283 = arith.constant 1 : i32
    %dma_start3A_284 = arith.constant 0 : i32
    %dma_start3A_285 = tpu.memref_slice %arg8[%dma_start3A_283, %dma_start3A_284] : memref<40x64xi32, #tpu.memory_space<vmem>> -> memref<1x64xi32, #tpu.memory_space<vmem>>
    %dma_start3A_286 = tpu.memref_squeeze %dma_start3A_285 : memref<1x64xi32, #tpu.memory_space<vmem>> -> memref<64xi32, #tpu.memory_space<vmem>>
    %dma_start3A_287 = arith.constant 0 : i32
    %dma_start3A_288 = arith.constant 0 : i32
    %dma_start3A_289 = tpu.memref_slice %arg13[%dma_start3A_287, %dma_start3A_288] : memref<10112x128xf32, #tpu.memory_space<vmem_shared>> -> memref<10112x128xf32, #tpu.memory_space<vmem_shared>>
    tpu.enqueue_indirect_dma source(%arg10 : memref<64x128xf32, #tpu.memory_space<vmem>>) target(%dma_start3A_289 : memref<10112x128xf32, #tpu.memory_space<vmem_shared>>) offsets(%dma_start3A_286 : memref<64xi32, #tpu.memory_space<vmem>>) semaphore(%arg19 : memref<!tpu.dma_semaphore, #tpu.memory_space<semaphore_mem>>) {add = true}
    %scan3A_290 = arith.constant 0 : i32
    %scan3A_291 = arith.constant 9 : i32
    %scan3A_292 = arith.addi %scan3A_290, %scan3A_291 : i32
    %scan3A_293 = arith.constant 1 : i32
    scf.for %scan3A_473 = %scan3A_290 to %scan3A_292 step %scan3A_293  : i32 {
      %mul3A_474 = arith.constant 4 : i32
      %mul3A_475 = arith.muli %scan3A_473, %mul3A_474 : i32
      %add3A_476 = arith.constant 2 : i32
      %add3A_477 = arith.addi %add3A_476, %mul3A_475 : i32
      %add3A_478 = arith.constant 0 : i32
      %add3A_479 = arith.addi %add3A_477, %add3A_478 : i32
      %sub3A = arith.constant 2 : i32
      %sub3A_480 = arith.subi %add3A_479, %sub3A : i32
      %dma_wait3A_481 = arith.constant 0 : i32
      %dma_wait3A_482 = tpu.memref_slice %arg8[%sub3A_480, %dma_wait3A_481] : memref<40x64xi32, #tpu.memory_space<vmem>> -> memref<1x64xi32, #tpu.memory_space<vmem>>
      %dma_wait3A_483 = tpu.memref_squeeze %dma_wait3A_482 : memref<1x64xi32, #tpu.memory_space<vmem>> -> memref<64xi32, #tpu.memory_space<vmem>>
      %dma_wait3A_484 = arith.constant 0 : i32
      %dma_wait3A_485 = arith.constant 0 : i32
      %dma_wait3A_486 = tpu.memref_slice %arg13[%dma_wait3A_484, %dma_wait3A_485] : memref<10112x128xf32, #tpu.memory_space<vmem_shared>> -> memref<10112x128xf32, #tpu.memory_space<vmem_shared>>
      tpu.wait_indirect_dma semaphore(%arg18 : memref<!tpu.dma_semaphore, #tpu.memory_space<semaphore_mem>>) src(%arg9 : memref<64x128xf32, #tpu.memory_space<vmem>>) dst(%dma_wait3A_486 : memref<10112x128xf32, #tpu.memory_space<vmem_shared>>)
      %add3A_487 = arith.constant 2 : i32
      %add3A_488 = arith.addi %add3A_479, %add3A_487 : i32
      %dma_start3A_489 = arith.constant 0 : i32
      %dma_start3A_490 = tpu.memref_slice %arg7[%add3A_488, %dma_start3A_489] : memref<40x64xi32, #tpu.memory_space<vmem>> -> memref<1x64xi32, #tpu.memory_space<vmem>>
      %dma_start3A_491 = tpu.memref_squeeze %dma_start3A_490 : memref<1x64xi32, #tpu.memory_space<vmem>> -> memref<64xi32, #tpu.memory_space<vmem>>
      %dma_start3A_492 = arith.constant 0 : i32
      %dma_start3A_493 = arith.constant 0 : i32
      %dma_start3A_494 = tpu.memref_slice %arg2[%dma_start3A_492, %dma_start3A_493] : memref<10000x128xf32, #tpu.memory_space<hbm>> -> memref<10000x128xf32, #tpu.memory_space<hbm>>
      tpu.enqueue_indirect_dma source(%dma_start3A_494 : memref<10000x128xf32, #tpu.memory_space<hbm>>) target(%arg9 : memref<64x128xf32, #tpu.memory_space<vmem>>) offsets(%dma_start3A_491 : memref<64xi32, #tpu.memory_space<vmem>>) semaphore(%arg14 : memref<!tpu.dma_semaphore, #tpu.memory_space<semaphore_mem>>)
      %dma_wait3A_495 = arith.constant 0 : i32
      %dma_wait3A_496 = tpu.memref_slice %arg7[%add3A_479, %dma_wait3A_495] : memref<40x64xi32, #tpu.memory_space<vmem>> -> memref<1x64xi32, #tpu.memory_space<vmem>>
      %dma_wait3A_497 = tpu.memref_squeeze %dma_wait3A_496 : memref<1x64xi32, #tpu.memory_space<vmem>> -> memref<64xi32, #tpu.memory_space<vmem>>
      %dma_wait3A_498 = arith.constant 0 : i32
      %dma_wait3A_499 = arith.constant 0 : i32
      %dma_wait3A_500 = tpu.memref_slice %arg2[%dma_wait3A_498, %dma_wait3A_499] : memref<10000x128xf32, #tpu.memory_space<hbm>> -> memref<10000x128xf32, #tpu.memory_space<hbm>>
      tpu.wait_indirect_dma semaphore(%arg16 : memref<!tpu.dma_semaphore, #tpu.memory_space<semaphore_mem>>) src(%dma_wait3A_500 : memref<10000x128xf32, #tpu.memory_space<hbm>>) dst(%arg11 : memref<64x128xf32, #tpu.memory_space<vmem>>)
      %dma_start3A_501 = arith.constant 0 : i32
      %dma_start3A_502 = tpu.memref_slice %arg8[%add3A_479, %dma_start3A_501] : memref<40x64xi32, #tpu.memory_space<vmem>> -> memref<1x64xi32, #tpu.memory_space<vmem>>
      %dma_start3A_503 = tpu.memref_squeeze %dma_start3A_502 : memref<1x64xi32, #tpu.memory_space<vmem>> -> memref<64xi32, #tpu.memory_space<vmem>>
      %dma_start3A_504 = arith.constant 0 : i32
      %dma_start3A_505 = arith.constant 0 : i32
      %dma_start3A_506 = tpu.memref_slice %arg13[%dma_start3A_504, %dma_start3A_505] : memref<10112x128xf32, #tpu.memory_space<vmem_shared>> -> memref<10112x128xf32, #tpu.memory_space<vmem_shared>>
      tpu.enqueue_indirect_dma source(%arg11 : memref<64x128xf32, #tpu.memory_space<vmem>>) target(%dma_start3A_506 : memref<10112x128xf32, #tpu.memory_space<vmem_shared>>) offsets(%dma_start3A_503 : memref<64xi32, #tpu.memory_space<vmem>>) semaphore(%arg20 : memref<!tpu.dma_semaphore, #tpu.memory_space<semaphore_mem>>) {add = true}
      %add3A_507 = arith.constant 1 : i32
      %add3A_508 = arith.addi %add3A_477, %add3A_507 : i32
      %sub3A_509 = arith.constant 2 : i32
      %sub3A_510 = arith.subi %add3A_508, %sub3A_509 : i32
      %dma_wait3A_511 = arith.constant 0 : i32
      %dma_wait3A_512 = tpu.memref_slice %arg8[%sub3A_510, %dma_wait3A_511] : memref<40x64xi32, #tpu.memory_space<vmem>> -> memref<1x64xi32, #tpu.memory_space<vmem>>
      %dma_wait3A_513 = tpu.memref_squeeze %dma_wait3A_512 : memref<1x64xi32, #tpu.memory_space<vmem>> -> memref<64xi32, #tpu.memory_space<vmem>>
      %dma_wait3A_514 = arith.constant 0 : i32
      %dma_wait3A_515 = arith.constant 0 : i32
      %dma_wait3A_516 = tpu.memref_slice %arg13[%dma_wait3A_514, %dma_wait3A_515] : memref<10112x128xf32, #tpu.memory_space<vmem_shared>> -> memref<10112x128xf32, #tpu.memory_space<vmem_shared>>
      tpu.wait_indirect_dma semaphore(%arg19 : memref<!tpu.dma_semaphore, #tpu.memory_space<semaphore_mem>>) src(%arg10 : memref<64x128xf32, #tpu.memory_space<vmem>>) dst(%dma_wait3A_516 : memref<10112x128xf32, #tpu.memory_space<vmem_shared>>)
      %add3A_517 = arith.constant 2 : i32
      %add3A_518 = arith.addi %add3A_508, %add3A_517 : i32
      %dma_start3A_519 = arith.constant 0 : i32
      %dma_start3A_520 = tpu.memref_slice %arg7[%add3A_518, %dma_start3A_519] : memref<40x64xi32, #tpu.memory_space<vmem>> -> memref<1x64xi32, #tpu.memory_space<vmem>>
      %dma_start3A_521 = tpu.memref_squeeze %dma_start3A_520 : memref<1x64xi32, #tpu.memory_space<vmem>> -> memref<64xi32, #tpu.memory_space<vmem>>
      %dma_start3A_522 = arith.constant 0 : i32
      %dma_start3A_523 = arith.constant 0 : i32
      %dma_start3A_524 = tpu.memref_slice %arg2[%dma_start3A_522, %dma_start3A_523] : memref<10000x128xf32, #tpu.memory_space<hbm>> -> memref<10000x128xf32, #tpu.memory_space<hbm>>
      tpu.enqueue_indirect_dma source(%dma_start3A_524 : memref<10000x128xf32, #tpu.memory_space<hbm>>) target(%arg10 : memref<64x128xf32, #tpu.memory_space<vmem>>) offsets(%dma_start3A_521 : memref<64xi32, #tpu.memory_space<vmem>>) semaphore(%arg15 : memref<!tpu.dma_semaphore, #tpu.memory_space<semaphore_mem>>)
      %dma_wait3A_525 = arith.constant 0 : i32
      %dma_wait3A_526 = tpu.memref_slice %arg7[%add3A_508, %dma_wait3A_525] : memref<40x64xi32, #tpu.memory_space<vmem>> -> memref<1x64xi32, #tpu.memory_space<vmem>>
      %dma_wait3A_527 = tpu.memref_squeeze %dma_wait3A_526 : memref<1x64xi32, #tpu.memory_space<vmem>> -> memref<64xi32, #tpu.memory_space<vmem>>
      %dma_wait3A_528 = arith.constant 0 : i32
      %dma_wait3A_529 = arith.constant 0 : i32
      %dma_wait3A_530 = tpu.memref_slice %arg2[%dma_wait3A_528, %dma_wait3A_529] : memref<10000x128xf32, #tpu.memory_space<hbm>> -> memref<10000x128xf32, #tpu.memory_space<hbm>>
      tpu.wait_indirect_dma semaphore(%arg17 : memref<!tpu.dma_semaphore, #tpu.memory_space<semaphore_mem>>) src(%dma_wait3A_530 : memref<10000x128xf32, #tpu.memory_space<hbm>>) dst(%arg12 : memref<64x128xf32, #tpu.memory_space<vmem>>)
      %dma_start3A_531 = arith.constant 0 : i32
      %dma_start3A_532 = tpu.memref_slice %arg8[%add3A_508, %dma_start3A_531] : memref<40x64xi32, #tpu.memory_space<vmem>> -> memref<1x64xi32, #tpu.memory_space<vmem>>
      %dma_start3A_533 = tpu.memref_squeeze %dma_start3A_532 : memref<1x64xi32, #tpu.memory_space<vmem>> -> memref<64xi32, #tpu.memory_space<vmem>>
      %dma_start3A_534 = arith.constant 0 : i32
      %dma_start3A_535 = arith.constant 0 : i32
      %dma_start3A_536 = tpu.memref_slice %arg13[%dma_start3A_534, %dma_start3A_535] : memref<10112x128xf32, #tpu.memory_space<vmem_shared>> -> memref<10112x128xf32, #tpu.memory_space<vmem_shared>>
      tpu.enqueue_indirect_dma source(%arg12 : memref<64x128xf32, #tpu.memory_space<vmem>>) target(%dma_start3A_536 : memref<10112x128xf32, #tpu.memory_space<vmem_shared>>) offsets(%dma_start3A_533 : memref<64xi32, #tpu.memory_space<vmem>>) semaphore(%arg21 : memref<!tpu.dma_semaphore, #tpu.memory_space<semaphore_mem>>) {add = true}
      %add3A_537 = arith.constant 2 : i32
      %add3A_538 = arith.addi %add3A_477, %add3A_537 : i32
      %sub3A_539 = arith.constant 2 : i32
      %sub3A_540 = arith.subi %add3A_538, %sub3A_539 : i32
      %dma_wait3A_541 = arith.constant 0 : i32
      %dma_wait3A_542 = tpu.memref_slice %arg8[%sub3A_540, %dma_wait3A_541] : memref<40x64xi32, #tpu.memory_space<vmem>> -> memref<1x64xi32, #tpu.memory_space<vmem>>
      %dma_wait3A_543 = tpu.memref_squeeze %dma_wait3A_542 : memref<1x64xi32, #tpu.memory_space<vmem>> -> memref<64xi32, #tpu.memory_space<vmem>>
      %dma_wait3A_544 = arith.constant 0 : i32
      %dma_wait3A_545 = arith.constant 0 : i32
      %dma_wait3A_546 = tpu.memref_slice %arg13[%dma_wait3A_544, %dma_wait3A_545] : memref<10112x128xf32, #tpu.memory_space<vmem_shared>> -> memref<10112x128xf32, #tpu.memory_space<vmem_shared>>
      tpu.wait_indirect_dma semaphore(%arg20 : memref<!tpu.dma_semaphore, #tpu.memory_space<semaphore_mem>>) src(%arg11 : memref<64x128xf32, #tpu.memory_space<vmem>>) dst(%dma_wait3A_546 : memref<10112x128xf32, #tpu.memory_space<vmem_shared>>)
      %add3A_547 = arith.constant 2 : i32
      %add3A_548 = arith.addi %add3A_538, %add3A_547 : i32
      %dma_start3A_549 = arith.constant 0 : i32
      %dma_start3A_550 = tpu.memref_slice %arg7[%add3A_548, %dma_start3A_549] : memref<40x64xi32, #tpu.memory_space<vmem>> -> memref<1x64xi32, #tpu.memory_space<vmem>>
      %dma_start3A_551 = tpu.memref_squeeze %dma_start3A_550 : memref<1x64xi32, #tpu.memory_space<vmem>> -> memref<64xi32, #tpu.memory_space<vmem>>
      %dma_start3A_552 = arith.constant 0 : i32
      %dma_start3A_553 = arith.constant 0 : i32
      %dma_start3A_554 = tpu.memref_slice %arg2[%dma_start3A_552, %dma_start3A_553] : memref<10000x128xf32, #tpu.memory_space<hbm>> -> memref<10000x128xf32, #tpu.memory_space<hbm>>
      tpu.enqueue_indirect_dma source(%dma_start3A_554 : memref<10000x128xf32, #tpu.memory_space<hbm>>) target(%arg11 : memref<64x128xf32, #tpu.memory_space<vmem>>) offsets(%dma_start3A_551 : memref<64xi32, #tpu.memory_space<vmem>>) semaphore(%arg16 : memref<!tpu.dma_semaphore, #tpu.memory_space<semaphore_mem>>)
      %dma_wait3A_555 = arith.constant 0 : i32
      %dma_wait3A_556 = tpu.memref_slice %arg7[%add3A_538, %dma_wait3A_555] : memref<40x64xi32, #tpu.memory_space<vmem>> -> memref<1x64xi32, #tpu.memory_space<vmem>>
      %dma_wait3A_557 = tpu.memref_squeeze %dma_wait3A_556 : memref<1x64xi32, #tpu.memory_space<vmem>> -> memref<64xi32, #tpu.memory_space<vmem>>
      %dma_wait3A_558 = arith.constant 0 : i32
      %dma_wait3A_559 = arith.constant 0 : i32
      %dma_wait3A_560 = tpu.memref_slice %arg2[%dma_wait3A_558, %dma_wait3A_559] : memref<10000x128xf32, #tpu.memory_space<hbm>> -> memref<10000x128xf32, #tpu.memory_space<hbm>>
      tpu.wait_indirect_dma semaphore(%arg14 : memref<!tpu.dma_semaphore, #tpu.memory_space<semaphore_mem>>) src(%dma_wait3A_560 : memref<10000x128xf32, #tpu.memory_space<hbm>>) dst(%arg9 : memref<64x128xf32, #tpu.memory_space<vmem>>)
      %dma_start3A_561 = arith.constant 0 : i32
      %dma_start3A_562 = tpu.memref_slice %arg8[%add3A_538, %dma_start3A_561] : memref<40x64xi32, #tpu.memory_space<vmem>> -> memref<1x64xi32, #tpu.memory_space<vmem>>
      %dma_start3A_563 = tpu.memref_squeeze %dma_start3A_562 : memref<1x64xi32, #tpu.memory_space<vmem>> -> memref<64xi32, #tpu.memory_space<vmem>>
      %dma_start3A_564 = arith.constant 0 : i32
      %dma_start3A_565 = arith.constant 0 : i32
      %dma_start3A_566 = tpu.memref_slice %arg13[%dma_start3A_564, %dma_start3A_565] : memref<10112x128xf32, #tpu.memory_space<vmem_shared>> -> memref<10112x128xf32, #tpu.memory_space<vmem_shared>>
      tpu.enqueue_indirect_dma source(%arg9 : memref<64x128xf32, #tpu.memory_space<vmem>>) target(%dma_start3A_566 : memref<10112x128xf32, #tpu.memory_space<vmem_shared>>) offsets(%dma_start3A_563 : memref<64xi32, #tpu.memory_space<vmem>>) semaphore(%arg18 : memref<!tpu.dma_semaphore, #tpu.memory_space<semaphore_mem>>) {add = true}
      %add3A_567 = arith.constant 3 : i32
      %add3A_568 = arith.addi %add3A_477, %add3A_567 : i32
      %sub3A_569 = arith.constant 2 : i32
      %sub3A_570 = arith.subi %add3A_568, %sub3A_569 : i32
      %dma_wait3A_571 = arith.constant 0 : i32
      %dma_wait3A_572 = tpu.memref_slice %arg8[%sub3A_570, %dma_wait3A_571] : memref<40x64xi32, #tpu.memory_space<vmem>> -> memref<1x64xi32, #tpu.memory_space<vmem>>
      %dma_wait3A_573 = tpu.memref_squeeze %dma_wait3A_572 : memref<1x64xi32, #tpu.memory_space<vmem>> -> memref<64xi32, #tpu.memory_space<vmem>>
      %dma_wait3A_574 = arith.constant 0 : i32
      %dma_wait3A_575 = arith.constant 0 : i32
      %dma_wait3A_576 = tpu.memref_slice %arg13[%dma_wait3A_574, %dma_wait3A_575] : memref<10112x128xf32, #tpu.memory_space<vmem_shared>> -> memref<10112x128xf32, #tpu.memory_space<vmem_shared>>
      tpu.wait_indirect_dma semaphore(%arg21 : memref<!tpu.dma_semaphore, #tpu.memory_space<semaphore_mem>>) src(%arg12 : memref<64x128xf32, #tpu.memory_space<vmem>>) dst(%dma_wait3A_576 : memref<10112x128xf32, #tpu.memory_space<vmem_shared>>)
      %add3A_577 = arith.constant 2 : i32
      %add3A_578 = arith.addi %add3A_568, %add3A_577 : i32
      %dma_start3A_579 = arith.constant 0 : i32
      %dma_start3A_580 = tpu.memref_slice %arg7[%add3A_578, %dma_start3A_579] : memref<40x64xi32, #tpu.memory_space<vmem>> -> memref<1x64xi32, #tpu.memory_space<vmem>>
      %dma_start3A_581 = tpu.memref_squeeze %dma_start3A_580 : memref<1x64xi32, #tpu.memory_space<vmem>> -> memref<64xi32, #tpu.memory_space<vmem>>
      %dma_start3A_582 = arith.constant 0 : i32
      %dma_start3A_583 = arith.constant 0 : i32
      %dma_start3A_584 = tpu.memref_slice %arg2[%dma_start3A_582, %dma_start3A_583] : memref<10000x128xf32, #tpu.memory_space<hbm>> -> memref<10000x128xf32, #tpu.memory_space<hbm>>
      tpu.enqueue_indirect_dma source(%dma_start3A_584 : memref<10000x128xf32, #tpu.memory_space<hbm>>) target(%arg12 : memref<64x128xf32, #tpu.memory_space<vmem>>) offsets(%dma_start3A_581 : memref<64xi32, #tpu.memory_space<vmem>>) semaphore(%arg17 : memref<!tpu.dma_semaphore, #tpu.memory_space<semaphore_mem>>)
      %dma_wait3A_585 = arith.constant 0 : i32
      %dma_wait3A_586 = tpu.memref_slice %arg7[%add3A_568, %dma_wait3A_585] : memref<40x64xi32, #tpu.memory_space<vmem>> -> memref<1x64xi32, #tpu.memory_space<vmem>>
      %dma_wait3A_587 = tpu.memref_squeeze %dma_wait3A_586 : memref<1x64xi32, #tpu.memory_space<vmem>> -> memref<64xi32, #tpu.memory_space<vmem>>
      %dma_wait3A_588 = arith.constant 0 : i32
      %dma_wait3A_589 = arith.constant 0 : i32
      %dma_wait3A_590 = tpu.memref_slice %arg2[%dma_wait3A_588, %dma_wait3A_589] : memref<10000x128xf32, #tpu.memory_space<hbm>> -> memref<10000x128xf32, #tpu.memory_space<hbm>>
      tpu.wait_indirect_dma semaphore(%arg15 : memref<!tpu.dma_semaphore, #tpu.memory_space<semaphore_mem>>) src(%dma_wait3A_590 : memref<10000x128xf32, #tpu.memory_space<hbm>>) dst(%arg10 : memref<64x128xf32, #tpu.memory_space<vmem>>)
      %dma_start3A_591 = arith.constant 0 : i32
      %dma_start3A_592 = tpu.memref_slice %arg8[%add3A_568, %dma_start3A_591] : memref<40x64xi32, #tpu.memory_space<vmem>> -> memref<1x64xi32, #tpu.memory_space<vmem>>
      %dma_start3A_593 = tpu.memref_squeeze %dma_start3A_592 : memref<1x64xi32, #tpu.memory_space<vmem>> -> memref<64xi32, #tpu.memory_space<vmem>>
      %dma_start3A_594 = arith.constant 0 : i32
      %dma_start3A_595 = arith.constant 0 : i32
      %dma_start3A_596 = tpu.memref_slice %arg13[%dma_start3A_594, %dma_start3A_595] : memref<10112x128xf32, #tpu.memory_space<vmem_shared>> -> memref<10112x128xf32, #tpu.memory_space<vmem_shared>>
      tpu.enqueue_indirect_dma source(%arg10 : memref<64x128xf32, #tpu.memory_space<vmem>>) target(%dma_start3A_596 : memref<10112x128xf32, #tpu.memory_space<vmem_shared>>) offsets(%dma_start3A_593 : memref<64xi32, #tpu.memory_space<vmem>>) semaphore(%arg19 : memref<!tpu.dma_semaphore, #tpu.memory_space<semaphore_mem>>) {add = true}
    }
    %scan3A_294 = arith.constant 9 : i32
    %dma_wait3A_295 = arith.constant 38 : i32
    %dma_wait3A_296 = arith.constant 0 : i32
    %dma_wait3A_297 = tpu.memref_slice %arg7[%dma_wait3A_295, %dma_wait3A_296] : memref<40x64xi32, #tpu.memory_space<vmem>> -> memref<1x64xi32, #tpu.memory_space<vmem>>
    %dma_wait3A_298 = tpu.memref_squeeze %dma_wait3A_297 : memref<1x64xi32, #tpu.memory_space<vmem>> -> memref<64xi32, #tpu.memory_space<vmem>>
    %dma_wait3A_299 = arith.constant 0 : i32
    %dma_wait3A_300 = arith.constant 0 : i32
    %dma_wait3A_301 = tpu.memref_slice %arg2[%dma_wait3A_299, %dma_wait3A_300] : memref<10000x128xf32, #tpu.memory_space<hbm>> -> memref<10000x128xf32, #tpu.memory_space<hbm>>
    tpu.wait_indirect_dma semaphore(%arg16 : memref<!tpu.dma_semaphore, #tpu.memory_space<semaphore_mem>>) src(%dma_wait3A_301 : memref<10000x128xf32, #tpu.memory_space<hbm>>) dst(%arg11 : memref<64x128xf32, #tpu.memory_space<vmem>>)
    %dma_start3A_302 = arith.constant 38 : i32
    %dma_start3A_303 = arith.constant 0 : i32
    %dma_start3A_304 = tpu.memref_slice %arg8[%dma_start3A_302, %dma_start3A_303] : memref<40x64xi32, #tpu.memory_space<vmem>> -> memref<1x64xi32, #tpu.memory_space<vmem>>
    %dma_start3A_305 = tpu.memref_squeeze %dma_start3A_304 : memref<1x64xi32, #tpu.memory_space<vmem>> -> memref<64xi32, #tpu.memory_space<vmem>>
    %dma_start3A_306 = arith.constant 0 : i32
    %dma_start3A_307 = arith.constant 0 : i32
    %dma_start3A_308 = tpu.memref_slice %arg13[%dma_start3A_306, %dma_start3A_307] : memref<10112x128xf32, #tpu.memory_space<vmem_shared>> -> memref<10112x128xf32, #tpu.memory_space<vmem_shared>>
    tpu.enqueue_indirect_dma source(%arg11 : memref<64x128xf32, #tpu.memory_space<vmem>>) target(%dma_start3A_308 : memref<10112x128xf32, #tpu.memory_space<vmem_shared>>) offsets(%dma_start3A_305 : memref<64xi32, #tpu.memory_space<vmem>>) semaphore(%arg20 : memref<!tpu.dma_semaphore, #tpu.memory_space<semaphore_mem>>) {add = true}
    %dma_wait3A_309 = arith.constant 39 : i32
    %dma_wait3A_310 = arith.constant 0 : i32
    %dma_wait3A_311 = tpu.memref_slice %arg7[%dma_wait3A_309, %dma_wait3A_310] : memref<40x64xi32, #tpu.memory_space<vmem>> -> memref<1x64xi32, #tpu.memory_space<vmem>>
    %dma_wait3A_312 = tpu.memref_squeeze %dma_wait3A_311 : memref<1x64xi32, #tpu.memory_space<vmem>> -> memref<64xi32, #tpu.memory_space<vmem>>
    %dma_wait3A_313 = arith.constant 0 : i32
    %dma_wait3A_314 = arith.constant 0 : i32
    %dma_wait3A_315 = tpu.memref_slice %arg2[%dma_wait3A_313, %dma_wait3A_314] : memref<10000x128xf32, #tpu.memory_space<hbm>> -> memref<10000x128xf32, #tpu.memory_space<hbm>>
    tpu.wait_indirect_dma semaphore(%arg17 : memref<!tpu.dma_semaphore, #tpu.memory_space<semaphore_mem>>) src(%dma_wait3A_315 : memref<10000x128xf32, #tpu.memory_space<hbm>>) dst(%arg12 : memref<64x128xf32, #tpu.memory_space<vmem>>)
    %dma_start3A_316 = arith.constant 39 : i32
    %dma_start3A_317 = arith.constant 0 : i32
    %dma_start3A_318 = tpu.memref_slice %arg8[%dma_start3A_316, %dma_start3A_317] : memref<40x64xi32, #tpu.memory_space<vmem>> -> memref<1x64xi32, #tpu.memory_space<vmem>>
    %dma_start3A_319 = tpu.memref_squeeze %dma_start3A_318 : memref<1x64xi32, #tpu.memory_space<vmem>> -> memref<64xi32, #tpu.memory_space<vmem>>
    %dma_start3A_320 = arith.constant 0 : i32
    %dma_start3A_321 = arith.constant 0 : i32
    %dma_start3A_322 = tpu.memref_slice %arg13[%dma_start3A_320, %dma_start3A_321] : memref<10112x128xf32, #tpu.memory_space<vmem_shared>> -> memref<10112x128xf32, #tpu.memory_space<vmem_shared>>
    tpu.enqueue_indirect_dma source(%arg12 : memref<64x128xf32, #tpu.memory_space<vmem>>) target(%dma_start3A_322 : memref<10112x128xf32, #tpu.memory_space<vmem_shared>>) offsets(%dma_start3A_319 : memref<64xi32, #tpu.memory_space<vmem>>) semaphore(%arg21 : memref<!tpu.dma_semaphore, #tpu.memory_space<semaphore_mem>>) {add = true}
    %dma_wait3A_323 = arith.constant 36 : i32
    %dma_wait3A_324 = arith.constant 0 : i32
    %dma_wait3A_325 = tpu.memref_slice %arg8[%dma_wait3A_323, %dma_wait3A_324] : memref<40x64xi32, #tpu.memory_space<vmem>> -> memref<1x64xi32, #tpu.memory_space<vmem>>
    %dma_wait3A_326 = tpu.memref_squeeze %dma_wait3A_325 : memref<1x64xi32, #tpu.memory_space<vmem>> -> memref<64xi32, #tpu.memory_space<vmem>>
    %dma_wait3A_327 = arith.constant 0 : i32
    %dma_wait3A_328 = arith.constant 0 : i32
    %dma_wait3A_329 = tpu.memref_slice %arg13[%dma_wait3A_327, %dma_wait3A_328] : memref<10112x128xf32, #tpu.memory_space<vmem_shared>> -> memref<10112x128xf32, #tpu.memory_space<vmem_shared>>
    tpu.wait_indirect_dma semaphore(%arg18 : memref<!tpu.dma_semaphore, #tpu.memory_space<semaphore_mem>>) src(%arg9 : memref<64x128xf32, #tpu.memory_space<vmem>>) dst(%dma_wait3A_329 : memref<10112x128xf32, #tpu.memory_space<vmem_shared>>)
    %dma_wait3A_330 = arith.constant 37 : i32
    %dma_wait3A_331 = arith.constant 0 : i32
    %dma_wait3A_332 = tpu.memref_slice %arg8[%dma_wait3A_330, %dma_wait3A_331] : memref<40x64xi32, #tpu.memory_space<vmem>> -> memref<1x64xi32, #tpu.memory_space<vmem>>
    %dma_wait3A_333 = tpu.memref_squeeze %dma_wait3A_332 : memref<1x64xi32, #tpu.memory_space<vmem>> -> memref<64xi32, #tpu.memory_space<vmem>>
    %dma_wait3A_334 = arith.constant 0 : i32
    %dma_wait3A_335 = arith.constant 0 : i32
    %dma_wait3A_336 = tpu.memref_slice %arg13[%dma_wait3A_334, %dma_wait3A_335] : memref<10112x128xf32, #tpu.memory_space<vmem_shared>> -> memref<10112x128xf32, #tpu.memory_space<vmem_shared>>
    tpu.wait_indirect_dma semaphore(%arg19 : memref<!tpu.dma_semaphore, #tpu.memory_space<semaphore_mem>>) src(%arg10 : memref<64x128xf32, #tpu.memory_space<vmem>>) dst(%dma_wait3A_336 : memref<10112x128xf32, #tpu.memory_space<vmem_shared>>)
    %dma_wait3A_337 = arith.constant 38 : i32
    %dma_wait3A_338 = arith.constant 0 : i32
    %dma_wait3A_339 = tpu.memref_slice %arg8[%dma_wait3A_337, %dma_wait3A_338] : memref<40x64xi32, #tpu.memory_space<vmem>> -> memref<1x64xi32, #tpu.memory_space<vmem>>
    %dma_wait3A_340 = tpu.memref_squeeze %dma_wait3A_339 : memref<1x64xi32, #tpu.memory_space<vmem>> -> memref<64xi32, #tpu.memory_space<vmem>>
    %dma_wait3A_341 = arith.constant 0 : i32
    %dma_wait3A_342 = arith.constant 0 : i32
    %dma_wait3A_343 = tpu.memref_slice %arg13[%dma_wait3A_341, %dma_wait3A_342] : memref<10112x128xf32, #tpu.memory_space<vmem_shared>> -> memref<10112x128xf32, #tpu.memory_space<vmem_shared>>
    tpu.wait_indirect_dma semaphore(%arg20 : memref<!tpu.dma_semaphore, #tpu.memory_space<semaphore_mem>>) src(%arg11 : memref<64x128xf32, #tpu.memory_space<vmem>>) dst(%dma_wait3A_343 : memref<10112x128xf32, #tpu.memory_space<vmem_shared>>)
    %dma_wait3A_344 = arith.constant 39 : i32
    %dma_wait3A_345 = arith.constant 0 : i32
    %dma_wait3A_346 = tpu.memref_slice %arg8[%dma_wait3A_344, %dma_wait3A_345] : memref<40x64xi32, #tpu.memory_space<vmem>> -> memref<1x64xi32, #tpu.memory_space<vmem>>
    %dma_wait3A_347 = tpu.memref_squeeze %dma_wait3A_346 : memref<1x64xi32, #tpu.memory_space<vmem>> -> memref<64xi32, #tpu.memory_space<vmem>>
    %dma_wait3A_348 = arith.constant 0 : i32
    %dma_wait3A_349 = arith.constant 0 : i32
    %dma_wait3A_350 = tpu.memref_slice %arg13[%dma_wait3A_348, %dma_wait3A_349] : memref<10112x128xf32, #tpu.memory_space<vmem_shared>> -> memref<10112x128xf32, #tpu.memory_space<vmem_shared>>
    tpu.wait_indirect_dma semaphore(%arg21 : memref<!tpu.dma_semaphore, #tpu.memory_space<semaphore_mem>>) src(%arg12 : memref<64x128xf32, #tpu.memory_space<vmem>>) dst(%dma_wait3A_350 : memref<10112x128xf32, #tpu.memory_space<vmem_shared>>)
    "tpu.region"() ({
      %run_scoped3A = tpu.sem_alloc : memref<!tpu.dma_semaphore, #tpu.memory_space<semaphore_mem>>
      %dma_start3A_473 = arith.constant 120 : i32
      %dma_start3A_474 = arith.constant 0 : i32
      %dma_start3A_475 = tpu.memref_slice %arg3[%add3A, %dma_start3A_473, %dma_start3A_474] : memref<32x160x64xi32, #tpu.memory_space<hbm>> -> memref<1x40x64xi32, #tpu.memory_space<hbm>>
      %dma_start3A_476 = tpu.memref_squeeze %dma_start3A_475 : memref<1x40x64xi32, #tpu.memory_space<hbm>> -> memref<40x64xi32, #tpu.memory_space<hbm>>
      %dma_start3A_477 = arith.constant 120 : i32
      %dma_start3A_478 = arith.constant 0 : i32
      %dma_start3A_479 = tpu.memref_slice %arg3[%add3A, %dma_start3A_477, %dma_start3A_478] : memref<32x160x64xi32, #tpu.memory_space<hbm>> -> memref<1x40x64xi32, #tpu.memory_space<hbm>>
      %dma_start3A_480 = tpu.memref_squeeze %dma_start3A_479 : memref<1x40x64xi32, #tpu.memory_space<hbm>> -> memref<40x64xi32, #tpu.memory_space<hbm>>
      tpu.enqueue_dma source(%dma_start3A_480 : memref<40x64xi32, #tpu.memory_space<hbm>>) target(%arg7 : memref<40x64xi32, #tpu.memory_space<vmem>>) target_semaphore(%run_scoped3A : memref<!tpu.dma_semaphore, #tpu.memory_space<semaphore_mem>>)
      %dma_wait3A_481 = arith.constant 120 : i32
      %dma_wait3A_482 = arith.constant 0 : i32
      %dma_wait3A_483 = tpu.memref_slice %arg3[%add3A, %dma_wait3A_481, %dma_wait3A_482] : memref<32x160x64xi32, #tpu.memory_space<hbm>> -> memref<1x40x64xi32, #tpu.memory_space<hbm>>
      %dma_wait3A_484 = tpu.memref_squeeze %dma_wait3A_483 : memref<1x40x64xi32, #tpu.memory_space<hbm>> -> memref<40x64xi32, #tpu.memory_space<hbm>>
      %dma_wait3A_485 = arith.constant 120 : i32
      %dma_wait3A_486 = arith.constant 0 : i32
      %dma_wait3A_487 = tpu.memref_slice %arg3[%add3A, %dma_wait3A_485, %dma_wait3A_486] : memref<32x160x64xi32, #tpu.memory_space<hbm>> -> memref<1x40x64xi32, #tpu.memory_space<hbm>>
      %dma_wait3A_488 = tpu.memref_squeeze %dma_wait3A_487 : memref<1x40x64xi32, #tpu.memory_space<hbm>> -> memref<40x64xi32, #tpu.memory_space<hbm>>
      tpu.wait_dma2 semaphore(%run_scoped3A : memref<!tpu.dma_semaphore, #tpu.memory_space<semaphore_mem>>) src(%dma_wait3A_488 : memref<40x64xi32, #tpu.memory_space<hbm>>) dst(%arg7 : memref<40x64xi32, #tpu.memory_space<vmem>>)
      tpu.yield
    }) : () -> ()
    "tpu.region"() ({
      %run_scoped3A = tpu.sem_alloc : memref<!tpu.dma_semaphore, #tpu.memory_space<semaphore_mem>>
      %dma_start3A_473 = arith.constant 120 : i32
      %dma_start3A_474 = arith.constant 0 : i32
      %dma_start3A_475 = tpu.memref_slice %arg4[%add3A, %dma_start3A_473, %dma_start3A_474] : memref<32x160x64xi32, #tpu.memory_space<hbm>> -> memref<1x40x64xi32, #tpu.memory_space<hbm>>
      %dma_start3A_476 = tpu.memref_squeeze %dma_start3A_475 : memref<1x40x64xi32, #tpu.memory_space<hbm>> -> memref<40x64xi32, #tpu.memory_space<hbm>>
      %dma_start3A_477 = arith.constant 120 : i32
      %dma_start3A_478 = arith.constant 0 : i32
      %dma_start3A_479 = tpu.memref_slice %arg4[%add3A, %dma_start3A_477, %dma_start3A_478] : memref<32x160x64xi32, #tpu.memory_space<hbm>> -> memref<1x40x64xi32, #tpu.memory_space<hbm>>
      %dma_start3A_480 = tpu.memref_squeeze %dma_start3A_479 : memref<1x40x64xi32, #tpu.memory_space<hbm>> -> memref<40x64xi32, #tpu.memory_space<hbm>>
      tpu.enqueue_dma source(%dma_start3A_480 : memref<40x64xi32, #tpu.memory_space<hbm>>) target(%arg8 : memref<40x64xi32, #tpu.memory_space<vmem>>) target_semaphore(%run_scoped3A : memref<!tpu.dma_semaphore, #tpu.memory_space<semaphore_mem>>)
      %dma_wait3A_481 = arith.constant 120 : i32
      %dma_wait3A_482 = arith.constant 0 : i32
      %dma_wait3A_483 = tpu.memref_slice %arg4[%add3A, %dma_wait3A_481, %dma_wait3A_482] : memref<32x160x64xi32, #tpu.memory_space<hbm>> -> memref<1x40x64xi32, #tpu.memory_space<hbm>>
      %dma_wait3A_484 = tpu.memref_squeeze %dma_wait3A_483 : memref<1x40x64xi32, #tpu.memory_space<hbm>> -> memref<40x64xi32, #tpu.memory_space<hbm>>
      %dma_wait3A_485 = arith.constant 120 : i32
      %dma_wait3A_486 = arith.constant 0 : i32
      %dma_wait3A_487 = tpu.memref_slice %arg4[%add3A, %dma_wait3A_485, %dma_wait3A_486] : memref<32x160x64xi32, #tpu.memory_space<hbm>> -> memref<1x40x64xi32, #tpu.memory_space<hbm>>
      %dma_wait3A_488 = tpu.memref_squeeze %dma_wait3A_487 : memref<1x40x64xi32, #tpu.memory_space<hbm>> -> memref<40x64xi32, #tpu.memory_space<hbm>>
      tpu.wait_dma2 semaphore(%run_scoped3A : memref<!tpu.dma_semaphore, #tpu.memory_space<semaphore_mem>>) src(%dma_wait3A_488 : memref<40x64xi32, #tpu.memory_space<hbm>>) dst(%arg8 : memref<40x64xi32, #tpu.memory_space<vmem>>)
      tpu.yield
    }) : () -> ()
    %dma_start3A_351 = arith.constant 0 : i32
    %dma_start3A_352 = arith.constant 0 : i32
    %dma_start3A_353 = tpu.memref_slice %arg7[%dma_start3A_351, %dma_start3A_352] : memref<40x64xi32, #tpu.memory_space<vmem>> -> memref<1x64xi32, #tpu.memory_space<vmem>>
    %dma_start3A_354 = tpu.memref_squeeze %dma_start3A_353 : memref<1x64xi32, #tpu.memory_space<vmem>> -> memref<64xi32, #tpu.memory_space<vmem>>
    %dma_start3A_355 = arith.constant 0 : i32
    %dma_start3A_356 = arith.constant 0 : i32
    %dma_start3A_357 = tpu.memref_slice %arg2[%dma_start3A_355, %dma_start3A_356] : memref<10000x128xf32, #tpu.memory_space<hbm>> -> memref<10000x128xf32, #tpu.memory_space<hbm>>
    tpu.enqueue_indirect_dma source(%dma_start3A_357 : memref<10000x128xf32, #tpu.memory_space<hbm>>) target(%arg9 : memref<64x128xf32, #tpu.memory_space<vmem>>) offsets(%dma_start3A_354 : memref<64xi32, #tpu.memory_space<vmem>>) semaphore(%arg14 : memref<!tpu.dma_semaphore, #tpu.memory_space<semaphore_mem>>)
    %dma_start3A_358 = arith.constant 1 : i32
    %dma_start3A_359 = arith.constant 0 : i32
    %dma_start3A_360 = tpu.memref_slice %arg7[%dma_start3A_358, %dma_start3A_359] : memref<40x64xi32, #tpu.memory_space<vmem>> -> memref<1x64xi32, #tpu.memory_space<vmem>>
    %dma_start3A_361 = tpu.memref_squeeze %dma_start3A_360 : memref<1x64xi32, #tpu.memory_space<vmem>> -> memref<64xi32, #tpu.memory_space<vmem>>
    %dma_start3A_362 = arith.constant 0 : i32
    %dma_start3A_363 = arith.constant 0 : i32
    %dma_start3A_364 = tpu.memref_slice %arg2[%dma_start3A_362, %dma_start3A_363] : memref<10000x128xf32, #tpu.memory_space<hbm>> -> memref<10000x128xf32, #tpu.memory_space<hbm>>
    tpu.enqueue_indirect_dma source(%dma_start3A_364 : memref<10000x128xf32, #tpu.memory_space<hbm>>) target(%arg10 : memref<64x128xf32, #tpu.memory_space<vmem>>) offsets(%dma_start3A_361 : memref<64xi32, #tpu.memory_space<vmem>>) semaphore(%arg15 : memref<!tpu.dma_semaphore, #tpu.memory_space<semaphore_mem>>)
    %dma_start3A_365 = arith.constant 2 : i32
    %dma_start3A_366 = arith.constant 0 : i32
    %dma_start3A_367 = tpu.memref_slice %arg7[%dma_start3A_365, %dma_start3A_366] : memref<40x64xi32, #tpu.memory_space<vmem>> -> memref<1x64xi32, #tpu.memory_space<vmem>>
    %dma_start3A_368 = tpu.memref_squeeze %dma_start3A_367 : memref<1x64xi32, #tpu.memory_space<vmem>> -> memref<64xi32, #tpu.memory_space<vmem>>
    %dma_start3A_369 = arith.constant 0 : i32
    %dma_start3A_370 = arith.constant 0 : i32
    %dma_start3A_371 = tpu.memref_slice %arg2[%dma_start3A_369, %dma_start3A_370] : memref<10000x128xf32, #tpu.memory_space<hbm>> -> memref<10000x128xf32, #tpu.memory_space<hbm>>
    tpu.enqueue_indirect_dma source(%dma_start3A_371 : memref<10000x128xf32, #tpu.memory_space<hbm>>) target(%arg11 : memref<64x128xf32, #tpu.memory_space<vmem>>) offsets(%dma_start3A_368 : memref<64xi32, #tpu.memory_space<vmem>>) semaphore(%arg16 : memref<!tpu.dma_semaphore, #tpu.memory_space<semaphore_mem>>)
    %dma_wait3A_372 = arith.constant 0 : i32
    %dma_wait3A_373 = arith.constant 0 : i32
    %dma_wait3A_374 = tpu.memref_slice %arg7[%dma_wait3A_372, %dma_wait3A_373] : memref<40x64xi32, #tpu.memory_space<vmem>> -> memref<1x64xi32, #tpu.memory_space<vmem>>
    %dma_wait3A_375 = tpu.memref_squeeze %dma_wait3A_374 : memref<1x64xi32, #tpu.memory_space<vmem>> -> memref<64xi32, #tpu.memory_space<vmem>>
    %dma_wait3A_376 = arith.constant 0 : i32
    %dma_wait3A_377 = arith.constant 0 : i32
    %dma_wait3A_378 = tpu.memref_slice %arg2[%dma_wait3A_376, %dma_wait3A_377] : memref<10000x128xf32, #tpu.memory_space<hbm>> -> memref<10000x128xf32, #tpu.memory_space<hbm>>
    tpu.wait_indirect_dma semaphore(%arg14 : memref<!tpu.dma_semaphore, #tpu.memory_space<semaphore_mem>>) src(%dma_wait3A_378 : memref<10000x128xf32, #tpu.memory_space<hbm>>) dst(%arg9 : memref<64x128xf32, #tpu.memory_space<vmem>>)
    %dma_start3A_379 = arith.constant 0 : i32
    %dma_start3A_380 = arith.constant 0 : i32
    %dma_start3A_381 = tpu.memref_slice %arg8[%dma_start3A_379, %dma_start3A_380] : memref<40x64xi32, #tpu.memory_space<vmem>> -> memref<1x64xi32, #tpu.memory_space<vmem>>
    %dma_start3A_382 = tpu.memref_squeeze %dma_start3A_381 : memref<1x64xi32, #tpu.memory_space<vmem>> -> memref<64xi32, #tpu.memory_space<vmem>>
    %dma_start3A_383 = arith.constant 0 : i32
    %dma_start3A_384 = arith.constant 0 : i32
    %dma_start3A_385 = tpu.memref_slice %arg13[%dma_start3A_383, %dma_start3A_384] : memref<10112x128xf32, #tpu.memory_space<vmem_shared>> -> memref<10112x128xf32, #tpu.memory_space<vmem_shared>>
    tpu.enqueue_indirect_dma source(%arg9 : memref<64x128xf32, #tpu.memory_space<vmem>>) target(%dma_start3A_385 : memref<10112x128xf32, #tpu.memory_space<vmem_shared>>) offsets(%dma_start3A_382 : memref<64xi32, #tpu.memory_space<vmem>>) semaphore(%arg18 : memref<!tpu.dma_semaphore, #tpu.memory_space<semaphore_mem>>) {add = true}
    %dma_start3A_386 = arith.constant 3 : i32
    %dma_start3A_387 = arith.constant 0 : i32
    %dma_start3A_388 = tpu.memref_slice %arg7[%dma_start3A_386, %dma_start3A_387] : memref<40x64xi32, #tpu.memory_space<vmem>> -> memref<1x64xi32, #tpu.memory_space<vmem>>
    %dma_start3A_389 = tpu.memref_squeeze %dma_start3A_388 : memref<1x64xi32, #tpu.memory_space<vmem>> -> memref<64xi32, #tpu.memory_space<vmem>>
    %dma_start3A_390 = arith.constant 0 : i32
    %dma_start3A_391 = arith.constant 0 : i32
    %dma_start3A_392 = tpu.memref_slice %arg2[%dma_start3A_390, %dma_start3A_391] : memref<10000x128xf32, #tpu.memory_space<hbm>> -> memref<10000x128xf32, #tpu.memory_space<hbm>>
    tpu.enqueue_indirect_dma source(%dma_start3A_392 : memref<10000x128xf32, #tpu.memory_space<hbm>>) target(%arg12 : memref<64x128xf32, #tpu.memory_space<vmem>>) offsets(%dma_start3A_389 : memref<64xi32, #tpu.memory_space<vmem>>) semaphore(%arg17 : memref<!tpu.dma_semaphore, #tpu.memory_space<semaphore_mem>>)
    %dma_wait3A_393 = arith.constant 1 : i32
    %dma_wait3A_394 = arith.constant 0 : i32
    %dma_wait3A_395 = tpu.memref_slice %arg7[%dma_wait3A_393, %dma_wait3A_394] : memref<40x64xi32, #tpu.memory_space<vmem>> -> memref<1x64xi32, #tpu.memory_space<vmem>>
    %dma_wait3A_396 = tpu.memref_squeeze %dma_wait3A_395 : memref<1x64xi32, #tpu.memory_space<vmem>> -> memref<64xi32, #tpu.memory_space<vmem>>
    %dma_wait3A_397 = arith.constant 0 : i32
    %dma_wait3A_398 = arith.constant 0 : i32
    %dma_wait3A_399 = tpu.memref_slice %arg2[%dma_wait3A_397, %dma_wait3A_398] : memref<10000x128xf32, #tpu.memory_space<hbm>> -> memref<10000x128xf32, #tpu.memory_space<hbm>>
    tpu.wait_indirect_dma semaphore(%arg15 : memref<!tpu.dma_semaphore, #tpu.memory_space<semaphore_mem>>) src(%dma_wait3A_399 : memref<10000x128xf32, #tpu.memory_space<hbm>>) dst(%arg10 : memref<64x128xf32, #tpu.memory_space<vmem>>)
    %dma_start3A_400 = arith.constant 1 : i32
    %dma_start3A_401 = arith.constant 0 : i32
    %dma_start3A_402 = tpu.memref_slice %arg8[%dma_start3A_400, %dma_start3A_401] : memref<40x64xi32, #tpu.memory_space<vmem>> -> memref<1x64xi32, #tpu.memory_space<vmem>>
    %dma_start3A_403 = tpu.memref_squeeze %dma_start3A_402 : memref<1x64xi32, #tpu.memory_space<vmem>> -> memref<64xi32, #tpu.memory_space<vmem>>
    %dma_start3A_404 = arith.constant 0 : i32
    %dma_start3A_405 = arith.constant 0 : i32
    %dma_start3A_406 = tpu.memref_slice %arg13[%dma_start3A_404, %dma_start3A_405] : memref<10112x128xf32, #tpu.memory_space<vmem_shared>> -> memref<10112x128xf32, #tpu.memory_space<vmem_shared>>
    tpu.enqueue_indirect_dma source(%arg10 : memref<64x128xf32, #tpu.memory_space<vmem>>) target(%dma_start3A_406 : memref<10112x128xf32, #tpu.memory_space<vmem_shared>>) offsets(%dma_start3A_403 : memref<64xi32, #tpu.memory_space<vmem>>) semaphore(%arg19 : memref<!tpu.dma_semaphore, #tpu.memory_space<semaphore_mem>>) {add = true}
    %scan3A_407 = arith.constant 0 : i32
    %scan3A_408 = arith.constant 9 : i32
    %scan3A_409 = arith.addi %scan3A_407, %scan3A_408 : i32
    %scan3A_410 = arith.constant 1 : i32
    scf.for %scan3A_473 = %scan3A_407 to %scan3A_409 step %scan3A_410  : i32 {
      %mul3A_474 = arith.constant 4 : i32
      %mul3A_475 = arith.muli %scan3A_473, %mul3A_474 : i32
      %add3A_476 = arith.constant 2 : i32
      %add3A_477 = arith.addi %add3A_476, %mul3A_475 : i32
      %add3A_478 = arith.constant 0 : i32
      %add3A_479 = arith.addi %add3A_477, %add3A_478 : i32
      %sub3A = arith.constant 2 : i32
      %sub3A_480 = arith.subi %add3A_479, %sub3A : i32
      %dma_wait3A_481 = arith.constant 0 : i32
      %dma_wait3A_482 = tpu.memref_slice %arg8[%sub3A_480, %dma_wait3A_481] : memref<40x64xi32, #tpu.memory_space<vmem>> -> memref<1x64xi32, #tpu.memory_space<vmem>>
      %dma_wait3A_483 = tpu.memref_squeeze %dma_wait3A_482 : memref<1x64xi32, #tpu.memory_space<vmem>> -> memref<64xi32, #tpu.memory_space<vmem>>
      %dma_wait3A_484 = arith.constant 0 : i32
      %dma_wait3A_485 = arith.constant 0 : i32
      %dma_wait3A_486 = tpu.memref_slice %arg13[%dma_wait3A_484, %dma_wait3A_485] : memref<10112x128xf32, #tpu.memory_space<vmem_shared>> -> memref<10112x128xf32, #tpu.memory_space<vmem_shared>>
      tpu.wait_indirect_dma semaphore(%arg18 : memref<!tpu.dma_semaphore, #tpu.memory_space<semaphore_mem>>) src(%arg9 : memref<64x128xf32, #tpu.memory_space<vmem>>) dst(%dma_wait3A_486 : memref<10112x128xf32, #tpu.memory_space<vmem_shared>>)
      %add3A_487 = arith.constant 2 : i32
      %add3A_488 = arith.addi %add3A_479, %add3A_487 : i32
      %dma_start3A_489 = arith.constant 0 : i32
      %dma_start3A_490 = tpu.memref_slice %arg7[%add3A_488, %dma_start3A_489] : memref<40x64xi32, #tpu.memory_space<vmem>> -> memref<1x64xi32, #tpu.memory_space<vmem>>
      %dma_start3A_491 = tpu.memref_squeeze %dma_start3A_490 : memref<1x64xi32, #tpu.memory_space<vmem>> -> memref<64xi32, #tpu.memory_space<vmem>>
      %dma_start3A_492 = arith.constant 0 : i32
      %dma_start3A_493 = arith.constant 0 : i32
      %dma_start3A_494 = tpu.memref_slice %arg2[%dma_start3A_492, %dma_start3A_493] : memref<10000x128xf32, #tpu.memory_space<hbm>> -> memref<10000x128xf32, #tpu.memory_space<hbm>>
      tpu.enqueue_indirect_dma source(%dma_start3A_494 : memref<10000x128xf32, #tpu.memory_space<hbm>>) target(%arg9 : memref<64x128xf32, #tpu.memory_space<vmem>>) offsets(%dma_start3A_491 : memref<64xi32, #tpu.memory_space<vmem>>) semaphore(%arg14 : memref<!tpu.dma_semaphore, #tpu.memory_space<semaphore_mem>>)
      %dma_wait3A_495 = arith.constant 0 : i32
      %dma_wait3A_496 = tpu.memref_slice %arg7[%add3A_479, %dma_wait3A_495] : memref<40x64xi32, #tpu.memory_space<vmem>> -> memref<1x64xi32, #tpu.memory_space<vmem>>
      %dma_wait3A_497 = tpu.memref_squeeze %dma_wait3A_496 : memref<1x64xi32, #tpu.memory_space<vmem>> -> memref<64xi32, #tpu.memory_space<vmem>>
      %dma_wait3A_498 = arith.constant 0 : i32
      %dma_wait3A_499 = arith.constant 0 : i32
      %dma_wait3A_500 = tpu.memref_slice %arg2[%dma_wait3A_498, %dma_wait3A_499] : memref<10000x128xf32, #tpu.memory_space<hbm>> -> memref<10000x128xf32, #tpu.memory_space<hbm>>
      tpu.wait_indirect_dma semaphore(%arg16 : memref<!tpu.dma_semaphore, #tpu.memory_space<semaphore_mem>>) src(%dma_wait3A_500 : memref<10000x128xf32, #tpu.memory_space<hbm>>) dst(%arg11 : memref<64x128xf32, #tpu.memory_space<vmem>>)
      %dma_start3A_501 = arith.constant 0 : i32
      %dma_start3A_502 = tpu.memref_slice %arg8[%add3A_479, %dma_start3A_501] : memref<40x64xi32, #tpu.memory_space<vmem>> -> memref<1x64xi32, #tpu.memory_space<vmem>>
      %dma_start3A_503 = tpu.memref_squeeze %dma_start3A_502 : memref<1x64xi32, #tpu.memory_space<vmem>> -> memref<64xi32, #tpu.memory_space<vmem>>
      %dma_start3A_504 = arith.constant 0 : i32
      %dma_start3A_505 = arith.constant 0 : i32
      %dma_start3A_506 = tpu.memref_slice %arg13[%dma_start3A_504, %dma_start3A_505] : memref<10112x128xf32, #tpu.memory_space<vmem_shared>> -> memref<10112x128xf32, #tpu.memory_space<vmem_shared>>
      tpu.enqueue_indirect_dma source(%arg11 : memref<64x128xf32, #tpu.memory_space<vmem>>) target(%dma_start3A_506 : memref<10112x128xf32, #tpu.memory_space<vmem_shared>>) offsets(%dma_start3A_503 : memref<64xi32, #tpu.memory_space<vmem>>) semaphore(%arg20 : memref<!tpu.dma_semaphore, #tpu.memory_space<semaphore_mem>>) {add = true}
      %add3A_507 = arith.constant 1 : i32
      %add3A_508 = arith.addi %add3A_477, %add3A_507 : i32
      %sub3A_509 = arith.constant 2 : i32
      %sub3A_510 = arith.subi %add3A_508, %sub3A_509 : i32
      %dma_wait3A_511 = arith.constant 0 : i32
      %dma_wait3A_512 = tpu.memref_slice %arg8[%sub3A_510, %dma_wait3A_511] : memref<40x64xi32, #tpu.memory_space<vmem>> -> memref<1x64xi32, #tpu.memory_space<vmem>>
      %dma_wait3A_513 = tpu.memref_squeeze %dma_wait3A_512 : memref<1x64xi32, #tpu.memory_space<vmem>> -> memref<64xi32, #tpu.memory_space<vmem>>
      %dma_wait3A_514 = arith.constant 0 : i32
      %dma_wait3A_515 = arith.constant 0 : i32
      %dma_wait3A_516 = tpu.memref_slice %arg13[%dma_wait3A_514, %dma_wait3A_515] : memref<10112x128xf32, #tpu.memory_space<vmem_shared>> -> memref<10112x128xf32, #tpu.memory_space<vmem_shared>>
      tpu.wait_indirect_dma semaphore(%arg19 : memref<!tpu.dma_semaphore, #tpu.memory_space<semaphore_mem>>) src(%arg10 : memref<64x128xf32, #tpu.memory_space<vmem>>) dst(%dma_wait3A_516 : memref<10112x128xf32, #tpu.memory_space<vmem_shared>>)
      %add3A_517 = arith.constant 2 : i32
      %add3A_518 = arith.addi %add3A_508, %add3A_517 : i32
      %dma_start3A_519 = arith.constant 0 : i32
      %dma_start3A_520 = tpu.memref_slice %arg7[%add3A_518, %dma_start3A_519] : memref<40x64xi32, #tpu.memory_space<vmem>> -> memref<1x64xi32, #tpu.memory_space<vmem>>
      %dma_start3A_521 = tpu.memref_squeeze %dma_start3A_520 : memref<1x64xi32, #tpu.memory_space<vmem>> -> memref<64xi32, #tpu.memory_space<vmem>>
      %dma_start3A_522 = arith.constant 0 : i32
      %dma_start3A_523 = arith.constant 0 : i32
      %dma_start3A_524 = tpu.memref_slice %arg2[%dma_start3A_522, %dma_start3A_523] : memref<10000x128xf32, #tpu.memory_space<hbm>> -> memref<10000x128xf32, #tpu.memory_space<hbm>>
      tpu.enqueue_indirect_dma source(%dma_start3A_524 : memref<10000x128xf32, #tpu.memory_space<hbm>>) target(%arg10 : memref<64x128xf32, #tpu.memory_space<vmem>>) offsets(%dma_start3A_521 : memref<64xi32, #tpu.memory_space<vmem>>) semaphore(%arg15 : memref<!tpu.dma_semaphore, #tpu.memory_space<semaphore_mem>>)
      %dma_wait3A_525 = arith.constant 0 : i32
      %dma_wait3A_526 = tpu.memref_slice %arg7[%add3A_508, %dma_wait3A_525] : memref<40x64xi32, #tpu.memory_space<vmem>> -> memref<1x64xi32, #tpu.memory_space<vmem>>
      %dma_wait3A_527 = tpu.memref_squeeze %dma_wait3A_526 : memref<1x64xi32, #tpu.memory_space<vmem>> -> memref<64xi32, #tpu.memory_space<vmem>>
      %dma_wait3A_528 = arith.constant 0 : i32
      %dma_wait3A_529 = arith.constant 0 : i32
      %dma_wait3A_530 = tpu.memref_slice %arg2[%dma_wait3A_528, %dma_wait3A_529] : memref<10000x128xf32, #tpu.memory_space<hbm>> -> memref<10000x128xf32, #tpu.memory_space<hbm>>
      tpu.wait_indirect_dma semaphore(%arg17 : memref<!tpu.dma_semaphore, #tpu.memory_space<semaphore_mem>>) src(%dma_wait3A_530 : memref<10000x128xf32, #tpu.memory_space<hbm>>) dst(%arg12 : memref<64x128xf32, #tpu.memory_space<vmem>>)
      %dma_start3A_531 = arith.constant 0 : i32
      %dma_start3A_532 = tpu.memref_slice %arg8[%add3A_508, %dma_start3A_531] : memref<40x64xi32, #tpu.memory_space<vmem>> -> memref<1x64xi32, #tpu.memory_space<vmem>>
      %dma_start3A_533 = tpu.memref_squeeze %dma_start3A_532 : memref<1x64xi32, #tpu.memory_space<vmem>> -> memref<64xi32, #tpu.memory_space<vmem>>
      %dma_start3A_534 = arith.constant 0 : i32
      %dma_start3A_535 = arith.constant 0 : i32
      %dma_start3A_536 = tpu.memref_slice %arg13[%dma_start3A_534, %dma_start3A_535] : memref<10112x128xf32, #tpu.memory_space<vmem_shared>> -> memref<10112x128xf32, #tpu.memory_space<vmem_shared>>
      tpu.enqueue_indirect_dma source(%arg12 : memref<64x128xf32, #tpu.memory_space<vmem>>) target(%dma_start3A_536 : memref<10112x128xf32, #tpu.memory_space<vmem_shared>>) offsets(%dma_start3A_533 : memref<64xi32, #tpu.memory_space<vmem>>) semaphore(%arg21 : memref<!tpu.dma_semaphore, #tpu.memory_space<semaphore_mem>>) {add = true}
      %add3A_537 = arith.constant 2 : i32
      %add3A_538 = arith.addi %add3A_477, %add3A_537 : i32
      %sub3A_539 = arith.constant 2 : i32
      %sub3A_540 = arith.subi %add3A_538, %sub3A_539 : i32
      %dma_wait3A_541 = arith.constant 0 : i32
      %dma_wait3A_542 = tpu.memref_slice %arg8[%sub3A_540, %dma_wait3A_541] : memref<40x64xi32, #tpu.memory_space<vmem>> -> memref<1x64xi32, #tpu.memory_space<vmem>>
      %dma_wait3A_543 = tpu.memref_squeeze %dma_wait3A_542 : memref<1x64xi32, #tpu.memory_space<vmem>> -> memref<64xi32, #tpu.memory_space<vmem>>
      %dma_wait3A_544 = arith.constant 0 : i32
      %dma_wait3A_545 = arith.constant 0 : i32
      %dma_wait3A_546 = tpu.memref_slice %arg13[%dma_wait3A_544, %dma_wait3A_545] : memref<10112x128xf32, #tpu.memory_space<vmem_shared>> -> memref<10112x128xf32, #tpu.memory_space<vmem_shared>>
      tpu.wait_indirect_dma semaphore(%arg20 : memref<!tpu.dma_semaphore, #tpu.memory_space<semaphore_mem>>) src(%arg11 : memref<64x128xf32, #tpu.memory_space<vmem>>) dst(%dma_wait3A_546 : memref<10112x128xf32, #tpu.memory_space<vmem_shared>>)
      %add3A_547 = arith.constant 2 : i32
      %add3A_548 = arith.addi %add3A_538, %add3A_547 : i32
      %dma_start3A_549 = arith.constant 0 : i32
      %dma_start3A_550 = tpu.memref_slice %arg7[%add3A_548, %dma_start3A_549] : memref<40x64xi32, #tpu.memory_space<vmem>> -> memref<1x64xi32, #tpu.memory_space<vmem>>
      %dma_start3A_551 = tpu.memref_squeeze %dma_start3A_550 : memref<1x64xi32, #tpu.memory_space<vmem>> -> memref<64xi32, #tpu.memory_space<vmem>>
      %dma_start3A_552 = arith.constant 0 : i32
      %dma_start3A_553 = arith.constant 0 : i32
      %dma_start3A_554 = tpu.memref_slice %arg2[%dma_start3A_552, %dma_start3A_553] : memref<10000x128xf32, #tpu.memory_space<hbm>> -> memref<10000x128xf32, #tpu.memory_space<hbm>>
      tpu.enqueue_indirect_dma source(%dma_start3A_554 : memref<10000x128xf32, #tpu.memory_space<hbm>>) target(%arg11 : memref<64x128xf32, #tpu.memory_space<vmem>>) offsets(%dma_start3A_551 : memref<64xi32, #tpu.memory_space<vmem>>) semaphore(%arg16 : memref<!tpu.dma_semaphore, #tpu.memory_space<semaphore_mem>>)
      %dma_wait3A_555 = arith.constant 0 : i32
      %dma_wait3A_556 = tpu.memref_slice %arg7[%add3A_538, %dma_wait3A_555] : memref<40x64xi32, #tpu.memory_space<vmem>> -> memref<1x64xi32, #tpu.memory_space<vmem>>
      %dma_wait3A_557 = tpu.memref_squeeze %dma_wait3A_556 : memref<1x64xi32, #tpu.memory_space<vmem>> -> memref<64xi32, #tpu.memory_space<vmem>>
      %dma_wait3A_558 = arith.constant 0 : i32
      %dma_wait3A_559 = arith.constant 0 : i32
      %dma_wait3A_560 = tpu.memref_slice %arg2[%dma_wait3A_558, %dma_wait3A_559] : memref<10000x128xf32, #tpu.memory_space<hbm>> -> memref<10000x128xf32, #tpu.memory_space<hbm>>
      tpu.wait_indirect_dma semaphore(%arg14 : memref<!tpu.dma_semaphore, #tpu.memory_space<semaphore_mem>>) src(%dma_wait3A_560 : memref<10000x128xf32, #tpu.memory_space<hbm>>) dst(%arg9 : memref<64x128xf32, #tpu.memory_space<vmem>>)
      %dma_start3A_561 = arith.constant 0 : i32
      %dma_start3A_562 = tpu.memref_slice %arg8[%add3A_538, %dma_start3A_561] : memref<40x64xi32, #tpu.memory_space<vmem>> -> memref<1x64xi32, #tpu.memory_space<vmem>>
      %dma_start3A_563 = tpu.memref_squeeze %dma_start3A_562 : memref<1x64xi32, #tpu.memory_space<vmem>> -> memref<64xi32, #tpu.memory_space<vmem>>
      %dma_start3A_564 = arith.constant 0 : i32
      %dma_start3A_565 = arith.constant 0 : i32
      %dma_start3A_566 = tpu.memref_slice %arg13[%dma_start3A_564, %dma_start3A_565] : memref<10112x128xf32, #tpu.memory_space<vmem_shared>> -> memref<10112x128xf32, #tpu.memory_space<vmem_shared>>
      tpu.enqueue_indirect_dma source(%arg9 : memref<64x128xf32, #tpu.memory_space<vmem>>) target(%dma_start3A_566 : memref<10112x128xf32, #tpu.memory_space<vmem_shared>>) offsets(%dma_start3A_563 : memref<64xi32, #tpu.memory_space<vmem>>) semaphore(%arg18 : memref<!tpu.dma_semaphore, #tpu.memory_space<semaphore_mem>>) {add = true}
      %add3A_567 = arith.constant 3 : i32
      %add3A_568 = arith.addi %add3A_477, %add3A_567 : i32
      %sub3A_569 = arith.constant 2 : i32
      %sub3A_570 = arith.subi %add3A_568, %sub3A_569 : i32
      %dma_wait3A_571 = arith.constant 0 : i32
      %dma_wait3A_572 = tpu.memref_slice %arg8[%sub3A_570, %dma_wait3A_571] : memref<40x64xi32, #tpu.memory_space<vmem>> -> memref<1x64xi32, #tpu.memory_space<vmem>>
      %dma_wait3A_573 = tpu.memref_squeeze %dma_wait3A_572 : memref<1x64xi32, #tpu.memory_space<vmem>> -> memref<64xi32, #tpu.memory_space<vmem>>
      %dma_wait3A_574 = arith.constant 0 : i32
      %dma_wait3A_575 = arith.constant 0 : i32
      %dma_wait3A_576 = tpu.memref_slice %arg13[%dma_wait3A_574, %dma_wait3A_575] : memref<10112x128xf32, #tpu.memory_space<vmem_shared>> -> memref<10112x128xf32, #tpu.memory_space<vmem_shared>>
      tpu.wait_indirect_dma semaphore(%arg21 : memref<!tpu.dma_semaphore, #tpu.memory_space<semaphore_mem>>) src(%arg12 : memref<64x128xf32, #tpu.memory_space<vmem>>) dst(%dma_wait3A_576 : memref<10112x128xf32, #tpu.memory_space<vmem_shared>>)
      %add3A_577 = arith.constant 2 : i32
      %add3A_578 = arith.addi %add3A_568, %add3A_577 : i32
      %dma_start3A_579 = arith.constant 0 : i32
      %dma_start3A_580 = tpu.memref_slice %arg7[%add3A_578, %dma_start3A_579] : memref<40x64xi32, #tpu.memory_space<vmem>> -> memref<1x64xi32, #tpu.memory_space<vmem>>
      %dma_start3A_581 = tpu.memref_squeeze %dma_start3A_580 : memref<1x64xi32, #tpu.memory_space<vmem>> -> memref<64xi32, #tpu.memory_space<vmem>>
      %dma_start3A_582 = arith.constant 0 : i32
      %dma_start3A_583 = arith.constant 0 : i32
      %dma_start3A_584 = tpu.memref_slice %arg2[%dma_start3A_582, %dma_start3A_583] : memref<10000x128xf32, #tpu.memory_space<hbm>> -> memref<10000x128xf32, #tpu.memory_space<hbm>>
      tpu.enqueue_indirect_dma source(%dma_start3A_584 : memref<10000x128xf32, #tpu.memory_space<hbm>>) target(%arg12 : memref<64x128xf32, #tpu.memory_space<vmem>>) offsets(%dma_start3A_581 : memref<64xi32, #tpu.memory_space<vmem>>) semaphore(%arg17 : memref<!tpu.dma_semaphore, #tpu.memory_space<semaphore_mem>>)
      %dma_wait3A_585 = arith.constant 0 : i32
      %dma_wait3A_586 = tpu.memref_slice %arg7[%add3A_568, %dma_wait3A_585] : memref<40x64xi32, #tpu.memory_space<vmem>> -> memref<1x64xi32, #tpu.memory_space<vmem>>
      %dma_wait3A_587 = tpu.memref_squeeze %dma_wait3A_586 : memref<1x64xi32, #tpu.memory_space<vmem>> -> memref<64xi32, #tpu.memory_space<vmem>>
      %dma_wait3A_588 = arith.constant 0 : i32
      %dma_wait3A_589 = arith.constant 0 : i32
      %dma_wait3A_590 = tpu.memref_slice %arg2[%dma_wait3A_588, %dma_wait3A_589] : memref<10000x128xf32, #tpu.memory_space<hbm>> -> memref<10000x128xf32, #tpu.memory_space<hbm>>
      tpu.wait_indirect_dma semaphore(%arg15 : memref<!tpu.dma_semaphore, #tpu.memory_space<semaphore_mem>>) src(%dma_wait3A_590 : memref<10000x128xf32, #tpu.memory_space<hbm>>) dst(%arg10 : memref<64x128xf32, #tpu.memory_space<vmem>>)
      %dma_start3A_591 = arith.constant 0 : i32
      %dma_start3A_592 = tpu.memref_slice %arg8[%add3A_568, %dma_start3A_591] : memref<40x64xi32, #tpu.memory_space<vmem>> -> memref<1x64xi32, #tpu.memory_space<vmem>>
      %dma_start3A_593 = tpu.memref_squeeze %dma_start3A_592 : memref<1x64xi32, #tpu.memory_space<vmem>> -> memref<64xi32, #tpu.memory_space<vmem>>
      %dma_start3A_594 = arith.constant 0 : i32
      %dma_start3A_595 = arith.constant 0 : i32
      %dma_start3A_596 = tpu.memref_slice %arg13[%dma_start3A_594, %dma_start3A_595] : memref<10112x128xf32, #tpu.memory_space<vmem_shared>> -> memref<10112x128xf32, #tpu.memory_space<vmem_shared>>
      tpu.enqueue_indirect_dma source(%arg10 : memref<64x128xf32, #tpu.memory_space<vmem>>) target(%dma_start3A_596 : memref<10112x128xf32, #tpu.memory_space<vmem_shared>>) offsets(%dma_start3A_593 : memref<64xi32, #tpu.memory_space<vmem>>) semaphore(%arg19 : memref<!tpu.dma_semaphore, #tpu.memory_space<semaphore_mem>>) {add = true}
    }
    %scan3A_411 = arith.constant 9 : i32
    %dma_wait3A_412 = arith.constant 38 : i32
    %dma_wait3A_413 = arith.constant 0 : i32
    %dma_wait3A_414 = tpu.memref_slice %arg7[%dma_wait3A_412, %dma_wait3A_413] : memref<40x64xi32, #tpu.memory_space<vmem>> -> memref<1x64xi32, #tpu.memory_space<vmem>>
    %dma_wait3A_415 = tpu.memref_squeeze %dma_wait3A_414 : memref<1x64xi32, #tpu.memory_space<vmem>> -> memref<64xi32, #tpu.memory_space<vmem>>
    %dma_wait3A_416 = arith.constant 0 : i32
    %dma_wait3A_417 = arith.constant 0 : i32
    %dma_wait3A_418 = tpu.memref_slice %arg2[%dma_wait3A_416, %dma_wait3A_417] : memref<10000x128xf32, #tpu.memory_space<hbm>> -> memref<10000x128xf32, #tpu.memory_space<hbm>>
    tpu.wait_indirect_dma semaphore(%arg16 : memref<!tpu.dma_semaphore, #tpu.memory_space<semaphore_mem>>) src(%dma_wait3A_418 : memref<10000x128xf32, #tpu.memory_space<hbm>>) dst(%arg11 : memref<64x128xf32, #tpu.memory_space<vmem>>)
    %dma_start3A_419 = arith.constant 38 : i32
    %dma_start3A_420 = arith.constant 0 : i32
    %dma_start3A_421 = tpu.memref_slice %arg8[%dma_start3A_419, %dma_start3A_420] : memref<40x64xi32, #tpu.memory_space<vmem>> -> memref<1x64xi32, #tpu.memory_space<vmem>>
    %dma_start3A_422 = tpu.memref_squeeze %dma_start3A_421 : memref<1x64xi32, #tpu.memory_space<vmem>> -> memref<64xi32, #tpu.memory_space<vmem>>
    %dma_start3A_423 = arith.constant 0 : i32
    %dma_start3A_424 = arith.constant 0 : i32
    %dma_start3A_425 = tpu.memref_slice %arg13[%dma_start3A_423, %dma_start3A_424] : memref<10112x128xf32, #tpu.memory_space<vmem_shared>> -> memref<10112x128xf32, #tpu.memory_space<vmem_shared>>
    tpu.enqueue_indirect_dma source(%arg11 : memref<64x128xf32, #tpu.memory_space<vmem>>) target(%dma_start3A_425 : memref<10112x128xf32, #tpu.memory_space<vmem_shared>>) offsets(%dma_start3A_422 : memref<64xi32, #tpu.memory_space<vmem>>) semaphore(%arg20 : memref<!tpu.dma_semaphore, #tpu.memory_space<semaphore_mem>>) {add = true}
    %dma_wait3A_426 = arith.constant 39 : i32
    %dma_wait3A_427 = arith.constant 0 : i32
    %dma_wait3A_428 = tpu.memref_slice %arg7[%dma_wait3A_426, %dma_wait3A_427] : memref<40x64xi32, #tpu.memory_space<vmem>> -> memref<1x64xi32, #tpu.memory_space<vmem>>
    %dma_wait3A_429 = tpu.memref_squeeze %dma_wait3A_428 : memref<1x64xi32, #tpu.memory_space<vmem>> -> memref<64xi32, #tpu.memory_space<vmem>>
    %dma_wait3A_430 = arith.constant 0 : i32
    %dma_wait3A_431 = arith.constant 0 : i32
    %dma_wait3A_432 = tpu.memref_slice %arg2[%dma_wait3A_430, %dma_wait3A_431] : memref<10000x128xf32, #tpu.memory_space<hbm>> -> memref<10000x128xf32, #tpu.memory_space<hbm>>
    tpu.wait_indirect_dma semaphore(%arg17 : memref<!tpu.dma_semaphore, #tpu.memory_space<semaphore_mem>>) src(%dma_wait3A_432 : memref<10000x128xf32, #tpu.memory_space<hbm>>) dst(%arg12 : memref<64x128xf32, #tpu.memory_space<vmem>>)
    %dma_start3A_433 = arith.constant 39 : i32
    %dma_start3A_434 = arith.constant 0 : i32
    %dma_start3A_435 = tpu.memref_slice %arg8[%dma_start3A_433, %dma_start3A_434] : memref<40x64xi32, #tpu.memory_space<vmem>> -> memref<1x64xi32, #tpu.memory_space<vmem>>
    %dma_start3A_436 = tpu.memref_squeeze %dma_start3A_435 : memref<1x64xi32, #tpu.memory_space<vmem>> -> memref<64xi32, #tpu.memory_space<vmem>>
    %dma_start3A_437 = arith.constant 0 : i32
    %dma_start3A_438 = arith.constant 0 : i32
    %dma_start3A_439 = tpu.memref_slice %arg13[%dma_start3A_437, %dma_start3A_438] : memref<10112x128xf32, #tpu.memory_space<vmem_shared>> -> memref<10112x128xf32, #tpu.memory_space<vmem_shared>>
    tpu.enqueue_indirect_dma source(%arg12 : memref<64x128xf32, #tpu.memory_space<vmem>>) target(%dma_start3A_439 : memref<10112x128xf32, #tpu.memory_space<vmem_shared>>) offsets(%dma_start3A_436 : memref<64xi32, #tpu.memory_space<vmem>>) semaphore(%arg21 : memref<!tpu.dma_semaphore, #tpu.memory_space<semaphore_mem>>) {add = true}
    %dma_wait3A_440 = arith.constant 36 : i32
    %dma_wait3A_441 = arith.constant 0 : i32
    %dma_wait3A_442 = tpu.memref_slice %arg8[%dma_wait3A_440, %dma_wait3A_441] : memref<40x64xi32, #tpu.memory_space<vmem>> -> memref<1x64xi32, #tpu.memory_space<vmem>>
    %dma_wait3A_443 = tpu.memref_squeeze %dma_wait3A_442 : memref<1x64xi32, #tpu.memory_space<vmem>> -> memref<64xi32, #tpu.memory_space<vmem>>
    %dma_wait3A_444 = arith.constant 0 : i32
    %dma_wait3A_445 = arith.constant 0 : i32
    %dma_wait3A_446 = tpu.memref_slice %arg13[%dma_wait3A_444, %dma_wait3A_445] : memref<10112x128xf32, #tpu.memory_space<vmem_shared>> -> memref<10112x128xf32, #tpu.memory_space<vmem_shared>>
    tpu.wait_indirect_dma semaphore(%arg18 : memref<!tpu.dma_semaphore, #tpu.memory_space<semaphore_mem>>) src(%arg9 : memref<64x128xf32, #tpu.memory_space<vmem>>) dst(%dma_wait3A_446 : memref<10112x128xf32, #tpu.memory_space<vmem_shared>>)
    %dma_wait3A_447 = arith.constant 37 : i32
    %dma_wait3A_448 = arith.constant 0 : i32
    %dma_wait3A_449 = tpu.memref_slice %arg8[%dma_wait3A_447, %dma_wait3A_448] : memref<40x64xi32, #tpu.memory_space<vmem>> -> memref<1x64xi32, #tpu.memory_space<vmem>>
    %dma_wait3A_450 = tpu.memref_squeeze %dma_wait3A_449 : memref<1x64xi32, #tpu.memory_space<vmem>> -> memref<64xi32, #tpu.memory_space<vmem>>
    %dma_wait3A_451 = arith.constant 0 : i32
    %dma_wait3A_452 = arith.constant 0 : i32
    %dma_wait3A_453 = tpu.memref_slice %arg13[%dma_wait3A_451, %dma_wait3A_452] : memref<10112x128xf32, #tpu.memory_space<vmem_shared>> -> memref<10112x128xf32, #tpu.memory_space<vmem_shared>>
    tpu.wait_indirect_dma semaphore(%arg19 : memref<!tpu.dma_semaphore, #tpu.memory_space<semaphore_mem>>) src(%arg10 : memref<64x128xf32, #tpu.memory_space<vmem>>) dst(%dma_wait3A_453 : memref<10112x128xf32, #tpu.memory_space<vmem_shared>>)
    %dma_wait3A_454 = arith.constant 38 : i32
    %dma_wait3A_455 = arith.constant 0 : i32
    %dma_wait3A_456 = tpu.memref_slice %arg8[%dma_wait3A_454, %dma_wait3A_455] : memref<40x64xi32, #tpu.memory_space<vmem>> -> memref<1x64xi32, #tpu.memory_space<vmem>>
    %dma_wait3A_457 = tpu.memref_squeeze %dma_wait3A_456 : memref<1x64xi32, #tpu.memory_space<vmem>> -> memref<64xi32, #tpu.memory_space<vmem>>
    %dma_wait3A_458 = arith.constant 0 : i32
    %dma_wait3A_459 = arith.constant 0 : i32
    %dma_wait3A_460 = tpu.memref_slice %arg13[%dma_wait3A_458, %dma_wait3A_459] : memref<10112x128xf32, #tpu.memory_space<vmem_shared>> -> memref<10112x128xf32, #tpu.memory_space<vmem_shared>>
    tpu.wait_indirect_dma semaphore(%arg20 : memref<!tpu.dma_semaphore, #tpu.memory_space<semaphore_mem>>) src(%arg11 : memref<64x128xf32, #tpu.memory_space<vmem>>) dst(%dma_wait3A_460 : memref<10112x128xf32, #tpu.memory_space<vmem_shared>>)
    %dma_wait3A_461 = arith.constant 39 : i32
    %dma_wait3A_462 = arith.constant 0 : i32
    %dma_wait3A_463 = tpu.memref_slice %arg8[%dma_wait3A_461, %dma_wait3A_462] : memref<40x64xi32, #tpu.memory_space<vmem>> -> memref<1x64xi32, #tpu.memory_space<vmem>>
    %dma_wait3A_464 = tpu.memref_squeeze %dma_wait3A_463 : memref<1x64xi32, #tpu.memory_space<vmem>> -> memref<64xi32, #tpu.memory_space<vmem>>
    %dma_wait3A_465 = arith.constant 0 : i32
    %dma_wait3A_466 = arith.constant 0 : i32
    %dma_wait3A_467 = tpu.memref_slice %arg13[%dma_wait3A_465, %dma_wait3A_466] : memref<10112x128xf32, #tpu.memory_space<vmem_shared>> -> memref<10112x128xf32, #tpu.memory_space<vmem_shared>>
    tpu.wait_indirect_dma semaphore(%arg21 : memref<!tpu.dma_semaphore, #tpu.memory_space<semaphore_mem>>) src(%arg12 : memref<64x128xf32, #tpu.memory_space<vmem>>) dst(%dma_wait3A_467 : memref<10112x128xf32, #tpu.memory_space<vmem_shared>>)
    %barrier3A_468 = arith.constant 0 : index
    tpu.barrier barrier_id(%barrier3A_468)
    %mul3A_469 = arith.constant 632 : i32
    %mul3A_470 = arith.muli %arg1, %mul3A_469 : i32
    %mul3A_471 = arith.constant 632 : i32
    %mul3A_472 = arith.muli %arg1, %mul3A_471 : i32
    "tpu.region"() ({
      %run_scoped3A = tpu.sem_alloc : memref<!tpu.dma_semaphore, #tpu.memory_space<semaphore_mem>>
      %dma_start3A_473 = arith.constant 0 : i32
      %dma_start3A_474 = tpu.memref_slice %arg6[%arg0, %mul3A_472, %dma_start3A_473] : memref<2x10112x128xf32, #tpu.memory_space<hbm>> -> memref<1x632x128xf32, #tpu.memory_space<hbm>>
      %dma_start3A_475 = tpu.memref_squeeze %dma_start3A_474 : memref<1x632x128xf32, #tpu.memory_space<hbm>> -> memref<632x128xf32, #tpu.memory_space<hbm>>
      %dma_start3A_476 = arith.constant 0 : i32
      %dma_start3A_477 = tpu.memref_slice %arg13[%mul3A_470, %dma_start3A_476] : memref<10112x128xf32, #tpu.memory_space<vmem_shared>> -> memref<632x128xf32, #tpu.memory_space<vmem_shared>>
      tpu.enqueue_dma source(%dma_start3A_477 : memref<632x128xf32, #tpu.memory_space<vmem_shared>>) target(%dma_start3A_475 : memref<632x128xf32, #tpu.memory_space<hbm>>) target_semaphore(%run_scoped3A : memref<!tpu.dma_semaphore, #tpu.memory_space<semaphore_mem>>)
      %dma_wait3A_478 = arith.constant 0 : i32
      %dma_wait3A_479 = tpu.memref_slice %arg6[%arg0, %mul3A_472, %dma_wait3A_478] : memref<2x10112x128xf32, #tpu.memory_space<hbm>> -> memref<1x632x128xf32, #tpu.memory_space<hbm>>
      %dma_wait3A_480 = tpu.memref_squeeze %dma_wait3A_479 : memref<1x632x128xf32, #tpu.memory_space<hbm>> -> memref<632x128xf32, #tpu.memory_space<hbm>>
      %dma_wait3A_481 = arith.constant 0 : i32
      %dma_wait3A_482 = tpu.memref_slice %arg13[%mul3A_470, %dma_wait3A_481] : memref<10112x128xf32, #tpu.memory_space<vmem_shared>> -> memref<632x128xf32, #tpu.memory_space<vmem_shared>>
      tpu.wait_dma2 semaphore(%run_scoped3A : memref<!tpu.dma_semaphore, #tpu.memory_space<semaphore_mem>>) src(%dma_wait3A_482 : memref<632x128xf32, #tpu.memory_space<vmem_shared>>) dst(%dma_wait3A_480 : memref<632x128xf32, #tpu.memory_space<hbm>>)
      tpu.yield
    }) : () -> ()
    return
  }
}

#map = affine_map<(d0, d1) -> (0, 0)>
#map1 = affine_map<(d0, d1) -> (0, 0, 0)>
module attributes {stable_mosaic.version = 14 : i64} {
  func.func @_agg_body(%arg0: i32, %arg1: i32, %arg2: memref<10000x128xf32, #tpu.memory_space<hbm>>, %arg3: memref<32x160x64xi32, #tpu.memory_space<hbm>>, %arg4: memref<32x160x64xi32, #tpu.memory_space<hbm>>, %arg5: memref<632x128xf32, #tpu.memory_space<hbm>>, %arg6: memref<2x10112x128xf32, #tpu.memory_space<hbm>>, %arg7: memref<40x64xi32, #tpu.memory_space<vmem>>, %arg8: memref<40x64xi32, #tpu.memory_space<vmem>>, %arg9: memref<64x128xf32, #tpu.memory_space<vmem>>, %arg10: memref<64x128xf32, #tpu.memory_space<vmem>>, %arg11: memref<64x128xf32, #tpu.memory_space<vmem>>, %arg12: memref<64x128xf32, #tpu.memory_space<vmem>>, %arg13: memref<10112x128xf32, #tpu.memory_space<vmem_shared>>, %arg14: memref<!tpu.dma_semaphore, #tpu.memory_space<semaphore_mem>>, %arg15: memref<!tpu.dma_semaphore, #tpu.memory_space<semaphore_mem>>, %arg16: memref<!tpu.dma_semaphore, #tpu.memory_space<semaphore_mem>>, %arg17: memref<!tpu.dma_semaphore, #tpu.memory_space<semaphore_mem>>, %arg18: memref<!tpu.dma_semaphore, #tpu.memory_space<semaphore_mem>>, %arg19: memref<!tpu.dma_semaphore, #tpu.memory_space<semaphore_mem>>, %arg20: memref<!tpu.dma_semaphore, #tpu.memory_space<semaphore_mem>>, %arg21: memref<!tpu.dma_semaphore, #tpu.memory_space<semaphore_mem>>) attributes {dimension_semantics = [#tpu.dimension_semantics<core_parallel>, #tpu.dimension_semantics<subcore_parallel>], iteration_bounds = array<i64: 2, 16>, scalar_prefetch = 0 : i64, scratch_operands = 15 : i64, tpu.core_type = #tpu.core_type<sc_vector_subcore>, window_params = [{transform_indices = #map}, {transform_indices = #map1}, {transform_indices = #map1}, {transform_indices = #map}, {transform_indices = #map1}]} {
    %mul3A = arith.constant 16 : i32
    %mul3A_0 = arith.muli %arg0, %mul3A : i32
    %add3A = arith.addi %mul3A_0, %arg1 : i32
    %mul3A_1 = arith.constant 632 : i32
    %mul3A_2 = arith.muli %arg1, %mul3A_1 : i32
    "tpu.region"() ({
      %run_scoped3A = tpu.sem_alloc : memref<!tpu.dma_semaphore, #tpu.memory_space<semaphore_mem>>
      %dma_start3A_473 = arith.constant 0 : i32
      %dma_start3A_474 = tpu.memref_slice %arg13[%mul3A_2, %dma_start3A_473] : memref<10112x128xf32, #tpu.memory_space<vmem_shared>> -> memref<632x128xf32, #tpu.memory_space<vmem_shared>>
      tpu.enqueue_dma source(%arg5 : memref<632x128xf32, #tpu.memory_space<hbm>>) target(%dma_start3A_474 : memref<632x128xf32, #tpu.memory_space<vmem_shared>>) target_semaphore(%run_scoped3A : memref<!tpu.dma_semaphore, #tpu.memory_space<semaphore_mem>>)
      %dma_wait3A_475 = arith.constant 0 : i32
      %dma_wait3A_476 = tpu.memref_slice %arg13[%mul3A_2, %dma_wait3A_475] : memref<10112x128xf32, #tpu.memory_space<vmem_shared>> -> memref<632x128xf32, #tpu.memory_space<vmem_shared>>
      tpu.wait_dma2 semaphore(%run_scoped3A : memref<!tpu.dma_semaphore, #tpu.memory_space<semaphore_mem>>) src(%arg5 : memref<632x128xf32, #tpu.memory_space<hbm>>) dst(%dma_wait3A_476 : memref<632x128xf32, #tpu.memory_space<vmem_shared>>)
      tpu.yield
    }) : () -> ()
    %barrier3A = arith.constant 0 : index
    tpu.barrier barrier_id(%barrier3A)
    "tpu.region"() ({
      %run_scoped3A = tpu.sem_alloc : memref<!tpu.dma_semaphore, #tpu.memory_space<semaphore_mem>>
      %dma_start3A_473 = arith.constant 0 : i32
      %dma_start3A_474 = arith.constant 0 : i32
      %dma_start3A_475 = tpu.memref_slice %arg3[%add3A, %dma_start3A_473, %dma_start3A_474] : memref<32x160x64xi32, #tpu.memory_space<hbm>> -> memref<1x40x64xi32, #tpu.memory_space<hbm>>
      %dma_start3A_476 = tpu.memref_squeeze %dma_start3A_475 : memref<1x40x64xi32, #tpu.memory_space<hbm>> -> memref<40x64xi32, #tpu.memory_space<hbm>>
      %dma_start3A_477 = arith.constant 0 : i32
      %dma_start3A_478 = arith.constant 0 : i32
      %dma_start3A_479 = tpu.memref_slice %arg3[%add3A, %dma_start3A_477, %dma_start3A_478] : memref<32x160x64xi32, #tpu.memory_space<hbm>> -> memref<1x40x64xi32, #tpu.memory_space<hbm>>
      %dma_start3A_480 = tpu.memref_squeeze %dma_start3A_479 : memref<1x40x64xi32, #tpu.memory_space<hbm>> -> memref<40x64xi32, #tpu.memory_space<hbm>>
      tpu.enqueue_dma source(%dma_start3A_480 : memref<40x64xi32, #tpu.memory_space<hbm>>) target(%arg7 : memref<40x64xi32, #tpu.memory_space<vmem>>) target_semaphore(%run_scoped3A : memref<!tpu.dma_semaphore, #tpu.memory_space<semaphore_mem>>)
      %dma_wait3A_481 = arith.constant 0 : i32
      %dma_wait3A_482 = arith.constant 0 : i32
      %dma_wait3A_483 = tpu.memref_slice %arg3[%add3A, %dma_wait3A_481, %dma_wait3A_482] : memref<32x160x64xi32, #tpu.memory_space<hbm>> -> memref<1x40x64xi32, #tpu.memory_space<hbm>>
      %dma_wait3A_484 = tpu.memref_squeeze %dma_wait3A_483 : memref<1x40x64xi32, #tpu.memory_space<hbm>> -> memref<40x64xi32, #tpu.memory_space<hbm>>
      %dma_wait3A_485 = arith.constant 0 : i32
      %dma_wait3A_486 = arith.constant 0 : i32
      %dma_wait3A_487 = tpu.memref_slice %arg3[%add3A, %dma_wait3A_485, %dma_wait3A_486] : memref<32x160x64xi32, #tpu.memory_space<hbm>> -> memref<1x40x64xi32, #tpu.memory_space<hbm>>
      %dma_wait3A_488 = tpu.memref_squeeze %dma_wait3A_487 : memref<1x40x64xi32, #tpu.memory_space<hbm>> -> memref<40x64xi32, #tpu.memory_space<hbm>>
      tpu.wait_dma2 semaphore(%run_scoped3A : memref<!tpu.dma_semaphore, #tpu.memory_space<semaphore_mem>>) src(%dma_wait3A_488 : memref<40x64xi32, #tpu.memory_space<hbm>>) dst(%arg7 : memref<40x64xi32, #tpu.memory_space<vmem>>)
      tpu.yield
    }) : () -> ()
    "tpu.region"() ({
      %run_scoped3A = tpu.sem_alloc : memref<!tpu.dma_semaphore, #tpu.memory_space<semaphore_mem>>
      %dma_start3A_473 = arith.constant 0 : i32
      %dma_start3A_474 = arith.constant 0 : i32
      %dma_start3A_475 = tpu.memref_slice %arg4[%add3A, %dma_start3A_473, %dma_start3A_474] : memref<32x160x64xi32, #tpu.memory_space<hbm>> -> memref<1x40x64xi32, #tpu.memory_space<hbm>>
      %dma_start3A_476 = tpu.memref_squeeze %dma_start3A_475 : memref<1x40x64xi32, #tpu.memory_space<hbm>> -> memref<40x64xi32, #tpu.memory_space<hbm>>
      %dma_start3A_477 = arith.constant 0 : i32
      %dma_start3A_478 = arith.constant 0 : i32
      %dma_start3A_479 = tpu.memref_slice %arg4[%add3A, %dma_start3A_477, %dma_start3A_478] : memref<32x160x64xi32, #tpu.memory_space<hbm>> -> memref<1x40x64xi32, #tpu.memory_space<hbm>>
      %dma_start3A_480 = tpu.memref_squeeze %dma_start3A_479 : memref<1x40x64xi32, #tpu.memory_space<hbm>> -> memref<40x64xi32, #tpu.memory_space<hbm>>
      tpu.enqueue_dma source(%dma_start3A_480 : memref<40x64xi32, #tpu.memory_space<hbm>>) target(%arg8 : memref<40x64xi32, #tpu.memory_space<vmem>>) target_semaphore(%run_scoped3A : memref<!tpu.dma_semaphore, #tpu.memory_space<semaphore_mem>>)
      %dma_wait3A_481 = arith.constant 0 : i32
      %dma_wait3A_482 = arith.constant 0 : i32
      %dma_wait3A_483 = tpu.memref_slice %arg4[%add3A, %dma_wait3A_481, %dma_wait3A_482] : memref<32x160x64xi32, #tpu.memory_space<hbm>> -> memref<1x40x64xi32, #tpu.memory_space<hbm>>
      %dma_wait3A_484 = tpu.memref_squeeze %dma_wait3A_483 : memref<1x40x64xi32, #tpu.memory_space<hbm>> -> memref<40x64xi32, #tpu.memory_space<hbm>>
      %dma_wait3A_485 = arith.constant 0 : i32
      %dma_wait3A_486 = arith.constant 0 : i32
      %dma_wait3A_487 = tpu.memref_slice %arg4[%add3A, %dma_wait3A_485, %dma_wait3A_486] : memref<32x160x64xi32, #tpu.memory_space<hbm>> -> memref<1x40x64xi32, #tpu.memory_space<hbm>>
      %dma_wait3A_488 = tpu.memref_squeeze %dma_wait3A_487 : memref<1x40x64xi32, #tpu.memory_space<hbm>> -> memref<40x64xi32, #tpu.memory_space<hbm>>
      tpu.wait_dma2 semaphore(%run_scoped3A : memref<!tpu.dma_semaphore, #tpu.memory_space<semaphore_mem>>) src(%dma_wait3A_488 : memref<40x64xi32, #tpu.memory_space<hbm>>) dst(%arg8 : memref<40x64xi32, #tpu.memory_space<vmem>>)
      tpu.yield
    }) : () -> ()
    %dma_start3A = arith.constant 0 : i32
    %dma_start3A_3 = arith.constant 0 : i32
    %dma_start3A_4 = tpu.memref_slice %arg7[%dma_start3A, %dma_start3A_3] : memref<40x64xi32, #tpu.memory_space<vmem>> -> memref<1x64xi32, #tpu.memory_space<vmem>>
    %dma_start3A_5 = tpu.memref_squeeze %dma_start3A_4 : memref<1x64xi32, #tpu.memory_space<vmem>> -> memref<64xi32, #tpu.memory_space<vmem>>
    %dma_start3A_6 = arith.constant 0 : i32
    %dma_start3A_7 = arith.constant 0 : i32
    %dma_start3A_8 = tpu.memref_slice %arg2[%dma_start3A_6, %dma_start3A_7] : memref<10000x128xf32, #tpu.memory_space<hbm>> -> memref<10000x128xf32, #tpu.memory_space<hbm>>
    tpu.enqueue_indirect_dma source(%dma_start3A_8 : memref<10000x128xf32, #tpu.memory_space<hbm>>) target(%arg9 : memref<64x128xf32, #tpu.memory_space<vmem>>) offsets(%dma_start3A_5 : memref<64xi32, #tpu.memory_space<vmem>>) semaphore(%arg14 : memref<!tpu.dma_semaphore, #tpu.memory_space<semaphore_mem>>)
    %dma_start3A_9 = arith.constant 1 : i32
    %dma_start3A_10 = arith.constant 0 : i32
    %dma_start3A_11 = tpu.memref_slice %arg7[%dma_start3A_9, %dma_start3A_10] : memref<40x64xi32, #tpu.memory_space<vmem>> -> memref<1x64xi32, #tpu.memory_space<vmem>>
    %dma_start3A_12 = tpu.memref_squeeze %dma_start3A_11 : memref<1x64xi32, #tpu.memory_space<vmem>> -> memref<64xi32, #tpu.memory_space<vmem>>
    %dma_start3A_13 = arith.constant 0 : i32
    %dma_start3A_14 = arith.constant 0 : i32
    %dma_start3A_15 = tpu.memref_slice %arg2[%dma_start3A_13, %dma_start3A_14] : memref<10000x128xf32, #tpu.memory_space<hbm>> -> memref<10000x128xf32, #tpu.memory_space<hbm>>
    tpu.enqueue_indirect_dma source(%dma_start3A_15 : memref<10000x128xf32, #tpu.memory_space<hbm>>) target(%arg10 : memref<64x128xf32, #tpu.memory_space<vmem>>) offsets(%dma_start3A_12 : memref<64xi32, #tpu.memory_space<vmem>>) semaphore(%arg15 : memref<!tpu.dma_semaphore, #tpu.memory_space<semaphore_mem>>)
    %dma_start3A_16 = arith.constant 2 : i32
    %dma_start3A_17 = arith.constant 0 : i32
    %dma_start3A_18 = tpu.memref_slice %arg7[%dma_start3A_16, %dma_start3A_17] : memref<40x64xi32, #tpu.memory_space<vmem>> -> memref<1x64xi32, #tpu.memory_space<vmem>>
    %dma_start3A_19 = tpu.memref_squeeze %dma_start3A_18 : memref<1x64xi32, #tpu.memory_space<vmem>> -> memref<64xi32, #tpu.memory_space<vmem>>
    %dma_start3A_20 = arith.constant 0 : i32
    %dma_start3A_21 = arith.constant 0 : i32
    %dma_start3A_22 = tpu.memref_slice %arg2[%dma_start3A_20, %dma_start3A_21] : memref<10000x128xf32, #tpu.memory_space<hbm>> -> memref<10000x128xf32, #tpu.memory_space<hbm>>
    tpu.enqueue_indirect_dma source(%dma_start3A_22 : memref<10000x128xf32, #tpu.memory_space<hbm>>) target(%arg11 : memref<64x128xf32, #tpu.memory_space<vmem>>) offsets(%dma_start3A_19 : memref<64xi32, #tpu.memory_space<vmem>>) semaphore(%arg16 : memref<!tpu.dma_semaphore, #tpu.memory_space<semaphore_mem>>)
    %dma_wait3A = arith.constant 0 : i32
    %dma_wait3A_23 = arith.constant 0 : i32
    %dma_wait3A_24 = tpu.memref_slice %arg7[%dma_wait3A, %dma_wait3A_23] : memref<40x64xi32, #tpu.memory_space<vmem>> -> memref<1x64xi32, #tpu.memory_space<vmem>>
    %dma_wait3A_25 = tpu.memref_squeeze %dma_wait3A_24 : memref<1x64xi32, #tpu.memory_space<vmem>> -> memref<64xi32, #tpu.memory_space<vmem>>
    %dma_wait3A_26 = arith.constant 0 : i32
    %dma_wait3A_27 = arith.constant 0 : i32
    %dma_wait3A_28 = tpu.memref_slice %arg2[%dma_wait3A_26, %dma_wait3A_27] : memref<10000x128xf32, #tpu.memory_space<hbm>> -> memref<10000x128xf32, #tpu.memory_space<hbm>>
    tpu.wait_indirect_dma semaphore(%arg14 : memref<!tpu.dma_semaphore, #tpu.memory_space<semaphore_mem>>) src(%dma_wait3A_28 : memref<10000x128xf32, #tpu.memory_space<hbm>>) dst(%arg9 : memref<64x128xf32, #tpu.memory_space<vmem>>)
    %dma_start3A_29 = arith.constant 0 : i32
    %dma_start3A_30 = arith.constant 0 : i32
    %dma_start3A_31 = tpu.memref_slice %arg8[%dma_start3A_29, %dma_start3A_30] : memref<40x64xi32, #tpu.memory_space<vmem>> -> memref<1x64xi32, #tpu.memory_space<vmem>>
    %dma_start3A_32 = tpu.memref_squeeze %dma_start3A_31 : memref<1x64xi32, #tpu.memory_space<vmem>> -> memref<64xi32, #tpu.memory_space<vmem>>
    %dma_start3A_33 = arith.constant 0 : i32
    %dma_start3A_34 = arith.constant 0 : i32
    %dma_start3A_35 = tpu.memref_slice %arg13[%dma_start3A_33, %dma_start3A_34] : memref<10112x128xf32, #tpu.memory_space<vmem_shared>> -> memref<10112x128xf32, #tpu.memory_space<vmem_shared>>
    tpu.enqueue_indirect_dma source(%arg9 : memref<64x128xf32, #tpu.memory_space<vmem>>) target(%dma_start3A_35 : memref<10112x128xf32, #tpu.memory_space<vmem_shared>>) offsets(%dma_start3A_32 : memref<64xi32, #tpu.memory_space<vmem>>) semaphore(%arg18 : memref<!tpu.dma_semaphore, #tpu.memory_space<semaphore_mem>>) {add = true}
    %dma_start3A_36 = arith.constant 3 : i32
    %dma_start3A_37 = arith.constant 0 : i32
    %dma_start3A_38 = tpu.memref_slice %arg7[%dma_start3A_36, %dma_start3A_37] : memref<40x64xi32, #tpu.memory_space<vmem>> -> memref<1x64xi32, #tpu.memory_space<vmem>>
    %dma_start3A_39 = tpu.memref_squeeze %dma_start3A_38 : memref<1x64xi32, #tpu.memory_space<vmem>> -> memref<64xi32, #tpu.memory_space<vmem>>
    %dma_start3A_40 = arith.constant 0 : i32
    %dma_start3A_41 = arith.constant 0 : i32
    %dma_start3A_42 = tpu.memref_slice %arg2[%dma_start3A_40, %dma_start3A_41] : memref<10000x128xf32, #tpu.memory_space<hbm>> -> memref<10000x128xf32, #tpu.memory_space<hbm>>
    tpu.enqueue_indirect_dma source(%dma_start3A_42 : memref<10000x128xf32, #tpu.memory_space<hbm>>) target(%arg12 : memref<64x128xf32, #tpu.memory_space<vmem>>) offsets(%dma_start3A_39 : memref<64xi32, #tpu.memory_space<vmem>>) semaphore(%arg17 : memref<!tpu.dma_semaphore, #tpu.memory_space<semaphore_mem>>)
    %dma_wait3A_43 = arith.constant 1 : i32
    %dma_wait3A_44 = arith.constant 0 : i32
    %dma_wait3A_45 = tpu.memref_slice %arg7[%dma_wait3A_43, %dma_wait3A_44] : memref<40x64xi32, #tpu.memory_space<vmem>> -> memref<1x64xi32, #tpu.memory_space<vmem>>
    %dma_wait3A_46 = tpu.memref_squeeze %dma_wait3A_45 : memref<1x64xi32, #tpu.memory_space<vmem>> -> memref<64xi32, #tpu.memory_space<vmem>>
    %dma_wait3A_47 = arith.constant 0 : i32
    %dma_wait3A_48 = arith.constant 0 : i32
    %dma_wait3A_49 = tpu.memref_slice %arg2[%dma_wait3A_47, %dma_wait3A_48] : memref<10000x128xf32, #tpu.memory_space<hbm>> -> memref<10000x128xf32, #tpu.memory_space<hbm>>
    tpu.wait_indirect_dma semaphore(%arg15 : memref<!tpu.dma_semaphore, #tpu.memory_space<semaphore_mem>>) src(%dma_wait3A_49 : memref<10000x128xf32, #tpu.memory_space<hbm>>) dst(%arg10 : memref<64x128xf32, #tpu.memory_space<vmem>>)
    %dma_start3A_50 = arith.constant 1 : i32
    %dma_start3A_51 = arith.constant 0 : i32
    %dma_start3A_52 = tpu.memref_slice %arg8[%dma_start3A_50, %dma_start3A_51] : memref<40x64xi32, #tpu.memory_space<vmem>> -> memref<1x64xi32, #tpu.memory_space<vmem>>
    %dma_start3A_53 = tpu.memref_squeeze %dma_start3A_52 : memref<1x64xi32, #tpu.memory_space<vmem>> -> memref<64xi32, #tpu.memory_space<vmem>>
    %dma_start3A_54 = arith.constant 0 : i32
    %dma_start3A_55 = arith.constant 0 : i32
    %dma_start3A_56 = tpu.memref_slice %arg13[%dma_start3A_54, %dma_start3A_55] : memref<10112x128xf32, #tpu.memory_space<vmem_shared>> -> memref<10112x128xf32, #tpu.memory_space<vmem_shared>>
    tpu.enqueue_indirect_dma source(%arg10 : memref<64x128xf32, #tpu.memory_space<vmem>>) target(%dma_start3A_56 : memref<10112x128xf32, #tpu.memory_space<vmem_shared>>) offsets(%dma_start3A_53 : memref<64xi32, #tpu.memory_space<vmem>>) semaphore(%arg19 : memref<!tpu.dma_semaphore, #tpu.memory_space<semaphore_mem>>) {add = true}
    %scan3A = arith.constant 0 : i32
    %scan3A_57 = arith.constant 9 : i32
    %scan3A_58 = arith.addi %scan3A, %scan3A_57 : i32
    %scan3A_59 = arith.constant 1 : i32
    scf.for %scan3A_473 = %scan3A to %scan3A_58 step %scan3A_59  : i32 {
      %mul3A_474 = arith.constant 4 : i32
      %mul3A_475 = arith.muli %scan3A_473, %mul3A_474 : i32
      %add3A_476 = arith.constant 2 : i32
      %add3A_477 = arith.addi %add3A_476, %mul3A_475 : i32
      %add3A_478 = arith.constant 0 : i32
      %add3A_479 = arith.addi %add3A_477, %add3A_478 : i32
      %sub3A = arith.constant 2 : i32
      %sub3A_480 = arith.subi %add3A_479, %sub3A : i32
      %dma_wait3A_481 = arith.constant 0 : i32
      %dma_wait3A_482 = tpu.memref_slice %arg8[%sub3A_480, %dma_wait3A_481] : memref<40x64xi32, #tpu.memory_space<vmem>> -> memref<1x64xi32, #tpu.memory_space<vmem>>
      %dma_wait3A_483 = tpu.memref_squeeze %dma_wait3A_482 : memref<1x64xi32, #tpu.memory_space<vmem>> -> memref<64xi32, #tpu.memory_space<vmem>>
      %dma_wait3A_484 = arith.constant 0 : i32
      %dma_wait3A_485 = arith.constant 0 : i32
      %dma_wait3A_486 = tpu.memref_slice %arg13[%dma_wait3A_484, %dma_wait3A_485] : memref<10112x128xf32, #tpu.memory_space<vmem_shared>> -> memref<10112x128xf32, #tpu.memory_space<vmem_shared>>
      tpu.wait_indirect_dma semaphore(%arg18 : memref<!tpu.dma_semaphore, #tpu.memory_space<semaphore_mem>>) src(%arg9 : memref<64x128xf32, #tpu.memory_space<vmem>>) dst(%dma_wait3A_486 : memref<10112x128xf32, #tpu.memory_space<vmem_shared>>)
      %add3A_487 = arith.constant 2 : i32
      %add3A_488 = arith.addi %add3A_479, %add3A_487 : i32
      %dma_start3A_489 = arith.constant 0 : i32
      %dma_start3A_490 = tpu.memref_slice %arg7[%add3A_488, %dma_start3A_489] : memref<40x64xi32, #tpu.memory_space<vmem>> -> memref<1x64xi32, #tpu.memory_space<vmem>>
      %dma_start3A_491 = tpu.memref_squeeze %dma_start3A_490 : memref<1x64xi32, #tpu.memory_space<vmem>> -> memref<64xi32, #tpu.memory_space<vmem>>
      %dma_start3A_492 = arith.constant 0 : i32
      %dma_start3A_493 = arith.constant 0 : i32
      %dma_start3A_494 = tpu.memref_slice %arg2[%dma_start3A_492, %dma_start3A_493] : memref<10000x128xf32, #tpu.memory_space<hbm>> -> memref<10000x128xf32, #tpu.memory_space<hbm>>
      tpu.enqueue_indirect_dma source(%dma_start3A_494 : memref<10000x128xf32, #tpu.memory_space<hbm>>) target(%arg9 : memref<64x128xf32, #tpu.memory_space<vmem>>) offsets(%dma_start3A_491 : memref<64xi32, #tpu.memory_space<vmem>>) semaphore(%arg14 : memref<!tpu.dma_semaphore, #tpu.memory_space<semaphore_mem>>)
      %dma_wait3A_495 = arith.constant 0 : i32
      %dma_wait3A_496 = tpu.memref_slice %arg7[%add3A_479, %dma_wait3A_495] : memref<40x64xi32, #tpu.memory_space<vmem>> -> memref<1x64xi32, #tpu.memory_space<vmem>>
      %dma_wait3A_497 = tpu.memref_squeeze %dma_wait3A_496 : memref<1x64xi32, #tpu.memory_space<vmem>> -> memref<64xi32, #tpu.memory_space<vmem>>
      %dma_wait3A_498 = arith.constant 0 : i32
      %dma_wait3A_499 = arith.constant 0 : i32
      %dma_wait3A_500 = tpu.memref_slice %arg2[%dma_wait3A_498, %dma_wait3A_499] : memref<10000x128xf32, #tpu.memory_space<hbm>> -> memref<10000x128xf32, #tpu.memory_space<hbm>>
      tpu.wait_indirect_dma semaphore(%arg16 : memref<!tpu.dma_semaphore, #tpu.memory_space<semaphore_mem>>) src(%dma_wait3A_500 : memref<10000x128xf32, #tpu.memory_space<hbm>>) dst(%arg11 : memref<64x128xf32, #tpu.memory_space<vmem>>)
      %dma_start3A_501 = arith.constant 0 : i32
      %dma_start3A_502 = tpu.memref_slice %arg8[%add3A_479, %dma_start3A_501] : memref<40x64xi32, #tpu.memory_space<vmem>> -> memref<1x64xi32, #tpu.memory_space<vmem>>
      %dma_start3A_503 = tpu.memref_squeeze %dma_start3A_502 : memref<1x64xi32, #tpu.memory_space<vmem>> -> memref<64xi32, #tpu.memory_space<vmem>>
      %dma_start3A_504 = arith.constant 0 : i32
      %dma_start3A_505 = arith.constant 0 : i32
      %dma_start3A_506 = tpu.memref_slice %arg13[%dma_start3A_504, %dma_start3A_505] : memref<10112x128xf32, #tpu.memory_space<vmem_shared>> -> memref<10112x128xf32, #tpu.memory_space<vmem_shared>>
      tpu.enqueue_indirect_dma source(%arg11 : memref<64x128xf32, #tpu.memory_space<vmem>>) target(%dma_start3A_506 : memref<10112x128xf32, #tpu.memory_space<vmem_shared>>) offsets(%dma_start3A_503 : memref<64xi32, #tpu.memory_space<vmem>>) semaphore(%arg20 : memref<!tpu.dma_semaphore, #tpu.memory_space<semaphore_mem>>) {add = true}
      %add3A_507 = arith.constant 1 : i32
      %add3A_508 = arith.addi %add3A_477, %add3A_507 : i32
      %sub3A_509 = arith.constant 2 : i32
      %sub3A_510 = arith.subi %add3A_508, %sub3A_509 : i32
      %dma_wait3A_511 = arith.constant 0 : i32
      %dma_wait3A_512 = tpu.memref_slice %arg8[%sub3A_510, %dma_wait3A_511] : memref<40x64xi32, #tpu.memory_space<vmem>> -> memref<1x64xi32, #tpu.memory_space<vmem>>
      %dma_wait3A_513 = tpu.memref_squeeze %dma_wait3A_512 : memref<1x64xi32, #tpu.memory_space<vmem>> -> memref<64xi32, #tpu.memory_space<vmem>>
      %dma_wait3A_514 = arith.constant 0 : i32
      %dma_wait3A_515 = arith.constant 0 : i32
      %dma_wait3A_516 = tpu.memref_slice %arg13[%dma_wait3A_514, %dma_wait3A_515] : memref<10112x128xf32, #tpu.memory_space<vmem_shared>> -> memref<10112x128xf32, #tpu.memory_space<vmem_shared>>
      tpu.wait_indirect_dma semaphore(%arg19 : memref<!tpu.dma_semaphore, #tpu.memory_space<semaphore_mem>>) src(%arg10 : memref<64x128xf32, #tpu.memory_space<vmem>>) dst(%dma_wait3A_516 : memref<10112x128xf32, #tpu.memory_space<vmem_shared>>)
      %add3A_517 = arith.constant 2 : i32
      %add3A_518 = arith.addi %add3A_508, %add3A_517 : i32
      %dma_start3A_519 = arith.constant 0 : i32
      %dma_start3A_520 = tpu.memref_slice %arg7[%add3A_518, %dma_start3A_519] : memref<40x64xi32, #tpu.memory_space<vmem>> -> memref<1x64xi32, #tpu.memory_space<vmem>>
      %dma_start3A_521 = tpu.memref_squeeze %dma_start3A_520 : memref<1x64xi32, #tpu.memory_space<vmem>> -> memref<64xi32, #tpu.memory_space<vmem>>
      %dma_start3A_522 = arith.constant 0 : i32
      %dma_start3A_523 = arith.constant 0 : i32
      %dma_start3A_524 = tpu.memref_slice %arg2[%dma_start3A_522, %dma_start3A_523] : memref<10000x128xf32, #tpu.memory_space<hbm>> -> memref<10000x128xf32, #tpu.memory_space<hbm>>
      tpu.enqueue_indirect_dma source(%dma_start3A_524 : memref<10000x128xf32, #tpu.memory_space<hbm>>) target(%arg10 : memref<64x128xf32, #tpu.memory_space<vmem>>) offsets(%dma_start3A_521 : memref<64xi32, #tpu.memory_space<vmem>>) semaphore(%arg15 : memref<!tpu.dma_semaphore, #tpu.memory_space<semaphore_mem>>)
      %dma_wait3A_525 = arith.constant 0 : i32
      %dma_wait3A_526 = tpu.memref_slice %arg7[%add3A_508, %dma_wait3A_525] : memref<40x64xi32, #tpu.memory_space<vmem>> -> memref<1x64xi32, #tpu.memory_space<vmem>>
      %dma_wait3A_527 = tpu.memref_squeeze %dma_wait3A_526 : memref<1x64xi32, #tpu.memory_space<vmem>> -> memref<64xi32, #tpu.memory_space<vmem>>
      %dma_wait3A_528 = arith.constant 0 : i32
      %dma_wait3A_529 = arith.constant 0 : i32
      %dma_wait3A_530 = tpu.memref_slice %arg2[%dma_wait3A_528, %dma_wait3A_529] : memref<10000x128xf32, #tpu.memory_space<hbm>> -> memref<10000x128xf32, #tpu.memory_space<hbm>>
      tpu.wait_indirect_dma semaphore(%arg17 : memref<!tpu.dma_semaphore, #tpu.memory_space<semaphore_mem>>) src(%dma_wait3A_530 : memref<10000x128xf32, #tpu.memory_space<hbm>>) dst(%arg12 : memref<64x128xf32, #tpu.memory_space<vmem>>)
      %dma_start3A_531 = arith.constant 0 : i32
      %dma_start3A_532 = tpu.memref_slice %arg8[%add3A_508, %dma_start3A_531] : memref<40x64xi32, #tpu.memory_space<vmem>> -> memref<1x64xi32, #tpu.memory_space<vmem>>
      %dma_start3A_533 = tpu.memref_squeeze %dma_start3A_532 : memref<1x64xi32, #tpu.memory_space<vmem>> -> memref<64xi32, #tpu.memory_space<vmem>>
      %dma_start3A_534 = arith.constant 0 : i32
      %dma_start3A_535 = arith.constant 0 : i32
      %dma_start3A_536 = tpu.memref_slice %arg13[%dma_start3A_534, %dma_start3A_535] : memref<10112x128xf32, #tpu.memory_space<vmem_shared>> -> memref<10112x128xf32, #tpu.memory_space<vmem_shared>>
      tpu.enqueue_indirect_dma source(%arg12 : memref<64x128xf32, #tpu.memory_space<vmem>>) target(%dma_start3A_536 : memref<10112x128xf32, #tpu.memory_space<vmem_shared>>) offsets(%dma_start3A_533 : memref<64xi32, #tpu.memory_space<vmem>>) semaphore(%arg21 : memref<!tpu.dma_semaphore, #tpu.memory_space<semaphore_mem>>) {add = true}
      %add3A_537 = arith.constant 2 : i32
      %add3A_538 = arith.addi %add3A_477, %add3A_537 : i32
      %sub3A_539 = arith.constant 2 : i32
      %sub3A_540 = arith.subi %add3A_538, %sub3A_539 : i32
      %dma_wait3A_541 = arith.constant 0 : i32
      %dma_wait3A_542 = tpu.memref_slice %arg8[%sub3A_540, %dma_wait3A_541] : memref<40x64xi32, #tpu.memory_space<vmem>> -> memref<1x64xi32, #tpu.memory_space<vmem>>
      %dma_wait3A_543 = tpu.memref_squeeze %dma_wait3A_542 : memref<1x64xi32, #tpu.memory_space<vmem>> -> memref<64xi32, #tpu.memory_space<vmem>>
      %dma_wait3A_544 = arith.constant 0 : i32
      %dma_wait3A_545 = arith.constant 0 : i32
      %dma_wait3A_546 = tpu.memref_slice %arg13[%dma_wait3A_544, %dma_wait3A_545] : memref<10112x128xf32, #tpu.memory_space<vmem_shared>> -> memref<10112x128xf32, #tpu.memory_space<vmem_shared>>
      tpu.wait_indirect_dma semaphore(%arg20 : memref<!tpu.dma_semaphore, #tpu.memory_space<semaphore_mem>>) src(%arg11 : memref<64x128xf32, #tpu.memory_space<vmem>>) dst(%dma_wait3A_546 : memref<10112x128xf32, #tpu.memory_space<vmem_shared>>)
      %add3A_547 = arith.constant 2 : i32
      %add3A_548 = arith.addi %add3A_538, %add3A_547 : i32
      %dma_start3A_549 = arith.constant 0 : i32
      %dma_start3A_550 = tpu.memref_slice %arg7[%add3A_548, %dma_start3A_549] : memref<40x64xi32, #tpu.memory_space<vmem>> -> memref<1x64xi32, #tpu.memory_space<vmem>>
      %dma_start3A_551 = tpu.memref_squeeze %dma_start3A_550 : memref<1x64xi32, #tpu.memory_space<vmem>> -> memref<64xi32, #tpu.memory_space<vmem>>
      %dma_start3A_552 = arith.constant 0 : i32
      %dma_start3A_553 = arith.constant 0 : i32
      %dma_start3A_554 = tpu.memref_slice %arg2[%dma_start3A_552, %dma_start3A_553] : memref<10000x128xf32, #tpu.memory_space<hbm>> -> memref<10000x128xf32, #tpu.memory_space<hbm>>
      tpu.enqueue_indirect_dma source(%dma_start3A_554 : memref<10000x128xf32, #tpu.memory_space<hbm>>) target(%arg11 : memref<64x128xf32, #tpu.memory_space<vmem>>) offsets(%dma_start3A_551 : memref<64xi32, #tpu.memory_space<vmem>>) semaphore(%arg16 : memref<!tpu.dma_semaphore, #tpu.memory_space<semaphore_mem>>)
      %dma_wait3A_555 = arith.constant 0 : i32
      %dma_wait3A_556 = tpu.memref_slice %arg7[%add3A_538, %dma_wait3A_555] : memref<40x64xi32, #tpu.memory_space<vmem>> -> memref<1x64xi32, #tpu.memory_space<vmem>>
      %dma_wait3A_557 = tpu.memref_squeeze %dma_wait3A_556 : memref<1x64xi32, #tpu.memory_space<vmem>> -> memref<64xi32, #tpu.memory_space<vmem>>
      %dma_wait3A_558 = arith.constant 0 : i32
      %dma_wait3A_559 = arith.constant 0 : i32
      %dma_wait3A_560 = tpu.memref_slice %arg2[%dma_wait3A_558, %dma_wait3A_559] : memref<10000x128xf32, #tpu.memory_space<hbm>> -> memref<10000x128xf32, #tpu.memory_space<hbm>>
      tpu.wait_indirect_dma semaphore(%arg14 : memref<!tpu.dma_semaphore, #tpu.memory_space<semaphore_mem>>) src(%dma_wait3A_560 : memref<10000x128xf32, #tpu.memory_space<hbm>>) dst(%arg9 : memref<64x128xf32, #tpu.memory_space<vmem>>)
      %dma_start3A_561 = arith.constant 0 : i32
      %dma_start3A_562 = tpu.memref_slice %arg8[%add3A_538, %dma_start3A_561] : memref<40x64xi32, #tpu.memory_space<vmem>> -> memref<1x64xi32, #tpu.memory_space<vmem>>
      %dma_start3A_563 = tpu.memref_squeeze %dma_start3A_562 : memref<1x64xi32, #tpu.memory_space<vmem>> -> memref<64xi32, #tpu.memory_space<vmem>>
      %dma_start3A_564 = arith.constant 0 : i32
      %dma_start3A_565 = arith.constant 0 : i32
      %dma_start3A_566 = tpu.memref_slice %arg13[%dma_start3A_564, %dma_start3A_565] : memref<10112x128xf32, #tpu.memory_space<vmem_shared>> -> memref<10112x128xf32, #tpu.memory_space<vmem_shared>>
      tpu.enqueue_indirect_dma source(%arg9 : memref<64x128xf32, #tpu.memory_space<vmem>>) target(%dma_start3A_566 : memref<10112x128xf32, #tpu.memory_space<vmem_shared>>) offsets(%dma_start3A_563 : memref<64xi32, #tpu.memory_space<vmem>>) semaphore(%arg18 : memref<!tpu.dma_semaphore, #tpu.memory_space<semaphore_mem>>) {add = true}
      %add3A_567 = arith.constant 3 : i32
      %add3A_568 = arith.addi %add3A_477, %add3A_567 : i32
      %sub3A_569 = arith.constant 2 : i32
      %sub3A_570 = arith.subi %add3A_568, %sub3A_569 : i32
      %dma_wait3A_571 = arith.constant 0 : i32
      %dma_wait3A_572 = tpu.memref_slice %arg8[%sub3A_570, %dma_wait3A_571] : memref<40x64xi32, #tpu.memory_space<vmem>> -> memref<1x64xi32, #tpu.memory_space<vmem>>
      %dma_wait3A_573 = tpu.memref_squeeze %dma_wait3A_572 : memref<1x64xi32, #tpu.memory_space<vmem>> -> memref<64xi32, #tpu.memory_space<vmem>>
      %dma_wait3A_574 = arith.constant 0 : i32
      %dma_wait3A_575 = arith.constant 0 : i32
      %dma_wait3A_576 = tpu.memref_slice %arg13[%dma_wait3A_574, %dma_wait3A_575] : memref<10112x128xf32, #tpu.memory_space<vmem_shared>> -> memref<10112x128xf32, #tpu.memory_space<vmem_shared>>
      tpu.wait_indirect_dma semaphore(%arg21 : memref<!tpu.dma_semaphore, #tpu.memory_space<semaphore_mem>>) src(%arg12 : memref<64x128xf32, #tpu.memory_space<vmem>>) dst(%dma_wait3A_576 : memref<10112x128xf32, #tpu.memory_space<vmem_shared>>)
      %add3A_577 = arith.constant 2 : i32
      %add3A_578 = arith.addi %add3A_568, %add3A_577 : i32
      %dma_start3A_579 = arith.constant 0 : i32
      %dma_start3A_580 = tpu.memref_slice %arg7[%add3A_578, %dma_start3A_579] : memref<40x64xi32, #tpu.memory_space<vmem>> -> memref<1x64xi32, #tpu.memory_space<vmem>>
      %dma_start3A_581 = tpu.memref_squeeze %dma_start3A_580 : memref<1x64xi32, #tpu.memory_space<vmem>> -> memref<64xi32, #tpu.memory_space<vmem>>
      %dma_start3A_582 = arith.constant 0 : i32
      %dma_start3A_583 = arith.constant 0 : i32
      %dma_start3A_584 = tpu.memref_slice %arg2[%dma_start3A_582, %dma_start3A_583] : memref<10000x128xf32, #tpu.memory_space<hbm>> -> memref<10000x128xf32, #tpu.memory_space<hbm>>
      tpu.enqueue_indirect_dma source(%dma_start3A_584 : memref<10000x128xf32, #tpu.memory_space<hbm>>) target(%arg12 : memref<64x128xf32, #tpu.memory_space<vmem>>) offsets(%dma_start3A_581 : memref<64xi32, #tpu.memory_space<vmem>>) semaphore(%arg17 : memref<!tpu.dma_semaphore, #tpu.memory_space<semaphore_mem>>)
      %dma_wait3A_585 = arith.constant 0 : i32
      %dma_wait3A_586 = tpu.memref_slice %arg7[%add3A_568, %dma_wait3A_585] : memref<40x64xi32, #tpu.memory_space<vmem>> -> memref<1x64xi32, #tpu.memory_space<vmem>>
      %dma_wait3A_587 = tpu.memref_squeeze %dma_wait3A_586 : memref<1x64xi32, #tpu.memory_space<vmem>> -> memref<64xi32, #tpu.memory_space<vmem>>
      %dma_wait3A_588 = arith.constant 0 : i32
      %dma_wait3A_589 = arith.constant 0 : i32
      %dma_wait3A_590 = tpu.memref_slice %arg2[%dma_wait3A_588, %dma_wait3A_589] : memref<10000x128xf32, #tpu.memory_space<hbm>> -> memref<10000x128xf32, #tpu.memory_space<hbm>>
      tpu.wait_indirect_dma semaphore(%arg15 : memref<!tpu.dma_semaphore, #tpu.memory_space<semaphore_mem>>) src(%dma_wait3A_590 : memref<10000x128xf32, #tpu.memory_space<hbm>>) dst(%arg10 : memref<64x128xf32, #tpu.memory_space<vmem>>)
      %dma_start3A_591 = arith.constant 0 : i32
      %dma_start3A_592 = tpu.memref_slice %arg8[%add3A_568, %dma_start3A_591] : memref<40x64xi32, #tpu.memory_space<vmem>> -> memref<1x64xi32, #tpu.memory_space<vmem>>
      %dma_start3A_593 = tpu.memref_squeeze %dma_start3A_592 : memref<1x64xi32, #tpu.memory_space<vmem>> -> memref<64xi32, #tpu.memory_space<vmem>>
      %dma_start3A_594 = arith.constant 0 : i32
      %dma_start3A_595 = arith.constant 0 : i32
      %dma_start3A_596 = tpu.memref_slice %arg13[%dma_start3A_594, %dma_start3A_595] : memref<10112x128xf32, #tpu.memory_space<vmem_shared>> -> memref<10112x128xf32, #tpu.memory_space<vmem_shared>>
      tpu.enqueue_indirect_dma source(%arg10 : memref<64x128xf32, #tpu.memory_space<vmem>>) target(%dma_start3A_596 : memref<10112x128xf32, #tpu.memory_space<vmem_shared>>) offsets(%dma_start3A_593 : memref<64xi32, #tpu.memory_space<vmem>>) semaphore(%arg19 : memref<!tpu.dma_semaphore, #tpu.memory_space<semaphore_mem>>) {add = true}
    }
    %scan3A_60 = arith.constant 9 : i32
    %dma_wait3A_61 = arith.constant 38 : i32
    %dma_wait3A_62 = arith.constant 0 : i32
    %dma_wait3A_63 = tpu.memref_slice %arg7[%dma_wait3A_61, %dma_wait3A_62] : memref<40x64xi32, #tpu.memory_space<vmem>> -> memref<1x64xi32, #tpu.memory_space<vmem>>
    %dma_wait3A_64 = tpu.memref_squeeze %dma_wait3A_63 : memref<1x64xi32, #tpu.memory_space<vmem>> -> memref<64xi32, #tpu.memory_space<vmem>>
    %dma_wait3A_65 = arith.constant 0 : i32
    %dma_wait3A_66 = arith.constant 0 : i32
    %dma_wait3A_67 = tpu.memref_slice %arg2[%dma_wait3A_65, %dma_wait3A_66] : memref<10000x128xf32, #tpu.memory_space<hbm>> -> memref<10000x128xf32, #tpu.memory_space<hbm>>
    tpu.wait_indirect_dma semaphore(%arg16 : memref<!tpu.dma_semaphore, #tpu.memory_space<semaphore_mem>>) src(%dma_wait3A_67 : memref<10000x128xf32, #tpu.memory_space<hbm>>) dst(%arg11 : memref<64x128xf32, #tpu.memory_space<vmem>>)
    %dma_start3A_68 = arith.constant 38 : i32
    %dma_start3A_69 = arith.constant 0 : i32
    %dma_start3A_70 = tpu.memref_slice %arg8[%dma_start3A_68, %dma_start3A_69] : memref<40x64xi32, #tpu.memory_space<vmem>> -> memref<1x64xi32, #tpu.memory_space<vmem>>
    %dma_start3A_71 = tpu.memref_squeeze %dma_start3A_70 : memref<1x64xi32, #tpu.memory_space<vmem>> -> memref<64xi32, #tpu.memory_space<vmem>>
    %dma_start3A_72 = arith.constant 0 : i32
    %dma_start3A_73 = arith.constant 0 : i32
    %dma_start3A_74 = tpu.memref_slice %arg13[%dma_start3A_72, %dma_start3A_73] : memref<10112x128xf32, #tpu.memory_space<vmem_shared>> -> memref<10112x128xf32, #tpu.memory_space<vmem_shared>>
    tpu.enqueue_indirect_dma source(%arg11 : memref<64x128xf32, #tpu.memory_space<vmem>>) target(%dma_start3A_74 : memref<10112x128xf32, #tpu.memory_space<vmem_shared>>) offsets(%dma_start3A_71 : memref<64xi32, #tpu.memory_space<vmem>>) semaphore(%arg20 : memref<!tpu.dma_semaphore, #tpu.memory_space<semaphore_mem>>) {add = true}
    %dma_wait3A_75 = arith.constant 39 : i32
    %dma_wait3A_76 = arith.constant 0 : i32
    %dma_wait3A_77 = tpu.memref_slice %arg7[%dma_wait3A_75, %dma_wait3A_76] : memref<40x64xi32, #tpu.memory_space<vmem>> -> memref<1x64xi32, #tpu.memory_space<vmem>>
    %dma_wait3A_78 = tpu.memref_squeeze %dma_wait3A_77 : memref<1x64xi32, #tpu.memory_space<vmem>> -> memref<64xi32, #tpu.memory_space<vmem>>
    %dma_wait3A_79 = arith.constant 0 : i32
    %dma_wait3A_80 = arith.constant 0 : i32
    %dma_wait3A_81 = tpu.memref_slice %arg2[%dma_wait3A_79, %dma_wait3A_80] : memref<10000x128xf32, #tpu.memory_space<hbm>> -> memref<10000x128xf32, #tpu.memory_space<hbm>>
    tpu.wait_indirect_dma semaphore(%arg17 : memref<!tpu.dma_semaphore, #tpu.memory_space<semaphore_mem>>) src(%dma_wait3A_81 : memref<10000x128xf32, #tpu.memory_space<hbm>>) dst(%arg12 : memref<64x128xf32, #tpu.memory_space<vmem>>)
    %dma_start3A_82 = arith.constant 39 : i32
    %dma_start3A_83 = arith.constant 0 : i32
    %dma_start3A_84 = tpu.memref_slice %arg8[%dma_start3A_82, %dma_start3A_83] : memref<40x64xi32, #tpu.memory_space<vmem>> -> memref<1x64xi32, #tpu.memory_space<vmem>>
    %dma_start3A_85 = tpu.memref_squeeze %dma_start3A_84 : memref<1x64xi32, #tpu.memory_space<vmem>> -> memref<64xi32, #tpu.memory_space<vmem>>
    %dma_start3A_86 = arith.constant 0 : i32
    %dma_start3A_87 = arith.constant 0 : i32
    %dma_start3A_88 = tpu.memref_slice %arg13[%dma_start3A_86, %dma_start3A_87] : memref<10112x128xf32, #tpu.memory_space<vmem_shared>> -> memref<10112x128xf32, #tpu.memory_space<vmem_shared>>
    tpu.enqueue_indirect_dma source(%arg12 : memref<64x128xf32, #tpu.memory_space<vmem>>) target(%dma_start3A_88 : memref<10112x128xf32, #tpu.memory_space<vmem_shared>>) offsets(%dma_start3A_85 : memref<64xi32, #tpu.memory_space<vmem>>) semaphore(%arg21 : memref<!tpu.dma_semaphore, #tpu.memory_space<semaphore_mem>>) {add = true}
    %dma_wait3A_89 = arith.constant 36 : i32
    %dma_wait3A_90 = arith.constant 0 : i32
    %dma_wait3A_91 = tpu.memref_slice %arg8[%dma_wait3A_89, %dma_wait3A_90] : memref<40x64xi32, #tpu.memory_space<vmem>> -> memref<1x64xi32, #tpu.memory_space<vmem>>
    %dma_wait3A_92 = tpu.memref_squeeze %dma_wait3A_91 : memref<1x64xi32, #tpu.memory_space<vmem>> -> memref<64xi32, #tpu.memory_space<vmem>>
    %dma_wait3A_93 = arith.constant 0 : i32
    %dma_wait3A_94 = arith.constant 0 : i32
    %dma_wait3A_95 = tpu.memref_slice %arg13[%dma_wait3A_93, %dma_wait3A_94] : memref<10112x128xf32, #tpu.memory_space<vmem_shared>> -> memref<10112x128xf32, #tpu.memory_space<vmem_shared>>
    tpu.wait_indirect_dma semaphore(%arg18 : memref<!tpu.dma_semaphore, #tpu.memory_space<semaphore_mem>>) src(%arg9 : memref<64x128xf32, #tpu.memory_space<vmem>>) dst(%dma_wait3A_95 : memref<10112x128xf32, #tpu.memory_space<vmem_shared>>)
    %dma_wait3A_96 = arith.constant 37 : i32
    %dma_wait3A_97 = arith.constant 0 : i32
    %dma_wait3A_98 = tpu.memref_slice %arg8[%dma_wait3A_96, %dma_wait3A_97] : memref<40x64xi32, #tpu.memory_space<vmem>> -> memref<1x64xi32, #tpu.memory_space<vmem>>
    %dma_wait3A_99 = tpu.memref_squeeze %dma_wait3A_98 : memref<1x64xi32, #tpu.memory_space<vmem>> -> memref<64xi32, #tpu.memory_space<vmem>>
    %dma_wait3A_100 = arith.constant 0 : i32
    %dma_wait3A_101 = arith.constant 0 : i32
    %dma_wait3A_102 = tpu.memref_slice %arg13[%dma_wait3A_100, %dma_wait3A_101] : memref<10112x128xf32, #tpu.memory_space<vmem_shared>> -> memref<10112x128xf32, #tpu.memory_space<vmem_shared>>
    tpu.wait_indirect_dma semaphore(%arg19 : memref<!tpu.dma_semaphore, #tpu.memory_space<semaphore_mem>>) src(%arg10 : memref<64x128xf32, #tpu.memory_space<vmem>>) dst(%dma_wait3A_102 : memref<10112x128xf32, #tpu.memory_space<vmem_shared>>)
    %dma_wait3A_103 = arith.constant 38 : i32
    %dma_wait3A_104 = arith.constant 0 : i32
    %dma_wait3A_105 = tpu.memref_slice %arg8[%dma_wait3A_103, %dma_wait3A_104] : memref<40x64xi32, #tpu.memory_space<vmem>> -> memref<1x64xi32, #tpu.memory_space<vmem>>
    %dma_wait3A_106 = tpu.memref_squeeze %dma_wait3A_105 : memref<1x64xi32, #tpu.memory_space<vmem>> -> memref<64xi32, #tpu.memory_space<vmem>>
    %dma_wait3A_107 = arith.constant 0 : i32
    %dma_wait3A_108 = arith.constant 0 : i32
    %dma_wait3A_109 = tpu.memref_slice %arg13[%dma_wait3A_107, %dma_wait3A_108] : memref<10112x128xf32, #tpu.memory_space<vmem_shared>> -> memref<10112x128xf32, #tpu.memory_space<vmem_shared>>
    tpu.wait_indirect_dma semaphore(%arg20 : memref<!tpu.dma_semaphore, #tpu.memory_space<semaphore_mem>>) src(%arg11 : memref<64x128xf32, #tpu.memory_space<vmem>>) dst(%dma_wait3A_109 : memref<10112x128xf32, #tpu.memory_space<vmem_shared>>)
    %dma_wait3A_110 = arith.constant 39 : i32
    %dma_wait3A_111 = arith.constant 0 : i32
    %dma_wait3A_112 = tpu.memref_slice %arg8[%dma_wait3A_110, %dma_wait3A_111] : memref<40x64xi32, #tpu.memory_space<vmem>> -> memref<1x64xi32, #tpu.memory_space<vmem>>
    %dma_wait3A_113 = tpu.memref_squeeze %dma_wait3A_112 : memref<1x64xi32, #tpu.memory_space<vmem>> -> memref<64xi32, #tpu.memory_space<vmem>>
    %dma_wait3A_114 = arith.constant 0 : i32
    %dma_wait3A_115 = arith.constant 0 : i32
    %dma_wait3A_116 = tpu.memref_slice %arg13[%dma_wait3A_114, %dma_wait3A_115] : memref<10112x128xf32, #tpu.memory_space<vmem_shared>> -> memref<10112x128xf32, #tpu.memory_space<vmem_shared>>
    tpu.wait_indirect_dma semaphore(%arg21 : memref<!tpu.dma_semaphore, #tpu.memory_space<semaphore_mem>>) src(%arg12 : memref<64x128xf32, #tpu.memory_space<vmem>>) dst(%dma_wait3A_116 : memref<10112x128xf32, #tpu.memory_space<vmem_shared>>)
    "tpu.region"() ({
      %run_scoped3A = tpu.sem_alloc : memref<!tpu.dma_semaphore, #tpu.memory_space<semaphore_mem>>
      %dma_start3A_473 = arith.constant 40 : i32
      %dma_start3A_474 = arith.constant 0 : i32
      %dma_start3A_475 = tpu.memref_slice %arg3[%add3A, %dma_start3A_473, %dma_start3A_474] : memref<32x160x64xi32, #tpu.memory_space<hbm>> -> memref<1x40x64xi32, #tpu.memory_space<hbm>>
      %dma_start3A_476 = tpu.memref_squeeze %dma_start3A_475 : memref<1x40x64xi32, #tpu.memory_space<hbm>> -> memref<40x64xi32, #tpu.memory_space<hbm>>
      %dma_start3A_477 = arith.constant 40 : i32
      %dma_start3A_478 = arith.constant 0 : i32
      %dma_start3A_479 = tpu.memref_slice %arg3[%add3A, %dma_start3A_477, %dma_start3A_478] : memref<32x160x64xi32, #tpu.memory_space<hbm>> -> memref<1x40x64xi32, #tpu.memory_space<hbm>>
      %dma_start3A_480 = tpu.memref_squeeze %dma_start3A_479 : memref<1x40x64xi32, #tpu.memory_space<hbm>> -> memref<40x64xi32, #tpu.memory_space<hbm>>
      tpu.enqueue_dma source(%dma_start3A_480 : memref<40x64xi32, #tpu.memory_space<hbm>>) target(%arg7 : memref<40x64xi32, #tpu.memory_space<vmem>>) target_semaphore(%run_scoped3A : memref<!tpu.dma_semaphore, #tpu.memory_space<semaphore_mem>>)
      %dma_wait3A_481 = arith.constant 40 : i32
      %dma_wait3A_482 = arith.constant 0 : i32
      %dma_wait3A_483 = tpu.memref_slice %arg3[%add3A, %dma_wait3A_481, %dma_wait3A_482] : memref<32x160x64xi32, #tpu.memory_space<hbm>> -> memref<1x40x64xi32, #tpu.memory_space<hbm>>
      %dma_wait3A_484 = tpu.memref_squeeze %dma_wait3A_483 : memref<1x40x64xi32, #tpu.memory_space<hbm>> -> memref<40x64xi32, #tpu.memory_space<hbm>>
      %dma_wait3A_485 = arith.constant 40 : i32
      %dma_wait3A_486 = arith.constant 0 : i32
      %dma_wait3A_487 = tpu.memref_slice %arg3[%add3A, %dma_wait3A_485, %dma_wait3A_486] : memref<32x160x64xi32, #tpu.memory_space<hbm>> -> memref<1x40x64xi32, #tpu.memory_space<hbm>>
      %dma_wait3A_488 = tpu.memref_squeeze %dma_wait3A_487 : memref<1x40x64xi32, #tpu.memory_space<hbm>> -> memref<40x64xi32, #tpu.memory_space<hbm>>
      tpu.wait_dma2 semaphore(%run_scoped3A : memref<!tpu.dma_semaphore, #tpu.memory_space<semaphore_mem>>) src(%dma_wait3A_488 : memref<40x64xi32, #tpu.memory_space<hbm>>) dst(%arg7 : memref<40x64xi32, #tpu.memory_space<vmem>>)
      tpu.yield
    }) : () -> ()
    "tpu.region"() ({
      %run_scoped3A = tpu.sem_alloc : memref<!tpu.dma_semaphore, #tpu.memory_space<semaphore_mem>>
      %dma_start3A_473 = arith.constant 40 : i32
      %dma_start3A_474 = arith.constant 0 : i32
      %dma_start3A_475 = tpu.memref_slice %arg4[%add3A, %dma_start3A_473, %dma_start3A_474] : memref<32x160x64xi32, #tpu.memory_space<hbm>> -> memref<1x40x64xi32, #tpu.memory_space<hbm>>
      %dma_start3A_476 = tpu.memref_squeeze %dma_start3A_475 : memref<1x40x64xi32, #tpu.memory_space<hbm>> -> memref<40x64xi32, #tpu.memory_space<hbm>>
      %dma_start3A_477 = arith.constant 40 : i32
      %dma_start3A_478 = arith.constant 0 : i32
      %dma_start3A_479 = tpu.memref_slice %arg4[%add3A, %dma_start3A_477, %dma_start3A_478] : memref<32x160x64xi32, #tpu.memory_space<hbm>> -> memref<1x40x64xi32, #tpu.memory_space<hbm>>
      %dma_start3A_480 = tpu.memref_squeeze %dma_start3A_479 : memref<1x40x64xi32, #tpu.memory_space<hbm>> -> memref<40x64xi32, #tpu.memory_space<hbm>>
      tpu.enqueue_dma source(%dma_start3A_480 : memref<40x64xi32, #tpu.memory_space<hbm>>) target(%arg8 : memref<40x64xi32, #tpu.memory_space<vmem>>) target_semaphore(%run_scoped3A : memref<!tpu.dma_semaphore, #tpu.memory_space<semaphore_mem>>)
      %dma_wait3A_481 = arith.constant 40 : i32
      %dma_wait3A_482 = arith.constant 0 : i32
      %dma_wait3A_483 = tpu.memref_slice %arg4[%add3A, %dma_wait3A_481, %dma_wait3A_482] : memref<32x160x64xi32, #tpu.memory_space<hbm>> -> memref<1x40x64xi32, #tpu.memory_space<hbm>>
      %dma_wait3A_484 = tpu.memref_squeeze %dma_wait3A_483 : memref<1x40x64xi32, #tpu.memory_space<hbm>> -> memref<40x64xi32, #tpu.memory_space<hbm>>
      %dma_wait3A_485 = arith.constant 40 : i32
      %dma_wait3A_486 = arith.constant 0 : i32
      %dma_wait3A_487 = tpu.memref_slice %arg4[%add3A, %dma_wait3A_485, %dma_wait3A_486] : memref<32x160x64xi32, #tpu.memory_space<hbm>> -> memref<1x40x64xi32, #tpu.memory_space<hbm>>
      %dma_wait3A_488 = tpu.memref_squeeze %dma_wait3A_487 : memref<1x40x64xi32, #tpu.memory_space<hbm>> -> memref<40x64xi32, #tpu.memory_space<hbm>>
      tpu.wait_dma2 semaphore(%run_scoped3A : memref<!tpu.dma_semaphore, #tpu.memory_space<semaphore_mem>>) src(%dma_wait3A_488 : memref<40x64xi32, #tpu.memory_space<hbm>>) dst(%arg8 : memref<40x64xi32, #tpu.memory_space<vmem>>)
      tpu.yield
    }) : () -> ()
    %dma_start3A_117 = arith.constant 0 : i32
    %dma_start3A_118 = arith.constant 0 : i32
    %dma_start3A_119 = tpu.memref_slice %arg7[%dma_start3A_117, %dma_start3A_118] : memref<40x64xi32, #tpu.memory_space<vmem>> -> memref<1x64xi32, #tpu.memory_space<vmem>>
    %dma_start3A_120 = tpu.memref_squeeze %dma_start3A_119 : memref<1x64xi32, #tpu.memory_space<vmem>> -> memref<64xi32, #tpu.memory_space<vmem>>
    %dma_start3A_121 = arith.constant 0 : i32
    %dma_start3A_122 = arith.constant 0 : i32
    %dma_start3A_123 = tpu.memref_slice %arg2[%dma_start3A_121, %dma_start3A_122] : memref<10000x128xf32, #tpu.memory_space<hbm>> -> memref<10000x128xf32, #tpu.memory_space<hbm>>
    tpu.enqueue_indirect_dma source(%dma_start3A_123 : memref<10000x128xf32, #tpu.memory_space<hbm>>) target(%arg9 : memref<64x128xf32, #tpu.memory_space<vmem>>) offsets(%dma_start3A_120 : memref<64xi32, #tpu.memory_space<vmem>>) semaphore(%arg14 : memref<!tpu.dma_semaphore, #tpu.memory_space<semaphore_mem>>)
    %dma_start3A_124 = arith.constant 1 : i32
    %dma_start3A_125 = arith.constant 0 : i32
    %dma_start3A_126 = tpu.memref_slice %arg7[%dma_start3A_124, %dma_start3A_125] : memref<40x64xi32, #tpu.memory_space<vmem>> -> memref<1x64xi32, #tpu.memory_space<vmem>>
    %dma_start3A_127 = tpu.memref_squeeze %dma_start3A_126 : memref<1x64xi32, #tpu.memory_space<vmem>> -> memref<64xi32, #tpu.memory_space<vmem>>
    %dma_start3A_128 = arith.constant 0 : i32
    %dma_start3A_129 = arith.constant 0 : i32
    %dma_start3A_130 = tpu.memref_slice %arg2[%dma_start3A_128, %dma_start3A_129] : memref<10000x128xf32, #tpu.memory_space<hbm>> -> memref<10000x128xf32, #tpu.memory_space<hbm>>
    tpu.enqueue_indirect_dma source(%dma_start3A_130 : memref<10000x128xf32, #tpu.memory_space<hbm>>) target(%arg10 : memref<64x128xf32, #tpu.memory_space<vmem>>) offsets(%dma_start3A_127 : memref<64xi32, #tpu.memory_space<vmem>>) semaphore(%arg15 : memref<!tpu.dma_semaphore, #tpu.memory_space<semaphore_mem>>)
    %dma_start3A_131 = arith.constant 2 : i32
    %dma_start3A_132 = arith.constant 0 : i32
    %dma_start3A_133 = tpu.memref_slice %arg7[%dma_start3A_131, %dma_start3A_132] : memref<40x64xi32, #tpu.memory_space<vmem>> -> memref<1x64xi32, #tpu.memory_space<vmem>>
    %dma_start3A_134 = tpu.memref_squeeze %dma_start3A_133 : memref<1x64xi32, #tpu.memory_space<vmem>> -> memref<64xi32, #tpu.memory_space<vmem>>
    %dma_start3A_135 = arith.constant 0 : i32
    %dma_start3A_136 = arith.constant 0 : i32
    %dma_start3A_137 = tpu.memref_slice %arg2[%dma_start3A_135, %dma_start3A_136] : memref<10000x128xf32, #tpu.memory_space<hbm>> -> memref<10000x128xf32, #tpu.memory_space<hbm>>
    tpu.enqueue_indirect_dma source(%dma_start3A_137 : memref<10000x128xf32, #tpu.memory_space<hbm>>) target(%arg11 : memref<64x128xf32, #tpu.memory_space<vmem>>) offsets(%dma_start3A_134 : memref<64xi32, #tpu.memory_space<vmem>>) semaphore(%arg16 : memref<!tpu.dma_semaphore, #tpu.memory_space<semaphore_mem>>)
    %dma_wait3A_138 = arith.constant 0 : i32
    %dma_wait3A_139 = arith.constant 0 : i32
    %dma_wait3A_140 = tpu.memref_slice %arg7[%dma_wait3A_138, %dma_wait3A_139] : memref<40x64xi32, #tpu.memory_space<vmem>> -> memref<1x64xi32, #tpu.memory_space<vmem>>
    %dma_wait3A_141 = tpu.memref_squeeze %dma_wait3A_140 : memref<1x64xi32, #tpu.memory_space<vmem>> -> memref<64xi32, #tpu.memory_space<vmem>>
    %dma_wait3A_142 = arith.constant 0 : i32
    %dma_wait3A_143 = arith.constant 0 : i32
    %dma_wait3A_144 = tpu.memref_slice %arg2[%dma_wait3A_142, %dma_wait3A_143] : memref<10000x128xf32, #tpu.memory_space<hbm>> -> memref<10000x128xf32, #tpu.memory_space<hbm>>
    tpu.wait_indirect_dma semaphore(%arg14 : memref<!tpu.dma_semaphore, #tpu.memory_space<semaphore_mem>>) src(%dma_wait3A_144 : memref<10000x128xf32, #tpu.memory_space<hbm>>) dst(%arg9 : memref<64x128xf32, #tpu.memory_space<vmem>>)
    %dma_start3A_145 = arith.constant 0 : i32
    %dma_start3A_146 = arith.constant 0 : i32
    %dma_start3A_147 = tpu.memref_slice %arg8[%dma_start3A_145, %dma_start3A_146] : memref<40x64xi32, #tpu.memory_space<vmem>> -> memref<1x64xi32, #tpu.memory_space<vmem>>
    %dma_start3A_148 = tpu.memref_squeeze %dma_start3A_147 : memref<1x64xi32, #tpu.memory_space<vmem>> -> memref<64xi32, #tpu.memory_space<vmem>>
    %dma_start3A_149 = arith.constant 0 : i32
    %dma_start3A_150 = arith.constant 0 : i32
    %dma_start3A_151 = tpu.memref_slice %arg13[%dma_start3A_149, %dma_start3A_150] : memref<10112x128xf32, #tpu.memory_space<vmem_shared>> -> memref<10112x128xf32, #tpu.memory_space<vmem_shared>>
    tpu.enqueue_indirect_dma source(%arg9 : memref<64x128xf32, #tpu.memory_space<vmem>>) target(%dma_start3A_151 : memref<10112x128xf32, #tpu.memory_space<vmem_shared>>) offsets(%dma_start3A_148 : memref<64xi32, #tpu.memory_space<vmem>>) semaphore(%arg18 : memref<!tpu.dma_semaphore, #tpu.memory_space<semaphore_mem>>) {add = true}
    %dma_start3A_152 = arith.constant 3 : i32
    %dma_start3A_153 = arith.constant 0 : i32
    %dma_start3A_154 = tpu.memref_slice %arg7[%dma_start3A_152, %dma_start3A_153] : memref<40x64xi32, #tpu.memory_space<vmem>> -> memref<1x64xi32, #tpu.memory_space<vmem>>
    %dma_start3A_155 = tpu.memref_squeeze %dma_start3A_154 : memref<1x64xi32, #tpu.memory_space<vmem>> -> memref<64xi32, #tpu.memory_space<vmem>>
    %dma_start3A_156 = arith.constant 0 : i32
    %dma_start3A_157 = arith.constant 0 : i32
    %dma_start3A_158 = tpu.memref_slice %arg2[%dma_start3A_156, %dma_start3A_157] : memref<10000x128xf32, #tpu.memory_space<hbm>> -> memref<10000x128xf32, #tpu.memory_space<hbm>>
    tpu.enqueue_indirect_dma source(%dma_start3A_158 : memref<10000x128xf32, #tpu.memory_space<hbm>>) target(%arg12 : memref<64x128xf32, #tpu.memory_space<vmem>>) offsets(%dma_start3A_155 : memref<64xi32, #tpu.memory_space<vmem>>) semaphore(%arg17 : memref<!tpu.dma_semaphore, #tpu.memory_space<semaphore_mem>>)
    %dma_wait3A_159 = arith.constant 1 : i32
    %dma_wait3A_160 = arith.constant 0 : i32
    %dma_wait3A_161 = tpu.memref_slice %arg7[%dma_wait3A_159, %dma_wait3A_160] : memref<40x64xi32, #tpu.memory_space<vmem>> -> memref<1x64xi32, #tpu.memory_space<vmem>>
    %dma_wait3A_162 = tpu.memref_squeeze %dma_wait3A_161 : memref<1x64xi32, #tpu.memory_space<vmem>> -> memref<64xi32, #tpu.memory_space<vmem>>
    %dma_wait3A_163 = arith.constant 0 : i32
    %dma_wait3A_164 = arith.constant 0 : i32
    %dma_wait3A_165 = tpu.memref_slice %arg2[%dma_wait3A_163, %dma_wait3A_164] : memref<10000x128xf32, #tpu.memory_space<hbm>> -> memref<10000x128xf32, #tpu.memory_space<hbm>>
    tpu.wait_indirect_dma semaphore(%arg15 : memref<!tpu.dma_semaphore, #tpu.memory_space<semaphore_mem>>) src(%dma_wait3A_165 : memref<10000x128xf32, #tpu.memory_space<hbm>>) dst(%arg10 : memref<64x128xf32, #tpu.memory_space<vmem>>)
    %dma_start3A_166 = arith.constant 1 : i32
    %dma_start3A_167 = arith.constant 0 : i32
    %dma_start3A_168 = tpu.memref_slice %arg8[%dma_start3A_166, %dma_start3A_167] : memref<40x64xi32, #tpu.memory_space<vmem>> -> memref<1x64xi32, #tpu.memory_space<vmem>>
    %dma_start3A_169 = tpu.memref_squeeze %dma_start3A_168 : memref<1x64xi32, #tpu.memory_space<vmem>> -> memref<64xi32, #tpu.memory_space<vmem>>
    %dma_start3A_170 = arith.constant 0 : i32
    %dma_start3A_171 = arith.constant 0 : i32
    %dma_start3A_172 = tpu.memref_slice %arg13[%dma_start3A_170, %dma_start3A_171] : memref<10112x128xf32, #tpu.memory_space<vmem_shared>> -> memref<10112x128xf32, #tpu.memory_space<vmem_shared>>
    tpu.enqueue_indirect_dma source(%arg10 : memref<64x128xf32, #tpu.memory_space<vmem>>) target(%dma_start3A_172 : memref<10112x128xf32, #tpu.memory_space<vmem_shared>>) offsets(%dma_start3A_169 : memref<64xi32, #tpu.memory_space<vmem>>) semaphore(%arg19 : memref<!tpu.dma_semaphore, #tpu.memory_space<semaphore_mem>>) {add = true}
    %scan3A_173 = arith.constant 0 : i32
    %scan3A_174 = arith.constant 9 : i32
    %scan3A_175 = arith.addi %scan3A_173, %scan3A_174 : i32
    %scan3A_176 = arith.constant 1 : i32
    scf.for %scan3A_473 = %scan3A_173 to %scan3A_175 step %scan3A_176  : i32 {
      %mul3A_474 = arith.constant 4 : i32
      %mul3A_475 = arith.muli %scan3A_473, %mul3A_474 : i32
      %add3A_476 = arith.constant 2 : i32
      %add3A_477 = arith.addi %add3A_476, %mul3A_475 : i32
      %add3A_478 = arith.constant 0 : i32
      %add3A_479 = arith.addi %add3A_477, %add3A_478 : i32
      %sub3A = arith.constant 2 : i32
      %sub3A_480 = arith.subi %add3A_479, %sub3A : i32
      %dma_wait3A_481 = arith.constant 0 : i32
      %dma_wait3A_482 = tpu.memref_slice %arg8[%sub3A_480, %dma_wait3A_481] : memref<40x64xi32, #tpu.memory_space<vmem>> -> memref<1x64xi32, #tpu.memory_space<vmem>>
      %dma_wait3A_483 = tpu.memref_squeeze %dma_wait3A_482 : memref<1x64xi32, #tpu.memory_space<vmem>> -> memref<64xi32, #tpu.memory_space<vmem>>
      %dma_wait3A_484 = arith.constant 0 : i32
      %dma_wait3A_485 = arith.constant 0 : i32
      %dma_wait3A_486 = tpu.memref_slice %arg13[%dma_wait3A_484, %dma_wait3A_485] : memref<10112x128xf32, #tpu.memory_space<vmem_shared>> -> memref<10112x128xf32, #tpu.memory_space<vmem_shared>>
      tpu.wait_indirect_dma semaphore(%arg18 : memref<!tpu.dma_semaphore, #tpu.memory_space<semaphore_mem>>) src(%arg9 : memref<64x128xf32, #tpu.memory_space<vmem>>) dst(%dma_wait3A_486 : memref<10112x128xf32, #tpu.memory_space<vmem_shared>>)
      %add3A_487 = arith.constant 2 : i32
      %add3A_488 = arith.addi %add3A_479, %add3A_487 : i32
      %dma_start3A_489 = arith.constant 0 : i32
      %dma_start3A_490 = tpu.memref_slice %arg7[%add3A_488, %dma_start3A_489] : memref<40x64xi32, #tpu.memory_space<vmem>> -> memref<1x64xi32, #tpu.memory_space<vmem>>
      %dma_start3A_491 = tpu.memref_squeeze %dma_start3A_490 : memref<1x64xi32, #tpu.memory_space<vmem>> -> memref<64xi32, #tpu.memory_space<vmem>>
      %dma_start3A_492 = arith.constant 0 : i32
      %dma_start3A_493 = arith.constant 0 : i32
      %dma_start3A_494 = tpu.memref_slice %arg2[%dma_start3A_492, %dma_start3A_493] : memref<10000x128xf32, #tpu.memory_space<hbm>> -> memref<10000x128xf32, #tpu.memory_space<hbm>>
      tpu.enqueue_indirect_dma source(%dma_start3A_494 : memref<10000x128xf32, #tpu.memory_space<hbm>>) target(%arg9 : memref<64x128xf32, #tpu.memory_space<vmem>>) offsets(%dma_start3A_491 : memref<64xi32, #tpu.memory_space<vmem>>) semaphore(%arg14 : memref<!tpu.dma_semaphore, #tpu.memory_space<semaphore_mem>>)
      %dma_wait3A_495 = arith.constant 0 : i32
      %dma_wait3A_496 = tpu.memref_slice %arg7[%add3A_479, %dma_wait3A_495] : memref<40x64xi32, #tpu.memory_space<vmem>> -> memref<1x64xi32, #tpu.memory_space<vmem>>
      %dma_wait3A_497 = tpu.memref_squeeze %dma_wait3A_496 : memref<1x64xi32, #tpu.memory_space<vmem>> -> memref<64xi32, #tpu.memory_space<vmem>>
      %dma_wait3A_498 = arith.constant 0 : i32
      %dma_wait3A_499 = arith.constant 0 : i32
      %dma_wait3A_500 = tpu.memref_slice %arg2[%dma_wait3A_498, %dma_wait3A_499] : memref<10000x128xf32, #tpu.memory_space<hbm>> -> memref<10000x128xf32, #tpu.memory_space<hbm>>
      tpu.wait_indirect_dma semaphore(%arg16 : memref<!tpu.dma_semaphore, #tpu.memory_space<semaphore_mem>>) src(%dma_wait3A_500 : memref<10000x128xf32, #tpu.memory_space<hbm>>) dst(%arg11 : memref<64x128xf32, #tpu.memory_space<vmem>>)
      %dma_start3A_501 = arith.constant 0 : i32
      %dma_start3A_502 = tpu.memref_slice %arg8[%add3A_479, %dma_start3A_501] : memref<40x64xi32, #tpu.memory_space<vmem>> -> memref<1x64xi32, #tpu.memory_space<vmem>>
      %dma_start3A_503 = tpu.memref_squeeze %dma_start3A_502 : memref<1x64xi32, #tpu.memory_space<vmem>> -> memref<64xi32, #tpu.memory_space<vmem>>
      %dma_start3A_504 = arith.constant 0 : i32
      %dma_start3A_505 = arith.constant 0 : i32
      %dma_start3A_506 = tpu.memref_slice %arg13[%dma_start3A_504, %dma_start3A_505] : memref<10112x128xf32, #tpu.memory_space<vmem_shared>> -> memref<10112x128xf32, #tpu.memory_space<vmem_shared>>
      tpu.enqueue_indirect_dma source(%arg11 : memref<64x128xf32, #tpu.memory_space<vmem>>) target(%dma_start3A_506 : memref<10112x128xf32, #tpu.memory_space<vmem_shared>>) offsets(%dma_start3A_503 : memref<64xi32, #tpu.memory_space<vmem>>) semaphore(%arg20 : memref<!tpu.dma_semaphore, #tpu.memory_space<semaphore_mem>>) {add = true}
      %add3A_507 = arith.constant 1 : i32
      %add3A_508 = arith.addi %add3A_477, %add3A_507 : i32
      %sub3A_509 = arith.constant 2 : i32
      %sub3A_510 = arith.subi %add3A_508, %sub3A_509 : i32
      %dma_wait3A_511 = arith.constant 0 : i32
      %dma_wait3A_512 = tpu.memref_slice %arg8[%sub3A_510, %dma_wait3A_511] : memref<40x64xi32, #tpu.memory_space<vmem>> -> memref<1x64xi32, #tpu.memory_space<vmem>>
      %dma_wait3A_513 = tpu.memref_squeeze %dma_wait3A_512 : memref<1x64xi32, #tpu.memory_space<vmem>> -> memref<64xi32, #tpu.memory_space<vmem>>
      %dma_wait3A_514 = arith.constant 0 : i32
      %dma_wait3A_515 = arith.constant 0 : i32
      %dma_wait3A_516 = tpu.memref_slice %arg13[%dma_wait3A_514, %dma_wait3A_515] : memref<10112x128xf32, #tpu.memory_space<vmem_shared>> -> memref<10112x128xf32, #tpu.memory_space<vmem_shared>>
      tpu.wait_indirect_dma semaphore(%arg19 : memref<!tpu.dma_semaphore, #tpu.memory_space<semaphore_mem>>) src(%arg10 : memref<64x128xf32, #tpu.memory_space<vmem>>) dst(%dma_wait3A_516 : memref<10112x128xf32, #tpu.memory_space<vmem_shared>>)
      %add3A_517 = arith.constant 2 : i32
      %add3A_518 = arith.addi %add3A_508, %add3A_517 : i32
      %dma_start3A_519 = arith.constant 0 : i32
      %dma_start3A_520 = tpu.memref_slice %arg7[%add3A_518, %dma_start3A_519] : memref<40x64xi32, #tpu.memory_space<vmem>> -> memref<1x64xi32, #tpu.memory_space<vmem>>
      %dma_start3A_521 = tpu.memref_squeeze %dma_start3A_520 : memref<1x64xi32, #tpu.memory_space<vmem>> -> memref<64xi32, #tpu.memory_space<vmem>>
      %dma_start3A_522 = arith.constant 0 : i32
      %dma_start3A_523 = arith.constant 0 : i32
      %dma_start3A_524 = tpu.memref_slice %arg2[%dma_start3A_522, %dma_start3A_523] : memref<10000x128xf32, #tpu.memory_space<hbm>> -> memref<10000x128xf32, #tpu.memory_space<hbm>>
      tpu.enqueue_indirect_dma source(%dma_start3A_524 : memref<10000x128xf32, #tpu.memory_space<hbm>>) target(%arg10 : memref<64x128xf32, #tpu.memory_space<vmem>>) offsets(%dma_start3A_521 : memref<64xi32, #tpu.memory_space<vmem>>) semaphore(%arg15 : memref<!tpu.dma_semaphore, #tpu.memory_space<semaphore_mem>>)
      %dma_wait3A_525 = arith.constant 0 : i32
      %dma_wait3A_526 = tpu.memref_slice %arg7[%add3A_508, %dma_wait3A_525] : memref<40x64xi32, #tpu.memory_space<vmem>> -> memref<1x64xi32, #tpu.memory_space<vmem>>
      %dma_wait3A_527 = tpu.memref_squeeze %dma_wait3A_526 : memref<1x64xi32, #tpu.memory_space<vmem>> -> memref<64xi32, #tpu.memory_space<vmem>>
      %dma_wait3A_528 = arith.constant 0 : i32
      %dma_wait3A_529 = arith.constant 0 : i32
      %dma_wait3A_530 = tpu.memref_slice %arg2[%dma_wait3A_528, %dma_wait3A_529] : memref<10000x128xf32, #tpu.memory_space<hbm>> -> memref<10000x128xf32, #tpu.memory_space<hbm>>
      tpu.wait_indirect_dma semaphore(%arg17 : memref<!tpu.dma_semaphore, #tpu.memory_space<semaphore_mem>>) src(%dma_wait3A_530 : memref<10000x128xf32, #tpu.memory_space<hbm>>) dst(%arg12 : memref<64x128xf32, #tpu.memory_space<vmem>>)
      %dma_start3A_531 = arith.constant 0 : i32
      %dma_start3A_532 = tpu.memref_slice %arg8[%add3A_508, %dma_start3A_531] : memref<40x64xi32, #tpu.memory_space<vmem>> -> memref<1x64xi32, #tpu.memory_space<vmem>>
      %dma_start3A_533 = tpu.memref_squeeze %dma_start3A_532 : memref<1x64xi32, #tpu.memory_space<vmem>> -> memref<64xi32, #tpu.memory_space<vmem>>
      %dma_start3A_534 = arith.constant 0 : i32
      %dma_start3A_535 = arith.constant 0 : i32
      %dma_start3A_536 = tpu.memref_slice %arg13[%dma_start3A_534, %dma_start3A_535] : memref<10112x128xf32, #tpu.memory_space<vmem_shared>> -> memref<10112x128xf32, #tpu.memory_space<vmem_shared>>
      tpu.enqueue_indirect_dma source(%arg12 : memref<64x128xf32, #tpu.memory_space<vmem>>) target(%dma_start3A_536 : memref<10112x128xf32, #tpu.memory_space<vmem_shared>>) offsets(%dma_start3A_533 : memref<64xi32, #tpu.memory_space<vmem>>) semaphore(%arg21 : memref<!tpu.dma_semaphore, #tpu.memory_space<semaphore_mem>>) {add = true}
      %add3A_537 = arith.constant 2 : i32
      %add3A_538 = arith.addi %add3A_477, %add3A_537 : i32
      %sub3A_539 = arith.constant 2 : i32
      %sub3A_540 = arith.subi %add3A_538, %sub3A_539 : i32
      %dma_wait3A_541 = arith.constant 0 : i32
      %dma_wait3A_542 = tpu.memref_slice %arg8[%sub3A_540, %dma_wait3A_541] : memref<40x64xi32, #tpu.memory_space<vmem>> -> memref<1x64xi32, #tpu.memory_space<vmem>>
      %dma_wait3A_543 = tpu.memref_squeeze %dma_wait3A_542 : memref<1x64xi32, #tpu.memory_space<vmem>> -> memref<64xi32, #tpu.memory_space<vmem>>
      %dma_wait3A_544 = arith.constant 0 : i32
      %dma_wait3A_545 = arith.constant 0 : i32
      %dma_wait3A_546 = tpu.memref_slice %arg13[%dma_wait3A_544, %dma_wait3A_545] : memref<10112x128xf32, #tpu.memory_space<vmem_shared>> -> memref<10112x128xf32, #tpu.memory_space<vmem_shared>>
      tpu.wait_indirect_dma semaphore(%arg20 : memref<!tpu.dma_semaphore, #tpu.memory_space<semaphore_mem>>) src(%arg11 : memref<64x128xf32, #tpu.memory_space<vmem>>) dst(%dma_wait3A_546 : memref<10112x128xf32, #tpu.memory_space<vmem_shared>>)
      %add3A_547 = arith.constant 2 : i32
      %add3A_548 = arith.addi %add3A_538, %add3A_547 : i32
      %dma_start3A_549 = arith.constant 0 : i32
      %dma_start3A_550 = tpu.memref_slice %arg7[%add3A_548, %dma_start3A_549] : memref<40x64xi32, #tpu.memory_space<vmem>> -> memref<1x64xi32, #tpu.memory_space<vmem>>
      %dma_start3A_551 = tpu.memref_squeeze %dma_start3A_550 : memref<1x64xi32, #tpu.memory_space<vmem>> -> memref<64xi32, #tpu.memory_space<vmem>>
      %dma_start3A_552 = arith.constant 0 : i32
      %dma_start3A_553 = arith.constant 0 : i32
      %dma_start3A_554 = tpu.memref_slice %arg2[%dma_start3A_552, %dma_start3A_553] : memref<10000x128xf32, #tpu.memory_space<hbm>> -> memref<10000x128xf32, #tpu.memory_space<hbm>>
      tpu.enqueue_indirect_dma source(%dma_start3A_554 : memref<10000x128xf32, #tpu.memory_space<hbm>>) target(%arg11 : memref<64x128xf32, #tpu.memory_space<vmem>>) offsets(%dma_start3A_551 : memref<64xi32, #tpu.memory_space<vmem>>) semaphore(%arg16 : memref<!tpu.dma_semaphore, #tpu.memory_space<semaphore_mem>>)
      %dma_wait3A_555 = arith.constant 0 : i32
      %dma_wait3A_556 = tpu.memref_slice %arg7[%add3A_538, %dma_wait3A_555] : memref<40x64xi32, #tpu.memory_space<vmem>> -> memref<1x64xi32, #tpu.memory_space<vmem>>
      %dma_wait3A_557 = tpu.memref_squeeze %dma_wait3A_556 : memref<1x64xi32, #tpu.memory_space<vmem>> -> memref<64xi32, #tpu.memory_space<vmem>>
      %dma_wait3A_558 = arith.constant 0 : i32
      %dma_wait3A_559 = arith.constant 0 : i32
      %dma_wait3A_560 = tpu.memref_slice %arg2[%dma_wait3A_558, %dma_wait3A_559] : memref<10000x128xf32, #tpu.memory_space<hbm>> -> memref<10000x128xf32, #tpu.memory_space<hbm>>
      tpu.wait_indirect_dma semaphore(%arg14 : memref<!tpu.dma_semaphore, #tpu.memory_space<semaphore_mem>>) src(%dma_wait3A_560 : memref<10000x128xf32, #tpu.memory_space<hbm>>) dst(%arg9 : memref<64x128xf32, #tpu.memory_space<vmem>>)
      %dma_start3A_561 = arith.constant 0 : i32
      %dma_start3A_562 = tpu.memref_slice %arg8[%add3A_538, %dma_start3A_561] : memref<40x64xi32, #tpu.memory_space<vmem>> -> memref<1x64xi32, #tpu.memory_space<vmem>>
      %dma_start3A_563 = tpu.memref_squeeze %dma_start3A_562 : memref<1x64xi32, #tpu.memory_space<vmem>> -> memref<64xi32, #tpu.memory_space<vmem>>
      %dma_start3A_564 = arith.constant 0 : i32
      %dma_start3A_565 = arith.constant 0 : i32
      %dma_start3A_566 = tpu.memref_slice %arg13[%dma_start3A_564, %dma_start3A_565] : memref<10112x128xf32, #tpu.memory_space<vmem_shared>> -> memref<10112x128xf32, #tpu.memory_space<vmem_shared>>
      tpu.enqueue_indirect_dma source(%arg9 : memref<64x128xf32, #tpu.memory_space<vmem>>) target(%dma_start3A_566 : memref<10112x128xf32, #tpu.memory_space<vmem_shared>>) offsets(%dma_start3A_563 : memref<64xi32, #tpu.memory_space<vmem>>) semaphore(%arg18 : memref<!tpu.dma_semaphore, #tpu.memory_space<semaphore_mem>>) {add = true}
      %add3A_567 = arith.constant 3 : i32
      %add3A_568 = arith.addi %add3A_477, %add3A_567 : i32
      %sub3A_569 = arith.constant 2 : i32
      %sub3A_570 = arith.subi %add3A_568, %sub3A_569 : i32
      %dma_wait3A_571 = arith.constant 0 : i32
      %dma_wait3A_572 = tpu.memref_slice %arg8[%sub3A_570, %dma_wait3A_571] : memref<40x64xi32, #tpu.memory_space<vmem>> -> memref<1x64xi32, #tpu.memory_space<vmem>>
      %dma_wait3A_573 = tpu.memref_squeeze %dma_wait3A_572 : memref<1x64xi32, #tpu.memory_space<vmem>> -> memref<64xi32, #tpu.memory_space<vmem>>
      %dma_wait3A_574 = arith.constant 0 : i32
      %dma_wait3A_575 = arith.constant 0 : i32
      %dma_wait3A_576 = tpu.memref_slice %arg13[%dma_wait3A_574, %dma_wait3A_575] : memref<10112x128xf32, #tpu.memory_space<vmem_shared>> -> memref<10112x128xf32, #tpu.memory_space<vmem_shared>>
      tpu.wait_indirect_dma semaphore(%arg21 : memref<!tpu.dma_semaphore, #tpu.memory_space<semaphore_mem>>) src(%arg12 : memref<64x128xf32, #tpu.memory_space<vmem>>) dst(%dma_wait3A_576 : memref<10112x128xf32, #tpu.memory_space<vmem_shared>>)
      %add3A_577 = arith.constant 2 : i32
      %add3A_578 = arith.addi %add3A_568, %add3A_577 : i32
      %dma_start3A_579 = arith.constant 0 : i32
      %dma_start3A_580 = tpu.memref_slice %arg7[%add3A_578, %dma_start3A_579] : memref<40x64xi32, #tpu.memory_space<vmem>> -> memref<1x64xi32, #tpu.memory_space<vmem>>
      %dma_start3A_581 = tpu.memref_squeeze %dma_start3A_580 : memref<1x64xi32, #tpu.memory_space<vmem>> -> memref<64xi32, #tpu.memory_space<vmem>>
      %dma_start3A_582 = arith.constant 0 : i32
      %dma_start3A_583 = arith.constant 0 : i32
      %dma_start3A_584 = tpu.memref_slice %arg2[%dma_start3A_582, %dma_start3A_583] : memref<10000x128xf32, #tpu.memory_space<hbm>> -> memref<10000x128xf32, #tpu.memory_space<hbm>>
      tpu.enqueue_indirect_dma source(%dma_start3A_584 : memref<10000x128xf32, #tpu.memory_space<hbm>>) target(%arg12 : memref<64x128xf32, #tpu.memory_space<vmem>>) offsets(%dma_start3A_581 : memref<64xi32, #tpu.memory_space<vmem>>) semaphore(%arg17 : memref<!tpu.dma_semaphore, #tpu.memory_space<semaphore_mem>>)
      %dma_wait3A_585 = arith.constant 0 : i32
      %dma_wait3A_586 = tpu.memref_slice %arg7[%add3A_568, %dma_wait3A_585] : memref<40x64xi32, #tpu.memory_space<vmem>> -> memref<1x64xi32, #tpu.memory_space<vmem>>
      %dma_wait3A_587 = tpu.memref_squeeze %dma_wait3A_586 : memref<1x64xi32, #tpu.memory_space<vmem>> -> memref<64xi32, #tpu.memory_space<vmem>>
      %dma_wait3A_588 = arith.constant 0 : i32
      %dma_wait3A_589 = arith.constant 0 : i32
      %dma_wait3A_590 = tpu.memref_slice %arg2[%dma_wait3A_588, %dma_wait3A_589] : memref<10000x128xf32, #tpu.memory_space<hbm>> -> memref<10000x128xf32, #tpu.memory_space<hbm>>
      tpu.wait_indirect_dma semaphore(%arg15 : memref<!tpu.dma_semaphore, #tpu.memory_space<semaphore_mem>>) src(%dma_wait3A_590 : memref<10000x128xf32, #tpu.memory_space<hbm>>) dst(%arg10 : memref<64x128xf32, #tpu.memory_space<vmem>>)
      %dma_start3A_591 = arith.constant 0 : i32
      %dma_start3A_592 = tpu.memref_slice %arg8[%add3A_568, %dma_start3A_591] : memref<40x64xi32, #tpu.memory_space<vmem>> -> memref<1x64xi32, #tpu.memory_space<vmem>>
      %dma_start3A_593 = tpu.memref_squeeze %dma_start3A_592 : memref<1x64xi32, #tpu.memory_space<vmem>> -> memref<64xi32, #tpu.memory_space<vmem>>
      %dma_start3A_594 = arith.constant 0 : i32
      %dma_start3A_595 = arith.constant 0 : i32
      %dma_start3A_596 = tpu.memref_slice %arg13[%dma_start3A_594, %dma_start3A_595] : memref<10112x128xf32, #tpu.memory_space<vmem_shared>> -> memref<10112x128xf32, #tpu.memory_space<vmem_shared>>
      tpu.enqueue_indirect_dma source(%arg10 : memref<64x128xf32, #tpu.memory_space<vmem>>) target(%dma_start3A_596 : memref<10112x128xf32, #tpu.memory_space<vmem_shared>>) offsets(%dma_start3A_593 : memref<64xi32, #tpu.memory_space<vmem>>) semaphore(%arg19 : memref<!tpu.dma_semaphore, #tpu.memory_space<semaphore_mem>>) {add = true}
    }
    %scan3A_177 = arith.constant 9 : i32
    %dma_wait3A_178 = arith.constant 38 : i32
    %dma_wait3A_179 = arith.constant 0 : i32
    %dma_wait3A_180 = tpu.memref_slice %arg7[%dma_wait3A_178, %dma_wait3A_179] : memref<40x64xi32, #tpu.memory_space<vmem>> -> memref<1x64xi32, #tpu.memory_space<vmem>>
    %dma_wait3A_181 = tpu.memref_squeeze %dma_wait3A_180 : memref<1x64xi32, #tpu.memory_space<vmem>> -> memref<64xi32, #tpu.memory_space<vmem>>
    %dma_wait3A_182 = arith.constant 0 : i32
    %dma_wait3A_183 = arith.constant 0 : i32
    %dma_wait3A_184 = tpu.memref_slice %arg2[%dma_wait3A_182, %dma_wait3A_183] : memref<10000x128xf32, #tpu.memory_space<hbm>> -> memref<10000x128xf32, #tpu.memory_space<hbm>>
    tpu.wait_indirect_dma semaphore(%arg16 : memref<!tpu.dma_semaphore, #tpu.memory_space<semaphore_mem>>) src(%dma_wait3A_184 : memref<10000x128xf32, #tpu.memory_space<hbm>>) dst(%arg11 : memref<64x128xf32, #tpu.memory_space<vmem>>)
    %dma_start3A_185 = arith.constant 38 : i32
    %dma_start3A_186 = arith.constant 0 : i32
    %dma_start3A_187 = tpu.memref_slice %arg8[%dma_start3A_185, %dma_start3A_186] : memref<40x64xi32, #tpu.memory_space<vmem>> -> memref<1x64xi32, #tpu.memory_space<vmem>>
    %dma_start3A_188 = tpu.memref_squeeze %dma_start3A_187 : memref<1x64xi32, #tpu.memory_space<vmem>> -> memref<64xi32, #tpu.memory_space<vmem>>
    %dma_start3A_189 = arith.constant 0 : i32
    %dma_start3A_190 = arith.constant 0 : i32
    %dma_start3A_191 = tpu.memref_slice %arg13[%dma_start3A_189, %dma_start3A_190] : memref<10112x128xf32, #tpu.memory_space<vmem_shared>> -> memref<10112x128xf32, #tpu.memory_space<vmem_shared>>
    tpu.enqueue_indirect_dma source(%arg11 : memref<64x128xf32, #tpu.memory_space<vmem>>) target(%dma_start3A_191 : memref<10112x128xf32, #tpu.memory_space<vmem_shared>>) offsets(%dma_start3A_188 : memref<64xi32, #tpu.memory_space<vmem>>) semaphore(%arg20 : memref<!tpu.dma_semaphore, #tpu.memory_space<semaphore_mem>>) {add = true}
    %dma_wait3A_192 = arith.constant 39 : i32
    %dma_wait3A_193 = arith.constant 0 : i32
    %dma_wait3A_194 = tpu.memref_slice %arg7[%dma_wait3A_192, %dma_wait3A_193] : memref<40x64xi32, #tpu.memory_space<vmem>> -> memref<1x64xi32, #tpu.memory_space<vmem>>
    %dma_wait3A_195 = tpu.memref_squeeze %dma_wait3A_194 : memref<1x64xi32, #tpu.memory_space<vmem>> -> memref<64xi32, #tpu.memory_space<vmem>>
    %dma_wait3A_196 = arith.constant 0 : i32
    %dma_wait3A_197 = arith.constant 0 : i32
    %dma_wait3A_198 = tpu.memref_slice %arg2[%dma_wait3A_196, %dma_wait3A_197] : memref<10000x128xf32, #tpu.memory_space<hbm>> -> memref<10000x128xf32, #tpu.memory_space<hbm>>
    tpu.wait_indirect_dma semaphore(%arg17 : memref<!tpu.dma_semaphore, #tpu.memory_space<semaphore_mem>>) src(%dma_wait3A_198 : memref<10000x128xf32, #tpu.memory_space<hbm>>) dst(%arg12 : memref<64x128xf32, #tpu.memory_space<vmem>>)
    %dma_start3A_199 = arith.constant 39 : i32
    %dma_start3A_200 = arith.constant 0 : i32
    %dma_start3A_201 = tpu.memref_slice %arg8[%dma_start3A_199, %dma_start3A_200] : memref<40x64xi32, #tpu.memory_space<vmem>> -> memref<1x64xi32, #tpu.memory_space<vmem>>
    %dma_start3A_202 = tpu.memref_squeeze %dma_start3A_201 : memref<1x64xi32, #tpu.memory_space<vmem>> -> memref<64xi32, #tpu.memory_space<vmem>>
    %dma_start3A_203 = arith.constant 0 : i32
    %dma_start3A_204 = arith.constant 0 : i32
    %dma_start3A_205 = tpu.memref_slice %arg13[%dma_start3A_203, %dma_start3A_204] : memref<10112x128xf32, #tpu.memory_space<vmem_shared>> -> memref<10112x128xf32, #tpu.memory_space<vmem_shared>>
    tpu.enqueue_indirect_dma source(%arg12 : memref<64x128xf32, #tpu.memory_space<vmem>>) target(%dma_start3A_205 : memref<10112x128xf32, #tpu.memory_space<vmem_shared>>) offsets(%dma_start3A_202 : memref<64xi32, #tpu.memory_space<vmem>>) semaphore(%arg21 : memref<!tpu.dma_semaphore, #tpu.memory_space<semaphore_mem>>) {add = true}
    %dma_wait3A_206 = arith.constant 36 : i32
    %dma_wait3A_207 = arith.constant 0 : i32
    %dma_wait3A_208 = tpu.memref_slice %arg8[%dma_wait3A_206, %dma_wait3A_207] : memref<40x64xi32, #tpu.memory_space<vmem>> -> memref<1x64xi32, #tpu.memory_space<vmem>>
    %dma_wait3A_209 = tpu.memref_squeeze %dma_wait3A_208 : memref<1x64xi32, #tpu.memory_space<vmem>> -> memref<64xi32, #tpu.memory_space<vmem>>
    %dma_wait3A_210 = arith.constant 0 : i32
    %dma_wait3A_211 = arith.constant 0 : i32
    %dma_wait3A_212 = tpu.memref_slice %arg13[%dma_wait3A_210, %dma_wait3A_211] : memref<10112x128xf32, #tpu.memory_space<vmem_shared>> -> memref<10112x128xf32, #tpu.memory_space<vmem_shared>>
    tpu.wait_indirect_dma semaphore(%arg18 : memref<!tpu.dma_semaphore, #tpu.memory_space<semaphore_mem>>) src(%arg9 : memref<64x128xf32, #tpu.memory_space<vmem>>) dst(%dma_wait3A_212 : memref<10112x128xf32, #tpu.memory_space<vmem_shared>>)
    %dma_wait3A_213 = arith.constant 37 : i32
    %dma_wait3A_214 = arith.constant 0 : i32
    %dma_wait3A_215 = tpu.memref_slice %arg8[%dma_wait3A_213, %dma_wait3A_214] : memref<40x64xi32, #tpu.memory_space<vmem>> -> memref<1x64xi32, #tpu.memory_space<vmem>>
    %dma_wait3A_216 = tpu.memref_squeeze %dma_wait3A_215 : memref<1x64xi32, #tpu.memory_space<vmem>> -> memref<64xi32, #tpu.memory_space<vmem>>
    %dma_wait3A_217 = arith.constant 0 : i32
    %dma_wait3A_218 = arith.constant 0 : i32
    %dma_wait3A_219 = tpu.memref_slice %arg13[%dma_wait3A_217, %dma_wait3A_218] : memref<10112x128xf32, #tpu.memory_space<vmem_shared>> -> memref<10112x128xf32, #tpu.memory_space<vmem_shared>>
    tpu.wait_indirect_dma semaphore(%arg19 : memref<!tpu.dma_semaphore, #tpu.memory_space<semaphore_mem>>) src(%arg10 : memref<64x128xf32, #tpu.memory_space<vmem>>) dst(%dma_wait3A_219 : memref<10112x128xf32, #tpu.memory_space<vmem_shared>>)
    %dma_wait3A_220 = arith.constant 38 : i32
    %dma_wait3A_221 = arith.constant 0 : i32
    %dma_wait3A_222 = tpu.memref_slice %arg8[%dma_wait3A_220, %dma_wait3A_221] : memref<40x64xi32, #tpu.memory_space<vmem>> -> memref<1x64xi32, #tpu.memory_space<vmem>>
    %dma_wait3A_223 = tpu.memref_squeeze %dma_wait3A_222 : memref<1x64xi32, #tpu.memory_space<vmem>> -> memref<64xi32, #tpu.memory_space<vmem>>
    %dma_wait3A_224 = arith.constant 0 : i32
    %dma_wait3A_225 = arith.constant 0 : i32
    %dma_wait3A_226 = tpu.memref_slice %arg13[%dma_wait3A_224, %dma_wait3A_225] : memref<10112x128xf32, #tpu.memory_space<vmem_shared>> -> memref<10112x128xf32, #tpu.memory_space<vmem_shared>>
    tpu.wait_indirect_dma semaphore(%arg20 : memref<!tpu.dma_semaphore, #tpu.memory_space<semaphore_mem>>) src(%arg11 : memref<64x128xf32, #tpu.memory_space<vmem>>) dst(%dma_wait3A_226 : memref<10112x128xf32, #tpu.memory_space<vmem_shared>>)
    %dma_wait3A_227 = arith.constant 39 : i32
    %dma_wait3A_228 = arith.constant 0 : i32
    %dma_wait3A_229 = tpu.memref_slice %arg8[%dma_wait3A_227, %dma_wait3A_228] : memref<40x64xi32, #tpu.memory_space<vmem>> -> memref<1x64xi32, #tpu.memory_space<vmem>>
    %dma_wait3A_230 = tpu.memref_squeeze %dma_wait3A_229 : memref<1x64xi32, #tpu.memory_space<vmem>> -> memref<64xi32, #tpu.memory_space<vmem>>
    %dma_wait3A_231 = arith.constant 0 : i32
    %dma_wait3A_232 = arith.constant 0 : i32
    %dma_wait3A_233 = tpu.memref_slice %arg13[%dma_wait3A_231, %dma_wait3A_232] : memref<10112x128xf32, #tpu.memory_space<vmem_shared>> -> memref<10112x128xf32, #tpu.memory_space<vmem_shared>>
    tpu.wait_indirect_dma semaphore(%arg21 : memref<!tpu.dma_semaphore, #tpu.memory_space<semaphore_mem>>) src(%arg12 : memref<64x128xf32, #tpu.memory_space<vmem>>) dst(%dma_wait3A_233 : memref<10112x128xf32, #tpu.memory_space<vmem_shared>>)
    "tpu.region"() ({
      %run_scoped3A = tpu.sem_alloc : memref<!tpu.dma_semaphore, #tpu.memory_space<semaphore_mem>>
      %dma_start3A_473 = arith.constant 80 : i32
      %dma_start3A_474 = arith.constant 0 : i32
      %dma_start3A_475 = tpu.memref_slice %arg3[%add3A, %dma_start3A_473, %dma_start3A_474] : memref<32x160x64xi32, #tpu.memory_space<hbm>> -> memref<1x40x64xi32, #tpu.memory_space<hbm>>
      %dma_start3A_476 = tpu.memref_squeeze %dma_start3A_475 : memref<1x40x64xi32, #tpu.memory_space<hbm>> -> memref<40x64xi32, #tpu.memory_space<hbm>>
      %dma_start3A_477 = arith.constant 80 : i32
      %dma_start3A_478 = arith.constant 0 : i32
      %dma_start3A_479 = tpu.memref_slice %arg3[%add3A, %dma_start3A_477, %dma_start3A_478] : memref<32x160x64xi32, #tpu.memory_space<hbm>> -> memref<1x40x64xi32, #tpu.memory_space<hbm>>
      %dma_start3A_480 = tpu.memref_squeeze %dma_start3A_479 : memref<1x40x64xi32, #tpu.memory_space<hbm>> -> memref<40x64xi32, #tpu.memory_space<hbm>>
      tpu.enqueue_dma source(%dma_start3A_480 : memref<40x64xi32, #tpu.memory_space<hbm>>) target(%arg7 : memref<40x64xi32, #tpu.memory_space<vmem>>) target_semaphore(%run_scoped3A : memref<!tpu.dma_semaphore, #tpu.memory_space<semaphore_mem>>)
      %dma_wait3A_481 = arith.constant 80 : i32
      %dma_wait3A_482 = arith.constant 0 : i32
      %dma_wait3A_483 = tpu.memref_slice %arg3[%add3A, %dma_wait3A_481, %dma_wait3A_482] : memref<32x160x64xi32, #tpu.memory_space<hbm>> -> memref<1x40x64xi32, #tpu.memory_space<hbm>>
      %dma_wait3A_484 = tpu.memref_squeeze %dma_wait3A_483 : memref<1x40x64xi32, #tpu.memory_space<hbm>> -> memref<40x64xi32, #tpu.memory_space<hbm>>
      %dma_wait3A_485 = arith.constant 80 : i32
      %dma_wait3A_486 = arith.constant 0 : i32
      %dma_wait3A_487 = tpu.memref_slice %arg3[%add3A, %dma_wait3A_485, %dma_wait3A_486] : memref<32x160x64xi32, #tpu.memory_space<hbm>> -> memref<1x40x64xi32, #tpu.memory_space<hbm>>
      %dma_wait3A_488 = tpu.memref_squeeze %dma_wait3A_487 : memref<1x40x64xi32, #tpu.memory_space<hbm>> -> memref<40x64xi32, #tpu.memory_space<hbm>>
      tpu.wait_dma2 semaphore(%run_scoped3A : memref<!tpu.dma_semaphore, #tpu.memory_space<semaphore_mem>>) src(%dma_wait3A_488 : memref<40x64xi32, #tpu.memory_space<hbm>>) dst(%arg7 : memref<40x64xi32, #tpu.memory_space<vmem>>)
      tpu.yield
    }) : () -> ()
    "tpu.region"() ({
      %run_scoped3A = tpu.sem_alloc : memref<!tpu.dma_semaphore, #tpu.memory_space<semaphore_mem>>
      %dma_start3A_473 = arith.constant 80 : i32
      %dma_start3A_474 = arith.constant 0 : i32
      %dma_start3A_475 = tpu.memref_slice %arg4[%add3A, %dma_start3A_473, %dma_start3A_474] : memref<32x160x64xi32, #tpu.memory_space<hbm>> -> memref<1x40x64xi32, #tpu.memory_space<hbm>>
      %dma_start3A_476 = tpu.memref_squeeze %dma_start3A_475 : memref<1x40x64xi32, #tpu.memory_space<hbm>> -> memref<40x64xi32, #tpu.memory_space<hbm>>
      %dma_start3A_477 = arith.constant 80 : i32
      %dma_start3A_478 = arith.constant 0 : i32
      %dma_start3A_479 = tpu.memref_slice %arg4[%add3A, %dma_start3A_477, %dma_start3A_478] : memref<32x160x64xi32, #tpu.memory_space<hbm>> -> memref<1x40x64xi32, #tpu.memory_space<hbm>>
      %dma_start3A_480 = tpu.memref_squeeze %dma_start3A_479 : memref<1x40x64xi32, #tpu.memory_space<hbm>> -> memref<40x64xi32, #tpu.memory_space<hbm>>
      tpu.enqueue_dma source(%dma_start3A_480 : memref<40x64xi32, #tpu.memory_space<hbm>>) target(%arg8 : memref<40x64xi32, #tpu.memory_space<vmem>>) target_semaphore(%run_scoped3A : memref<!tpu.dma_semaphore, #tpu.memory_space<semaphore_mem>>)
      %dma_wait3A_481 = arith.constant 80 : i32
      %dma_wait3A_482 = arith.constant 0 : i32
      %dma_wait3A_483 = tpu.memref_slice %arg4[%add3A, %dma_wait3A_481, %dma_wait3A_482] : memref<32x160x64xi32, #tpu.memory_space<hbm>> -> memref<1x40x64xi32, #tpu.memory_space<hbm>>
      %dma_wait3A_484 = tpu.memref_squeeze %dma_wait3A_483 : memref<1x40x64xi32, #tpu.memory_space<hbm>> -> memref<40x64xi32, #tpu.memory_space<hbm>>
      %dma_wait3A_485 = arith.constant 80 : i32
      %dma_wait3A_486 = arith.constant 0 : i32
      %dma_wait3A_487 = tpu.memref_slice %arg4[%add3A, %dma_wait3A_485, %dma_wait3A_486] : memref<32x160x64xi32, #tpu.memory_space<hbm>> -> memref<1x40x64xi32, #tpu.memory_space<hbm>>
      %dma_wait3A_488 = tpu.memref_squeeze %dma_wait3A_487 : memref<1x40x64xi32, #tpu.memory_space<hbm>> -> memref<40x64xi32, #tpu.memory_space<hbm>>
      tpu.wait_dma2 semaphore(%run_scoped3A : memref<!tpu.dma_semaphore, #tpu.memory_space<semaphore_mem>>) src(%dma_wait3A_488 : memref<40x64xi32, #tpu.memory_space<hbm>>) dst(%arg8 : memref<40x64xi32, #tpu.memory_space<vmem>>)
      tpu.yield
    }) : () -> ()
    %dma_start3A_234 = arith.constant 0 : i32
    %dma_start3A_235 = arith.constant 0 : i32
    %dma_start3A_236 = tpu.memref_slice %arg7[%dma_start3A_234, %dma_start3A_235] : memref<40x64xi32, #tpu.memory_space<vmem>> -> memref<1x64xi32, #tpu.memory_space<vmem>>
    %dma_start3A_237 = tpu.memref_squeeze %dma_start3A_236 : memref<1x64xi32, #tpu.memory_space<vmem>> -> memref<64xi32, #tpu.memory_space<vmem>>
    %dma_start3A_238 = arith.constant 0 : i32
    %dma_start3A_239 = arith.constant 0 : i32
    %dma_start3A_240 = tpu.memref_slice %arg2[%dma_start3A_238, %dma_start3A_239] : memref<10000x128xf32, #tpu.memory_space<hbm>> -> memref<10000x128xf32, #tpu.memory_space<hbm>>
    tpu.enqueue_indirect_dma source(%dma_start3A_240 : memref<10000x128xf32, #tpu.memory_space<hbm>>) target(%arg9 : memref<64x128xf32, #tpu.memory_space<vmem>>) offsets(%dma_start3A_237 : memref<64xi32, #tpu.memory_space<vmem>>) semaphore(%arg14 : memref<!tpu.dma_semaphore, #tpu.memory_space<semaphore_mem>>)
    %dma_start3A_241 = arith.constant 1 : i32
    %dma_start3A_242 = arith.constant 0 : i32
    %dma_start3A_243 = tpu.memref_slice %arg7[%dma_start3A_241, %dma_start3A_242] : memref<40x64xi32, #tpu.memory_space<vmem>> -> memref<1x64xi32, #tpu.memory_space<vmem>>
    %dma_start3A_244 = tpu.memref_squeeze %dma_start3A_243 : memref<1x64xi32, #tpu.memory_space<vmem>> -> memref<64xi32, #tpu.memory_space<vmem>>
    %dma_start3A_245 = arith.constant 0 : i32
    %dma_start3A_246 = arith.constant 0 : i32
    %dma_start3A_247 = tpu.memref_slice %arg2[%dma_start3A_245, %dma_start3A_246] : memref<10000x128xf32, #tpu.memory_space<hbm>> -> memref<10000x128xf32, #tpu.memory_space<hbm>>
    tpu.enqueue_indirect_dma source(%dma_start3A_247 : memref<10000x128xf32, #tpu.memory_space<hbm>>) target(%arg10 : memref<64x128xf32, #tpu.memory_space<vmem>>) offsets(%dma_start3A_244 : memref<64xi32, #tpu.memory_space<vmem>>) semaphore(%arg15 : memref<!tpu.dma_semaphore, #tpu.memory_space<semaphore_mem>>)
    %dma_start3A_248 = arith.constant 2 : i32
    %dma_start3A_249 = arith.constant 0 : i32
    %dma_start3A_250 = tpu.memref_slice %arg7[%dma_start3A_248, %dma_start3A_249] : memref<40x64xi32, #tpu.memory_space<vmem>> -> memref<1x64xi32, #tpu.memory_space<vmem>>
    %dma_start3A_251 = tpu.memref_squeeze %dma_start3A_250 : memref<1x64xi32, #tpu.memory_space<vmem>> -> memref<64xi32, #tpu.memory_space<vmem>>
    %dma_start3A_252 = arith.constant 0 : i32
    %dma_start3A_253 = arith.constant 0 : i32
    %dma_start3A_254 = tpu.memref_slice %arg2[%dma_start3A_252, %dma_start3A_253] : memref<10000x128xf32, #tpu.memory_space<hbm>> -> memref<10000x128xf32, #tpu.memory_space<hbm>>
    tpu.enqueue_indirect_dma source(%dma_start3A_254 : memref<10000x128xf32, #tpu.memory_space<hbm>>) target(%arg11 : memref<64x128xf32, #tpu.memory_space<vmem>>) offsets(%dma_start3A_251 : memref<64xi32, #tpu.memory_space<vmem>>) semaphore(%arg16 : memref<!tpu.dma_semaphore, #tpu.memory_space<semaphore_mem>>)
    %dma_wait3A_255 = arith.constant 0 : i32
    %dma_wait3A_256 = arith.constant 0 : i32
    %dma_wait3A_257 = tpu.memref_slice %arg7[%dma_wait3A_255, %dma_wait3A_256] : memref<40x64xi32, #tpu.memory_space<vmem>> -> memref<1x64xi32, #tpu.memory_space<vmem>>
    %dma_wait3A_258 = tpu.memref_squeeze %dma_wait3A_257 : memref<1x64xi32, #tpu.memory_space<vmem>> -> memref<64xi32, #tpu.memory_space<vmem>>
    %dma_wait3A_259 = arith.constant 0 : i32
    %dma_wait3A_260 = arith.constant 0 : i32
    %dma_wait3A_261 = tpu.memref_slice %arg2[%dma_wait3A_259, %dma_wait3A_260] : memref<10000x128xf32, #tpu.memory_space<hbm>> -> memref<10000x128xf32, #tpu.memory_space<hbm>>
    tpu.wait_indirect_dma semaphore(%arg14 : memref<!tpu.dma_semaphore, #tpu.memory_space<semaphore_mem>>) src(%dma_wait3A_261 : memref<10000x128xf32, #tpu.memory_space<hbm>>) dst(%arg9 : memref<64x128xf32, #tpu.memory_space<vmem>>)
    %dma_start3A_262 = arith.constant 0 : i32
    %dma_start3A_263 = arith.constant 0 : i32
    %dma_start3A_264 = tpu.memref_slice %arg8[%dma_start3A_262, %dma_start3A_263] : memref<40x64xi32, #tpu.memory_space<vmem>> -> memref<1x64xi32, #tpu.memory_space<vmem>>
    %dma_start3A_265 = tpu.memref_squeeze %dma_start3A_264 : memref<1x64xi32, #tpu.memory_space<vmem>> -> memref<64xi32, #tpu.memory_space<vmem>>
    %dma_start3A_266 = arith.constant 0 : i32
    %dma_start3A_267 = arith.constant 0 : i32
    %dma_start3A_268 = tpu.memref_slice %arg13[%dma_start3A_266, %dma_start3A_267] : memref<10112x128xf32, #tpu.memory_space<vmem_shared>> -> memref<10112x128xf32, #tpu.memory_space<vmem_shared>>
    tpu.enqueue_indirect_dma source(%arg9 : memref<64x128xf32, #tpu.memory_space<vmem>>) target(%dma_start3A_268 : memref<10112x128xf32, #tpu.memory_space<vmem_shared>>) offsets(%dma_start3A_265 : memref<64xi32, #tpu.memory_space<vmem>>) semaphore(%arg18 : memref<!tpu.dma_semaphore, #tpu.memory_space<semaphore_mem>>) {add = true}
    %dma_start3A_269 = arith.constant 3 : i32
    %dma_start3A_270 = arith.constant 0 : i32
    %dma_start3A_271 = tpu.memref_slice %arg7[%dma_start3A_269, %dma_start3A_270] : memref<40x64xi32, #tpu.memory_space<vmem>> -> memref<1x64xi32, #tpu.memory_space<vmem>>
    %dma_start3A_272 = tpu.memref_squeeze %dma_start3A_271 : memref<1x64xi32, #tpu.memory_space<vmem>> -> memref<64xi32, #tpu.memory_space<vmem>>
    %dma_start3A_273 = arith.constant 0 : i32
    %dma_start3A_274 = arith.constant 0 : i32
    %dma_start3A_275 = tpu.memref_slice %arg2[%dma_start3A_273, %dma_start3A_274] : memref<10000x128xf32, #tpu.memory_space<hbm>> -> memref<10000x128xf32, #tpu.memory_space<hbm>>
    tpu.enqueue_indirect_dma source(%dma_start3A_275 : memref<10000x128xf32, #tpu.memory_space<hbm>>) target(%arg12 : memref<64x128xf32, #tpu.memory_space<vmem>>) offsets(%dma_start3A_272 : memref<64xi32, #tpu.memory_space<vmem>>) semaphore(%arg17 : memref<!tpu.dma_semaphore, #tpu.memory_space<semaphore_mem>>)
    %dma_wait3A_276 = arith.constant 1 : i32
    %dma_wait3A_277 = arith.constant 0 : i32
    %dma_wait3A_278 = tpu.memref_slice %arg7[%dma_wait3A_276, %dma_wait3A_277] : memref<40x64xi32, #tpu.memory_space<vmem>> -> memref<1x64xi32, #tpu.memory_space<vmem>>
    %dma_wait3A_279 = tpu.memref_squeeze %dma_wait3A_278 : memref<1x64xi32, #tpu.memory_space<vmem>> -> memref<64xi32, #tpu.memory_space<vmem>>
    %dma_wait3A_280 = arith.constant 0 : i32
    %dma_wait3A_281 = arith.constant 0 : i32
    %dma_wait3A_282 = tpu.memref_slice %arg2[%dma_wait3A_280, %dma_wait3A_281] : memref<10000x128xf32, #tpu.memory_space<hbm>> -> memref<10000x128xf32, #tpu.memory_space<hbm>>
    tpu.wait_indirect_dma semaphore(%arg15 : memref<!tpu.dma_semaphore, #tpu.memory_space<semaphore_mem>>) src(%dma_wait3A_282 : memref<10000x128xf32, #tpu.memory_space<hbm>>) dst(%arg10 : memref<64x128xf32, #tpu.memory_space<vmem>>)
    %dma_start3A_283 = arith.constant 1 : i32
    %dma_start3A_284 = arith.constant 0 : i32
    %dma_start3A_285 = tpu.memref_slice %arg8[%dma_start3A_283, %dma_start3A_284] : memref<40x64xi32, #tpu.memory_space<vmem>> -> memref<1x64xi32, #tpu.memory_space<vmem>>
    %dma_start3A_286 = tpu.memref_squeeze %dma_start3A_285 : memref<1x64xi32, #tpu.memory_space<vmem>> -> memref<64xi32, #tpu.memory_space<vmem>>
    %dma_start3A_287 = arith.constant 0 : i32
    %dma_start3A_288 = arith.constant 0 : i32
    %dma_start3A_289 = tpu.memref_slice %arg13[%dma_start3A_287, %dma_start3A_288] : memref<10112x128xf32, #tpu.memory_space<vmem_shared>> -> memref<10112x128xf32, #tpu.memory_space<vmem_shared>>
    tpu.enqueue_indirect_dma source(%arg10 : memref<64x128xf32, #tpu.memory_space<vmem>>) target(%dma_start3A_289 : memref<10112x128xf32, #tpu.memory_space<vmem_shared>>) offsets(%dma_start3A_286 : memref<64xi32, #tpu.memory_space<vmem>>) semaphore(%arg19 : memref<!tpu.dma_semaphore, #tpu.memory_space<semaphore_mem>>) {add = true}
    %scan3A_290 = arith.constant 0 : i32
    %scan3A_291 = arith.constant 9 : i32
    %scan3A_292 = arith.addi %scan3A_290, %scan3A_291 : i32
    %scan3A_293 = arith.constant 1 : i32
    scf.for %scan3A_473 = %scan3A_290 to %scan3A_292 step %scan3A_293  : i32 {
      %mul3A_474 = arith.constant 4 : i32
      %mul3A_475 = arith.muli %scan3A_473, %mul3A_474 : i32
      %add3A_476 = arith.constant 2 : i32
      %add3A_477 = arith.addi %add3A_476, %mul3A_475 : i32
      %add3A_478 = arith.constant 0 : i32
      %add3A_479 = arith.addi %add3A_477, %add3A_478 : i32
      %sub3A = arith.constant 2 : i32
      %sub3A_480 = arith.subi %add3A_479, %sub3A : i32
      %dma_wait3A_481 = arith.constant 0 : i32
      %dma_wait3A_482 = tpu.memref_slice %arg8[%sub3A_480, %dma_wait3A_481] : memref<40x64xi32, #tpu.memory_space<vmem>> -> memref<1x64xi32, #tpu.memory_space<vmem>>
      %dma_wait3A_483 = tpu.memref_squeeze %dma_wait3A_482 : memref<1x64xi32, #tpu.memory_space<vmem>> -> memref<64xi32, #tpu.memory_space<vmem>>
      %dma_wait3A_484 = arith.constant 0 : i32
      %dma_wait3A_485 = arith.constant 0 : i32
      %dma_wait3A_486 = tpu.memref_slice %arg13[%dma_wait3A_484, %dma_wait3A_485] : memref<10112x128xf32, #tpu.memory_space<vmem_shared>> -> memref<10112x128xf32, #tpu.memory_space<vmem_shared>>
      tpu.wait_indirect_dma semaphore(%arg18 : memref<!tpu.dma_semaphore, #tpu.memory_space<semaphore_mem>>) src(%arg9 : memref<64x128xf32, #tpu.memory_space<vmem>>) dst(%dma_wait3A_486 : memref<10112x128xf32, #tpu.memory_space<vmem_shared>>)
      %add3A_487 = arith.constant 2 : i32
      %add3A_488 = arith.addi %add3A_479, %add3A_487 : i32
      %dma_start3A_489 = arith.constant 0 : i32
      %dma_start3A_490 = tpu.memref_slice %arg7[%add3A_488, %dma_start3A_489] : memref<40x64xi32, #tpu.memory_space<vmem>> -> memref<1x64xi32, #tpu.memory_space<vmem>>
      %dma_start3A_491 = tpu.memref_squeeze %dma_start3A_490 : memref<1x64xi32, #tpu.memory_space<vmem>> -> memref<64xi32, #tpu.memory_space<vmem>>
      %dma_start3A_492 = arith.constant 0 : i32
      %dma_start3A_493 = arith.constant 0 : i32
      %dma_start3A_494 = tpu.memref_slice %arg2[%dma_start3A_492, %dma_start3A_493] : memref<10000x128xf32, #tpu.memory_space<hbm>> -> memref<10000x128xf32, #tpu.memory_space<hbm>>
      tpu.enqueue_indirect_dma source(%dma_start3A_494 : memref<10000x128xf32, #tpu.memory_space<hbm>>) target(%arg9 : memref<64x128xf32, #tpu.memory_space<vmem>>) offsets(%dma_start3A_491 : memref<64xi32, #tpu.memory_space<vmem>>) semaphore(%arg14 : memref<!tpu.dma_semaphore, #tpu.memory_space<semaphore_mem>>)
      %dma_wait3A_495 = arith.constant 0 : i32
      %dma_wait3A_496 = tpu.memref_slice %arg7[%add3A_479, %dma_wait3A_495] : memref<40x64xi32, #tpu.memory_space<vmem>> -> memref<1x64xi32, #tpu.memory_space<vmem>>
      %dma_wait3A_497 = tpu.memref_squeeze %dma_wait3A_496 : memref<1x64xi32, #tpu.memory_space<vmem>> -> memref<64xi32, #tpu.memory_space<vmem>>
      %dma_wait3A_498 = arith.constant 0 : i32
      %dma_wait3A_499 = arith.constant 0 : i32
      %dma_wait3A_500 = tpu.memref_slice %arg2[%dma_wait3A_498, %dma_wait3A_499] : memref<10000x128xf32, #tpu.memory_space<hbm>> -> memref<10000x128xf32, #tpu.memory_space<hbm>>
      tpu.wait_indirect_dma semaphore(%arg16 : memref<!tpu.dma_semaphore, #tpu.memory_space<semaphore_mem>>) src(%dma_wait3A_500 : memref<10000x128xf32, #tpu.memory_space<hbm>>) dst(%arg11 : memref<64x128xf32, #tpu.memory_space<vmem>>)
      %dma_start3A_501 = arith.constant 0 : i32
      %dma_start3A_502 = tpu.memref_slice %arg8[%add3A_479, %dma_start3A_501] : memref<40x64xi32, #tpu.memory_space<vmem>> -> memref<1x64xi32, #tpu.memory_space<vmem>>
      %dma_start3A_503 = tpu.memref_squeeze %dma_start3A_502 : memref<1x64xi32, #tpu.memory_space<vmem>> -> memref<64xi32, #tpu.memory_space<vmem>>
      %dma_start3A_504 = arith.constant 0 : i32
      %dma_start3A_505 = arith.constant 0 : i32
      %dma_start3A_506 = tpu.memref_slice %arg13[%dma_start3A_504, %dma_start3A_505] : memref<10112x128xf32, #tpu.memory_space<vmem_shared>> -> memref<10112x128xf32, #tpu.memory_space<vmem_shared>>
      tpu.enqueue_indirect_dma source(%arg11 : memref<64x128xf32, #tpu.memory_space<vmem>>) target(%dma_start3A_506 : memref<10112x128xf32, #tpu.memory_space<vmem_shared>>) offsets(%dma_start3A_503 : memref<64xi32, #tpu.memory_space<vmem>>) semaphore(%arg20 : memref<!tpu.dma_semaphore, #tpu.memory_space<semaphore_mem>>) {add = true}
      %add3A_507 = arith.constant 1 : i32
      %add3A_508 = arith.addi %add3A_477, %add3A_507 : i32
      %sub3A_509 = arith.constant 2 : i32
      %sub3A_510 = arith.subi %add3A_508, %sub3A_509 : i32
      %dma_wait3A_511 = arith.constant 0 : i32
      %dma_wait3A_512 = tpu.memref_slice %arg8[%sub3A_510, %dma_wait3A_511] : memref<40x64xi32, #tpu.memory_space<vmem>> -> memref<1x64xi32, #tpu.memory_space<vmem>>
      %dma_wait3A_513 = tpu.memref_squeeze %dma_wait3A_512 : memref<1x64xi32, #tpu.memory_space<vmem>> -> memref<64xi32, #tpu.memory_space<vmem>>
      %dma_wait3A_514 = arith.constant 0 : i32
      %dma_wait3A_515 = arith.constant 0 : i32
      %dma_wait3A_516 = tpu.memref_slice %arg13[%dma_wait3A_514, %dma_wait3A_515] : memref<10112x128xf32, #tpu.memory_space<vmem_shared>> -> memref<10112x128xf32, #tpu.memory_space<vmem_shared>>
      tpu.wait_indirect_dma semaphore(%arg19 : memref<!tpu.dma_semaphore, #tpu.memory_space<semaphore_mem>>) src(%arg10 : memref<64x128xf32, #tpu.memory_space<vmem>>) dst(%dma_wait3A_516 : memref<10112x128xf32, #tpu.memory_space<vmem_shared>>)
      %add3A_517 = arith.constant 2 : i32
      %add3A_518 = arith.addi %add3A_508, %add3A_517 : i32
      %dma_start3A_519 = arith.constant 0 : i32
      %dma_start3A_520 = tpu.memref_slice %arg7[%add3A_518, %dma_start3A_519] : memref<40x64xi32, #tpu.memory_space<vmem>> -> memref<1x64xi32, #tpu.memory_space<vmem>>
      %dma_start3A_521 = tpu.memref_squeeze %dma_start3A_520 : memref<1x64xi32, #tpu.memory_space<vmem>> -> memref<64xi32, #tpu.memory_space<vmem>>
      %dma_start3A_522 = arith.constant 0 : i32
      %dma_start3A_523 = arith.constant 0 : i32
      %dma_start3A_524 = tpu.memref_slice %arg2[%dma_start3A_522, %dma_start3A_523] : memref<10000x128xf32, #tpu.memory_space<hbm>> -> memref<10000x128xf32, #tpu.memory_space<hbm>>
      tpu.enqueue_indirect_dma source(%dma_start3A_524 : memref<10000x128xf32, #tpu.memory_space<hbm>>) target(%arg10 : memref<64x128xf32, #tpu.memory_space<vmem>>) offsets(%dma_start3A_521 : memref<64xi32, #tpu.memory_space<vmem>>) semaphore(%arg15 : memref<!tpu.dma_semaphore, #tpu.memory_space<semaphore_mem>>)
      %dma_wait3A_525 = arith.constant 0 : i32
      %dma_wait3A_526 = tpu.memref_slice %arg7[%add3A_508, %dma_wait3A_525] : memref<40x64xi32, #tpu.memory_space<vmem>> -> memref<1x64xi32, #tpu.memory_space<vmem>>
      %dma_wait3A_527 = tpu.memref_squeeze %dma_wait3A_526 : memref<1x64xi32, #tpu.memory_space<vmem>> -> memref<64xi32, #tpu.memory_space<vmem>>
      %dma_wait3A_528 = arith.constant 0 : i32
      %dma_wait3A_529 = arith.constant 0 : i32
      %dma_wait3A_530 = tpu.memref_slice %arg2[%dma_wait3A_528, %dma_wait3A_529] : memref<10000x128xf32, #tpu.memory_space<hbm>> -> memref<10000x128xf32, #tpu.memory_space<hbm>>
      tpu.wait_indirect_dma semaphore(%arg17 : memref<!tpu.dma_semaphore, #tpu.memory_space<semaphore_mem>>) src(%dma_wait3A_530 : memref<10000x128xf32, #tpu.memory_space<hbm>>) dst(%arg12 : memref<64x128xf32, #tpu.memory_space<vmem>>)
      %dma_start3A_531 = arith.constant 0 : i32
      %dma_start3A_532 = tpu.memref_slice %arg8[%add3A_508, %dma_start3A_531] : memref<40x64xi32, #tpu.memory_space<vmem>> -> memref<1x64xi32, #tpu.memory_space<vmem>>
      %dma_start3A_533 = tpu.memref_squeeze %dma_start3A_532 : memref<1x64xi32, #tpu.memory_space<vmem>> -> memref<64xi32, #tpu.memory_space<vmem>>
      %dma_start3A_534 = arith.constant 0 : i32
      %dma_start3A_535 = arith.constant 0 : i32
      %dma_start3A_536 = tpu.memref_slice %arg13[%dma_start3A_534, %dma_start3A_535] : memref<10112x128xf32, #tpu.memory_space<vmem_shared>> -> memref<10112x128xf32, #tpu.memory_space<vmem_shared>>
      tpu.enqueue_indirect_dma source(%arg12 : memref<64x128xf32, #tpu.memory_space<vmem>>) target(%dma_start3A_536 : memref<10112x128xf32, #tpu.memory_space<vmem_shared>>) offsets(%dma_start3A_533 : memref<64xi32, #tpu.memory_space<vmem>>) semaphore(%arg21 : memref<!tpu.dma_semaphore, #tpu.memory_space<semaphore_mem>>) {add = true}
      %add3A_537 = arith.constant 2 : i32
      %add3A_538 = arith.addi %add3A_477, %add3A_537 : i32
      %sub3A_539 = arith.constant 2 : i32
      %sub3A_540 = arith.subi %add3A_538, %sub3A_539 : i32
      %dma_wait3A_541 = arith.constant 0 : i32
      %dma_wait3A_542 = tpu.memref_slice %arg8[%sub3A_540, %dma_wait3A_541] : memref<40x64xi32, #tpu.memory_space<vmem>> -> memref<1x64xi32, #tpu.memory_space<vmem>>
      %dma_wait3A_543 = tpu.memref_squeeze %dma_wait3A_542 : memref<1x64xi32, #tpu.memory_space<vmem>> -> memref<64xi32, #tpu.memory_space<vmem>>
      %dma_wait3A_544 = arith.constant 0 : i32
      %dma_wait3A_545 = arith.constant 0 : i32
      %dma_wait3A_546 = tpu.memref_slice %arg13[%dma_wait3A_544, %dma_wait3A_545] : memref<10112x128xf32, #tpu.memory_space<vmem_shared>> -> memref<10112x128xf32, #tpu.memory_space<vmem_shared>>
      tpu.wait_indirect_dma semaphore(%arg20 : memref<!tpu.dma_semaphore, #tpu.memory_space<semaphore_mem>>) src(%arg11 : memref<64x128xf32, #tpu.memory_space<vmem>>) dst(%dma_wait3A_546 : memref<10112x128xf32, #tpu.memory_space<vmem_shared>>)
      %add3A_547 = arith.constant 2 : i32
      %add3A_548 = arith.addi %add3A_538, %add3A_547 : i32
      %dma_start3A_549 = arith.constant 0 : i32
      %dma_start3A_550 = tpu.memref_slice %arg7[%add3A_548, %dma_start3A_549] : memref<40x64xi32, #tpu.memory_space<vmem>> -> memref<1x64xi32, #tpu.memory_space<vmem>>
      %dma_start3A_551 = tpu.memref_squeeze %dma_start3A_550 : memref<1x64xi32, #tpu.memory_space<vmem>> -> memref<64xi32, #tpu.memory_space<vmem>>
      %dma_start3A_552 = arith.constant 0 : i32
      %dma_start3A_553 = arith.constant 0 : i32
      %dma_start3A_554 = tpu.memref_slice %arg2[%dma_start3A_552, %dma_start3A_553] : memref<10000x128xf32, #tpu.memory_space<hbm>> -> memref<10000x128xf32, #tpu.memory_space<hbm>>
      tpu.enqueue_indirect_dma source(%dma_start3A_554 : memref<10000x128xf32, #tpu.memory_space<hbm>>) target(%arg11 : memref<64x128xf32, #tpu.memory_space<vmem>>) offsets(%dma_start3A_551 : memref<64xi32, #tpu.memory_space<vmem>>) semaphore(%arg16 : memref<!tpu.dma_semaphore, #tpu.memory_space<semaphore_mem>>)
      %dma_wait3A_555 = arith.constant 0 : i32
      %dma_wait3A_556 = tpu.memref_slice %arg7[%add3A_538, %dma_wait3A_555] : memref<40x64xi32, #tpu.memory_space<vmem>> -> memref<1x64xi32, #tpu.memory_space<vmem>>
      %dma_wait3A_557 = tpu.memref_squeeze %dma_wait3A_556 : memref<1x64xi32, #tpu.memory_space<vmem>> -> memref<64xi32, #tpu.memory_space<vmem>>
      %dma_wait3A_558 = arith.constant 0 : i32
      %dma_wait3A_559 = arith.constant 0 : i32
      %dma_wait3A_560 = tpu.memref_slice %arg2[%dma_wait3A_558, %dma_wait3A_559] : memref<10000x128xf32, #tpu.memory_space<hbm>> -> memref<10000x128xf32, #tpu.memory_space<hbm>>
      tpu.wait_indirect_dma semaphore(%arg14 : memref<!tpu.dma_semaphore, #tpu.memory_space<semaphore_mem>>) src(%dma_wait3A_560 : memref<10000x128xf32, #tpu.memory_space<hbm>>) dst(%arg9 : memref<64x128xf32, #tpu.memory_space<vmem>>)
      %dma_start3A_561 = arith.constant 0 : i32
      %dma_start3A_562 = tpu.memref_slice %arg8[%add3A_538, %dma_start3A_561] : memref<40x64xi32, #tpu.memory_space<vmem>> -> memref<1x64xi32, #tpu.memory_space<vmem>>
      %dma_start3A_563 = tpu.memref_squeeze %dma_start3A_562 : memref<1x64xi32, #tpu.memory_space<vmem>> -> memref<64xi32, #tpu.memory_space<vmem>>
      %dma_start3A_564 = arith.constant 0 : i32
      %dma_start3A_565 = arith.constant 0 : i32
      %dma_start3A_566 = tpu.memref_slice %arg13[%dma_start3A_564, %dma_start3A_565] : memref<10112x128xf32, #tpu.memory_space<vmem_shared>> -> memref<10112x128xf32, #tpu.memory_space<vmem_shared>>
      tpu.enqueue_indirect_dma source(%arg9 : memref<64x128xf32, #tpu.memory_space<vmem>>) target(%dma_start3A_566 : memref<10112x128xf32, #tpu.memory_space<vmem_shared>>) offsets(%dma_start3A_563 : memref<64xi32, #tpu.memory_space<vmem>>) semaphore(%arg18 : memref<!tpu.dma_semaphore, #tpu.memory_space<semaphore_mem>>) {add = true}
      %add3A_567 = arith.constant 3 : i32
      %add3A_568 = arith.addi %add3A_477, %add3A_567 : i32
      %sub3A_569 = arith.constant 2 : i32
      %sub3A_570 = arith.subi %add3A_568, %sub3A_569 : i32
      %dma_wait3A_571 = arith.constant 0 : i32
      %dma_wait3A_572 = tpu.memref_slice %arg8[%sub3A_570, %dma_wait3A_571] : memref<40x64xi32, #tpu.memory_space<vmem>> -> memref<1x64xi32, #tpu.memory_space<vmem>>
      %dma_wait3A_573 = tpu.memref_squeeze %dma_wait3A_572 : memref<1x64xi32, #tpu.memory_space<vmem>> -> memref<64xi32, #tpu.memory_space<vmem>>
      %dma_wait3A_574 = arith.constant 0 : i32
      %dma_wait3A_575 = arith.constant 0 : i32
      %dma_wait3A_576 = tpu.memref_slice %arg13[%dma_wait3A_574, %dma_wait3A_575] : memref<10112x128xf32, #tpu.memory_space<vmem_shared>> -> memref<10112x128xf32, #tpu.memory_space<vmem_shared>>
      tpu.wait_indirect_dma semaphore(%arg21 : memref<!tpu.dma_semaphore, #tpu.memory_space<semaphore_mem>>) src(%arg12 : memref<64x128xf32, #tpu.memory_space<vmem>>) dst(%dma_wait3A_576 : memref<10112x128xf32, #tpu.memory_space<vmem_shared>>)
      %add3A_577 = arith.constant 2 : i32
      %add3A_578 = arith.addi %add3A_568, %add3A_577 : i32
      %dma_start3A_579 = arith.constant 0 : i32
      %dma_start3A_580 = tpu.memref_slice %arg7[%add3A_578, %dma_start3A_579] : memref<40x64xi32, #tpu.memory_space<vmem>> -> memref<1x64xi32, #tpu.memory_space<vmem>>
      %dma_start3A_581 = tpu.memref_squeeze %dma_start3A_580 : memref<1x64xi32, #tpu.memory_space<vmem>> -> memref<64xi32, #tpu.memory_space<vmem>>
      %dma_start3A_582 = arith.constant 0 : i32
      %dma_start3A_583 = arith.constant 0 : i32
      %dma_start3A_584 = tpu.memref_slice %arg2[%dma_start3A_582, %dma_start3A_583] : memref<10000x128xf32, #tpu.memory_space<hbm>> -> memref<10000x128xf32, #tpu.memory_space<hbm>>
      tpu.enqueue_indirect_dma source(%dma_start3A_584 : memref<10000x128xf32, #tpu.memory_space<hbm>>) target(%arg12 : memref<64x128xf32, #tpu.memory_space<vmem>>) offsets(%dma_start3A_581 : memref<64xi32, #tpu.memory_space<vmem>>) semaphore(%arg17 : memref<!tpu.dma_semaphore, #tpu.memory_space<semaphore_mem>>)
      %dma_wait3A_585 = arith.constant 0 : i32
      %dma_wait3A_586 = tpu.memref_slice %arg7[%add3A_568, %dma_wait3A_585] : memref<40x64xi32, #tpu.memory_space<vmem>> -> memref<1x64xi32, #tpu.memory_space<vmem>>
      %dma_wait3A_587 = tpu.memref_squeeze %dma_wait3A_586 : memref<1x64xi32, #tpu.memory_space<vmem>> -> memref<64xi32, #tpu.memory_space<vmem>>
      %dma_wait3A_588 = arith.constant 0 : i32
      %dma_wait3A_589 = arith.constant 0 : i32
      %dma_wait3A_590 = tpu.memref_slice %arg2[%dma_wait3A_588, %dma_wait3A_589] : memref<10000x128xf32, #tpu.memory_space<hbm>> -> memref<10000x128xf32, #tpu.memory_space<hbm>>
      tpu.wait_indirect_dma semaphore(%arg15 : memref<!tpu.dma_semaphore, #tpu.memory_space<semaphore_mem>>) src(%dma_wait3A_590 : memref<10000x128xf32, #tpu.memory_space<hbm>>) dst(%arg10 : memref<64x128xf32, #tpu.memory_space<vmem>>)
      %dma_start3A_591 = arith.constant 0 : i32
      %dma_start3A_592 = tpu.memref_slice %arg8[%add3A_568, %dma_start3A_591] : memref<40x64xi32, #tpu.memory_space<vmem>> -> memref<1x64xi32, #tpu.memory_space<vmem>>
      %dma_start3A_593 = tpu.memref_squeeze %dma_start3A_592 : memref<1x64xi32, #tpu.memory_space<vmem>> -> memref<64xi32, #tpu.memory_space<vmem>>
      %dma_start3A_594 = arith.constant 0 : i32
      %dma_start3A_595 = arith.constant 0 : i32
      %dma_start3A_596 = tpu.memref_slice %arg13[%dma_start3A_594, %dma_start3A_595] : memref<10112x128xf32, #tpu.memory_space<vmem_shared>> -> memref<10112x128xf32, #tpu.memory_space<vmem_shared>>
      tpu.enqueue_indirect_dma source(%arg10 : memref<64x128xf32, #tpu.memory_space<vmem>>) target(%dma_start3A_596 : memref<10112x128xf32, #tpu.memory_space<vmem_shared>>) offsets(%dma_start3A_593 : memref<64xi32, #tpu.memory_space<vmem>>) semaphore(%arg19 : memref<!tpu.dma_semaphore, #tpu.memory_space<semaphore_mem>>) {add = true}
    }
    %scan3A_294 = arith.constant 9 : i32
    %dma_wait3A_295 = arith.constant 38 : i32
    %dma_wait3A_296 = arith.constant 0 : i32
    %dma_wait3A_297 = tpu.memref_slice %arg7[%dma_wait3A_295, %dma_wait3A_296] : memref<40x64xi32, #tpu.memory_space<vmem>> -> memref<1x64xi32, #tpu.memory_space<vmem>>
    %dma_wait3A_298 = tpu.memref_squeeze %dma_wait3A_297 : memref<1x64xi32, #tpu.memory_space<vmem>> -> memref<64xi32, #tpu.memory_space<vmem>>
    %dma_wait3A_299 = arith.constant 0 : i32
    %dma_wait3A_300 = arith.constant 0 : i32
    %dma_wait3A_301 = tpu.memref_slice %arg2[%dma_wait3A_299, %dma_wait3A_300] : memref<10000x128xf32, #tpu.memory_space<hbm>> -> memref<10000x128xf32, #tpu.memory_space<hbm>>
    tpu.wait_indirect_dma semaphore(%arg16 : memref<!tpu.dma_semaphore, #tpu.memory_space<semaphore_mem>>) src(%dma_wait3A_301 : memref<10000x128xf32, #tpu.memory_space<hbm>>) dst(%arg11 : memref<64x128xf32, #tpu.memory_space<vmem>>)
    %dma_start3A_302 = arith.constant 38 : i32
    %dma_start3A_303 = arith.constant 0 : i32
    %dma_start3A_304 = tpu.memref_slice %arg8[%dma_start3A_302, %dma_start3A_303] : memref<40x64xi32, #tpu.memory_space<vmem>> -> memref<1x64xi32, #tpu.memory_space<vmem>>
    %dma_start3A_305 = tpu.memref_squeeze %dma_start3A_304 : memref<1x64xi32, #tpu.memory_space<vmem>> -> memref<64xi32, #tpu.memory_space<vmem>>
    %dma_start3A_306 = arith.constant 0 : i32
    %dma_start3A_307 = arith.constant 0 : i32
    %dma_start3A_308 = tpu.memref_slice %arg13[%dma_start3A_306, %dma_start3A_307] : memref<10112x128xf32, #tpu.memory_space<vmem_shared>> -> memref<10112x128xf32, #tpu.memory_space<vmem_shared>>
    tpu.enqueue_indirect_dma source(%arg11 : memref<64x128xf32, #tpu.memory_space<vmem>>) target(%dma_start3A_308 : memref<10112x128xf32, #tpu.memory_space<vmem_shared>>) offsets(%dma_start3A_305 : memref<64xi32, #tpu.memory_space<vmem>>) semaphore(%arg20 : memref<!tpu.dma_semaphore, #tpu.memory_space<semaphore_mem>>) {add = true}
    %dma_wait3A_309 = arith.constant 39 : i32
    %dma_wait3A_310 = arith.constant 0 : i32
    %dma_wait3A_311 = tpu.memref_slice %arg7[%dma_wait3A_309, %dma_wait3A_310] : memref<40x64xi32, #tpu.memory_space<vmem>> -> memref<1x64xi32, #tpu.memory_space<vmem>>
    %dma_wait3A_312 = tpu.memref_squeeze %dma_wait3A_311 : memref<1x64xi32, #tpu.memory_space<vmem>> -> memref<64xi32, #tpu.memory_space<vmem>>
    %dma_wait3A_313 = arith.constant 0 : i32
    %dma_wait3A_314 = arith.constant 0 : i32
    %dma_wait3A_315 = tpu.memref_slice %arg2[%dma_wait3A_313, %dma_wait3A_314] : memref<10000x128xf32, #tpu.memory_space<hbm>> -> memref<10000x128xf32, #tpu.memory_space<hbm>>
    tpu.wait_indirect_dma semaphore(%arg17 : memref<!tpu.dma_semaphore, #tpu.memory_space<semaphore_mem>>) src(%dma_wait3A_315 : memref<10000x128xf32, #tpu.memory_space<hbm>>) dst(%arg12 : memref<64x128xf32, #tpu.memory_space<vmem>>)
    %dma_start3A_316 = arith.constant 39 : i32
    %dma_start3A_317 = arith.constant 0 : i32
    %dma_start3A_318 = tpu.memref_slice %arg8[%dma_start3A_316, %dma_start3A_317] : memref<40x64xi32, #tpu.memory_space<vmem>> -> memref<1x64xi32, #tpu.memory_space<vmem>>
    %dma_start3A_319 = tpu.memref_squeeze %dma_start3A_318 : memref<1x64xi32, #tpu.memory_space<vmem>> -> memref<64xi32, #tpu.memory_space<vmem>>
    %dma_start3A_320 = arith.constant 0 : i32
    %dma_start3A_321 = arith.constant 0 : i32
    %dma_start3A_322 = tpu.memref_slice %arg13[%dma_start3A_320, %dma_start3A_321] : memref<10112x128xf32, #tpu.memory_space<vmem_shared>> -> memref<10112x128xf32, #tpu.memory_space<vmem_shared>>
    tpu.enqueue_indirect_dma source(%arg12 : memref<64x128xf32, #tpu.memory_space<vmem>>) target(%dma_start3A_322 : memref<10112x128xf32, #tpu.memory_space<vmem_shared>>) offsets(%dma_start3A_319 : memref<64xi32, #tpu.memory_space<vmem>>) semaphore(%arg21 : memref<!tpu.dma_semaphore, #tpu.memory_space<semaphore_mem>>) {add = true}
    %dma_wait3A_323 = arith.constant 36 : i32
    %dma_wait3A_324 = arith.constant 0 : i32
    %dma_wait3A_325 = tpu.memref_slice %arg8[%dma_wait3A_323, %dma_wait3A_324] : memref<40x64xi32, #tpu.memory_space<vmem>> -> memref<1x64xi32, #tpu.memory_space<vmem>>
    %dma_wait3A_326 = tpu.memref_squeeze %dma_wait3A_325 : memref<1x64xi32, #tpu.memory_space<vmem>> -> memref<64xi32, #tpu.memory_space<vmem>>
    %dma_wait3A_327 = arith.constant 0 : i32
    %dma_wait3A_328 = arith.constant 0 : i32
    %dma_wait3A_329 = tpu.memref_slice %arg13[%dma_wait3A_327, %dma_wait3A_328] : memref<10112x128xf32, #tpu.memory_space<vmem_shared>> -> memref<10112x128xf32, #tpu.memory_space<vmem_shared>>
    tpu.wait_indirect_dma semaphore(%arg18 : memref<!tpu.dma_semaphore, #tpu.memory_space<semaphore_mem>>) src(%arg9 : memref<64x128xf32, #tpu.memory_space<vmem>>) dst(%dma_wait3A_329 : memref<10112x128xf32, #tpu.memory_space<vmem_shared>>)
    %dma_wait3A_330 = arith.constant 37 : i32
    %dma_wait3A_331 = arith.constant 0 : i32
    %dma_wait3A_332 = tpu.memref_slice %arg8[%dma_wait3A_330, %dma_wait3A_331] : memref<40x64xi32, #tpu.memory_space<vmem>> -> memref<1x64xi32, #tpu.memory_space<vmem>>
    %dma_wait3A_333 = tpu.memref_squeeze %dma_wait3A_332 : memref<1x64xi32, #tpu.memory_space<vmem>> -> memref<64xi32, #tpu.memory_space<vmem>>
    %dma_wait3A_334 = arith.constant 0 : i32
    %dma_wait3A_335 = arith.constant 0 : i32
    %dma_wait3A_336 = tpu.memref_slice %arg13[%dma_wait3A_334, %dma_wait3A_335] : memref<10112x128xf32, #tpu.memory_space<vmem_shared>> -> memref<10112x128xf32, #tpu.memory_space<vmem_shared>>
    tpu.wait_indirect_dma semaphore(%arg19 : memref<!tpu.dma_semaphore, #tpu.memory_space<semaphore_mem>>) src(%arg10 : memref<64x128xf32, #tpu.memory_space<vmem>>) dst(%dma_wait3A_336 : memref<10112x128xf32, #tpu.memory_space<vmem_shared>>)
    %dma_wait3A_337 = arith.constant 38 : i32
    %dma_wait3A_338 = arith.constant 0 : i32
    %dma_wait3A_339 = tpu.memref_slice %arg8[%dma_wait3A_337, %dma_wait3A_338] : memref<40x64xi32, #tpu.memory_space<vmem>> -> memref<1x64xi32, #tpu.memory_space<vmem>>
    %dma_wait3A_340 = tpu.memref_squeeze %dma_wait3A_339 : memref<1x64xi32, #tpu.memory_space<vmem>> -> memref<64xi32, #tpu.memory_space<vmem>>
    %dma_wait3A_341 = arith.constant 0 : i32
    %dma_wait3A_342 = arith.constant 0 : i32
    %dma_wait3A_343 = tpu.memref_slice %arg13[%dma_wait3A_341, %dma_wait3A_342] : memref<10112x128xf32, #tpu.memory_space<vmem_shared>> -> memref<10112x128xf32, #tpu.memory_space<vmem_shared>>
    tpu.wait_indirect_dma semaphore(%arg20 : memref<!tpu.dma_semaphore, #tpu.memory_space<semaphore_mem>>) src(%arg11 : memref<64x128xf32, #tpu.memory_space<vmem>>) dst(%dma_wait3A_343 : memref<10112x128xf32, #tpu.memory_space<vmem_shared>>)
    %dma_wait3A_344 = arith.constant 39 : i32
    %dma_wait3A_345 = arith.constant 0 : i32
    %dma_wait3A_346 = tpu.memref_slice %arg8[%dma_wait3A_344, %dma_wait3A_345] : memref<40x64xi32, #tpu.memory_space<vmem>> -> memref<1x64xi32, #tpu.memory_space<vmem>>
    %dma_wait3A_347 = tpu.memref_squeeze %dma_wait3A_346 : memref<1x64xi32, #tpu.memory_space<vmem>> -> memref<64xi32, #tpu.memory_space<vmem>>
    %dma_wait3A_348 = arith.constant 0 : i32
    %dma_wait3A_349 = arith.constant 0 : i32
    %dma_wait3A_350 = tpu.memref_slice %arg13[%dma_wait3A_348, %dma_wait3A_349] : memref<10112x128xf32, #tpu.memory_space<vmem_shared>> -> memref<10112x128xf32, #tpu.memory_space<vmem_shared>>
    tpu.wait_indirect_dma semaphore(%arg21 : memref<!tpu.dma_semaphore, #tpu.memory_space<semaphore_mem>>) src(%arg12 : memref<64x128xf32, #tpu.memory_space<vmem>>) dst(%dma_wait3A_350 : memref<10112x128xf32, #tpu.memory_space<vmem_shared>>)
    "tpu.region"() ({
      %run_scoped3A = tpu.sem_alloc : memref<!tpu.dma_semaphore, #tpu.memory_space<semaphore_mem>>
      %dma_start3A_473 = arith.constant 120 : i32
      %dma_start3A_474 = arith.constant 0 : i32
      %dma_start3A_475 = tpu.memref_slice %arg3[%add3A, %dma_start3A_473, %dma_start3A_474] : memref<32x160x64xi32, #tpu.memory_space<hbm>> -> memref<1x40x64xi32, #tpu.memory_space<hbm>>
      %dma_start3A_476 = tpu.memref_squeeze %dma_start3A_475 : memref<1x40x64xi32, #tpu.memory_space<hbm>> -> memref<40x64xi32, #tpu.memory_space<hbm>>
      %dma_start3A_477 = arith.constant 120 : i32
      %dma_start3A_478 = arith.constant 0 : i32
      %dma_start3A_479 = tpu.memref_slice %arg3[%add3A, %dma_start3A_477, %dma_start3A_478] : memref<32x160x64xi32, #tpu.memory_space<hbm>> -> memref<1x40x64xi32, #tpu.memory_space<hbm>>
      %dma_start3A_480 = tpu.memref_squeeze %dma_start3A_479 : memref<1x40x64xi32, #tpu.memory_space<hbm>> -> memref<40x64xi32, #tpu.memory_space<hbm>>
      tpu.enqueue_dma source(%dma_start3A_480 : memref<40x64xi32, #tpu.memory_space<hbm>>) target(%arg7 : memref<40x64xi32, #tpu.memory_space<vmem>>) target_semaphore(%run_scoped3A : memref<!tpu.dma_semaphore, #tpu.memory_space<semaphore_mem>>)
      %dma_wait3A_481 = arith.constant 120 : i32
      %dma_wait3A_482 = arith.constant 0 : i32
      %dma_wait3A_483 = tpu.memref_slice %arg3[%add3A, %dma_wait3A_481, %dma_wait3A_482] : memref<32x160x64xi32, #tpu.memory_space<hbm>> -> memref<1x40x64xi32, #tpu.memory_space<hbm>>
      %dma_wait3A_484 = tpu.memref_squeeze %dma_wait3A_483 : memref<1x40x64xi32, #tpu.memory_space<hbm>> -> memref<40x64xi32, #tpu.memory_space<hbm>>
      %dma_wait3A_485 = arith.constant 120 : i32
      %dma_wait3A_486 = arith.constant 0 : i32
      %dma_wait3A_487 = tpu.memref_slice %arg3[%add3A, %dma_wait3A_485, %dma_wait3A_486] : memref<32x160x64xi32, #tpu.memory_space<hbm>> -> memref<1x40x64xi32, #tpu.memory_space<hbm>>
      %dma_wait3A_488 = tpu.memref_squeeze %dma_wait3A_487 : memref<1x40x64xi32, #tpu.memory_space<hbm>> -> memref<40x64xi32, #tpu.memory_space<hbm>>
      tpu.wait_dma2 semaphore(%run_scoped3A : memref<!tpu.dma_semaphore, #tpu.memory_space<semaphore_mem>>) src(%dma_wait3A_488 : memref<40x64xi32, #tpu.memory_space<hbm>>) dst(%arg7 : memref<40x64xi32, #tpu.memory_space<vmem>>)
      tpu.yield
    }) : () -> ()
    "tpu.region"() ({
      %run_scoped3A = tpu.sem_alloc : memref<!tpu.dma_semaphore, #tpu.memory_space<semaphore_mem>>
      %dma_start3A_473 = arith.constant 120 : i32
      %dma_start3A_474 = arith.constant 0 : i32
      %dma_start3A_475 = tpu.memref_slice %arg4[%add3A, %dma_start3A_473, %dma_start3A_474] : memref<32x160x64xi32, #tpu.memory_space<hbm>> -> memref<1x40x64xi32, #tpu.memory_space<hbm>>
      %dma_start3A_476 = tpu.memref_squeeze %dma_start3A_475 : memref<1x40x64xi32, #tpu.memory_space<hbm>> -> memref<40x64xi32, #tpu.memory_space<hbm>>
      %dma_start3A_477 = arith.constant 120 : i32
      %dma_start3A_478 = arith.constant 0 : i32
      %dma_start3A_479 = tpu.memref_slice %arg4[%add3A, %dma_start3A_477, %dma_start3A_478] : memref<32x160x64xi32, #tpu.memory_space<hbm>> -> memref<1x40x64xi32, #tpu.memory_space<hbm>>
      %dma_start3A_480 = tpu.memref_squeeze %dma_start3A_479 : memref<1x40x64xi32, #tpu.memory_space<hbm>> -> memref<40x64xi32, #tpu.memory_space<hbm>>
      tpu.enqueue_dma source(%dma_start3A_480 : memref<40x64xi32, #tpu.memory_space<hbm>>) target(%arg8 : memref<40x64xi32, #tpu.memory_space<vmem>>) target_semaphore(%run_scoped3A : memref<!tpu.dma_semaphore, #tpu.memory_space<semaphore_mem>>)
      %dma_wait3A_481 = arith.constant 120 : i32
      %dma_wait3A_482 = arith.constant 0 : i32
      %dma_wait3A_483 = tpu.memref_slice %arg4[%add3A, %dma_wait3A_481, %dma_wait3A_482] : memref<32x160x64xi32, #tpu.memory_space<hbm>> -> memref<1x40x64xi32, #tpu.memory_space<hbm>>
      %dma_wait3A_484 = tpu.memref_squeeze %dma_wait3A_483 : memref<1x40x64xi32, #tpu.memory_space<hbm>> -> memref<40x64xi32, #tpu.memory_space<hbm>>
      %dma_wait3A_485 = arith.constant 120 : i32
      %dma_wait3A_486 = arith.constant 0 : i32
      %dma_wait3A_487 = tpu.memref_slice %arg4[%add3A, %dma_wait3A_485, %dma_wait3A_486] : memref<32x160x64xi32, #tpu.memory_space<hbm>> -> memref<1x40x64xi32, #tpu.memory_space<hbm>>
      %dma_wait3A_488 = tpu.memref_squeeze %dma_wait3A_487 : memref<1x40x64xi32, #tpu.memory_space<hbm>> -> memref<40x64xi32, #tpu.memory_space<hbm>>
      tpu.wait_dma2 semaphore(%run_scoped3A : memref<!tpu.dma_semaphore, #tpu.memory_space<semaphore_mem>>) src(%dma_wait3A_488 : memref<40x64xi32, #tpu.memory_space<hbm>>) dst(%arg8 : memref<40x64xi32, #tpu.memory_space<vmem>>)
      tpu.yield
    }) : () -> ()
    %dma_start3A_351 = arith.constant 0 : i32
    %dma_start3A_352 = arith.constant 0 : i32
    %dma_start3A_353 = tpu.memref_slice %arg7[%dma_start3A_351, %dma_start3A_352] : memref<40x64xi32, #tpu.memory_space<vmem>> -> memref<1x64xi32, #tpu.memory_space<vmem>>
    %dma_start3A_354 = tpu.memref_squeeze %dma_start3A_353 : memref<1x64xi32, #tpu.memory_space<vmem>> -> memref<64xi32, #tpu.memory_space<vmem>>
    %dma_start3A_355 = arith.constant 0 : i32
    %dma_start3A_356 = arith.constant 0 : i32
    %dma_start3A_357 = tpu.memref_slice %arg2[%dma_start3A_355, %dma_start3A_356] : memref<10000x128xf32, #tpu.memory_space<hbm>> -> memref<10000x128xf32, #tpu.memory_space<hbm>>
    tpu.enqueue_indirect_dma source(%dma_start3A_357 : memref<10000x128xf32, #tpu.memory_space<hbm>>) target(%arg9 : memref<64x128xf32, #tpu.memory_space<vmem>>) offsets(%dma_start3A_354 : memref<64xi32, #tpu.memory_space<vmem>>) semaphore(%arg14 : memref<!tpu.dma_semaphore, #tpu.memory_space<semaphore_mem>>)
    %dma_start3A_358 = arith.constant 1 : i32
    %dma_start3A_359 = arith.constant 0 : i32
    %dma_start3A_360 = tpu.memref_slice %arg7[%dma_start3A_358, %dma_start3A_359] : memref<40x64xi32, #tpu.memory_space<vmem>> -> memref<1x64xi32, #tpu.memory_space<vmem>>
    %dma_start3A_361 = tpu.memref_squeeze %dma_start3A_360 : memref<1x64xi32, #tpu.memory_space<vmem>> -> memref<64xi32, #tpu.memory_space<vmem>>
    %dma_start3A_362 = arith.constant 0 : i32
    %dma_start3A_363 = arith.constant 0 : i32
    %dma_start3A_364 = tpu.memref_slice %arg2[%dma_start3A_362, %dma_start3A_363] : memref<10000x128xf32, #tpu.memory_space<hbm>> -> memref<10000x128xf32, #tpu.memory_space<hbm>>
    tpu.enqueue_indirect_dma source(%dma_start3A_364 : memref<10000x128xf32, #tpu.memory_space<hbm>>) target(%arg10 : memref<64x128xf32, #tpu.memory_space<vmem>>) offsets(%dma_start3A_361 : memref<64xi32, #tpu.memory_space<vmem>>) semaphore(%arg15 : memref<!tpu.dma_semaphore, #tpu.memory_space<semaphore_mem>>)
    %dma_start3A_365 = arith.constant 2 : i32
    %dma_start3A_366 = arith.constant 0 : i32
    %dma_start3A_367 = tpu.memref_slice %arg7[%dma_start3A_365, %dma_start3A_366] : memref<40x64xi32, #tpu.memory_space<vmem>> -> memref<1x64xi32, #tpu.memory_space<vmem>>
    %dma_start3A_368 = tpu.memref_squeeze %dma_start3A_367 : memref<1x64xi32, #tpu.memory_space<vmem>> -> memref<64xi32, #tpu.memory_space<vmem>>
    %dma_start3A_369 = arith.constant 0 : i32
    %dma_start3A_370 = arith.constant 0 : i32
    %dma_start3A_371 = tpu.memref_slice %arg2[%dma_start3A_369, %dma_start3A_370] : memref<10000x128xf32, #tpu.memory_space<hbm>> -> memref<10000x128xf32, #tpu.memory_space<hbm>>
    tpu.enqueue_indirect_dma source(%dma_start3A_371 : memref<10000x128xf32, #tpu.memory_space<hbm>>) target(%arg11 : memref<64x128xf32, #tpu.memory_space<vmem>>) offsets(%dma_start3A_368 : memref<64xi32, #tpu.memory_space<vmem>>) semaphore(%arg16 : memref<!tpu.dma_semaphore, #tpu.memory_space<semaphore_mem>>)
    %dma_wait3A_372 = arith.constant 0 : i32
    %dma_wait3A_373 = arith.constant 0 : i32
    %dma_wait3A_374 = tpu.memref_slice %arg7[%dma_wait3A_372, %dma_wait3A_373] : memref<40x64xi32, #tpu.memory_space<vmem>> -> memref<1x64xi32, #tpu.memory_space<vmem>>
    %dma_wait3A_375 = tpu.memref_squeeze %dma_wait3A_374 : memref<1x64xi32, #tpu.memory_space<vmem>> -> memref<64xi32, #tpu.memory_space<vmem>>
    %dma_wait3A_376 = arith.constant 0 : i32
    %dma_wait3A_377 = arith.constant 0 : i32
    %dma_wait3A_378 = tpu.memref_slice %arg2[%dma_wait3A_376, %dma_wait3A_377] : memref<10000x128xf32, #tpu.memory_space<hbm>> -> memref<10000x128xf32, #tpu.memory_space<hbm>>
    tpu.wait_indirect_dma semaphore(%arg14 : memref<!tpu.dma_semaphore, #tpu.memory_space<semaphore_mem>>) src(%dma_wait3A_378 : memref<10000x128xf32, #tpu.memory_space<hbm>>) dst(%arg9 : memref<64x128xf32, #tpu.memory_space<vmem>>)
    %dma_start3A_379 = arith.constant 0 : i32
    %dma_start3A_380 = arith.constant 0 : i32
    %dma_start3A_381 = tpu.memref_slice %arg8[%dma_start3A_379, %dma_start3A_380] : memref<40x64xi32, #tpu.memory_space<vmem>> -> memref<1x64xi32, #tpu.memory_space<vmem>>
    %dma_start3A_382 = tpu.memref_squeeze %dma_start3A_381 : memref<1x64xi32, #tpu.memory_space<vmem>> -> memref<64xi32, #tpu.memory_space<vmem>>
    %dma_start3A_383 = arith.constant 0 : i32
    %dma_start3A_384 = arith.constant 0 : i32
    %dma_start3A_385 = tpu.memref_slice %arg13[%dma_start3A_383, %dma_start3A_384] : memref<10112x128xf32, #tpu.memory_space<vmem_shared>> -> memref<10112x128xf32, #tpu.memory_space<vmem_shared>>
    tpu.enqueue_indirect_dma source(%arg9 : memref<64x128xf32, #tpu.memory_space<vmem>>) target(%dma_start3A_385 : memref<10112x128xf32, #tpu.memory_space<vmem_shared>>) offsets(%dma_start3A_382 : memref<64xi32, #tpu.memory_space<vmem>>) semaphore(%arg18 : memref<!tpu.dma_semaphore, #tpu.memory_space<semaphore_mem>>) {add = true}
    %dma_start3A_386 = arith.constant 3 : i32
    %dma_start3A_387 = arith.constant 0 : i32
    %dma_start3A_388 = tpu.memref_slice %arg7[%dma_start3A_386, %dma_start3A_387] : memref<40x64xi32, #tpu.memory_space<vmem>> -> memref<1x64xi32, #tpu.memory_space<vmem>>
    %dma_start3A_389 = tpu.memref_squeeze %dma_start3A_388 : memref<1x64xi32, #tpu.memory_space<vmem>> -> memref<64xi32, #tpu.memory_space<vmem>>
    %dma_start3A_390 = arith.constant 0 : i32
    %dma_start3A_391 = arith.constant 0 : i32
    %dma_start3A_392 = tpu.memref_slice %arg2[%dma_start3A_390, %dma_start3A_391] : memref<10000x128xf32, #tpu.memory_space<hbm>> -> memref<10000x128xf32, #tpu.memory_space<hbm>>
    tpu.enqueue_indirect_dma source(%dma_start3A_392 : memref<10000x128xf32, #tpu.memory_space<hbm>>) target(%arg12 : memref<64x128xf32, #tpu.memory_space<vmem>>) offsets(%dma_start3A_389 : memref<64xi32, #tpu.memory_space<vmem>>) semaphore(%arg17 : memref<!tpu.dma_semaphore, #tpu.memory_space<semaphore_mem>>)
    %dma_wait3A_393 = arith.constant 1 : i32
    %dma_wait3A_394 = arith.constant 0 : i32
    %dma_wait3A_395 = tpu.memref_slice %arg7[%dma_wait3A_393, %dma_wait3A_394] : memref<40x64xi32, #tpu.memory_space<vmem>> -> memref<1x64xi32, #tpu.memory_space<vmem>>
    %dma_wait3A_396 = tpu.memref_squeeze %dma_wait3A_395 : memref<1x64xi32, #tpu.memory_space<vmem>> -> memref<64xi32, #tpu.memory_space<vmem>>
    %dma_wait3A_397 = arith.constant 0 : i32
    %dma_wait3A_398 = arith.constant 0 : i32
    %dma_wait3A_399 = tpu.memref_slice %arg2[%dma_wait3A_397, %dma_wait3A_398] : memref<10000x128xf32, #tpu.memory_space<hbm>> -> memref<10000x128xf32, #tpu.memory_space<hbm>>
    tpu.wait_indirect_dma semaphore(%arg15 : memref<!tpu.dma_semaphore, #tpu.memory_space<semaphore_mem>>) src(%dma_wait3A_399 : memref<10000x128xf32, #tpu.memory_space<hbm>>) dst(%arg10 : memref<64x128xf32, #tpu.memory_space<vmem>>)
    %dma_start3A_400 = arith.constant 1 : i32
    %dma_start3A_401 = arith.constant 0 : i32
    %dma_start3A_402 = tpu.memref_slice %arg8[%dma_start3A_400, %dma_start3A_401] : memref<40x64xi32, #tpu.memory_space<vmem>> -> memref<1x64xi32, #tpu.memory_space<vmem>>
    %dma_start3A_403 = tpu.memref_squeeze %dma_start3A_402 : memref<1x64xi32, #tpu.memory_space<vmem>> -> memref<64xi32, #tpu.memory_space<vmem>>
    %dma_start3A_404 = arith.constant 0 : i32
    %dma_start3A_405 = arith.constant 0 : i32
    %dma_start3A_406 = tpu.memref_slice %arg13[%dma_start3A_404, %dma_start3A_405] : memref<10112x128xf32, #tpu.memory_space<vmem_shared>> -> memref<10112x128xf32, #tpu.memory_space<vmem_shared>>
    tpu.enqueue_indirect_dma source(%arg10 : memref<64x128xf32, #tpu.memory_space<vmem>>) target(%dma_start3A_406 : memref<10112x128xf32, #tpu.memory_space<vmem_shared>>) offsets(%dma_start3A_403 : memref<64xi32, #tpu.memory_space<vmem>>) semaphore(%arg19 : memref<!tpu.dma_semaphore, #tpu.memory_space<semaphore_mem>>) {add = true}
    %scan3A_407 = arith.constant 0 : i32
    %scan3A_408 = arith.constant 9 : i32
    %scan3A_409 = arith.addi %scan3A_407, %scan3A_408 : i32
    %scan3A_410 = arith.constant 1 : i32
    scf.for %scan3A_473 = %scan3A_407 to %scan3A_409 step %scan3A_410  : i32 {
      %mul3A_474 = arith.constant 4 : i32
      %mul3A_475 = arith.muli %scan3A_473, %mul3A_474 : i32
      %add3A_476 = arith.constant 2 : i32
      %add3A_477 = arith.addi %add3A_476, %mul3A_475 : i32
      %add3A_478 = arith.constant 0 : i32
      %add3A_479 = arith.addi %add3A_477, %add3A_478 : i32
      %sub3A = arith.constant 2 : i32
      %sub3A_480 = arith.subi %add3A_479, %sub3A : i32
      %dma_wait3A_481 = arith.constant 0 : i32
      %dma_wait3A_482 = tpu.memref_slice %arg8[%sub3A_480, %dma_wait3A_481] : memref<40x64xi32, #tpu.memory_space<vmem>> -> memref<1x64xi32, #tpu.memory_space<vmem>>
      %dma_wait3A_483 = tpu.memref_squeeze %dma_wait3A_482 : memref<1x64xi32, #tpu.memory_space<vmem>> -> memref<64xi32, #tpu.memory_space<vmem>>
      %dma_wait3A_484 = arith.constant 0 : i32
      %dma_wait3A_485 = arith.constant 0 : i32
      %dma_wait3A_486 = tpu.memref_slice %arg13[%dma_wait3A_484, %dma_wait3A_485] : memref<10112x128xf32, #tpu.memory_space<vmem_shared>> -> memref<10112x128xf32, #tpu.memory_space<vmem_shared>>
      tpu.wait_indirect_dma semaphore(%arg18 : memref<!tpu.dma_semaphore, #tpu.memory_space<semaphore_mem>>) src(%arg9 : memref<64x128xf32, #tpu.memory_space<vmem>>) dst(%dma_wait3A_486 : memref<10112x128xf32, #tpu.memory_space<vmem_shared>>)
      %add3A_487 = arith.constant 2 : i32
      %add3A_488 = arith.addi %add3A_479, %add3A_487 : i32
      %dma_start3A_489 = arith.constant 0 : i32
      %dma_start3A_490 = tpu.memref_slice %arg7[%add3A_488, %dma_start3A_489] : memref<40x64xi32, #tpu.memory_space<vmem>> -> memref<1x64xi32, #tpu.memory_space<vmem>>
      %dma_start3A_491 = tpu.memref_squeeze %dma_start3A_490 : memref<1x64xi32, #tpu.memory_space<vmem>> -> memref<64xi32, #tpu.memory_space<vmem>>
      %dma_start3A_492 = arith.constant 0 : i32
      %dma_start3A_493 = arith.constant 0 : i32
      %dma_start3A_494 = tpu.memref_slice %arg2[%dma_start3A_492, %dma_start3A_493] : memref<10000x128xf32, #tpu.memory_space<hbm>> -> memref<10000x128xf32, #tpu.memory_space<hbm>>
      tpu.enqueue_indirect_dma source(%dma_start3A_494 : memref<10000x128xf32, #tpu.memory_space<hbm>>) target(%arg9 : memref<64x128xf32, #tpu.memory_space<vmem>>) offsets(%dma_start3A_491 : memref<64xi32, #tpu.memory_space<vmem>>) semaphore(%arg14 : memref<!tpu.dma_semaphore, #tpu.memory_space<semaphore_mem>>)
      %dma_wait3A_495 = arith.constant 0 : i32
      %dma_wait3A_496 = tpu.memref_slice %arg7[%add3A_479, %dma_wait3A_495] : memref<40x64xi32, #tpu.memory_space<vmem>> -> memref<1x64xi32, #tpu.memory_space<vmem>>
      %dma_wait3A_497 = tpu.memref_squeeze %dma_wait3A_496 : memref<1x64xi32, #tpu.memory_space<vmem>> -> memref<64xi32, #tpu.memory_space<vmem>>
      %dma_wait3A_498 = arith.constant 0 : i32
      %dma_wait3A_499 = arith.constant 0 : i32
      %dma_wait3A_500 = tpu.memref_slice %arg2[%dma_wait3A_498, %dma_wait3A_499] : memref<10000x128xf32, #tpu.memory_space<hbm>> -> memref<10000x128xf32, #tpu.memory_space<hbm>>
      tpu.wait_indirect_dma semaphore(%arg16 : memref<!tpu.dma_semaphore, #tpu.memory_space<semaphore_mem>>) src(%dma_wait3A_500 : memref<10000x128xf32, #tpu.memory_space<hbm>>) dst(%arg11 : memref<64x128xf32, #tpu.memory_space<vmem>>)
      %dma_start3A_501 = arith.constant 0 : i32
      %dma_start3A_502 = tpu.memref_slice %arg8[%add3A_479, %dma_start3A_501] : memref<40x64xi32, #tpu.memory_space<vmem>> -> memref<1x64xi32, #tpu.memory_space<vmem>>
      %dma_start3A_503 = tpu.memref_squeeze %dma_start3A_502 : memref<1x64xi32, #tpu.memory_space<vmem>> -> memref<64xi32, #tpu.memory_space<vmem>>
      %dma_start3A_504 = arith.constant 0 : i32
      %dma_start3A_505 = arith.constant 0 : i32
      %dma_start3A_506 = tpu.memref_slice %arg13[%dma_start3A_504, %dma_start3A_505] : memref<10112x128xf32, #tpu.memory_space<vmem_shared>> -> memref<10112x128xf32, #tpu.memory_space<vmem_shared>>
      tpu.enqueue_indirect_dma source(%arg11 : memref<64x128xf32, #tpu.memory_space<vmem>>) target(%dma_start3A_506 : memref<10112x128xf32, #tpu.memory_space<vmem_shared>>) offsets(%dma_start3A_503 : memref<64xi32, #tpu.memory_space<vmem>>) semaphore(%arg20 : memref<!tpu.dma_semaphore, #tpu.memory_space<semaphore_mem>>) {add = true}
      %add3A_507 = arith.constant 1 : i32
      %add3A_508 = arith.addi %add3A_477, %add3A_507 : i32
      %sub3A_509 = arith.constant 2 : i32
      %sub3A_510 = arith.subi %add3A_508, %sub3A_509 : i32
      %dma_wait3A_511 = arith.constant 0 : i32
      %dma_wait3A_512 = tpu.memref_slice %arg8[%sub3A_510, %dma_wait3A_511] : memref<40x64xi32, #tpu.memory_space<vmem>> -> memref<1x64xi32, #tpu.memory_space<vmem>>
      %dma_wait3A_513 = tpu.memref_squeeze %dma_wait3A_512 : memref<1x64xi32, #tpu.memory_space<vmem>> -> memref<64xi32, #tpu.memory_space<vmem>>
      %dma_wait3A_514 = arith.constant 0 : i32
      %dma_wait3A_515 = arith.constant 0 : i32
      %dma_wait3A_516 = tpu.memref_slice %arg13[%dma_wait3A_514, %dma_wait3A_515] : memref<10112x128xf32, #tpu.memory_space<vmem_shared>> -> memref<10112x128xf32, #tpu.memory_space<vmem_shared>>
      tpu.wait_indirect_dma semaphore(%arg19 : memref<!tpu.dma_semaphore, #tpu.memory_space<semaphore_mem>>) src(%arg10 : memref<64x128xf32, #tpu.memory_space<vmem>>) dst(%dma_wait3A_516 : memref<10112x128xf32, #tpu.memory_space<vmem_shared>>)
      %add3A_517 = arith.constant 2 : i32
      %add3A_518 = arith.addi %add3A_508, %add3A_517 : i32
      %dma_start3A_519 = arith.constant 0 : i32
      %dma_start3A_520 = tpu.memref_slice %arg7[%add3A_518, %dma_start3A_519] : memref<40x64xi32, #tpu.memory_space<vmem>> -> memref<1x64xi32, #tpu.memory_space<vmem>>
      %dma_start3A_521 = tpu.memref_squeeze %dma_start3A_520 : memref<1x64xi32, #tpu.memory_space<vmem>> -> memref<64xi32, #tpu.memory_space<vmem>>
      %dma_start3A_522 = arith.constant 0 : i32
      %dma_start3A_523 = arith.constant 0 : i32
      %dma_start3A_524 = tpu.memref_slice %arg2[%dma_start3A_522, %dma_start3A_523] : memref<10000x128xf32, #tpu.memory_space<hbm>> -> memref<10000x128xf32, #tpu.memory_space<hbm>>
      tpu.enqueue_indirect_dma source(%dma_start3A_524 : memref<10000x128xf32, #tpu.memory_space<hbm>>) target(%arg10 : memref<64x128xf32, #tpu.memory_space<vmem>>) offsets(%dma_start3A_521 : memref<64xi32, #tpu.memory_space<vmem>>) semaphore(%arg15 : memref<!tpu.dma_semaphore, #tpu.memory_space<semaphore_mem>>)
      %dma_wait3A_525 = arith.constant 0 : i32
      %dma_wait3A_526 = tpu.memref_slice %arg7[%add3A_508, %dma_wait3A_525] : memref<40x64xi32, #tpu.memory_space<vmem>> -> memref<1x64xi32, #tpu.memory_space<vmem>>
      %dma_wait3A_527 = tpu.memref_squeeze %dma_wait3A_526 : memref<1x64xi32, #tpu.memory_space<vmem>> -> memref<64xi32, #tpu.memory_space<vmem>>
      %dma_wait3A_528 = arith.constant 0 : i32
      %dma_wait3A_529 = arith.constant 0 : i32
      %dma_wait3A_530 = tpu.memref_slice %arg2[%dma_wait3A_528, %dma_wait3A_529] : memref<10000x128xf32, #tpu.memory_space<hbm>> -> memref<10000x128xf32, #tpu.memory_space<hbm>>
      tpu.wait_indirect_dma semaphore(%arg17 : memref<!tpu.dma_semaphore, #tpu.memory_space<semaphore_mem>>) src(%dma_wait3A_530 : memref<10000x128xf32, #tpu.memory_space<hbm>>) dst(%arg12 : memref<64x128xf32, #tpu.memory_space<vmem>>)
      %dma_start3A_531 = arith.constant 0 : i32
      %dma_start3A_532 = tpu.memref_slice %arg8[%add3A_508, %dma_start3A_531] : memref<40x64xi32, #tpu.memory_space<vmem>> -> memref<1x64xi32, #tpu.memory_space<vmem>>
      %dma_start3A_533 = tpu.memref_squeeze %dma_start3A_532 : memref<1x64xi32, #tpu.memory_space<vmem>> -> memref<64xi32, #tpu.memory_space<vmem>>
      %dma_start3A_534 = arith.constant 0 : i32
      %dma_start3A_535 = arith.constant 0 : i32
      %dma_start3A_536 = tpu.memref_slice %arg13[%dma_start3A_534, %dma_start3A_535] : memref<10112x128xf32, #tpu.memory_space<vmem_shared>> -> memref<10112x128xf32, #tpu.memory_space<vmem_shared>>
      tpu.enqueue_indirect_dma source(%arg12 : memref<64x128xf32, #tpu.memory_space<vmem>>) target(%dma_start3A_536 : memref<10112x128xf32, #tpu.memory_space<vmem_shared>>) offsets(%dma_start3A_533 : memref<64xi32, #tpu.memory_space<vmem>>) semaphore(%arg21 : memref<!tpu.dma_semaphore, #tpu.memory_space<semaphore_mem>>) {add = true}
      %add3A_537 = arith.constant 2 : i32
      %add3A_538 = arith.addi %add3A_477, %add3A_537 : i32
      %sub3A_539 = arith.constant 2 : i32
      %sub3A_540 = arith.subi %add3A_538, %sub3A_539 : i32
      %dma_wait3A_541 = arith.constant 0 : i32
      %dma_wait3A_542 = tpu.memref_slice %arg8[%sub3A_540, %dma_wait3A_541] : memref<40x64xi32, #tpu.memory_space<vmem>> -> memref<1x64xi32, #tpu.memory_space<vmem>>
      %dma_wait3A_543 = tpu.memref_squeeze %dma_wait3A_542 : memref<1x64xi32, #tpu.memory_space<vmem>> -> memref<64xi32, #tpu.memory_space<vmem>>
      %dma_wait3A_544 = arith.constant 0 : i32
      %dma_wait3A_545 = arith.constant 0 : i32
      %dma_wait3A_546 = tpu.memref_slice %arg13[%dma_wait3A_544, %dma_wait3A_545] : memref<10112x128xf32, #tpu.memory_space<vmem_shared>> -> memref<10112x128xf32, #tpu.memory_space<vmem_shared>>
      tpu.wait_indirect_dma semaphore(%arg20 : memref<!tpu.dma_semaphore, #tpu.memory_space<semaphore_mem>>) src(%arg11 : memref<64x128xf32, #tpu.memory_space<vmem>>) dst(%dma_wait3A_546 : memref<10112x128xf32, #tpu.memory_space<vmem_shared>>)
      %add3A_547 = arith.constant 2 : i32
      %add3A_548 = arith.addi %add3A_538, %add3A_547 : i32
      %dma_start3A_549 = arith.constant 0 : i32
      %dma_start3A_550 = tpu.memref_slice %arg7[%add3A_548, %dma_start3A_549] : memref<40x64xi32, #tpu.memory_space<vmem>> -> memref<1x64xi32, #tpu.memory_space<vmem>>
      %dma_start3A_551 = tpu.memref_squeeze %dma_start3A_550 : memref<1x64xi32, #tpu.memory_space<vmem>> -> memref<64xi32, #tpu.memory_space<vmem>>
      %dma_start3A_552 = arith.constant 0 : i32
      %dma_start3A_553 = arith.constant 0 : i32
      %dma_start3A_554 = tpu.memref_slice %arg2[%dma_start3A_552, %dma_start3A_553] : memref<10000x128xf32, #tpu.memory_space<hbm>> -> memref<10000x128xf32, #tpu.memory_space<hbm>>
      tpu.enqueue_indirect_dma source(%dma_start3A_554 : memref<10000x128xf32, #tpu.memory_space<hbm>>) target(%arg11 : memref<64x128xf32, #tpu.memory_space<vmem>>) offsets(%dma_start3A_551 : memref<64xi32, #tpu.memory_space<vmem>>) semaphore(%arg16 : memref<!tpu.dma_semaphore, #tpu.memory_space<semaphore_mem>>)
      %dma_wait3A_555 = arith.constant 0 : i32
      %dma_wait3A_556 = tpu.memref_slice %arg7[%add3A_538, %dma_wait3A_555] : memref<40x64xi32, #tpu.memory_space<vmem>> -> memref<1x64xi32, #tpu.memory_space<vmem>>
      %dma_wait3A_557 = tpu.memref_squeeze %dma_wait3A_556 : memref<1x64xi32, #tpu.memory_space<vmem>> -> memref<64xi32, #tpu.memory_space<vmem>>
      %dma_wait3A_558 = arith.constant 0 : i32
      %dma_wait3A_559 = arith.constant 0 : i32
      %dma_wait3A_560 = tpu.memref_slice %arg2[%dma_wait3A_558, %dma_wait3A_559] : memref<10000x128xf32, #tpu.memory_space<hbm>> -> memref<10000x128xf32, #tpu.memory_space<hbm>>
      tpu.wait_indirect_dma semaphore(%arg14 : memref<!tpu.dma_semaphore, #tpu.memory_space<semaphore_mem>>) src(%dma_wait3A_560 : memref<10000x128xf32, #tpu.memory_space<hbm>>) dst(%arg9 : memref<64x128xf32, #tpu.memory_space<vmem>>)
      %dma_start3A_561 = arith.constant 0 : i32
      %dma_start3A_562 = tpu.memref_slice %arg8[%add3A_538, %dma_start3A_561] : memref<40x64xi32, #tpu.memory_space<vmem>> -> memref<1x64xi32, #tpu.memory_space<vmem>>
      %dma_start3A_563 = tpu.memref_squeeze %dma_start3A_562 : memref<1x64xi32, #tpu.memory_space<vmem>> -> memref<64xi32, #tpu.memory_space<vmem>>
      %dma_start3A_564 = arith.constant 0 : i32
      %dma_start3A_565 = arith.constant 0 : i32
      %dma_start3A_566 = tpu.memref_slice %arg13[%dma_start3A_564, %dma_start3A_565] : memref<10112x128xf32, #tpu.memory_space<vmem_shared>> -> memref<10112x128xf32, #tpu.memory_space<vmem_shared>>
      tpu.enqueue_indirect_dma source(%arg9 : memref<64x128xf32, #tpu.memory_space<vmem>>) target(%dma_start3A_566 : memref<10112x128xf32, #tpu.memory_space<vmem_shared>>) offsets(%dma_start3A_563 : memref<64xi32, #tpu.memory_space<vmem>>) semaphore(%arg18 : memref<!tpu.dma_semaphore, #tpu.memory_space<semaphore_mem>>) {add = true}
      %add3A_567 = arith.constant 3 : i32
      %add3A_568 = arith.addi %add3A_477, %add3A_567 : i32
      %sub3A_569 = arith.constant 2 : i32
      %sub3A_570 = arith.subi %add3A_568, %sub3A_569 : i32
      %dma_wait3A_571 = arith.constant 0 : i32
      %dma_wait3A_572 = tpu.memref_slice %arg8[%sub3A_570, %dma_wait3A_571] : memref<40x64xi32, #tpu.memory_space<vmem>> -> memref<1x64xi32, #tpu.memory_space<vmem>>
      %dma_wait3A_573 = tpu.memref_squeeze %dma_wait3A_572 : memref<1x64xi32, #tpu.memory_space<vmem>> -> memref<64xi32, #tpu.memory_space<vmem>>
      %dma_wait3A_574 = arith.constant 0 : i32
      %dma_wait3A_575 = arith.constant 0 : i32
      %dma_wait3A_576 = tpu.memref_slice %arg13[%dma_wait3A_574, %dma_wait3A_575] : memref<10112x128xf32, #tpu.memory_space<vmem_shared>> -> memref<10112x128xf32, #tpu.memory_space<vmem_shared>>
      tpu.wait_indirect_dma semaphore(%arg21 : memref<!tpu.dma_semaphore, #tpu.memory_space<semaphore_mem>>) src(%arg12 : memref<64x128xf32, #tpu.memory_space<vmem>>) dst(%dma_wait3A_576 : memref<10112x128xf32, #tpu.memory_space<vmem_shared>>)
      %add3A_577 = arith.constant 2 : i32
      %add3A_578 = arith.addi %add3A_568, %add3A_577 : i32
      %dma_start3A_579 = arith.constant 0 : i32
      %dma_start3A_580 = tpu.memref_slice %arg7[%add3A_578, %dma_start3A_579] : memref<40x64xi32, #tpu.memory_space<vmem>> -> memref<1x64xi32, #tpu.memory_space<vmem>>
      %dma_start3A_581 = tpu.memref_squeeze %dma_start3A_580 : memref<1x64xi32, #tpu.memory_space<vmem>> -> memref<64xi32, #tpu.memory_space<vmem>>
      %dma_start3A_582 = arith.constant 0 : i32
      %dma_start3A_583 = arith.constant 0 : i32
      %dma_start3A_584 = tpu.memref_slice %arg2[%dma_start3A_582, %dma_start3A_583] : memref<10000x128xf32, #tpu.memory_space<hbm>> -> memref<10000x128xf32, #tpu.memory_space<hbm>>
      tpu.enqueue_indirect_dma source(%dma_start3A_584 : memref<10000x128xf32, #tpu.memory_space<hbm>>) target(%arg12 : memref<64x128xf32, #tpu.memory_space<vmem>>) offsets(%dma_start3A_581 : memref<64xi32, #tpu.memory_space<vmem>>) semaphore(%arg17 : memref<!tpu.dma_semaphore, #tpu.memory_space<semaphore_mem>>)
      %dma_wait3A_585 = arith.constant 0 : i32
      %dma_wait3A_586 = tpu.memref_slice %arg7[%add3A_568, %dma_wait3A_585] : memref<40x64xi32, #tpu.memory_space<vmem>> -> memref<1x64xi32, #tpu.memory_space<vmem>>
      %dma_wait3A_587 = tpu.memref_squeeze %dma_wait3A_586 : memref<1x64xi32, #tpu.memory_space<vmem>> -> memref<64xi32, #tpu.memory_space<vmem>>
      %dma_wait3A_588 = arith.constant 0 : i32
      %dma_wait3A_589 = arith.constant 0 : i32
      %dma_wait3A_590 = tpu.memref_slice %arg2[%dma_wait3A_588, %dma_wait3A_589] : memref<10000x128xf32, #tpu.memory_space<hbm>> -> memref<10000x128xf32, #tpu.memory_space<hbm>>
      tpu.wait_indirect_dma semaphore(%arg15 : memref<!tpu.dma_semaphore, #tpu.memory_space<semaphore_mem>>) src(%dma_wait3A_590 : memref<10000x128xf32, #tpu.memory_space<hbm>>) dst(%arg10 : memref<64x128xf32, #tpu.memory_space<vmem>>)
      %dma_start3A_591 = arith.constant 0 : i32
      %dma_start3A_592 = tpu.memref_slice %arg8[%add3A_568, %dma_start3A_591] : memref<40x64xi32, #tpu.memory_space<vmem>> -> memref<1x64xi32, #tpu.memory_space<vmem>>
      %dma_start3A_593 = tpu.memref_squeeze %dma_start3A_592 : memref<1x64xi32, #tpu.memory_space<vmem>> -> memref<64xi32, #tpu.memory_space<vmem>>
      %dma_start3A_594 = arith.constant 0 : i32
      %dma_start3A_595 = arith.constant 0 : i32
      %dma_start3A_596 = tpu.memref_slice %arg13[%dma_start3A_594, %dma_start3A_595] : memref<10112x128xf32, #tpu.memory_space<vmem_shared>> -> memref<10112x128xf32, #tpu.memory_space<vmem_shared>>
      tpu.enqueue_indirect_dma source(%arg10 : memref<64x128xf32, #tpu.memory_space<vmem>>) target(%dma_start3A_596 : memref<10112x128xf32, #tpu.memory_space<vmem_shared>>) offsets(%dma_start3A_593 : memref<64xi32, #tpu.memory_space<vmem>>) semaphore(%arg19 : memref<!tpu.dma_semaphore, #tpu.memory_space<semaphore_mem>>) {add = true}
    }
    %scan3A_411 = arith.constant 9 : i32
    %dma_wait3A_412 = arith.constant 38 : i32
    %dma_wait3A_413 = arith.constant 0 : i32
    %dma_wait3A_414 = tpu.memref_slice %arg7[%dma_wait3A_412, %dma_wait3A_413] : memref<40x64xi32, #tpu.memory_space<vmem>> -> memref<1x64xi32, #tpu.memory_space<vmem>>
    %dma_wait3A_415 = tpu.memref_squeeze %dma_wait3A_414 : memref<1x64xi32, #tpu.memory_space<vmem>> -> memref<64xi32, #tpu.memory_space<vmem>>
    %dma_wait3A_416 = arith.constant 0 : i32
    %dma_wait3A_417 = arith.constant 0 : i32
    %dma_wait3A_418 = tpu.memref_slice %arg2[%dma_wait3A_416, %dma_wait3A_417] : memref<10000x128xf32, #tpu.memory_space<hbm>> -> memref<10000x128xf32, #tpu.memory_space<hbm>>
    tpu.wait_indirect_dma semaphore(%arg16 : memref<!tpu.dma_semaphore, #tpu.memory_space<semaphore_mem>>) src(%dma_wait3A_418 : memref<10000x128xf32, #tpu.memory_space<hbm>>) dst(%arg11 : memref<64x128xf32, #tpu.memory_space<vmem>>)
    %dma_start3A_419 = arith.constant 38 : i32
    %dma_start3A_420 = arith.constant 0 : i32
    %dma_start3A_421 = tpu.memref_slice %arg8[%dma_start3A_419, %dma_start3A_420] : memref<40x64xi32, #tpu.memory_space<vmem>> -> memref<1x64xi32, #tpu.memory_space<vmem>>
    %dma_start3A_422 = tpu.memref_squeeze %dma_start3A_421 : memref<1x64xi32, #tpu.memory_space<vmem>> -> memref<64xi32, #tpu.memory_space<vmem>>
    %dma_start3A_423 = arith.constant 0 : i32
    %dma_start3A_424 = arith.constant 0 : i32
    %dma_start3A_425 = tpu.memref_slice %arg13[%dma_start3A_423, %dma_start3A_424] : memref<10112x128xf32, #tpu.memory_space<vmem_shared>> -> memref<10112x128xf32, #tpu.memory_space<vmem_shared>>
    tpu.enqueue_indirect_dma source(%arg11 : memref<64x128xf32, #tpu.memory_space<vmem>>) target(%dma_start3A_425 : memref<10112x128xf32, #tpu.memory_space<vmem_shared>>) offsets(%dma_start3A_422 : memref<64xi32, #tpu.memory_space<vmem>>) semaphore(%arg20 : memref<!tpu.dma_semaphore, #tpu.memory_space<semaphore_mem>>) {add = true}
    %dma_wait3A_426 = arith.constant 39 : i32
    %dma_wait3A_427 = arith.constant 0 : i32
    %dma_wait3A_428 = tpu.memref_slice %arg7[%dma_wait3A_426, %dma_wait3A_427] : memref<40x64xi32, #tpu.memory_space<vmem>> -> memref<1x64xi32, #tpu.memory_space<vmem>>
    %dma_wait3A_429 = tpu.memref_squeeze %dma_wait3A_428 : memref<1x64xi32, #tpu.memory_space<vmem>> -> memref<64xi32, #tpu.memory_space<vmem>>
    %dma_wait3A_430 = arith.constant 0 : i32
    %dma_wait3A_431 = arith.constant 0 : i32
    %dma_wait3A_432 = tpu.memref_slice %arg2[%dma_wait3A_430, %dma_wait3A_431] : memref<10000x128xf32, #tpu.memory_space<hbm>> -> memref<10000x128xf32, #tpu.memory_space<hbm>>
    tpu.wait_indirect_dma semaphore(%arg17 : memref<!tpu.dma_semaphore, #tpu.memory_space<semaphore_mem>>) src(%dma_wait3A_432 : memref<10000x128xf32, #tpu.memory_space<hbm>>) dst(%arg12 : memref<64x128xf32, #tpu.memory_space<vmem>>)
    %dma_start3A_433 = arith.constant 39 : i32
    %dma_start3A_434 = arith.constant 0 : i32
    %dma_start3A_435 = tpu.memref_slice %arg8[%dma_start3A_433, %dma_start3A_434] : memref<40x64xi32, #tpu.memory_space<vmem>> -> memref<1x64xi32, #tpu.memory_space<vmem>>
    %dma_start3A_436 = tpu.memref_squeeze %dma_start3A_435 : memref<1x64xi32, #tpu.memory_space<vmem>> -> memref<64xi32, #tpu.memory_space<vmem>>
    %dma_start3A_437 = arith.constant 0 : i32
    %dma_start3A_438 = arith.constant 0 : i32
    %dma_start3A_439 = tpu.memref_slice %arg13[%dma_start3A_437, %dma_start3A_438] : memref<10112x128xf32, #tpu.memory_space<vmem_shared>> -> memref<10112x128xf32, #tpu.memory_space<vmem_shared>>
    tpu.enqueue_indirect_dma source(%arg12 : memref<64x128xf32, #tpu.memory_space<vmem>>) target(%dma_start3A_439 : memref<10112x128xf32, #tpu.memory_space<vmem_shared>>) offsets(%dma_start3A_436 : memref<64xi32, #tpu.memory_space<vmem>>) semaphore(%arg21 : memref<!tpu.dma_semaphore, #tpu.memory_space<semaphore_mem>>) {add = true}
    %dma_wait3A_440 = arith.constant 36 : i32
    %dma_wait3A_441 = arith.constant 0 : i32
    %dma_wait3A_442 = tpu.memref_slice %arg8[%dma_wait3A_440, %dma_wait3A_441] : memref<40x64xi32, #tpu.memory_space<vmem>> -> memref<1x64xi32, #tpu.memory_space<vmem>>
    %dma_wait3A_443 = tpu.memref_squeeze %dma_wait3A_442 : memref<1x64xi32, #tpu.memory_space<vmem>> -> memref<64xi32, #tpu.memory_space<vmem>>
    %dma_wait3A_444 = arith.constant 0 : i32
    %dma_wait3A_445 = arith.constant 0 : i32
    %dma_wait3A_446 = tpu.memref_slice %arg13[%dma_wait3A_444, %dma_wait3A_445] : memref<10112x128xf32, #tpu.memory_space<vmem_shared>> -> memref<10112x128xf32, #tpu.memory_space<vmem_shared>>
    tpu.wait_indirect_dma semaphore(%arg18 : memref<!tpu.dma_semaphore, #tpu.memory_space<semaphore_mem>>) src(%arg9 : memref<64x128xf32, #tpu.memory_space<vmem>>) dst(%dma_wait3A_446 : memref<10112x128xf32, #tpu.memory_space<vmem_shared>>)
    %dma_wait3A_447 = arith.constant 37 : i32
    %dma_wait3A_448 = arith.constant 0 : i32
    %dma_wait3A_449 = tpu.memref_slice %arg8[%dma_wait3A_447, %dma_wait3A_448] : memref<40x64xi32, #tpu.memory_space<vmem>> -> memref<1x64xi32, #tpu.memory_space<vmem>>
    %dma_wait3A_450 = tpu.memref_squeeze %dma_wait3A_449 : memref<1x64xi32, #tpu.memory_space<vmem>> -> memref<64xi32, #tpu.memory_space<vmem>>
    %dma_wait3A_451 = arith.constant 0 : i32
    %dma_wait3A_452 = arith.constant 0 : i32
    %dma_wait3A_453 = tpu.memref_slice %arg13[%dma_wait3A_451, %dma_wait3A_452] : memref<10112x128xf32, #tpu.memory_space<vmem_shared>> -> memref<10112x128xf32, #tpu.memory_space<vmem_shared>>
    tpu.wait_indirect_dma semaphore(%arg19 : memref<!tpu.dma_semaphore, #tpu.memory_space<semaphore_mem>>) src(%arg10 : memref<64x128xf32, #tpu.memory_space<vmem>>) dst(%dma_wait3A_453 : memref<10112x128xf32, #tpu.memory_space<vmem_shared>>)
    %dma_wait3A_454 = arith.constant 38 : i32
    %dma_wait3A_455 = arith.constant 0 : i32
    %dma_wait3A_456 = tpu.memref_slice %arg8[%dma_wait3A_454, %dma_wait3A_455] : memref<40x64xi32, #tpu.memory_space<vmem>> -> memref<1x64xi32, #tpu.memory_space<vmem>>
    %dma_wait3A_457 = tpu.memref_squeeze %dma_wait3A_456 : memref<1x64xi32, #tpu.memory_space<vmem>> -> memref<64xi32, #tpu.memory_space<vmem>>
    %dma_wait3A_458 = arith.constant 0 : i32
    %dma_wait3A_459 = arith.constant 0 : i32
    %dma_wait3A_460 = tpu.memref_slice %arg13[%dma_wait3A_458, %dma_wait3A_459] : memref<10112x128xf32, #tpu.memory_space<vmem_shared>> -> memref<10112x128xf32, #tpu.memory_space<vmem_shared>>
    tpu.wait_indirect_dma semaphore(%arg20 : memref<!tpu.dma_semaphore, #tpu.memory_space<semaphore_mem>>) src(%arg11 : memref<64x128xf32, #tpu.memory_space<vmem>>) dst(%dma_wait3A_460 : memref<10112x128xf32, #tpu.memory_space<vmem_shared>>)
    %dma_wait3A_461 = arith.constant 39 : i32
    %dma_wait3A_462 = arith.constant 0 : i32
    %dma_wait3A_463 = tpu.memref_slice %arg8[%dma_wait3A_461, %dma_wait3A_462] : memref<40x64xi32, #tpu.memory_space<vmem>> -> memref<1x64xi32, #tpu.memory_space<vmem>>
    %dma_wait3A_464 = tpu.memref_squeeze %dma_wait3A_463 : memref<1x64xi32, #tpu.memory_space<vmem>> -> memref<64xi32, #tpu.memory_space<vmem>>
    %dma_wait3A_465 = arith.constant 0 : i32
    %dma_wait3A_466 = arith.constant 0 : i32
    %dma_wait3A_467 = tpu.memref_slice %arg13[%dma_wait3A_465, %dma_wait3A_466] : memref<10112x128xf32, #tpu.memory_space<vmem_shared>> -> memref<10112x128xf32, #tpu.memory_space<vmem_shared>>
    tpu.wait_indirect_dma semaphore(%arg21 : memref<!tpu.dma_semaphore, #tpu.memory_space<semaphore_mem>>) src(%arg12 : memref<64x128xf32, #tpu.memory_space<vmem>>) dst(%dma_wait3A_467 : memref<10112x128xf32, #tpu.memory_space<vmem_shared>>)
    %barrier3A_468 = arith.constant 0 : index
    tpu.barrier barrier_id(%barrier3A_468)
    %mul3A_469 = arith.constant 632 : i32
    %mul3A_470 = arith.muli %arg1, %mul3A_469 : i32
    %mul3A_471 = arith.constant 632 : i32
    %mul3A_472 = arith.muli %arg1, %mul3A_471 : i32
    "tpu.region"() ({
      %run_scoped3A = tpu.sem_alloc : memref<!tpu.dma_semaphore, #tpu.memory_space<semaphore_mem>>
      %dma_start3A_473 = arith.constant 0 : i32
      %dma_start3A_474 = tpu.memref_slice %arg6[%arg0, %mul3A_472, %dma_start3A_473] : memref<2x10112x128xf32, #tpu.memory_space<hbm>> -> memref<1x632x128xf32, #tpu.memory_space<hbm>>
      %dma_start3A_475 = tpu.memref_squeeze %dma_start3A_474 : memref<1x632x128xf32, #tpu.memory_space<hbm>> -> memref<632x128xf32, #tpu.memory_space<hbm>>
      %dma_start3A_476 = arith.constant 0 : i32
      %dma_start3A_477 = tpu.memref_slice %arg13[%mul3A_470, %dma_start3A_476] : memref<10112x128xf32, #tpu.memory_space<vmem_shared>> -> memref<632x128xf32, #tpu.memory_space<vmem_shared>>
      tpu.enqueue_dma source(%dma_start3A_477 : memref<632x128xf32, #tpu.memory_space<vmem_shared>>) target(%dma_start3A_475 : memref<632x128xf32, #tpu.memory_space<hbm>>) target_semaphore(%run_scoped3A : memref<!tpu.dma_semaphore, #tpu.memory_space<semaphore_mem>>)
      %dma_wait3A_478 = arith.constant 0 : i32
      %dma_wait3A_479 = tpu.memref_slice %arg6[%arg0, %mul3A_472, %dma_wait3A_478] : memref<2x10112x128xf32, #tpu.memory_space<hbm>> -> memref<1x632x128xf32, #tpu.memory_space<hbm>>
      %dma_wait3A_480 = tpu.memref_squeeze %dma_wait3A_479 : memref<1x632x128xf32, #tpu.memory_space<hbm>> -> memref<632x128xf32, #tpu.memory_space<hbm>>
      %dma_wait3A_481 = arith.constant 0 : i32
      %dma_wait3A_482 = tpu.memref_slice %arg13[%mul3A_470, %dma_wait3A_481] : memref<10112x128xf32, #tpu.memory_space<vmem_shared>> -> memref<632x128xf32, #tpu.memory_space<vmem_shared>>
      tpu.wait_dma2 semaphore(%run_scoped3A : memref<!tpu.dma_semaphore, #tpu.memory_space<semaphore_mem>>) src(%dma_wait3A_482 : memref<632x128xf32, #tpu.memory_space<vmem_shared>>) dst(%dma_wait3A_480 : memref<632x128xf32, #tpu.memory_space<hbm>>)
      tpu.yield
    }) : () -> ()
    return
  }
}

module attributes {stable_mosaic.version = 14 : i64} {
  func.func @_tc_in_body(%arg0: i32, %arg1: memref<1000x128xf32, #tpu.memory_space<vmem>>, %arg2: memref<128x128xf32, #tpu.memory_space<vmem>>, %arg3: memref<2x1000x1xf32, #tpu.memory_space<vmem>>, %arg4: memref<1000x128xf32, #tpu.memory_space<vmem>>, %arg5: memref<1000x1xf32, #tpu.memory_space<vmem>>) attributes {dimension_semantics = [#tpu.dimension_semantics<arbitrary>], iteration_bounds = array<i64: 10>, scalar_prefetch = 0 : i64, scratch_operands = 0 : i64, tpu.core_type = #tpu.core_type<tc>, window_params = [{transform_indices = @transform_0, window_bounds = array<i64: 1000, 128>}, {pipeline_mode = #tpu.pipeline_mode<synchronous>, transform_indices = @transform_1, window_bounds = array<i64: 128, 128>}, {transform_indices = @transform_2, window_bounds = array<i64: 2, 1000, 1>}, {transform_indices = @transform_3, window_bounds = array<i64: 1000, 128>}, {transform_indices = @transform_4, window_bounds = array<i64: 1000, 1>}]} {
    %get3A = arith.constant 0 : index
    %get3A_0 = arith.constant 0 : index
    %get3A_1 = arith.constant 0 : index
    %get3A_2 = vector.load %arg3[%get3A, %get3A_0, %get3A_1] : memref<2x1000x1xf32, #tpu.memory_space<vmem>>, vector<1x1000x1xf32>
    %get3A_3 = vector.shape_cast %get3A_2 : vector<1x1000x1xf32> to vector<1000x1xf32>
    %get3A_4 = arith.constant 1 : index
    %get3A_5 = arith.constant 0 : index
    %get3A_6 = arith.constant 0 : index
    %get3A_7 = vector.load %arg3[%get3A_4, %get3A_5, %get3A_6] : memref<2x1000x1xf32, #tpu.memory_space<vmem>>, vector<1x1000x1xf32>
    %get3A_8 = vector.shape_cast %get3A_7 : vector<1x1000x1xf32> to vector<1000x1xf32>
    %add3A = arith.addf %get3A_3, %get3A_8 : vector<1000x1xf32>
    %add3A_9 = arith.constant 1.000000e+00 : f32
    %add3A_10 = vector.broadcast %add3A_9 : f32 to vector<1000x1xf32>
    %add3A_11 = arith.addf %add3A, %add3A_10 : vector<1000x1xf32>
    %rsqrt3A = math.rsqrt %add3A_11 : vector<1000x1xf32>
    %swap3A = arith.constant 0 : index
    %swap3A_12 = arith.constant 0 : index
    %swap3A_13 = vector.load %arg5[%swap3A, %swap3A_12] : memref<1000x1xf32, #tpu.memory_space<vmem>>, vector<1000x1xf32>
    tpu.vector_store %arg5[%swap3A, %swap3A_12], %rsqrt3A {strides = array<i32>} : memref<1000x1xf32, #tpu.memory_space<vmem>>, vector<1000x1xf32>,
    %get3A_14 = arith.constant 0 : index
    %get3A_15 = arith.constant 0 : index
    %get3A_16 = vector.load %arg1[%get3A_14, %get3A_15] : memref<1000x128xf32, #tpu.memory_space<vmem>>, vector<1000x128xf32>
    %get3A_17 = arith.constant 0 : index
    %get3A_18 = arith.constant 0 : index
    %get3A_19 = vector.load %arg2[%get3A_17, %get3A_18] : memref<128x128xf32, #tpu.memory_space<vmem>>, vector<128x128xf32>
    %dot_general3A = arith.constant dense<0.000000e+00> : vector<1000x128xf32>
    %dot_general3A_20 = tpu.matmul %get3A_16, %get3A_19, %dot_general3A {dimension_numbers = #tpu.dot_dimension_numbers<[1], [0], [0], [1], [0, 0, 1, 1], [], []>, transpose_lhs_hint = false} : vector<1000x128xf32>, vector<128x128xf32>, vector<1000x128xf32> -> vector<1000x128xf32>
    %mul3A = vector.broadcast %rsqrt3A : vector<1000x1xf32> to vector<1000x128xf32>
    %mul3A_21 = arith.mulf %dot_general3A_20, %mul3A : vector<1000x128xf32>
    %swap3A_22 = arith.constant 0 : index
    %swap3A_23 = arith.constant 0 : index
    %swap3A_24 = vector.load %arg4[%swap3A_22, %swap3A_23] : memref<1000x128xf32, #tpu.memory_space<vmem>>, vector<1000x128xf32>
    tpu.vector_store %arg4[%swap3A_22, %swap3A_23], %mul3A_21 {strides = array<i32>} : memref<1000x128xf32, #tpu.memory_space<vmem>>, vector<1000x128xf32>,
    return
  }
  func.func @transform_0(%arg0: i32) -> (i32, i32) {
    %c0_i32 = arith.constant 0 : i32
    %c0_i32_0 = arith.constant 0 : i32
    return %arg0, %c0_i32 : i32, i32
  }
  func.func @transform_1(%arg0: i32) -> (i32, i32) {
    %c0_i32 = arith.constant 0 : i32
    %c0_i32_0 = arith.constant 0 : i32
    %c0_i32_1 = arith.constant 0 : i32
    return %c0_i32, %c0_i32_0 : i32, i32
  }
  func.func @transform_2(%arg0: i32) -> (i32, i32, i32) {
    %c0_i32 = arith.constant 0 : i32
    %c0_i32_0 = arith.constant 0 : i32
    %c0_i32_1 = arith.constant 0 : i32
    return %c0_i32, %arg0, %c0_i32_0 : i32, i32, i32
  }
  func.func @transform_3(%arg0: i32) -> (i32, i32) {
    %c0_i32 = arith.constant 0 : i32
    %c0_i32_0 = arith.constant 0 : i32
    return %arg0, %c0_i32 : i32, i32
  }
  func.func @transform_4(%arg0: i32) -> (i32, i32) {
    %c0_i32 = arith.constant 0 : i32
    %c0_i32_0 = arith.constant 0 : i32
    return %arg0, %c0_i32 : i32, i32
  }
}

module attributes {stable_mosaic.version = 14 : i64} {
  func.func @_tc_mid_body(%arg0: i32, %arg1: memref<2x1000x128xf32, #tpu.memory_space<vmem>>, %arg2: memref<1000x128xf32, #tpu.memory_space<vmem>>, %arg3: memref<1000x1xf32, #tpu.memory_space<vmem>>, %arg4: memref<1x128xf32, #tpu.memory_space<vmem>>, %arg5: memref<128x128xf32, #tpu.memory_space<vmem>>, %arg6: memref<1000x128xf32, #tpu.memory_space<vmem>>) attributes {dimension_semantics = [#tpu.dimension_semantics<arbitrary>], iteration_bounds = array<i64: 10>, scalar_prefetch = 0 : i64, scratch_operands = 0 : i64, tpu.core_type = #tpu.core_type<tc>, window_params = [{transform_indices = @transform_0, window_bounds = array<i64: 2, 1000, 128>}, {transform_indices = @transform_1, window_bounds = array<i64: 1000, 128>}, {transform_indices = @transform_2, window_bounds = array<i64: 1000, 1>}, {pipeline_mode = #tpu.pipeline_mode<synchronous>, transform_indices = @transform_3, window_bounds = array<i64: 1, 128>}, {pipeline_mode = #tpu.pipeline_mode<synchronous>, transform_indices = @transform_4, window_bounds = array<i64: 128, 128>}, {transform_indices = @transform_5, window_bounds = array<i64: 1000, 128>}]} {
    %get3A = arith.constant 0 : index
    %get3A_0 = arith.constant 0 : index
    %get3A_1 = arith.constant 0 : index
    %get3A_2 = vector.load %arg1[%get3A, %get3A_0, %get3A_1] : memref<2x1000x128xf32, #tpu.memory_space<vmem>>, vector<1x1000x128xf32>
    %get3A_3 = vector.shape_cast %get3A_2 : vector<1x1000x128xf32> to vector<1000x128xf32>
    %get3A_4 = arith.constant 1 : index
    %get3A_5 = arith.constant 0 : index
    %get3A_6 = arith.constant 0 : index
    %get3A_7 = vector.load %arg1[%get3A_4, %get3A_5, %get3A_6] : memref<2x1000x128xf32, #tpu.memory_space<vmem>>, vector<1x1000x128xf32>
    %get3A_8 = vector.shape_cast %get3A_7 : vector<1x1000x128xf32> to vector<1000x128xf32>
    %add3A = arith.addf %get3A_3, %get3A_8 : vector<1000x128xf32>
    %get3A_9 = arith.constant 0 : index
    %get3A_10 = arith.constant 0 : index
    %get3A_11 = vector.load %arg2[%get3A_9, %get3A_10] : memref<1000x128xf32, #tpu.memory_space<vmem>>, vector<1000x128xf32>
    %add3A_12 = arith.addf %add3A, %get3A_11 : vector<1000x128xf32>
    %get3A_13 = arith.constant 0 : index
    %get3A_14 = arith.constant 0 : index
    %get3A_15 = vector.load %arg3[%get3A_13, %get3A_14] : memref<1000x1xf32, #tpu.memory_space<vmem>>, vector<1000x1xf32>
    %mul3A = vector.broadcast %get3A_15 : vector<1000x1xf32> to vector<1000x128xf32>
    %mul3A_16 = arith.mulf %mul3A, %add3A_12 : vector<1000x128xf32>
    %get3A_17 = arith.constant 0 : index
    %get3A_18 = arith.constant 0 : index
    %get3A_19 = vector.load %arg4[%get3A_17, %get3A_18] : memref<1x128xf32, #tpu.memory_space<vmem>>, vector<1x128xf32>
    %add3A_20 = vector.broadcast %get3A_19 : vector<1x128xf32> to vector<1000x128xf32>
    %add3A_21 = arith.addf %mul3A_16, %add3A_20 : vector<1000x128xf32>
    %max3A = arith.constant 0.000000e+00 : f32
    %max3A_22 = vector.broadcast %max3A : f32 to vector<1000x128xf32>
    %max3A_23 = arith.maximumf %add3A_21, %max3A_22 : vector<1000x128xf32>
    %get3A_24 = arith.constant 0 : index
    %get3A_25 = arith.constant 0 : index
    %get3A_26 = vector.load %arg5[%get3A_24, %get3A_25] : memref<128x128xf32, #tpu.memory_space<vmem>>, vector<128x128xf32>
    %dot_general3A = arith.constant dense<0.000000e+00> : vector<1000x128xf32>
    %dot_general3A_27 = tpu.matmul %max3A_23, %get3A_26, %dot_general3A {dimension_numbers = #tpu.dot_dimension_numbers<[1], [0], [0], [1], [0, 0, 1, 1], [], []>, transpose_lhs_hint = false} : vector<1000x128xf32>, vector<128x128xf32>, vector<1000x128xf32> -> vector<1000x128xf32>
    %mul3A_28 = vector.broadcast %get3A_15 : vector<1000x1xf32> to vector<1000x128xf32>
    %mul3A_29 = arith.mulf %dot_general3A_27, %mul3A_28 : vector<1000x128xf32>
    %swap3A = arith.constant 0 : index
    %swap3A_30 = arith.constant 0 : index
    %swap3A_31 = vector.load %arg6[%swap3A, %swap3A_30] : memref<1000x128xf32, #tpu.memory_space<vmem>>, vector<1000x128xf32>
    tpu.vector_store %arg6[%swap3A, %swap3A_30], %mul3A_29 {strides = array<i32>} : memref<1000x128xf32, #tpu.memory_space<vmem>>, vector<1000x128xf32>,
    return
  }
  func.func @transform_0(%arg0: i32) -> (i32, i32, i32) {
    %c0_i32 = arith.constant 0 : i32
    %c0_i32_0 = arith.constant 0 : i32
    %c0_i32_1 = arith.constant 0 : i32
    return %c0_i32, %arg0, %c0_i32_0 : i32, i32, i32
  }
  func.func @transform_1(%arg0: i32) -> (i32, i32) {
    %c0_i32 = arith.constant 0 : i32
    %c0_i32_0 = arith.constant 0 : i32
    return %arg0, %c0_i32 : i32, i32
  }
  func.func @transform_2(%arg0: i32) -> (i32, i32) {
    %c0_i32 = arith.constant 0 : i32
    %c0_i32_0 = arith.constant 0 : i32
    return %arg0, %c0_i32 : i32, i32
  }
  func.func @transform_3(%arg0: i32) -> (i32, i32) {
    %c0_i32 = arith.constant 0 : i32
    %c0_i32_0 = arith.constant 0 : i32
    %c0_i32_1 = arith.constant 0 : i32
    return %c0_i32, %c0_i32_0 : i32, i32
  }
  func.func @transform_4(%arg0: i32) -> (i32, i32) {
    %c0_i32 = arith.constant 0 : i32
    %c0_i32_0 = arith.constant 0 : i32
    %c0_i32_1 = arith.constant 0 : i32
    return %c0_i32, %c0_i32_0 : i32, i32
  }
  func.func @transform_5(%arg0: i32) -> (i32, i32) {
    %c0_i32 = arith.constant 0 : i32
    %c0_i32_0 = arith.constant 0 : i32
    return %arg0, %c0_i32 : i32, i32
  }
}

module attributes {stable_mosaic.version = 14 : i64} {
  func.func @_tc_out_body(%arg0: i32, %arg1: memref<2x1000x128xf32, #tpu.memory_space<vmem>>, %arg2: memref<1000x128xf32, #tpu.memory_space<vmem>>, %arg3: memref<1000x1xf32, #tpu.memory_space<vmem>>, %arg4: memref<1x128xf32, #tpu.memory_space<vmem>>, %arg5: memref<1000x128xf32, #tpu.memory_space<vmem>>) attributes {dimension_semantics = [#tpu.dimension_semantics<arbitrary>], iteration_bounds = array<i64: 10>, scalar_prefetch = 0 : i64, scratch_operands = 0 : i64, tpu.core_type = #tpu.core_type<tc>, window_params = [{transform_indices = @transform_0, window_bounds = array<i64: 2, 1000, 128>}, {transform_indices = @transform_1, window_bounds = array<i64: 1000, 128>}, {transform_indices = @transform_2, window_bounds = array<i64: 1000, 1>}, {pipeline_mode = #tpu.pipeline_mode<synchronous>, transform_indices = @transform_3, window_bounds = array<i64: 1, 128>}, {transform_indices = @transform_4, window_bounds = array<i64: 1000, 128>}]} {
    %get3A = arith.constant 0 : index
    %get3A_0 = arith.constant 0 : index
    %get3A_1 = arith.constant 0 : index
    %get3A_2 = vector.load %arg1[%get3A, %get3A_0, %get3A_1] : memref<2x1000x128xf32, #tpu.memory_space<vmem>>, vector<1x1000x128xf32>
    %get3A_3 = vector.shape_cast %get3A_2 : vector<1x1000x128xf32> to vector<1000x128xf32>
    %get3A_4 = arith.constant 1 : index
    %get3A_5 = arith.constant 0 : index
    %get3A_6 = arith.constant 0 : index
    %get3A_7 = vector.load %arg1[%get3A_4, %get3A_5, %get3A_6] : memref<2x1000x128xf32, #tpu.memory_space<vmem>>, vector<1x1000x128xf32>
    %get3A_8 = vector.shape_cast %get3A_7 : vector<1x1000x128xf32> to vector<1000x128xf32>
    %add3A = arith.addf %get3A_3, %get3A_8 : vector<1000x128xf32>
    %get3A_9 = arith.constant 0 : index
    %get3A_10 = arith.constant 0 : index
    %get3A_11 = vector.load %arg2[%get3A_9, %get3A_10] : memref<1000x128xf32, #tpu.memory_space<vmem>>, vector<1000x128xf32>
    %add3A_12 = arith.addf %add3A, %get3A_11 : vector<1000x128xf32>
    %get3A_13 = arith.constant 0 : index
    %get3A_14 = arith.constant 0 : index
    %get3A_15 = vector.load %arg3[%get3A_13, %get3A_14] : memref<1000x1xf32, #tpu.memory_space<vmem>>, vector<1000x1xf32>
    %mul3A = vector.broadcast %get3A_15 : vector<1000x1xf32> to vector<1000x128xf32>
    %mul3A_16 = arith.mulf %mul3A, %add3A_12 : vector<1000x128xf32>
    %get3A_17 = arith.constant 0 : index
    %get3A_18 = arith.constant 0 : index
    %get3A_19 = vector.load %arg4[%get3A_17, %get3A_18] : memref<1x128xf32, #tpu.memory_space<vmem>>, vector<1x128xf32>
    %add3A_20 = vector.broadcast %get3A_19 : vector<1x128xf32> to vector<1000x128xf32>
    %add3A_21 = arith.addf %mul3A_16, %add3A_20 : vector<1000x128xf32>
    %max3A = arith.constant 0.000000e+00 : f32
    %max3A_22 = vector.broadcast %max3A : f32 to vector<1000x128xf32>
    %max3A_23 = arith.maximumf %add3A_21, %max3A_22 : vector<1000x128xf32>
    %swap3A = arith.constant 0 : index
    %swap3A_24 = arith.constant 0 : index
    %swap3A_25 = vector.load %arg5[%swap3A, %swap3A_24] : memref<1000x128xf32, #tpu.memory_space<vmem>>, vector<1000x128xf32>
    tpu.vector_store %arg5[%swap3A, %swap3A_24], %max3A_23 {strides = array<i32>} : memref<1000x128xf32, #tpu.memory_space<vmem>>, vector<1000x128xf32>,
    return
  }
  func.func @transform_0(%arg0: i32) -> (i32, i32, i32) {
    %c0_i32 = arith.constant 0 : i32
    %c0_i32_0 = arith.constant 0 : i32
    %c0_i32_1 = arith.constant 0 : i32
    return %c0_i32, %arg0, %c0_i32_0 : i32, i32, i32
  }
  func.func @transform_1(%arg0: i32) -> (i32, i32) {
    %c0_i32 = arith.constant 0 : i32
    %c0_i32_0 = arith.constant 0 : i32
    return %arg0, %c0_i32 : i32, i32
  }
  func.func @transform_2(%arg0: i32) -> (i32, i32) {
    %c0_i32 = arith.constant 0 : i32
    %c0_i32_0 = arith.constant 0 : i32
    return %arg0, %c0_i32 : i32, i32
  }
  func.func @transform_3(%arg0: i32) -> (i32, i32) {
    %c0_i32 = arith.constant 0 : i32
    %c0_i32_0 = arith.constant 0 : i32
    %c0_i32_1 = arith.constant 0 : i32
    return %c0_i32, %c0_i32_0 : i32, i32
  }
  func.func @transform_4(%arg0: i32) -> (i32, i32) {
    %c0_i32 = arith.constant 0 : i32
    %c0_i32_0 = arith.constant 0 : i32
    return %arg0, %c0_i32 : i32, i32
  }
}

</mosaic_0001>

<sc_bundles>
// kernel: kernel.11.cloned.1.call-start
scs
__scs_entry_jumppad:
0x0: {  	(pc) =	sbr.rel $0x88, $3  }
0x1: {  	(tag) =	ssettag $0x0;
	lr =	simm.s32 $0x1  }
0x2: {  	[smem:$0x3F9B] =	sst lr;
	_ =	strace $0xD0000000  }
0x3: {  	_ = 	snop  }
0x4: {  	_ = 	snop  }
0x5: {  	_ = 	snop  }
0x6: {  	_ = 	snop  }
0x7: {  	_ = 	snop  }
__scs_overlays_trampoline_lowered:
0x8: {  	[smem:$0x3FAA] =	sst s0  }
0x9: {  	[smem:$0x3FAB] =	sst s1  }
0xa: {  	[smem:$0x3FAC] =	sst s2  }
0xb: {  	[smem:$0x3FAD] =	sst s3  }
0xc: {  	[smem:$0x3FAE] =	sst s4  }
0xd: {  	[smem:$0x3FAF] =	sst s5  }
0xe: {  	[smem:$0x3FB0] =	sst s6  }
0xf: {  	[smem:$0x3FB1] =	sst s7  }
0x10: {  	[smem:$0x3FB2] =	sst s8  }
0x11: {  	[smem:$0x3FB3] =	sst s9;
	s0 =	simm.s32 @!p0 $0x0  }
0x12: {  	s1 =	sld [smem:$0x3F99];
	s0 =	simm.s32 @p0 $0x1  }
0x13: {  	[smem:$0x3FB4] =	sst s0;
	s0 =	simm.s32 @!p1 $0x0  }
0x14: {  	s2 =	sld [smem:$0x3F98];
	s0 =	simm.s32 @p1 $0x1  }
0x15: {  	[smem:$0x3FB5] =	sst s0;
	s0 =	simm.s32 @!p2 $0x0  }
0x16: {  	s3 =	sld [smem:$0x3FDB];
	s0 =	simm.s32 @p2 $0x1  }
0x17: {  	s4 =	simm.s32 $0x1BF5;
	[smem:$0x3FB7] =	sst s0  }
0x18: {  	s0 =	sld [smem:$0x3F9A];
	_ =	swait.ge [sflag:s4], $0x0  }
0x19: {  	s7 =	sld [smem:$0x3F9B]  }
0x1a: {  	s8 =	sadd.s32 $0xFFFFE003, lr  }
0x1b: {  	s9 =	sadd.s32 $0xFFFFFEF7, lr;
	s5 =	simm.s32 $0xFFFFFFFF;
	p2 =	slt.u32 s8, $0xFFFFF086  }
0x1c: {  	p1 =	slt.u32 s9, $0xF7A;
	s5 =	simm.s32 @!p2 $0x0  }
0x1d: {  	s5 =	simm.s32 @p1 $0x1;
	p0 =	seq.s32 s7, s2  }
0x1e: {  	s7 =	smul.u32 @!p0 $0xF7A, s2;
	p2 =	seq.s32 @!p0 s5, $0x0  }
0x1f: {  	s9 =	smul.u32 $0xF7A, s1;
	s8 =	simm.s32 @!p0 $0x1BF5;
	p2 =	por !p2, p0  }
0x20: {  	[sflag:s8] =	ssyncset.s32 @!p0 $0xFFFFF086;
	s6 =	sadd.s32 @!p0 s3, s7;
	s7 =	simm.s32 @!p0 $0x108  }
0x21: {  	s3 =	sadd.s32 s3, s9;
	s6 =	sadd.s32 @!p0 $0x88, s6;
	s7 =	simm.s32 @p2 $0x1082  }
0x22: {  	[simem:s7], [sflag:s8] =	dma.local @!p0 [hbm:s6], $0xF7A  }
0x23: {  	s9 =	sor.u32 $0xD0000000, s2;
	s6 =	simm.s32 $0x108;
	_ =	swait.ge @!p0 [sflag:s8], $0x0  }
0x24: {  	s3 =	sadd.s32 $0x88, s3;
	s6 =	simm.s32 @!p1 $0x1082;
	[sflag:s4] =	ssyncset.s32 $0xFFFFF086  }
0x25: {  	[simem:s6], [sflag:s4] =	dma.local [hbm:s3], $0xF7A  }
0x26: {  	[smem:$0x3F9B] =	sst s1;
	(tag) =	ssettag s2;
	_ =	strace s9  }
0x27: {  	s1 =	sld [smem:$0x3FAB]  }
0x28: {  	s2 =	sld [smem:$0x3FAC]  }
0x29: {  	s4 =	sld [smem:$0x3FAE]  }
0x2a: {  	p0 =	seq.s32 s5, $0x0;
	s5 =	sld [smem:$0x3FAF]  }
0x2b: {  	s6 =	sld [smem:$0x3FB0]  }
0x2c: {  	s7 =	sld [smem:$0x3FB1]  }
0x2d: {  	s3 =	simm.s32 $0x108;
	s8 =	sld [smem:$0x3FB2]  }
0x2e: {  	s3 =	simm.s32 @!p0 $0x1082;
	s9 =	sld [smem:$0x3FB3]  }
0x2f: {  	lr =	sadd.s32 s0, s3;
	s0 =	sld [smem:$0x3FAA]  }
0x30: {  	s3 =	sld [smem:$0x3FAD]  }
0x31: {  	[smem:$0x3FB6] =	sst s10  }
0x32: {  	s10 =	sld [smem:$0x3FB4];
	_ =	sdelay $0x3  }
0x33: {  	p0 =	seq.s32 s10, $0x1;
	s10 =	sld [smem:$0x3FB6];
	_ =	sdelay $0x3  }
0x34: {  	[smem:$0x3FB6] =	sst s10  }
0x35: {  	s10 =	sld [smem:$0x3FB5];
	_ =	sdelay $0x3  }
0x36: {  	p1 =	seq.s32 s10, $0x1;
	s10 =	sld [smem:$0x3FB6];
	_ =	sdelay $0x3  }
0x37: {  	[smem:$0x3FB6] =	sst s10  }
0x38: {  	s10 =	sld [smem:$0x3FB7]  }
0x39: {  	_ = 	snop;
	(pc) =	sbr.ind lr, $3  }
0x3a: {  	_ = 	snop  }
0x3b: {  	_ = 	snop  }
0x3c: {  	p2 =	seq.s32 s10, $0x1;
	s10 =	sld [smem:$0x3FB6]  }
0x3d: {  	_ =	shalt  }
0x3e: {  	_ =	shalt  }
0x3f: {  	_ =	shalt  }
0x40: {  	_ =	shalt  }
0x41: {  	_ =	shalt  }
0x42: {  	_ =	shalt  }
0x43: {  	_ =	shalt  }
0x44: {  	_ =	shalt  }
0x45: {  	_ =	shalt  }
0x46: {  	_ =	shalt  }
0x47: {  	_ =	shalt  }
0x48: {  	_ =	shalt  }
0x49: {  	_ =	shalt  }
0x4a: {  	_ =	shalt  }
0x4b: {  	_ =	shalt  }
0x4c: {  	_ =	shalt  }
0x4d: {  	_ =	shalt  }
0x4e: {  	_ =	shalt  }
0x4f: {  	_ =	shalt  }
0x50: {  	_ =	shalt  }
0x51: {  	_ =	shalt  }
0x52: {  	_ =	shalt  }
0x53: {  	_ =	shalt  }
0x54: {  	_ =	shalt  }
0x55: {  	_ =	shalt  }
0x56: {  	_ =	shalt  }
0x57: {  	_ =	shalt  }
0x58: {  	_ =	shalt  }
0x59: {  	_ =	shalt  }
0x5a: {  	_ =	shalt  }
0x5b: {  	_ =	shalt  }
0x5c: {  	_ =	shalt  }
0x5d: {  	_ =	shalt  }
0x5e: {  	_ =	shalt  }
0x5f: {  	_ =	shalt  }
0x60: {  	_ =	shalt  }
0x61: {  	_ =	shalt  }
0x62: {  	_ =	shalt  }
0x63: {  	_ =	shalt  }
0x64: {  	_ =	shalt  }
0x65: {  	_ =	shalt  }
0x66: {  	_ =	shalt  }
0x67: {  	_ =	shalt  }
0x68: {  	_ =	shalt  }
0x69: {  	_ =	shalt  }
0x6a: {  	_ =	shalt  }
0x6b: {  	_ =	shalt  }
0x6c: {  	_ =	shalt  }
0x6d: {  	_ =	shalt  }
0x6e: {  	_ =	shalt  }
0x6f: {  	_ =	shalt  }
0x70: {  	_ =	shalt  }
0x71: {  	_ =	shalt  }
0x72: {  	_ =	shalt  }
0x73: {  	_ =	shalt  }
0x74: {  	_ =	shalt  }
0x75: {  	_ =	shalt  }
0x76: {  	_ =	shalt  }
0x77: {  	_ =	shalt  }
0x78: {  	_ =	shalt  }
0x79: {  	_ =	shalt  }
0x7a: {  	_ =	shalt  }
0x7b: {  	_ =	shalt  }
0x7c: {  	_ =	shalt  }
0x7d: {  	_ =	shalt  }
0x7e: {  	_ =	shalt  }
0x7f: {  	_ =	shalt  }
0x80: {  	_ =	shalt  }
0x81: {  	_ =	shalt  }
0x82: {  	_ =	shalt  }
0x83: {  	_ =	shalt  }
0x84: {  	_ =	shalt  }
0x85: {  	_ =	shalt  }
0x86: {  	_ =	shalt  }
0x87: {  	_ =	shalt  }
.Lfunc_end0:
.L_simem_size_0:
called_computation.1_lowered:
.L_overlay_start_0:
0x88: {  	s2 =	sld [smem:$0x3FD9]  }
0x89: {  	s3 =	sld [smem:$0x3FFE];
	_ =	sdelay $0x1  }
0x8a: {  	s1 =	srdreg.scid  }
0x8b: {  	s0 =	sand.u32 $0x1, s1  }
0x8c: {  	s17 =	sshll.u32 s0, $0xA;
	s2 =	sadd.s32 s3, s2  }
0x8d: {  	s2 =	sadd.s32 s2, s17  }
0x8e: {  	[smem:$0x3FC2] =	sst s2  }
0x8f: {  	_ = 	snop  }
0x90: {  	s2 =	sld [smem:$0x3FD0];
	(tm) =	ssettm $0x1  }
0x91: {  	s18 =	sld [smem:$0x3FFB];
	_ =	sdelay $0x3  }
0x92: {  	_ =	strace s18  }
0x93: {  	s3 =	sld [smem:$0x3FFC];
	_ =	sdelay $0x3  }
0x94: {  	_ =	strace s3  }
0x95: {  	s3 =	sld [smem:$0x3FFD];
	_ =	sdelay $0x3  }
0x96: {  	_ =	strace s3  }
0x97: {  	_ =	strace $0x8FFFFFFF  }
0x98: {  	s19 =	sld [smem:$0x3FDB];
	_ =	sdelay $0x1  }
0x99: {  	s4 =	simm.s32 $_scs_section_size  }
0x9a: {  	s5 =	simm.s32 $_size__tile_overlayer_lowered;
	s6 =	simm.s32 $_tile_overlayer_lowered  }
0x9b: {  	s22 =	simm.s32 $0x1BFF;
	s21 =	sshll.u32 s6, $0x1;
	s3 =	sadd.s32 s4, s19  }
0x9c: {  	s7 =	simm.s32 $0x0;
	s20 =	sshll.u32 s5, $0x1;
	s5 =	sadd.s32 s21, s3  }
0x9d: {  	[timem:s7], [sflag:s22] =	dma.local [hbm:s5], s20  }
0x9e: {  	_ =	swait.ge [sflag:s22], s20  }
0x9f: {  	s4 =	ssub.s32 $0x0, s20;
	[sflag:s22] =	ssyncset.done $0x0  }
0xa0: {  	[sflag:s22] =	ssyncadd.s32 s4;
	_ =	sdelay $0x1  }
0xa1: {  	s23 =	simm.s32 $0x1B8B  }
0xa2: {  	_ =	swait.ge [sflag:s23], $0x1  }
0xa3: {  	[sflag:s23] =	ssyncset.done $0x0  }
0xa4: {  	s25 =	simm.s32 $0x1B8E;
	s24 =	sld [smem:$0x3FFE];
	[sflag:s23] =	ssyncadd.s32 $0xFFFFFFFF  }
0xa5: {  	s26 =	simm.s32 $execute0_lowered;
	[smem:$0x3FD2] =	sst s25  }
0xa6: {  	s5 =	sshll.u32 s26, $0x1;
	_ =	strace $0x80000049;
	[dreg:$0x1] =	wrdreg $0xFFFFFFFF  }
0xa7: {  	s28 =	simm.s32 $_size_execute0_lowered;
	s3 =	sadd.s32 s3, s5;
	[dreg:$0x0] =	wrdreg $0x0  }
0xa8: {  	s5 =	sshll.u32 s28, $0x1;
	[dreg:$0x2] =	wrdreg s3  }
0xa9: {  	[dreg:$0x3] =	wrdreg s5  }
0xaa: {  	[dreg:$0x4] =	wrdreg $0xC0  }
0xab: {  	_ =	task [dreg:s7], $0x5FFFF  }
0xac: {  	[dreg:$0x1] =	wrdreg $0xFFFFFFFF  }
0xad: {  	[dreg:$0x0] =	wrdreg $0x60  }
0xae: {  	[dreg:$0x2] =	wrdreg s2  }
0xaf: {  	[dreg:$0x3] =	wrdreg s24  }
0xb0: {  	[dreg:$0x4] =	wrdreg $0xA8000  }
0xb1: {  	[dreg:$0x5] =	wrdreg $0x9  }
0xb2: {  	_ =	task.clear_ibuf [dreg:s7], $0x6FFFF;
	_ =	strace $0x90000049  }
0xb3: {  	s29 =	simm.s32 $0x9;
	_ =	strace $0x8000004B  }
0xb4: {  	_ =	swait.ge [sflag:s29], $0x1  }
0xb5: {  	[sflag:s29] =	ssyncadd.s32 $0xFFFFFFFF  }
0xb6: {  	_ =	strace $0x9000004B  }
0xb7: {  	_ =	sfence  }
0xb8: {  	s30 =	sld [smem:$0x0];
	_ =	sdelay $0x2  }
0xb9: {  	s31 =	sshll.u32 s1, $0xD;
	s1 =	sshrl.u32 s1, $0x2  }
0xba: {  	s3 =	sand.u32 $0x4000, s31;
	s1 =	sadd.s32 s1, s30  }
0xbb: {  	s0 =	sor.u32 s3, s0;
	s1 =	sshll.u32 s1, $0x11  }
0xbc: {  	s0 =	sor.u32 s1, s0  }
0xbd: {  	s0 =	sadd.s32 $0x8F2B, s0  }
0xbe: {  	[sflag:s0] =	ssyncadd.remote.s32 $0x1  }
0xbf: {  	_ =	sfence.sel $0xFFFF  }
0xc0: {  	[dreg:$0x0] =	wrdreg $0xFFFFFFFF;
	(pc) =	sbr.abs _section_cstart, $3  }
0xc1: {  	[dreg:$0x1] =	wrdreg $0xFFFFFFFF  }
0xc2: {  	_ =	task.clear_ibuf [dreg:s7], $0x2FFFF;
	_ =	strace $0x9FFFFFFF  }
0xc3: {  	(tm) =	ssettm $0x7FFFFFFF  }
tec
execute0_lowered:
.L_overlay_start_1:
0x0: {  	(tag) =	ssettag $0x1  }
0x1: {  	s1 =	rddreg [dreg:$0x0]  }
0x2: {  	s0 =	rddreg [dreg:$0x1]  }
0x3: {  	s2 =	rddreg [dreg:$0x2]  }
0x4: {  	s3 =	srdreg.scid;
	s4 =	simm.s32 $0x0;
	s11 =	stileid.u32  }
0x5: {  	s28 =	simm.s32 $0x180;
	s29 =	simm.s32 $0x8800;
	s30 =	simm.s32 $0x2  }
0x6: {  	s31 =	simm.s32 $0x1480;
	s12 =	simm.s32 $0x0;
	s3 =	sand.u32 $0x1, s3  }
0x7: {  	[smem:$0x7FF] =	sst s4;
	s6 =	smul.u32 $0x13C00, s11;
	s7 =	sadd.s32 $0x16800, s0  }
0x8: {  	s8 =	sadd.s32 $0x2600, s0;
	s15 =	sadd.s32 $0x2A800, s0;
	s9 =	smul.u32 $0x4F000, s11  }
0x9: {  	s19 =	sshll.u32 s11, $0x6;
	s5 =	smul.u32 $0x13C000, s3;
	_ =	strace $0x8000004A  }
0xa: {  	[dreg:$0x4] =	wrdreg s15;
	s16 =	sshll.u32 s3, $0x4;
	s3 =	ssub.s32 $0x2, s3  }
0xb: {  	s17 =	sshrl.u32 s3, $0x1;
	s18 =	sshrl.u32 s9, $0x2;
	s5 =	sadd.s32 s6, s5  }
0xc: {  	s6 =	sor.u32 s11, s16;
	s3 =	ssub.s32 s3, s17;
	s11 =	simm.s32 $0x2780  }
0xd: {  	s5 =	sshrl.u32 s5, $0x3;
	s10 =	smul.u32 $0x5000, s6;
	s6 =	sor.u32 $0x1C09, s19  }
0xe: {  	s16 =	smax.u32 s3, $0x1;
	s19 =	simm.s32 $0x1400;
	s3 =	simm.s32 $0x3  }
0xf: {  	s0 =	sadd.s32 s5, s0;
	s5 =	sadd.s32 s18, s2;
	s18 =	simm.s32 $0x9  }
0x10: {  	s20 =	sshrl.u32 s10, $0x3;
	s0 =	sadd.s32 $0x2D000, s0;
	s17 =	sshrl.u32 s5, $0x3  }
0x11: {  	s5 =	simm.s32 $0x6;
	s10 =	sadd.s32 s7, s20;
	s21 =	sadd.s32 s8, s20  }
0x12: {  	s22 =	sadd.s32 $0x280, s20;
	s24 =	sadd.s32 $0x500, s20;
	[dreg:$0xd] =	wrdreg s0  }
0x13: {  	s9 =	sadd.s32 $0x780, s20;
	s20 =	simm.s32 $0x40;
	[dreg:$0x5] =	wrdreg s10  }
0x14: {  	s0 =	simm.s32 $0x5;
	[dreg:$0x6] =	wrdreg s21;
	s23 =	sadd.s32 s7, s22  }
0x15: {  	s10 =	sadd.s32 s8, s22;
	s25 =	sadd.s32 s7, s24;
	[dreg:$0x7] =	wrdreg s23  }
0x16: {  	s7 =	sadd.s32 s7, s9;
	s26 =	sadd.s32 s8, s9;
	[dreg:$0x8] =	wrdreg s10  }
0x17: {  	s21 =	simm.s32 $0x2800;
	s22 =	simm.s32 $0x80;
	[dreg:$0x9] =	wrdreg s25  }
0x18: {  	s9 =	simm.s32 $0x8;
	s10 =	sadd.s32 s8, s24;
	[dreg:$0xb] =	wrdreg s7  }
0x19: {  	[dreg:$0xc] =	wrdreg s26;
	s23 =	simm.s32 $0x4800;
	s24 =	simm.s32 $0x100  }
0x1a: {  	s25 =	simm.s32 $0x6800;
	s26 =	simm.s32 $0x1;
	s7 =	simm.s32 $0x4  }
0x1b: {  	s8 =	simm.s32 $0x7;
	[dreg:$0xa] =	wrdreg s10;
	s10 =	simm.s32 $0x2700  }
.LBB2_1:
0x1c: {  	s13 =	rddreg [dreg:$0x4]  }
0x1d: {  	[spmem:s17], [sflag:s6] =	dma.local [hbm:s13], $0x2780  }
0x1e: {  	_ =	swait.ge [sflag:s18], $0x2780  }
0x1f: {  	[sflag:s18] =	ssyncset.done $0x0  }
0x20: {  	[sflag:s18] =	ssyncadd.s32 $0xFFFFD880  }
0x21: {  	[bflag:$0x0] =	sbarrier.arrive $0xFFFF  }
0x22: {  	s15 =	rddreg [dreg:$0x5]  }
0x23: {  	[tilespmem:s4], [sflag:$0x9] =	stream.linear.gather [hbm4b:s15+s4], $0x1400, $0x38;
	[tilespmem:$0x1E400] =	vst v63  }
0x24: {  	_ =	swait.ge [sflag:s18], $0x1400  }
0x25: {  	[sflag:s18] =	ssyncset.done $0x0  }
0x26: {  	s14 =	rddreg [dreg:$0x6];
	[sflag:s18] =	ssyncadd.s32 $0xFFFFEC00  }
0x27: {  	[tilespmem:s19], [sflag:$0x9] =	stream.linear.gather [hbm4b:s14+s4], $0x1400, $0x38;
	[tilespmem:$0x1E400] =	vst v63  }
0x28: {  	_ =	swait.ge [sflag:s18], $0x1400  }
0x29: {  	[sflag:s18] =	ssyncset.done $0x0  }
0x2a: {  	[sflag:s18] =	ssyncadd.s32 $0xFFFFEC00  }
0x2b: {  	[tilespmem:s21], [sflag:$0x1] =	stream.indirect.gather [hbm4b:s1+s20], $0x80, s4, s20, $0xb8;
	[tilespmem:$0x1E400] =	vst v63  }
0x2c: {  	_ = 	snop  }
0x2d: {  	[tilespmem:s23], [sflag:$0x2] =	stream.indirect.gather [hbm4b:s1+s20], $0x80, s22, s20, $0xb8;
	[tilespmem:$0x1E400] =	vst v63  }
0x2e: {  	_ = 	snop  }
0x2f: {  	[tilespmem:s25], [sflag:$0x3] =	stream.indirect.gather [hbm4b:s1+s20], $0x80, s24, s20, $0xb8;
	[tilespmem:$0x1E400] =	vst v63  }
0x30: {  	_ =	swait.ge [sflag:s26], $0x2000  }
0x31: {  	[sflag:s26] =	ssyncset.done $0x0  }
0x32: {  	[sflag:s26] =	ssyncadd.s32 $0xFFFFE000  }
0x33: {  	[spmem:s2] =	stream.indirect.scatter.add.f32 [tilespmem:s21], [sflag:$0x5], $0x80, s19, s20, $0xb8;
	[tilespmem:$0x1E400] =	vst v63  }
0x34: {  	_ = 	snop  }
0x35: {  	[tilespmem:s29], [sflag:$0x4] =	stream.indirect.gather [hbm4b:s1+s20], $0x80, s28, s20, $0xb8;
	[tilespmem:$0x1E400] =	vst v63  }
0x36: {  	_ =	swait.ge [sflag:s30], $0x2000  }
0x37: {  	[sflag:s30] =	ssyncset.done $0x0  }
0x38: {  	[sflag:s30] =	ssyncadd.s32 $0xFFFFE000  }
0x39: {  	[spmem:s2] =	stream.indirect.scatter.add.f32 [tilespmem:s23], [sflag:$0x6], $0x80, s31, s20, $0xb8;
	[tilespmem:$0x1E400] =	vst v63  }
0x3a: {  	_ =	swait.ge [sflag:s0], $0x2000  }
0x3b: {  	[sflag:s0] =	ssyncset.done $0x0  }
0x3c: {  	s15 =	simm.s32 $0x200;
	[sflag:s0] =	ssyncadd.s32 $0xFFFFE000  }
0x3d: {  	[tilespmem:s21], [sflag:$0x1] =	stream.indirect.gather [hbm4b:s1+s20], $0x80, s15, s20, $0xb8;
	[tilespmem:$0x1E400] =	vst v63  }
0x3e: {  	_ =	swait.ge [sflag:s3], $0x2000  }
0x3f: {  	[sflag:s3] =	ssyncset.done $0x0  }
0x40: {  	s14 =	simm.s32 $0x1500;
	[sflag:s3] =	ssyncadd.s32 $0xFFFFE000  }
0x41: {  	[spmem:s2] =	stream.indirect.scatter.add.f32 [tilespmem:s25], [sflag:$0x7], $0x80, s14, s20, $0xb8;
	[tilespmem:$0x1E400] =	vst v63  }
0x42: {  	_ =	swait.ge [sflag:s5], $0x2000  }
0x43: {  	[sflag:s5] =	ssyncset.done $0x0  }
0x44: {  	s15 =	simm.s32 $0x280;
	[sflag:s5] =	ssyncadd.s32 $0xFFFFE000  }
0x45: {  	[tilespmem:s23], [sflag:$0x2] =	stream.indirect.gather [hbm4b:s1+s20], $0x80, s15, s20, $0xb8;
	[tilespmem:$0x1E400] =	vst v63  }
0x46: {  	_ =	swait.ge [sflag:s7], $0x2000  }
0x47: {  	[sflag:s7] =	ssyncset.done $0x0  }
0x48: {  	s14 =	simm.s32 $0x1580;
	[sflag:s7] =	ssyncadd.s32 $0xFFFFE000  }
0x49: {  	[spmem:s2] =	stream.indirect.scatter.add.f32 [tilespmem:s29], [sflag:$0x8], $0x80, s14, s20, $0xb8;
	[tilespmem:$0x1E400] =	vst v63  }
0x4a: {  	_ =	swait.ge [sflag:s8], $0x2000  }
0x4b: {  	[sflag:s8] =	ssyncset.done $0x0  }
0x4c: {  	s15 =	simm.s32 $0x300;
	[sflag:s8] =	ssyncadd.s32 $0xFFFFE000  }
0x4d: {  	[tilespmem:s25], [sflag:$0x3] =	stream.indirect.gather [hbm4b:s1+s20], $0x80, s15, s20, $0xb8;
	[tilespmem:$0x1E400] =	vst v63  }
0x4e: {  	_ =	swait.ge [sflag:s26], $0x2000  }
0x4f: {  	[sflag:s26] =	ssyncset.done $0x0  }
0x50: {  	s14 =	simm.s32 $0x1600;
	[sflag:s26] =	ssyncadd.s32 $0xFFFFE000  }
0x51: {  	[spmem:s2] =	stream.indirect.scatter.add.f32 [tilespmem:s21], [sflag:$0x5], $0x80, s14, s20, $0xb8;
	[tilespmem:$0x1E400] =	vst v63  }
0x52: {  	_ =	swait.ge [sflag:s9], $0x2000  }
0x53: {  	[sflag:s9] =	ssyncset.done $0x0  }
0x54: {  	s15 =	simm.s32 $0x380;
	[sflag:s9] =	ssyncadd.s32 $0xFFFFE000  }
0x55: {  	[tilespmem:s29], [sflag:$0x4] =	stream.indirect.gather [hbm4b:s1+s20], $0x80, s15, s20, $0xb8;
	[tilespmem:$0x1E400] =	vst v63  }
0x56: {  	_ =	swait.ge [sflag:s30], $0x2000  }
0x57: {  	[sflag:s30] =	ssyncset.done $0x0  }
0x58: {  	s13 =	simm.s32 $0x800;
	s14 =	simm.s32 $0x1680;
	[sflag:s30] =	ssyncadd.s32 $0xFFFFE000  }
.LBB2_2:
0x59: {  	[spmem:s2] =	stream.indirect.scatter.add.f32 [tilespmem:s23], [sflag:$0x6], $0x80, s14, s20, $0xb8;
	[tilespmem:$0x1E400] =	vst v63  }
0x5a: {  	s14 =	smov.u32 s13  }
0x5b: {  	p0 =	sne.s32 s13, $0x4000;
	s13 =	sadd.s32 $0x800, s13;
	_ =	swait.ge [sflag:s0], $0x2000  }
0x5c: {  	s14 =	sshra.s32 s14, $0x2;
	[sflag:s0] =	ssyncset.done $0x0  }
0x5d: {  	s15 =	sadd.s32 $0x200, s14;
	[sflag:s0] =	ssyncadd.s32 $0xFFFFE000  }
0x5e: {  	[tilespmem:s21], [sflag:$0x1] =	stream.indirect.gather [hbm4b:s1+s20], $0x80, s15, s20, $0xb8;
	[tilespmem:$0x1E400] =	vst v63  }
0x5f: {  	_ =	swait.ge [sflag:s3], $0x2000  }
0x60: {  	[sflag:s3] =	ssyncset.done $0x0  }
0x61: {  	s15 =	sadd.s32 $0x1500, s14;
	[sflag:s3] =	ssyncadd.s32 $0xFFFFE000  }
0x62: {  	[spmem:s2] =	stream.indirect.scatter.add.f32 [tilespmem:s25], [sflag:$0x7], $0x80, s15, s20, $0xb8;
	[tilespmem:$0x1E400] =	vst v63  }
0x63: {  	_ =	swait.ge [sflag:s5], $0x2000  }
0x64: {  	[sflag:s5] =	ssyncset.done $0x0  }
0x65: {  	s15 =	sadd.s32 $0x280, s14;
	[sflag:s5] =	ssyncadd.s32 $0xFFFFE000  }
0x66: {  	[tilespmem:s23], [sflag:$0x2] =	stream.indirect.gather [hbm4b:s1+s20], $0x80, s15, s20, $0xb8;
	[tilespmem:$0x1E400] =	vst v63  }
0x67: {  	_ =	swait.ge [sflag:s7], $0x2000  }
0x68: {  	[sflag:s7] =	ssyncset.done $0x0  }
0x69: {  	s15 =	sadd.s32 $0x1580, s14;
	[sflag:s7] =	ssyncadd.s32 $0xFFFFE000  }
0x6a: {  	[spmem:s2] =	stream.indirect.scatter.add.f32 [tilespmem:s29], [sflag:$0x8], $0x80, s15, s20, $0xb8;
	[tilespmem:$0x1E400] =	vst v63  }
0x6b: {  	_ =	swait.ge [sflag:s8], $0x2000  }
0x6c: {  	[sflag:s8] =	ssyncset.done $0x0  }
0x6d: {  	s15 =	sadd.s32 $0x300, s14;
	[sflag:s8] =	ssyncadd.s32 $0xFFFFE000  }
0x6e: {  	[tilespmem:s25], [sflag:$0x3] =	stream.indirect.gather [hbm4b:s1+s20], $0x80, s15, s20, $0xb8;
	[tilespmem:$0x1E400] =	vst v63  }
0x6f: {  	_ =	swait.ge [sflag:s26], $0x2000  }
0x70: {  	[sflag:s26] =	ssyncset.done $0x0  }
0x71: {  	s15 =	sadd.s32 $0x1600, s14;
	[sflag:s26] =	ssyncadd.s32 $0xFFFFE000  }
0x72: {  	[spmem:s2] =	stream.indirect.scatter.add.f32 [tilespmem:s21], [sflag:$0x5], $0x80, s15, s20, $0xb8;
	[tilespmem:$0x1E400] =	vst v63  }
0x73: {  	_ =	swait.ge [sflag:s9], $0x2000  }
0x74: {  	[sflag:s9] =	ssyncset.done $0x0  }
.Ltmp0:
0x75: {  	s15 =	sadd.s32 $0x380, s14;
	[sflag:s9] =	ssyncadd.s32 $0xFFFFE000;
	(pc) =	sbr.rel @p0 .LBB2_2-.Ltmp0, $4  }
0x76: {  	[tilespmem:s29], [sflag:$0x4] =	stream.indirect.gather [hbm4b:s1+s20], $0x80, s15, s20, $0xb8;
	[tilespmem:$0x1E400] =	vst v63  }
0x77: {  	_ =	swait.ge [sflag:s30], $0x2000  }
0x78: {  	[sflag:s30] =	ssyncset.done $0x0  }
0x79: {  	s14 =	sadd.s32 $0x1680, s14;
	[sflag:s30] =	ssyncadd.s32 $0xFFFFE000  }
0x7a: {  	[spmem:s2] =	stream.indirect.scatter.add.f32 [tilespmem:s23], [sflag:$0x6], $0x80, s14, s20, $0xb8;
	[tilespmem:$0x1E400] =	vst v63  }
0x7b: {  	_ =	swait.ge [sflag:s3], $0x2000  }
0x7c: {  	[sflag:s3] =	ssyncset.done $0x0  }
0x7d: {  	[sflag:s3] =	ssyncadd.s32 $0xFFFFE000  }
0x7e: {  	[spmem:s2] =	stream.indirect.scatter.add.f32 [tilespmem:s25], [sflag:$0x7], $0x80, s10, s20, $0xb8;
	[tilespmem:$0x1E400] =	vst v63  }
0x7f: {  	_ =	swait.ge [sflag:s7], $0x2000  }
0x80: {  	[sflag:s7] =	ssyncset.done $0x0  }
0x81: {  	[sflag:s7] =	ssyncadd.s32 $0xFFFFE000  }
0x82: {  	[spmem:s2] =	stream.indirect.scatter.add.f32 [tilespmem:s29], [sflag:$0x8], $0x80, s11, s20, $0xb8;
	[tilespmem:$0x1E400] =	vst v63  }
0x83: {  	_ =	swait.ge [sflag:s0], $0x2000  }
0x84: {  	[sflag:s0] =	ssyncset.done $0x0  }
0x85: {  	[sflag:s0] =	ssyncadd.s32 $0xFFFFE000  }
0x86: {  	_ =	swait.ge [sflag:s5], $0x2000  }
0x87: {  	[sflag:s5] =	ssyncset.done $0x0  }
0x88: {  	[sflag:s5] =	ssyncadd.s32 $0xFFFFE000  }
0x89: {  	_ =	swait.ge [sflag:s8], $0x2000  }
0x8a: {  	[sflag:s8] =	ssyncset.done $0x0  }
0x8b: {  	[sflag:s8] =	ssyncadd.s32 $0xFFFFE000  }
0x8c: {  	_ =	swait.ge [sflag:s9], $0x2000  }
0x8d: {  	[sflag:s9] =	ssyncset.done $0x0  }
0x8e: {  	s13 =	simm.s32 $0x0;
	s15 =	rddreg [dreg:$0x7];
	[sflag:s9] =	ssyncadd.s32 $0xFFFFE000  }
0x8f: {  	[tilespmem:s13], [sflag:$0x9] =	stream.linear.gather [hbm4b:s15+s13], $0x1400, $0x38;
	[tilespmem:$0x1E400] =	vst v63  }
0x90: {  	_ =	swait.ge [sflag:s18], $0x1400  }
0x91: {  	[sflag:s18] =	ssyncset.done $0x0  }
0x92: {  	s15 =	rddreg [dreg:$0x8];
	[sflag:s18] =	ssyncadd.s32 $0xFFFFEC00  }
0x93: {  	[tilespmem:s19], [sflag:$0x9] =	stream.linear.gather [hbm4b:s15+s13], $0x1400, $0x38;
	[tilespmem:$0x1E400] =	vst v63  }
0x94: {  	_ =	swait.ge [sflag:s18], $0x1400  }
0x95: {  	[sflag:s18] =	ssyncset.done $0x0  }
0x96: {  	[sflag:s18] =	ssyncadd.s32 $0xFFFFEC00  }
0x97: {  	[tilespmem:s21], [sflag:$0x1] =	stream.indirect.gather [hbm4b:s1+s20], $0x80, s13, s20, $0xb8;
	[tilespmem:$0x1E400] =	vst v63  }
0x98: {  	_ = 	snop  }
0x99: {  	[tilespmem:s23], [sflag:$0x2] =	stream.indirect.gather [hbm4b:s1+s20], $0x80, s22, s20, $0xb8;
	[tilespmem:$0x1E400] =	vst v63  }
0x9a: {  	_ = 	snop  }
0x9b: {  	[tilespmem:s25], [sflag:$0x3] =	stream.indirect.gather [hbm4b:s1+s20], $0x80, s24, s20, $0xb8;
	[tilespmem:$0x1E400] =	vst v63  }
0x9c: {  	_ =	swait.ge [sflag:s26], $0x2000  }
0x9d: {  	[sflag:s26] =	ssyncset.done $0x0  }
0x9e: {  	[sflag:s26] =	ssyncadd.s32 $0xFFFFE000  }
0x9f: {  	[spmem:s2] =	stream.indirect.scatter.add.f32 [tilespmem:s21], [sflag:$0x5], $0x80, s19, s20, $0xb8;
	[tilespmem:$0x1E400] =	vst v63  }
0xa0: {  	_ = 	snop  }
0xa1: {  	[tilespmem:s29], [sflag:$0x4] =	stream.indirect.gather [hbm4b:s1+s20], $0x80, s28, s20, $0xb8;
	[tilespmem:$0x1E400] =	vst v63  }
0xa2: {  	_ =	swait.ge [sflag:s30], $0x2000  }
0xa3: {  	[sflag:s30] =	ssyncset.done $0x0  }
0xa4: {  	[sflag:s30] =	ssyncadd.s32 $0xFFFFE000  }
0xa5: {  	[spmem:s2] =	stream.indirect.scatter.add.f32 [tilespmem:s23], [sflag:$0x6], $0x80, s31, s20, $0xb8;
	[tilespmem:$0x1E400] =	vst v63  }
0xa6: {  	_ =	swait.ge [sflag:s0], $0x2000  }
0xa7: {  	[sflag:s0] =	ssyncset.done $0x0  }
0xa8: {  	s15 =	simm.s32 $0x200;
	[sflag:s0] =	ssyncadd.s32 $0xFFFFE000  }
0xa9: {  	[tilespmem:s21], [sflag:$0x1] =	stream.indirect.gather [hbm4b:s1+s20], $0x80, s15, s20, $0xb8;
	[tilespmem:$0x1E400] =	vst v63  }
0xaa: {  	_ =	swait.ge [sflag:s3], $0x2000  }
0xab: {  	[sflag:s3] =	ssyncset.done $0x0  }
0xac: {  	s14 =	simm.s32 $0x1500;
	[sflag:s3] =	ssyncadd.s32 $0xFFFFE000  }
0xad: {  	[spmem:s2] =	stream.indirect.scatter.add.f32 [tilespmem:s25], [sflag:$0x7], $0x80, s14, s20, $0xb8;
	[tilespmem:$0x1E400] =	vst v63  }
0xae: {  	_ =	swait.ge [sflag:s5], $0x2000  }
0xaf: {  	[sflag:s5] =	ssyncset.done $0x0  }
0xb0: {  	s15 =	simm.s32 $0x280;
	[sflag:s5] =	ssyncadd.s32 $0xFFFFE000  }
0xb1: {  	[tilespmem:s23], [sflag:$0x2] =	stream.indirect.gather [hbm4b:s1+s20], $0x80, s15, s20, $0xb8;
	[tilespmem:$0x1E400] =	vst v63  }
0xb2: {  	_ =	swait.ge [sflag:s7], $0x2000  }
0xb3: {  	[sflag:s7] =	ssyncset.done $0x0  }
0xb4: {  	s14 =	simm.s32 $0x1580;
	[sflag:s7] =	ssyncadd.s32 $0xFFFFE000  }
0xb5: {  	[spmem:s2] =	stream.indirect.scatter.add.f32 [tilespmem:s29], [sflag:$0x8], $0x80, s14, s20, $0xb8;
	[tilespmem:$0x1E400] =	vst v63  }
0xb6: {  	_ =	swait.ge [sflag:s8], $0x2000  }
0xb7: {  	[sflag:s8] =	ssyncset.done $0x0  }
0xb8: {  	s15 =	simm.s32 $0x300;
	[sflag:s8] =	ssyncadd.s32 $0xFFFFE000  }
0xb9: {  	[tilespmem:s25], [sflag:$0x3] =	stream.indirect.gather [hbm4b:s1+s20], $0x80, s15, s20, $0xb8;
	[tilespmem:$0x1E400] =	vst v63  }
0xba: {  	_ =	swait.ge [sflag:s26], $0x2000  }
0xbb: {  	[sflag:s26] =	ssyncset.done $0x0  }
0xbc: {  	s14 =	simm.s32 $0x1600;
	[sflag:s26] =	ssyncadd.s32 $0xFFFFE000  }
0xbd: {  	[spmem:s2] =	stream.indirect.scatter.add.f32 [tilespmem:s21], [sflag:$0x5], $0x80, s14, s20, $0xb8;
	[tilespmem:$0x1E400] =	vst v63  }
0xbe: {  	_ =	swait.ge [sflag:s9], $0x2000  }
0xbf: {  	[sflag:s9] =	ssyncset.done $0x0  }
0xc0: {  	s15 =	simm.s32 $0x380;
	[sflag:s9] =	ssyncadd.s32 $0xFFFFE000  }
0xc1: {  	[tilespmem:s29], [sflag:$0x4] =	stream.indirect.gather [hbm4b:s1+s20], $0x80, s15, s20, $0xb8;
	[tilespmem:$0x1E400] =	vst v63  }
0xc2: {  	_ =	swait.ge [sflag:s30], $0x2000  }
0xc3: {  	[sflag:s30] =	ssyncset.done $0x0  }
0xc4: {  	s13 =	simm.s32 $0x800;
	s14 =	simm.s32 $0x1680;
	[sflag:s30] =	ssyncadd.s32 $0xFFFFE000  }
.LBB2_4:
0xc5: {  	[spmem:s2] =	stream.indirect.scatter.add.f32 [tilespmem:s23], [sflag:$0x6], $0x80, s14, s20, $0xb8;
	[tilespmem:$0x1E400] =	vst v63  }
0xc6: {  	s14 =	smov.u32 s13  }
0xc7: {  	p0 =	sne.s32 s13, $0x4000;
	s13 =	sadd.s32 $0x800, s13;
	_ =	swait.ge [sflag:s0], $0x2000  }
0xc8: {  	s14 =	sshra.s32 s14, $0x2;
	[sflag:s0] =	ssyncset.done $0x0  }
0xc9: {  	s15 =	sadd.s32 $0x200, s14;
	[sflag:s0] =	ssyncadd.s32 $0xFFFFE000  }
0xca: {  	[tilespmem:s21], [sflag:$0x1] =	stream.indirect.gather [hbm4b:s1+s20], $0x80, s15, s20, $0xb8;
	[tilespmem:$0x1E400] =	vst v63  }
0xcb: {  	_ =	swait.ge [sflag:s3], $0x2000  }
0xcc: {  	[sflag:s3] =	ssyncset.done $0x0  }
0xcd: {  	s15 =	sadd.s32 $0x1500, s14;
	[sflag:s3] =	ssyncadd.s32 $0xFFFFE000  }
0xce: {  	[spmem:s2] =	stream.indirect.scatter.add.f32 [tilespmem:s25], [sflag:$0x7], $0x80, s15, s20, $0xb8;
	[tilespmem:$0x1E400] =	vst v63  }
0xcf: {  	_ =	swait.ge [sflag:s5], $0x2000  }
0xd0: {  	[sflag:s5] =	ssyncset.done $0x0  }
0xd1: {  	s15 =	sadd.s32 $0x280, s14;
	[sflag:s5] =	ssyncadd.s32 $0xFFFFE000  }
0xd2: {  	[tilespmem:s23], [sflag:$0x2] =	stream.indirect.gather [hbm4b:s1+s20], $0x80, s15, s20, $0xb8;
	[tilespmem:$0x1E400] =	vst v63  }
0xd3: {  	_ =	swait.ge [sflag:s7], $0x2000  }
0xd4: {  	[sflag:s7] =	ssyncset.done $0x0  }
0xd5: {  	s15 =	sadd.s32 $0x1580, s14;
	[sflag:s7] =	ssyncadd.s32 $0xFFFFE000  }
0xd6: {  	[spmem:s2] =	stream.indirect.scatter.add.f32 [tilespmem:s29], [sflag:$0x8], $0x80, s15, s20, $0xb8;
	[tilespmem:$0x1E400] =	vst v63  }
0xd7: {  	_ =	swait.ge [sflag:s8], $0x2000  }
0xd8: {  	[sflag:s8] =	ssyncset.done $0x0  }
0xd9: {  	s15 =	sadd.s32 $0x300, s14;
	[sflag:s8] =	ssyncadd.s32 $0xFFFFE000  }
0xda: {  	[tilespmem:s25], [sflag:$0x3] =	stream.indirect.gather [hbm4b:s1+s20], $0x80, s15, s20, $0xb8;
	[tilespmem:$0x1E400] =	vst v63  }
0xdb: {  	_ =	swait.ge [sflag:s26], $0x2000  }
0xdc: {  	[sflag:s26] =	ssyncset.done $0x0  }
0xdd: {  	s15 =	sadd.s32 $0x1600, s14;
	[sflag:s26] =	ssyncadd.s32 $0xFFFFE000  }
0xde: {  	[spmem:s2] =	stream.indirect.scatter.add.f32 [tilespmem:s21], [sflag:$0x5], $0x80, s15, s20, $0xb8;
	[tilespmem:$0x1E400] =	vst v63  }
0xdf: {  	_ =	swait.ge [sflag:s9], $0x2000  }
0xe0: {  	[sflag:s9] =	ssyncset.done $0x0  }
.Ltmp1:
0xe1: {  	s15 =	sadd.s32 $0x380, s14;
	[sflag:s9] =	ssyncadd.s32 $0xFFFFE000;
	(pc) =	sbr.rel @p0 .LBB2_4-.Ltmp1, $4  }
0xe2: {  	[tilespmem:s29], [sflag:$0x4] =	stream.indirect.gather [hbm4b:s1+s20], $0x80, s15, s20, $0xb8;
	[tilespmem:$0x1E400] =	vst v63  }
0xe3: {  	_ =	swait.ge [sflag:s30], $0x2000  }
0xe4: {  	[sflag:s30] =	ssyncset.done $0x0  }
0xe5: {  	s14 =	sadd.s32 $0x1680, s14;
	[sflag:s30] =	ssyncadd.s32 $0xFFFFE000  }
0xe6: {  	[spmem:s2] =	stream.indirect.scatter.add.f32 [tilespmem:s23], [sflag:$0x6], $0x80, s14, s20, $0xb8;
	[tilespmem:$0x1E400] =	vst v63  }
0xe7: {  	_ =	swait.ge [sflag:s3], $0x2000  }
0xe8: {  	[sflag:s3] =	ssyncset.done $0x0  }
0xe9: {  	[sflag:s3] =	ssyncadd.s32 $0xFFFFE000  }
0xea: {  	[spmem:s2] =	stream.indirect.scatter.add.f32 [tilespmem:s25], [sflag:$0x7], $0x80, s10, s20, $0xb8;
	[tilespmem:$0x1E400] =	vst v63  }
0xeb: {  	_ =	swait.ge [sflag:s7], $0x2000  }
0xec: {  	[sflag:s7] =	ssyncset.done $0x0  }
0xed: {  	[sflag:s7] =	ssyncadd.s32 $0xFFFFE000  }
0xee: {  	[spmem:s2] =	stream.indirect.scatter.add.f32 [tilespmem:s29], [sflag:$0x8], $0x80, s11, s20, $0xb8;
	[tilespmem:$0x1E400] =	vst v63  }
0xef: {  	_ =	swait.ge [sflag:s0], $0x2000  }
0xf0: {  	[sflag:s0] =	ssyncset.done $0x0  }
0xf1: {  	[sflag:s0] =	ssyncadd.s32 $0xFFFFE000  }
0xf2: {  	_ =	swait.ge [sflag:s5], $0x2000  }
0xf3: {  	[sflag:s5] =	ssyncset.done $0x0  }
0xf4: {  	[sflag:s5] =	ssyncadd.s32 $0xFFFFE000  }
0xf5: {  	_ =	swait.ge [sflag:s8], $0x2000  }
0xf6: {  	[sflag:s8] =	ssyncset.done $0x0  }
0xf7: {  	[sflag:s8] =	ssyncadd.s32 $0xFFFFE000  }
0xf8: {  	_ =	swait.ge [sflag:s9], $0x2000  }
0xf9: {  	[sflag:s9] =	ssyncset.done $0x0  }
0xfa: {  	s13 =	simm.s32 $0x0;
	s15 =	rddreg [dreg:$0x9];
	[sflag:s9] =	ssyncadd.s32 $0xFFFFE000  }
0xfb: {  	[tilespmem:s13], [sflag:$0x9] =	stream.linear.gather [hbm4b:s15+s13], $0x1400, $0x38;
	[tilespmem:$0x1E400] =	vst v63  }
0xfc: {  	_ =	swait.ge [sflag:s18], $0x1400  }
0xfd: {  	[sflag:s18] =	ssyncset.done $0x0  }
0xfe: {  	s15 =	rddreg [dreg:$0xa];
	[sflag:s18] =	ssyncadd.s32 $0xFFFFEC00  }
0xff: {  	[tilespmem:s19], [sflag:$0x9] =	stream.linear.gather [hbm4b:s15+s13], $0x1400, $0x38;
	[tilespmem:$0x1E400] =	vst v63  }
0x100: {  	_ =	swait.ge [sflag:s18], $0x1400  }
0x101: {  	[sflag:s18] =	ssyncset.done $0x0  }
0x102: {  	[sflag:s18] =	ssyncadd.s32 $0xFFFFEC00  }
0x103: {  	[tilespmem:s21], [sflag:$0x1] =	stream.indirect.gather [hbm4b:s1+s20], $0x80, s13, s20, $0xb8;
	[tilespmem:$0x1E400] =	vst v63  }
0x104: {  	_ = 	snop  }
0x105: {  	[tilespmem:s23], [sflag:$0x2] =	stream.indirect.gather [hbm4b:s1+s20], $0x80, s22, s20, $0xb8;
	[tilespmem:$0x1E400] =	vst v63  }
0x106: {  	_ = 	snop  }
0x107: {  	[tilespmem:s25], [sflag:$0x3] =	stream.indirect.gather [hbm4b:s1+s20], $0x80, s24, s20, $0xb8;
	[tilespmem:$0x1E400] =	vst v63  }
0x108: {  	_ =	swait.ge [sflag:s26], $0x2000  }
0x109: {  	[sflag:s26] =	ssyncset.done $0x0  }
0x10a: {  	[sflag:s26] =	ssyncadd.s32 $0xFFFFE000  }
0x10b: {  	[spmem:s2] =	stream.indirect.scatter.add.f32 [tilespmem:s21], [sflag:$0x5], $0x80, s19, s20, $0xb8;
	[tilespmem:$0x1E400] =	vst v63  }
0x10c: {  	_ = 	snop  }
0x10d: {  	[tilespmem:s29], [sflag:$0x4] =	stream.indirect.gather [hbm4b:s1+s20], $0x80, s28, s20, $0xb8;
	[tilespmem:$0x1E400] =	vst v63  }
0x10e: {  	_ =	swait.ge [sflag:s30], $0x2000  }
0x10f: {  	[sflag:s30] =	ssyncset.done $0x0  }
0x110: {  	[sflag:s30] =	ssyncadd.s32 $0xFFFFE000  }
0x111: {  	[spmem:s2] =	stream.indirect.scatter.add.f32 [tilespmem:s23], [sflag:$0x6], $0x80, s31, s20, $0xb8;
	[tilespmem:$0x1E400] =	vst v63  }
0x112: {  	_ =	swait.ge [sflag:s0], $0x2000  }
0x113: {  	[sflag:s0] =	ssyncset.done $0x0  }
0x114: {  	s15 =	simm.s32 $0x200;
	[sflag:s0] =	ssyncadd.s32 $0xFFFFE000  }
0x115: {  	[tilespmem:s21], [sflag:$0x1] =	stream.indirect.gather [hbm4b:s1+s20], $0x80, s15, s20, $0xb8;
	[tilespmem:$0x1E400] =	vst v63  }
0x116: {  	_ =	swait.ge [sflag:s3], $0x2000  }
0x117: {  	[sflag:s3] =	ssyncset.done $0x0  }
0x118: {  	s14 =	simm.s32 $0x1500;
	[sflag:s3] =	ssyncadd.s32 $0xFFFFE000  }
0x119: {  	[spmem:s2] =	stream.indirect.scatter.add.f32 [tilespmem:s25], [sflag:$0x7], $0x80, s14, s20, $0xb8;
	[tilespmem:$0x1E400] =	vst v63  }
0x11a: {  	_ =	swait.ge [sflag:s5], $0x2000  }
0x11b: {  	[sflag:s5] =	ssyncset.done $0x0  }
0x11c: {  	s15 =	simm.s32 $0x280;
	[sflag:s5] =	ssyncadd.s32 $0xFFFFE000  }
0x11d: {  	[tilespmem:s23], [sflag:$0x2] =	stream.indirect.gather [hbm4b:s1+s20], $0x80, s15, s20, $0xb8;
	[tilespmem:$0x1E400] =	vst v63  }
0x11e: {  	_ =	swait.ge [sflag:s7], $0x2000  }
0x11f: {  	[sflag:s7] =	ssyncset.done $0x0  }
0x120: {  	s14 =	simm.s32 $0x1580;
	[sflag:s7] =	ssyncadd.s32 $0xFFFFE000  }
0x121: {  	[spmem:s2] =	stream.indirect.scatter.add.f32 [tilespmem:s29], [sflag:$0x8], $0x80, s14, s20, $0xb8;
	[tilespmem:$0x1E400] =	vst v63  }
0x122: {  	_ =	swait.ge [sflag:s8], $0x2000  }
0x123: {  	[sflag:s8] =	ssyncset.done $0x0  }
0x124: {  	s15 =	simm.s32 $0x300;
	[sflag:s8] =	ssyncadd.s32 $0xFFFFE000  }
0x125: {  	[tilespmem:s25], [sflag:$0x3] =	stream.indirect.gather [hbm4b:s1+s20], $0x80, s15, s20, $0xb8;
	[tilespmem:$0x1E400] =	vst v63  }
0x126: {  	_ =	swait.ge [sflag:s26], $0x2000  }
0x127: {  	[sflag:s26] =	ssyncset.done $0x0  }
0x128: {  	s14 =	simm.s32 $0x1600;
	[sflag:s26] =	ssyncadd.s32 $0xFFFFE000  }
0x129: {  	[spmem:s2] =	stream.indirect.scatter.add.f32 [tilespmem:s21], [sflag:$0x5], $0x80, s14, s20, $0xb8;
	[tilespmem:$0x1E400] =	vst v63  }
0x12a: {  	_ =	swait.ge [sflag:s9], $0x2000  }
0x12b: {  	[sflag:s9] =	ssyncset.done $0x0  }
0x12c: {  	s15 =	simm.s32 $0x380;
	[sflag:s9] =	ssyncadd.s32 $0xFFFFE000  }
0x12d: {  	[tilespmem:s29], [sflag:$0x4] =	stream.indirect.gather [hbm4b:s1+s20], $0x80, s15, s20, $0xb8;
	[tilespmem:$0x1E400] =	vst v63  }
0x12e: {  	_ =	swait.ge [sflag:s30], $0x2000  }
0x12f: {  	[sflag:s30] =	ssyncset.done $0x0  }
0x130: {  	s13 =	simm.s32 $0x800;
	s14 =	simm.s32 $0x1680;
	[sflag:s30] =	ssyncadd.s32 $0xFFFFE000  }
.LBB2_6:
0x131: {  	[spmem:s2] =	stream.indirect.scatter.add.f32 [tilespmem:s23], [sflag:$0x6], $0x80, s14, s20, $0xb8;
	[tilespmem:$0x1E400] =	vst v63  }
0x132: {  	s14 =	smov.u32 s13  }
0x133: {  	p0 =	sne.s32 s13, $0x4000;
	s13 =	sadd.s32 $0x800, s13;
	_ =	swait.ge [sflag:s0], $0x2000  }
0x134: {  	s14 =	sshra.s32 s14, $0x2;
	[sflag:s0] =	ssyncset.done $0x0  }
0x135: {  	s15 =	sadd.s32 $0x200, s14;
	[sflag:s0] =	ssyncadd.s32 $0xFFFFE000  }
0x136: {  	[tilespmem:s21], [sflag:$0x1] =	stream.indirect.gather [hbm4b:s1+s20], $0x80, s15, s20, $0xb8;
	[tilespmem:$0x1E400] =	vst v63  }
0x137: {  	_ =	swait.ge [sflag:s3], $0x2000  }
0x138: {  	[sflag:s3] =	ssyncset.done $0x0  }
0x139: {  	s15 =	sadd.s32 $0x1500, s14;
	[sflag:s3] =	ssyncadd.s32 $0xFFFFE000  }
0x13a: {  	[spmem:s2] =	stream.indirect.scatter.add.f32 [tilespmem:s25], [sflag:$0x7], $0x80, s15, s20, $0xb8;
	[tilespmem:$0x1E400] =	vst v63  }
0x13b: {  	_ =	swait.ge [sflag:s5], $0x2000  }
0x13c: {  	[sflag:s5] =	ssyncset.done $0x0  }
0x13d: {  	s15 =	sadd.s32 $0x280, s14;
	[sflag:s5] =	ssyncadd.s32 $0xFFFFE000  }
0x13e: {  	[tilespmem:s23], [sflag:$0x2] =	stream.indirect.gather [hbm4b:s1+s20], $0x80, s15, s20, $0xb8;
	[tilespmem:$0x1E400] =	vst v63  }
0x13f: {  	_ =	swait.ge [sflag:s7], $0x2000  }
0x140: {  	[sflag:s7] =	ssyncset.done $0x0  }
0x141: {  	s15 =	sadd.s32 $0x1580, s14;
	[sflag:s7] =	ssyncadd.s32 $0xFFFFE000  }
0x142: {  	[spmem:s2] =	stream.indirect.scatter.add.f32 [tilespmem:s29], [sflag:$0x8], $0x80, s15, s20, $0xb8;
	[tilespmem:$0x1E400] =	vst v63  }
0x143: {  	_ =	swait.ge [sflag:s8], $0x2000  }
0x144: {  	[sflag:s8] =	ssyncset.done $0x0  }
0x145: {  	s15 =	sadd.s32 $0x300, s14;
	[sflag:s8] =	ssyncadd.s32 $0xFFFFE000  }
0x146: {  	[tilespmem:s25], [sflag:$0x3] =	stream.indirect.gather [hbm4b:s1+s20], $0x80, s15, s20, $0xb8;
	[tilespmem:$0x1E400] =	vst v63  }
0x147: {  	_ =	swait.ge [sflag:s26], $0x2000  }
0x148: {  	[sflag:s26] =	ssyncset.done $0x0  }
0x149: {  	s15 =	sadd.s32 $0x1600, s14;
	[sflag:s26] =	ssyncadd.s32 $0xFFFFE000  }
0x14a: {  	[spmem:s2] =	stream.indirect.scatter.add.f32 [tilespmem:s21], [sflag:$0x5], $0x80, s15, s20, $0xb8;
	[tilespmem:$0x1E400] =	vst v63  }
0x14b: {  	_ =	swait.ge [sflag:s9], $0x2000  }
0x14c: {  	[sflag:s9] =	ssyncset.done $0x0  }
.Ltmp2:
0x14d: {  	s15 =	sadd.s32 $0x380, s14;
	[sflag:s9] =	ssyncadd.s32 $0xFFFFE000;
	(pc) =	sbr.rel @p0 .LBB2_6-.Ltmp2, $4  }
0x14e: {  	[tilespmem:s29], [sflag:$0x4] =	stream.indirect.gather [hbm4b:s1+s20], $0x80, s15, s20, $0xb8;
	[tilespmem:$0x1E400] =	vst v63  }
0x14f: {  	_ =	swait.ge [sflag:s30], $0x2000  }
0x150: {  	[sflag:s30] =	ssyncset.done $0x0  }
0x151: {  	s14 =	sadd.s32 $0x1680, s14;
	[sflag:s30] =	ssyncadd.s32 $0xFFFFE000  }
0x152: {  	[spmem:s2] =	stream.indirect.scatter.add.f32 [tilespmem:s23], [sflag:$0x6], $0x80, s14, s20, $0xb8;
	[tilespmem:$0x1E400] =	vst v63  }
0x153: {  	_ =	swait.ge [sflag:s3], $0x2000  }
0x154: {  	[sflag:s3] =	ssyncset.done $0x0  }
0x155: {  	[sflag:s3] =	ssyncadd.s32 $0xFFFFE000  }
0x156: {  	[spmem:s2] =	stream.indirect.scatter.add.f32 [tilespmem:s25], [sflag:$0x7], $0x80, s10, s20, $0xb8;
	[tilespmem:$0x1E400] =	vst v63  }
0x157: {  	_ =	swait.ge [sflag:s7], $0x2000  }
0x158: {  	[sflag:s7] =	ssyncset.done $0x0  }
0x159: {  	[sflag:s7] =	ssyncadd.s32 $0xFFFFE000  }
0x15a: {  	[spmem:s2] =	stream.indirect.scatter.add.f32 [tilespmem:s29], [sflag:$0x8], $0x80, s11, s20, $0xb8;
	[tilespmem:$0x1E400] =	vst v63  }
0x15b: {  	_ =	swait.ge [sflag:s0], $0x2000  }
0x15c: {  	[sflag:s0] =	ssyncset.done $0x0  }
0x15d: {  	[sflag:s0] =	ssyncadd.s32 $0xFFFFE000  }
0x15e: {  	_ =	swait.ge [sflag:s5], $0x2000  }
0x15f: {  	[sflag:s5] =	ssyncset.done $0x0  }
0x160: {  	[sflag:s5] =	ssyncadd.s32 $0xFFFFE000  }
0x161: {  	_ =	swait.ge [sflag:s8], $0x2000  }
0x162: {  	[sflag:s8] =	ssyncset.done $0x0  }
0x163: {  	[sflag:s8] =	ssyncadd.s32 $0xFFFFE000  }
0x164: {  	_ =	swait.ge [sflag:s9], $0x2000  }
0x165: {  	[sflag:s9] =	ssyncset.done $0x0  }
0x166: {  	s13 =	simm.s32 $0x0;
	s15 =	rddreg [dreg:$0xb];
	[sflag:s9] =	ssyncadd.s32 $0xFFFFE000  }
0x167: {  	[tilespmem:s13], [sflag:$0x9] =	stream.linear.gather [hbm4b:s15+s13], $0x1400, $0x38;
	[tilespmem:$0x1E400] =	vst v63  }
0x168: {  	_ =	swait.ge [sflag:s18], $0x1400  }
0x169: {  	[sflag:s18] =	ssyncset.done $0x0  }
0x16a: {  	s15 =	rddreg [dreg:$0xc];
	[sflag:s18] =	ssyncadd.s32 $0xFFFFEC00  }
0x16b: {  	[tilespmem:s19], [sflag:$0x9] =	stream.linear.gather [hbm4b:s15+s13], $0x1400, $0x38;
	[tilespmem:$0x1E400] =	vst v63  }
0x16c: {  	_ =	swait.ge [sflag:s18], $0x1400  }
0x16d: {  	[sflag:s18] =	ssyncset.done $0x0  }
0x16e: {  	[sflag:s18] =	ssyncadd.s32 $0xFFFFEC00  }
0x16f: {  	[tilespmem:s21], [sflag:$0x1] =	stream.indirect.gather [hbm4b:s1+s20], $0x80, s13, s20, $0xb8;
	[tilespmem:$0x1E400] =	vst v63  }
0x170: {  	_ = 	snop  }
0x171: {  	[tilespmem:s23], [sflag:$0x2] =	stream.indirect.gather [hbm4b:s1+s20], $0x80, s22, s20, $0xb8;
	[tilespmem:$0x1E400] =	vst v63  }
0x172: {  	_ = 	snop  }
0x173: {  	[tilespmem:s25], [sflag:$0x3] =	stream.indirect.gather [hbm4b:s1+s20], $0x80, s24, s20, $0xb8;
	[tilespmem:$0x1E400] =	vst v63  }
0x174: {  	_ =	swait.ge [sflag:s26], $0x2000  }
0x175: {  	[sflag:s26] =	ssyncset.done $0x0  }
0x176: {  	[sflag:s26] =	ssyncadd.s32 $0xFFFFE000  }
0x177: {  	[spmem:s2] =	stream.indirect.scatter.add.f32 [tilespmem:s21], [sflag:$0x5], $0x80, s19, s20, $0xb8;
	[tilespmem:$0x1E400] =	vst v63  }
0x178: {  	_ = 	snop  }
0x179: {  	[tilespmem:s29], [sflag:$0x4] =	stream.indirect.gather [hbm4b:s1+s20], $0x80, s28, s20, $0xb8;
	[tilespmem:$0x1E400] =	vst v63  }
0x17a: {  	_ =	swait.ge [sflag:s30], $0x2000  }
0x17b: {  	[sflag:s30] =	ssyncset.done $0x0  }
0x17c: {  	[sflag:s30] =	ssyncadd.s32 $0xFFFFE000  }
0x17d: {  	[spmem:s2] =	stream.indirect.scatter.add.f32 [tilespmem:s23], [sflag:$0x6], $0x80, s31, s20, $0xb8;
	[tilespmem:$0x1E400] =	vst v63  }
0x17e: {  	_ =	swait.ge [sflag:s0], $0x2000  }
0x17f: {  	[sflag:s0] =	ssyncset.done $0x0  }
0x180: {  	s15 =	simm.s32 $0x200;
	[sflag:s0] =	ssyncadd.s32 $0xFFFFE000  }
0x181: {  	[tilespmem:s21], [sflag:$0x1] =	stream.indirect.gather [hbm4b:s1+s20], $0x80, s15, s20, $0xb8;
	[tilespmem:$0x1E400] =	vst v63  }
0x182: {  	_ =	swait.ge [sflag:s3], $0x2000  }
0x183: {  	[sflag:s3] =	ssyncset.done $0x0  }
0x184: {  	s14 =	simm.s32 $0x1500;
	[sflag:s3] =	ssyncadd.s32 $0xFFFFE000  }
0x185: {  	[spmem:s2] =	stream.indirect.scatter.add.f32 [tilespmem:s25], [sflag:$0x7], $0x80, s14, s20, $0xb8;
	[tilespmem:$0x1E400] =	vst v63  }
0x186: {  	_ =	swait.ge [sflag:s5], $0x2000  }
0x187: {  	[sflag:s5] =	ssyncset.done $0x0  }
0x188: {  	s15 =	simm.s32 $0x280;
	[sflag:s5] =	ssyncadd.s32 $0xFFFFE000  }
0x189: {  	[tilespmem:s23], [sflag:$0x2] =	stream.indirect.gather [hbm4b:s1+s20], $0x80, s15, s20, $0xb8;
	[tilespmem:$0x1E400] =	vst v63  }
0x18a: {  	_ =	swait.ge [sflag:s7], $0x2000  }
0x18b: {  	[sflag:s7] =	ssyncset.done $0x0  }
0x18c: {  	s14 =	simm.s32 $0x1580;
	[sflag:s7] =	ssyncadd.s32 $0xFFFFE000  }
0x18d: {  	[spmem:s2] =	stream.indirect.scatter.add.f32 [tilespmem:s29], [sflag:$0x8], $0x80, s14, s20, $0xb8;
	[tilespmem:$0x1E400] =	vst v63  }
0x18e: {  	_ =	swait.ge [sflag:s8], $0x2000  }
0x18f: {  	[sflag:s8] =	ssyncset.done $0x0  }
0x190: {  	s15 =	simm.s32 $0x300;
	[sflag:s8] =	ssyncadd.s32 $0xFFFFE000  }
0x191: {  	[tilespmem:s25], [sflag:$0x3] =	stream.indirect.gather [hbm4b:s1+s20], $0x80, s15, s20, $0xb8;
	[tilespmem:$0x1E400] =	vst v63  }
0x192: {  	_ =	swait.ge [sflag:s26], $0x2000  }
0x193: {  	[sflag:s26] =	ssyncset.done $0x0  }
0x194: {  	s14 =	simm.s32 $0x1600;
	[sflag:s26] =	ssyncadd.s32 $0xFFFFE000  }
0x195: {  	[spmem:s2] =	stream.indirect.scatter.add.f32 [tilespmem:s21], [sflag:$0x5], $0x80, s14, s20, $0xb8;
	[tilespmem:$0x1E400] =	vst v63  }
0x196: {  	_ =	swait.ge [sflag:s9], $0x2000  }
0x197: {  	[sflag:s9] =	ssyncset.done $0x0  }
0x198: {  	s15 =	simm.s32 $0x380;
	[sflag:s9] =	ssyncadd.s32 $0xFFFFE000  }
0x199: {  	[tilespmem:s29], [sflag:$0x4] =	stream.indirect.gather [hbm4b:s1+s20], $0x80, s15, s20, $0xb8;
	[tilespmem:$0x1E400] =	vst v63  }
0x19a: {  	_ =	swait.ge [sflag:s30], $0x2000  }
0x19b: {  	[sflag:s30] =	ssyncset.done $0x0  }
0x19c: {  	s13 =	simm.s32 $0x800;
	s14 =	simm.s32 $0x1680;
	[sflag:s30] =	ssyncadd.s32 $0xFFFFE000  }
.LBB2_8:
0x19d: {  	[spmem:s2] =	stream.indirect.scatter.add.f32 [tilespmem:s23], [sflag:$0x6], $0x80, s14, s20, $0xb8;
	[tilespmem:$0x1E400] =	vst v63  }
0x19e: {  	s14 =	smov.u32 s13  }
0x19f: {  	p0 =	sne.s32 s13, $0x4000;
	s13 =	sadd.s32 $0x800, s13;
	_ =	swait.ge [sflag:s0], $0x2000  }
0x1a0: {  	s14 =	sshra.s32 s14, $0x2;
	[sflag:s0] =	ssyncset.done $0x0  }
0x1a1: {  	s15 =	sadd.s32 $0x200, s14;
	[sflag:s0] =	ssyncadd.s32 $0xFFFFE000  }
0x1a2: {  	[tilespmem:s21], [sflag:$0x1] =	stream.indirect.gather [hbm4b:s1+s20], $0x80, s15, s20, $0xb8;
	[tilespmem:$0x1E400] =	vst v63  }
0x1a3: {  	_ =	swait.ge [sflag:s3], $0x2000  }
0x1a4: {  	[sflag:s3] =	ssyncset.done $0x0  }
0x1a5: {  	s15 =	sadd.s32 $0x1500, s14;
	[sflag:s3] =	ssyncadd.s32 $0xFFFFE000  }
0x1a6: {  	[spmem:s2] =	stream.indirect.scatter.add.f32 [tilespmem:s25], [sflag:$0x7], $0x80, s15, s20, $0xb8;
	[tilespmem:$0x1E400] =	vst v63  }
0x1a7: {  	_ =	swait.ge [sflag:s5], $0x2000  }
0x1a8: {  	[sflag:s5] =	ssyncset.done $0x0  }
0x1a9: {  	s15 =	sadd.s32 $0x280, s14;
	[sflag:s5] =	ssyncadd.s32 $0xFFFFE000  }
0x1aa: {  	[tilespmem:s23], [sflag:$0x2] =	stream.indirect.gather [hbm4b:s1+s20], $0x80, s15, s20, $0xb8;
	[tilespmem:$0x1E400] =	vst v63  }
0x1ab: {  	_ =	swait.ge [sflag:s7], $0x2000  }
0x1ac: {  	[sflag:s7] =	ssyncset.done $0x0  }
0x1ad: {  	s15 =	sadd.s32 $0x1580, s14;
	[sflag:s7] =	ssyncadd.s32 $0xFFFFE000  }
0x1ae: {  	[spmem:s2] =	stream.indirect.scatter.add.f32 [tilespmem:s29], [sflag:$0x8], $0x80, s15, s20, $0xb8;
	[tilespmem:$0x1E400] =	vst v63  }
0x1af: {  	_ =	swait.ge [sflag:s8], $0x2000  }
0x1b0: {  	[sflag:s8] =	ssyncset.done $0x0  }
0x1b1: {  	s15 =	sadd.s32 $0x300, s14;
	[sflag:s8] =	ssyncadd.s32 $0xFFFFE000  }
0x1b2: {  	[tilespmem:s25], [sflag:$0x3] =	stream.indirect.gather [hbm4b:s1+s20], $0x80, s15, s20, $0xb8;
	[tilespmem:$0x1E400] =	vst v63  }
0x1b3: {  	_ =	swait.ge [sflag:s26], $0x2000  }
0x1b4: {  	[sflag:s26] =	ssyncset.done $0x0  }
0x1b5: {  	s15 =	sadd.s32 $0x1600, s14;
	[sflag:s26] =	ssyncadd.s32 $0xFFFFE000  }
0x1b6: {  	[spmem:s2] =	stream.indirect.scatter.add.f32 [tilespmem:s21], [sflag:$0x5], $0x80, s15, s20, $0xb8;
	[tilespmem:$0x1E400] =	vst v63  }
0x1b7: {  	_ =	swait.ge [sflag:s9], $0x2000  }
0x1b8: {  	[sflag:s9] =	ssyncset.done $0x0  }
.Ltmp3:
0x1b9: {  	s15 =	sadd.s32 $0x380, s14;
	[sflag:s9] =	ssyncadd.s32 $0xFFFFE000;
	(pc) =	sbr.rel @p0 .LBB2_8-.Ltmp3, $4  }
0x1ba: {  	[tilespmem:s29], [sflag:$0x4] =	stream.indirect.gather [hbm4b:s1+s20], $0x80, s15, s20, $0xb8;
	[tilespmem:$0x1E400] =	vst v63  }
0x1bb: {  	_ =	swait.ge [sflag:s30], $0x2000  }
0x1bc: {  	[sflag:s30] =	ssyncset.done $0x0  }
0x1bd: {  	s14 =	sadd.s32 $0x1680, s14;
	[sflag:s30] =	ssyncadd.s32 $0xFFFFE000  }
0x1be: {  	[spmem:s2] =	stream.indirect.scatter.add.f32 [tilespmem:s23], [sflag:$0x6], $0x80, s14, s20, $0xb8;
	[tilespmem:$0x1E400] =	vst v63  }
0x1bf: {  	_ =	swait.ge [sflag:s3], $0x2000  }
0x1c0: {  	[sflag:s3] =	ssyncset.done $0x0  }
0x1c1: {  	[sflag:s3] =	ssyncadd.s32 $0xFFFFE000  }
0x1c2: {  	[spmem:s2] =	stream.indirect.scatter.add.f32 [tilespmem:s25], [sflag:$0x7], $0x80, s10, s20, $0xb8;
	[tilespmem:$0x1E400] =	vst v63  }
0x1c3: {  	_ =	swait.ge [sflag:s7], $0x2000  }
0x1c4: {  	[sflag:s7] =	ssyncset.done $0x0  }
0x1c5: {  	[sflag:s7] =	ssyncadd.s32 $0xFFFFE000  }
0x1c6: {  	[spmem:s2] =	stream.indirect.scatter.add.f32 [tilespmem:s29], [sflag:$0x8], $0x80, s11, s20, $0xb8;
	[tilespmem:$0x1E400] =	vst v63  }
0x1c7: {  	_ =	swait.ge [sflag:s0], $0x2000  }
0x1c8: {  	[sflag:s0] =	ssyncset.done $0x0  }
0x1c9: {  	[sflag:s0] =	ssyncadd.s32 $0xFFFFE000  }
0x1ca: {  	_ =	swait.ge [sflag:s5], $0x2000  }
0x1cb: {  	[sflag:s5] =	ssyncset.done $0x0  }
0x1cc: {  	[sflag:s5] =	ssyncadd.s32 $0xFFFFE000  }
0x1cd: {  	_ =	swait.ge [sflag:s8], $0x2000  }
0x1ce: {  	[sflag:s8] =	ssyncset.done $0x0  }
0x1cf: {  	[sflag:s8] =	ssyncadd.s32 $0xFFFFE000  }
0x1d0: {  	_ =	swait.ge [sflag:s9], $0x2000  }
0x1d1: {  	[sflag:s9] =	ssyncset.done $0x0  }
0x1d2: {  	s12 =	sadd.s32 $0x1, s12;
	[sflag:s9] =	ssyncadd.s32 $0xFFFFE000  }
0x1d3: {  	p0 =	sne.s32 s12, s16;
	[bflag:$0x0] =	sbarrier.arrive $0xFFFF  }
.Ltmp4:
0x1d4: {  	s13 =	rddreg [dreg:$0xd];
	(pc) =	sbr.rel @p0 .LBB2_1-.Ltmp4, $4  }
0x1d5: {  	[hbm:s13], [sflag:s6] =	dma.local [spmem:s17], $0x2780  }
0x1d6: {  	_ =	swait.ge [sflag:s18], $0x2780  }
0x1d7: {  	[sflag:s18] =	ssyncset.done $0x0  }
0x1d8: {  	[sflag:s18] =	ssyncadd.s32 $0xFFFFD880  }
0x1d9: {  	_ =	sfence.sel $0x180000  }
0x1da: {  	[bflag:$0x0] =	sbarrier.arrive $0xFFFF  }
0x1db: {  	_ =	strace $0x9000004A  }
0x1dc: {  	s0 =	stileid.u32;
	[bflag:$0x2] =	sbarrier.arrive $0xFFFF  }
0x1dd: {  	p0 =	sne.s32 s0, $0x0;
	s0 =	rddreg [dreg:$0x3]  }
0x1de: {  	s0 =	sadd.s32 @!p0 $0x100000, s0  }
0x1df: {  	[sflag:s0] =	ssyncadd.tile.s32 @!p0 $0x1;
	_ =	shalt  }
.Lfunc_end2:
_tile_overlayer_lowered:
.L_overlay_start_2:
0x1e0: {  	(tag) =	ssettag $0x2  }
0x1e1: {  	s0 =	rddreg [dreg:$0x0];
	s2 =	stileid.u32  }
0x1e2: {  	s1 =	rddreg [dreg:$0x1];
	p0 =	sne.s32 s2, $0x0  }
0x1e3: {  	s3 =	rddreg [dreg:$0x2];
	[bflag:$0x3] =	sbarrier.arrive $0xFFFF;
	s2 =	simm.s32 @!p0 $0x1C09  }
0x1e4: {  	[timem:s3], [sflag:s2] =	dma.local @!p0 [hbm:s0], s1  }
0x1e5: {  	s0 =	simm.s32 @!p0 $0x9  }
0x1e6: {  	_ =	swait.ge @!p0 [sflag:s0], s1  }
0x1e7: {  	s1 =	ssub.s32 @!p0 $0x0, s1;
	[sflag:s0] =	ssyncset.done @!p0 $0x0  }
0x1e8: {  	[sflag:s0] =	ssyncadd.s32 @!p0 s1  }
0x1e9: {  	[bflag:$0x3] =	sbarrier.arrive $0xFFFF  }
0x1ea: {  	_ =	shalt  }

// kernel: kernel.14.cloned.1.call-start
scs
__scs_entry_jumppad:
0x0: {  	(pc) =	sbr.rel $0x88, $3  }
0x1: {  	(tag) =	ssettag $0x0;
	lr =	simm.s32 $0x1  }
0x2: {  	[smem:$0x3F9B] =	sst lr;
	_ =	strace $0xD0000000  }
0x3: {  	_ = 	snop  }
0x4: {  	_ = 	snop  }
0x5: {  	_ = 	snop  }
0x6: {  	_ = 	snop  }
0x7: {  	_ = 	snop  }
__scs_overlays_trampoline_lowered:
0x8: {  	[smem:$0x3FAA] =	sst s0  }
0x9: {  	[smem:$0x3FAB] =	sst s1  }
0xa: {  	[smem:$0x3FAC] =	sst s2  }
0xb: {  	[smem:$0x3FAD] =	sst s3  }
0xc: {  	[smem:$0x3FAE] =	sst s4  }
0xd: {  	[smem:$0x3FAF] =	sst s5  }
0xe: {  	[smem:$0x3FB0] =	sst s6  }
0xf: {  	[smem:$0x3FB1] =	sst s7  }
0x10: {  	[smem:$0x3FB2] =	sst s8  }
0x11: {  	[smem:$0x3FB3] =	sst s9;
	s0 =	simm.s32 @!p0 $0x0  }
0x12: {  	s1 =	sld [smem:$0x3F99];
	s0 =	simm.s32 @p0 $0x1  }
0x13: {  	[smem:$0x3FB4] =	sst s0;
	s0 =	simm.s32 @!p1 $0x0  }
0x14: {  	s2 =	sld [smem:$0x3F98];
	s0 =	simm.s32 @p1 $0x1  }
0x15: {  	[smem:$0x3FB5] =	sst s0;
	s0 =	simm.s32 @!p2 $0x0  }
0x16: {  	s3 =	sld [smem:$0x3FDB];
	s0 =	simm.s32 @p2 $0x1  }
0x17: {  	s4 =	simm.s32 $0x1BF5;
	[smem:$0x3FB7] =	sst s0  }
0x18: {  	s0 =	sld [smem:$0x3F9A];
	_ =	swait.ge [sflag:s4], $0x0  }
0x19: {  	s7 =	sld [smem:$0x3F9B]  }
0x1a: {  	s8 =	sadd.s32 $0xFFFFE003, lr  }
0x1b: {  	s9 =	sadd.s32 $0xFFFFFEF7, lr;
	s5 =	simm.s32 $0xFFFFFFFF;
	p2 =	slt.u32 s8, $0xFFFFF086  }
0x1c: {  	p1 =	slt.u32 s9, $0xF7A;
	s5 =	simm.s32 @!p2 $0x0  }
0x1d: {  	s5 =	simm.s32 @p1 $0x1;
	p0 =	seq.s32 s7, s2  }
0x1e: {  	s7 =	smul.u32 @!p0 $0xF7A, s2;
	p2 =	seq.s32 @!p0 s5, $0x0  }
0x1f: {  	s9 =	smul.u32 $0xF7A, s1;
	s8 =	simm.s32 @!p0 $0x1BF5;
	p2 =	por !p2, p0  }
0x20: {  	[sflag:s8] =	ssyncset.s32 @!p0 $0xFFFFF086;
	s6 =	sadd.s32 @!p0 s3, s7;
	s7 =	simm.s32 @!p0 $0x108  }
0x21: {  	s3 =	sadd.s32 s3, s9;
	s6 =	sadd.s32 @!p0 $0x88, s6;
	s7 =	simm.s32 @p2 $0x1082  }
0x22: {  	[simem:s7], [sflag:s8] =	dma.local @!p0 [hbm:s6], $0xF7A  }
0x23: {  	s9 =	sor.u32 $0xD0000000, s2;
	s6 =	simm.s32 $0x108;
	_ =	swait.ge @!p0 [sflag:s8], $0x0  }
0x24: {  	s3 =	sadd.s32 $0x88, s3;
	s6 =	simm.s32 @!p1 $0x1082;
	[sflag:s4] =	ssyncset.s32 $0xFFFFF086  }
0x25: {  	[simem:s6], [sflag:s4] =	dma.local [hbm:s3], $0xF7A  }
0x26: {  	[smem:$0x3F9B] =	sst s1;
	(tag) =	ssettag s2;
	_ =	strace s9  }
0x27: {  	s1 =	sld [smem:$0x3FAB]  }
0x28: {  	s2 =	sld [smem:$0x3FAC]  }
0x29: {  	s4 =	sld [smem:$0x3FAE]  }
0x2a: {  	p0 =	seq.s32 s5, $0x0;
	s5 =	sld [smem:$0x3FAF]  }
0x2b: {  	s6 =	sld [smem:$0x3FB0]  }
0x2c: {  	s7 =	sld [smem:$0x3FB1]  }
0x2d: {  	s3 =	simm.s32 $0x108;
	s8 =	sld [smem:$0x3FB2]  }
0x2e: {  	s3 =	simm.s32 @!p0 $0x1082;
	s9 =	sld [smem:$0x3FB3]  }
0x2f: {  	lr =	sadd.s32 s0, s3;
	s0 =	sld [smem:$0x3FAA]  }
0x30: {  	s3 =	sld [smem:$0x3FAD]  }
0x31: {  	[smem:$0x3FB6] =	sst s10  }
0x32: {  	s10 =	sld [smem:$0x3FB4];
	_ =	sdelay $0x3  }
0x33: {  	p0 =	seq.s32 s10, $0x1;
	s10 =	sld [smem:$0x3FB6];
	_ =	sdelay $0x3  }
0x34: {  	[smem:$0x3FB6] =	sst s10  }
0x35: {  	s10 =	sld [smem:$0x3FB5];
	_ =	sdelay $0x3  }
0x36: {  	p1 =	seq.s32 s10, $0x1;
	s10 =	sld [smem:$0x3FB6];
	_ =	sdelay $0x3  }
0x37: {  	[smem:$0x3FB6] =	sst s10  }
0x38: {  	s10 =	sld [smem:$0x3FB7]  }
0x39: {  	_ = 	snop;
	(pc) =	sbr.ind lr, $3  }
0x3a: {  	_ = 	snop  }
0x3b: {  	_ = 	snop  }
0x3c: {  	p2 =	seq.s32 s10, $0x1;
	s10 =	sld [smem:$0x3FB6]  }
0x3d: {  	_ =	shalt  }
0x3e: {  	_ =	shalt  }
0x3f: {  	_ =	shalt  }
0x40: {  	_ =	shalt  }
0x41: {  	_ =	shalt  }
0x42: {  	_ =	shalt  }
0x43: {  	_ =	shalt  }
0x44: {  	_ =	shalt  }
0x45: {  	_ =	shalt  }
0x46: {  	_ =	shalt  }
0x47: {  	_ =	shalt  }
0x48: {  	_ =	shalt  }
0x49: {  	_ =	shalt  }
0x4a: {  	_ =	shalt  }
0x4b: {  	_ =	shalt  }
0x4c: {  	_ =	shalt  }
0x4d: {  	_ =	shalt  }
0x4e: {  	_ =	shalt  }
0x4f: {  	_ =	shalt  }
0x50: {  	_ =	shalt  }
0x51: {  	_ =	shalt  }
0x52: {  	_ =	shalt  }
0x53: {  	_ =	shalt  }
0x54: {  	_ =	shalt  }
0x55: {  	_ =	shalt  }
0x56: {  	_ =	shalt  }
0x57: {  	_ =	shalt  }
0x58: {  	_ =	shalt  }
0x59: {  	_ =	shalt  }
0x5a: {  	_ =	shalt  }
0x5b: {  	_ =	shalt  }
0x5c: {  	_ =	shalt  }
0x5d: {  	_ =	shalt  }
0x5e: {  	_ =	shalt  }
0x5f: {  	_ =	shalt  }
0x60: {  	_ =	shalt  }
0x61: {  	_ =	shalt  }
0x62: {  	_ =	shalt  }
0x63: {  	_ =	shalt  }
0x64: {  	_ =	shalt  }
0x65: {  	_ =	shalt  }
0x66: {  	_ =	shalt  }
0x67: {  	_ =	shalt  }
0x68: {  	_ =	shalt  }
0x69: {  	_ =	shalt  }
0x6a: {  	_ =	shalt  }
0x6b: {  	_ =	shalt  }
0x6c: {  	_ =	shalt  }
0x6d: {  	_ =	shalt  }
0x6e: {  	_ =	shalt  }
0x6f: {  	_ =	shalt  }
0x70: {  	_ =	shalt  }
0x71: {  	_ =	shalt  }
0x72: {  	_ =	shalt  }
0x73: {  	_ =	shalt  }
0x74: {  	_ =	shalt  }
0x75: {  	_ =	shalt  }
0x76: {  	_ =	shalt  }
0x77: {  	_ =	shalt  }
0x78: {  	_ =	shalt  }
0x79: {  	_ =	shalt  }
0x7a: {  	_ =	shalt  }
0x7b: {  	_ =	shalt  }
0x7c: {  	_ =	shalt  }
0x7d: {  	_ =	shalt  }
0x7e: {  	_ =	shalt  }
0x7f: {  	_ =	shalt  }
0x80: {  	_ =	shalt  }
0x81: {  	_ =	shalt  }
0x82: {  	_ =	shalt  }
0x83: {  	_ =	shalt  }
0x84: {  	_ =	shalt  }
0x85: {  	_ =	shalt  }
0x86: {  	_ =	shalt  }
0x87: {  	_ =	shalt  }
.Lfunc_end0:
.L_simem_size_0:
called_computation.2_lowered:
.L_overlay_start_0:
0x88: {  	s2 =	sld [smem:$0x3FD9]  }
0x89: {  	s3 =	sld [smem:$0x3FFE];
	_ =	sdelay $0x1  }
0x8a: {  	s1 =	srdreg.scid  }
0x8b: {  	s0 =	sand.u32 $0x1, s1  }
0x8c: {  	s17 =	sshll.u32 s0, $0xA;
	s2 =	sadd.s32 s3, s2  }
0x8d: {  	s2 =	sadd.s32 s2, s17  }
0x8e: {  	[smem:$0x3FC2] =	sst s2  }
0x8f: {  	_ = 	snop  }
0x90: {  	s2 =	sld [smem:$0x3FD0];
	(tm) =	ssettm $0x1  }
0x91: {  	s18 =	sld [smem:$0x3FFB];
	_ =	sdelay $0x3  }
0x92: {  	_ =	strace s18  }
0x93: {  	s3 =	sld [smem:$0x3FFC];
	_ =	sdelay $0x3  }
0x94: {  	_ =	strace s3  }
0x95: {  	s3 =	sld [smem:$0x3FFD];
	_ =	sdelay $0x3  }
0x96: {  	_ =	strace s3  }
0x97: {  	_ =	strace $0x8FFFFFFF  }
0x98: {  	s19 =	sld [smem:$0x3FDB];
	_ =	sdelay $0x1  }
0x99: {  	s4 =	simm.s32 $_scs_section_size  }
0x9a: {  	s5 =	simm.s32 $_size__tile_overlayer_lowered;
	s6 =	simm.s32 $_tile_overlayer_lowered  }
0x9b: {  	s22 =	simm.s32 $0x1BFF;
	s21 =	sshll.u32 s6, $0x1;
	s3 =	sadd.s32 s4, s19  }
0x9c: {  	s7 =	simm.s32 $0x0;
	s20 =	sshll.u32 s5, $0x1;
	s5 =	sadd.s32 s21, s3  }
0x9d: {  	[timem:s7], [sflag:s22] =	dma.local [hbm:s5], s20  }
0x9e: {  	_ =	swait.ge [sflag:s22], s20  }
0x9f: {  	s4 =	ssub.s32 $0x0, s20;
	[sflag:s22] =	ssyncset.done $0x0  }
0xa0: {  	[sflag:s22] =	ssyncadd.s32 s4;
	_ =	sdelay $0x1  }
0xa1: {  	s23 =	simm.s32 $0x1B8B  }
0xa2: {  	_ =	swait.ge [sflag:s23], $0x1  }
0xa3: {  	[sflag:s23] =	ssyncset.done $0x0  }
0xa4: {  	s25 =	simm.s32 $0x1B8E;
	s24 =	sld [smem:$0x3FFE];
	[sflag:s23] =	ssyncadd.s32 $0xFFFFFFFF  }
0xa5: {  	s26 =	simm.s32 $execute0_lowered;
	[smem:$0x3FD2] =	sst s25  }
0xa6: {  	s5 =	sshll.u32 s26, $0x1;
	_ =	strace $0x8000004C;
	[dreg:$0x1] =	wrdreg $0xFFFFFFFF  }
0xa7: {  	s28 =	simm.s32 $_size_execute0_lowered;
	s3 =	sadd.s32 s3, s5;
	[dreg:$0x0] =	wrdreg $0x0  }
0xa8: {  	s5 =	sshll.u32 s28, $0x1;
	[dreg:$0x2] =	wrdreg s3  }
0xa9: {  	[dreg:$0x3] =	wrdreg s5  }
0xaa: {  	[dreg:$0x4] =	wrdreg $0xC0  }
0xab: {  	_ =	task [dreg:s7], $0x5FFFF  }
0xac: {  	[dreg:$0x1] =	wrdreg $0xFFFFFFFF  }
0xad: {  	[dreg:$0x0] =	wrdreg $0x60  }
0xae: {  	[dreg:$0x2] =	wrdreg s2  }
0xaf: {  	[dreg:$0x3] =	wrdreg s24  }
0xb0: {  	[dreg:$0x4] =	wrdreg $0xA8000  }
0xb1: {  	[dreg:$0x5] =	wrdreg $0x9  }
0xb2: {  	_ =	task.clear_ibuf [dreg:s7], $0x6FFFF;
	_ =	strace $0x9000004C  }
0xb3: {  	s29 =	simm.s32 $0x9;
	_ =	strace $0x8000004E  }
0xb4: {  	_ =	swait.ge [sflag:s29], $0x1  }
0xb5: {  	[sflag:s29] =	ssyncadd.s32 $0xFFFFFFFF  }
0xb6: {  	_ =	strace $0x9000004E  }
0xb7: {  	_ =	sfence  }
0xb8: {  	s30 =	sld [smem:$0x0];
	_ =	sdelay $0x2  }
0xb9: {  	s31 =	sshll.u32 s1, $0xD;
	s1 =	sshrl.u32 s1, $0x2  }
0xba: {  	s3 =	sand.u32 $0x4000, s31;
	s1 =	sadd.s32 s1, s30  }
0xbb: {  	s0 =	sor.u32 s3, s0;
	s1 =	sshll.u32 s1, $0x11  }
0xbc: {  	s0 =	sor.u32 s1, s0  }
0xbd: {  	s0 =	sadd.s32 $0x8F2B, s0  }
0xbe: {  	[sflag:s0] =	ssyncadd.remote.s32 $0x1  }
0xbf: {  	_ =	sfence.sel $0xFFFF  }
0xc0: {  	[dreg:$0x0] =	wrdreg $0xFFFFFFFF;
	(pc) =	sbr.abs _section_cstart, $3  }
0xc1: {  	[dreg:$0x1] =	wrdreg $0xFFFFFFFF  }
0xc2: {  	_ =	task.clear_ibuf [dreg:s7], $0x2FFFF;
	_ =	strace $0x9FFFFFFF  }
0xc3: {  	(tm) =	ssettm $0x7FFFFFFF  }
tec
execute0_lowered:
.L_overlay_start_1:
0x0: {  	(tag) =	ssettag $0x1  }
0x1: {  	s1 =	rddreg [dreg:$0x0]  }
0x2: {  	s0 =	rddreg [dreg:$0x1]  }
0x3: {  	s2 =	rddreg [dreg:$0x2]  }
0x4: {  	s3 =	srdreg.scid;
	s4 =	simm.s32 $0x0;
	s11 =	stileid.u32  }
0x5: {  	s28 =	simm.s32 $0x180;
	s29 =	simm.s32 $0x8800;
	s30 =	simm.s32 $0x2  }
0x6: {  	s31 =	simm.s32 $0x1480;
	s12 =	simm.s32 $0x0;
	s3 =	sand.u32 $0x1, s3  }
0x7: {  	[smem:$0x7FF] =	sst s4;
	s6 =	smul.u32 $0x13C00, s11;
	s7 =	sadd.s32 $0x16800, s0  }
0x8: {  	s8 =	sadd.s32 $0x2600, s0;
	s15 =	sadd.s32 $0x2A800, s0;
	s9 =	smul.u32 $0x4F000, s11  }
0x9: {  	s19 =	sshll.u32 s11, $0x6;
	s5 =	smul.u32 $0x13C000, s3;
	_ =	strace $0x8000004D  }
0xa: {  	[dreg:$0x4] =	wrdreg s15;
	s16 =	sshll.u32 s3, $0x4;
	s3 =	ssub.s32 $0x2, s3  }
0xb: {  	s17 =	sshrl.u32 s3, $0x1;
	s18 =	sshrl.u32 s9, $0x2;
	s5 =	sadd.s32 s6, s5  }
0xc: {  	s6 =	sor.u32 s11, s16;
	s3 =	ssub.s32 s3, s17;
	s11 =	simm.s32 $0x2780  }
0xd: {  	s5 =	sshrl.u32 s5, $0x3;
	s10 =	smul.u32 $0x5000, s6;
	s6 =	sor.u32 $0x1C09, s19  }
0xe: {  	s16 =	smax.u32 s3, $0x1;
	s19 =	simm.s32 $0x1400;
	s3 =	simm.s32 $0x3  }
0xf: {  	s0 =	sadd.s32 s5, s0;
	s5 =	sadd.s32 s18, s2;
	s18 =	simm.s32 $0x9  }
0x10: {  	s20 =	sshrl.u32 s10, $0x3;
	s0 =	sadd.s32 $0x2D000, s0;
	s17 =	sshrl.u32 s5, $0x3  }
0x11: {  	s5 =	simm.s32 $0x6;
	s10 =	sadd.s32 s7, s20;
	s21 =	sadd.s32 s8, s20  }
0x12: {  	s22 =	sadd.s32 $0x280, s20;
	s24 =	sadd.s32 $0x500, s20;
	[dreg:$0xd] =	wrdreg s0  }
0x13: {  	s9 =	sadd.s32 $0x780, s20;
	s20 =	simm.s32 $0x40;
	[dreg:$0x5] =	wrdreg s10  }
0x14: {  	s0 =	simm.s32 $0x5;
	[dreg:$0x6] =	wrdreg s21;
	s23 =	sadd.s32 s7, s22  }
0x15: {  	s10 =	sadd.s32 s8, s22;
	s25 =	sadd.s32 s7, s24;
	[dreg:$0x7] =	wrdreg s23  }
0x16: {  	s7 =	sadd.s32 s7, s9;
	s26 =	sadd.s32 s8, s9;
	[dreg:$0x8] =	wrdreg s10  }
0x17: {  	s21 =	simm.s32 $0x2800;
	s22 =	simm.s32 $0x80;
	[dreg:$0x9] =	wrdreg s25  }
0x18: {  	s9 =	simm.s32 $0x8;
	s10 =	sadd.s32 s8, s24;
	[dreg:$0xb] =	wrdreg s7  }
0x19: {  	[dreg:$0xc] =	wrdreg s26;
	s23 =	simm.s32 $0x4800;
	s24 =	simm.s32 $0x100  }
0x1a: {  	s25 =	simm.s32 $0x6800;
	s26 =	simm.s32 $0x1;
	s7 =	simm.s32 $0x4  }
0x1b: {  	s8 =	simm.s32 $0x7;
	[dreg:$0xa] =	wrdreg s10;
	s10 =	simm.s32 $0x2700  }
.LBB2_1:
0x1c: {  	s13 =	rddreg [dreg:$0x4]  }
0x1d: {  	[spmem:s17], [sflag:s6] =	dma.local [hbm:s13], $0x2780  }
0x1e: {  	_ =	swait.ge [sflag:s18], $0x2780  }
0x1f: {  	[sflag:s18] =	ssyncset.done $0x0  }
0x20: {  	[sflag:s18] =	ssyncadd.s32 $0xFFFFD880  }
0x21: {  	[bflag:$0x0] =	sbarrier.arrive $0xFFFF  }
0x22: {  	s15 =	rddreg [dreg:$0x5]  }
0x23: {  	[tilespmem:s4], [sflag:$0x9] =	stream.linear.gather [hbm4b:s15+s4], $0x1400, $0x38;
	[tilespmem:$0x1E400] =	vst v63  }
0x24: {  	_ =	swait.ge [sflag:s18], $0x1400  }
0x25: {  	[sflag:s18] =	ssyncset.done $0x0  }
0x26: {  	s14 =	rddreg [dreg:$0x6];
	[sflag:s18] =	ssyncadd.s32 $0xFFFFEC00  }
0x27: {  	[tilespmem:s19], [sflag:$0x9] =	stream.linear.gather [hbm4b:s14+s4], $0x1400, $0x38;
	[tilespmem:$0x1E400] =	vst v63  }
0x28: {  	_ =	swait.ge [sflag:s18], $0x1400  }
0x29: {  	[sflag:s18] =	ssyncset.done $0x0  }
0x2a: {  	[sflag:s18] =	ssyncadd.s32 $0xFFFFEC00  }
0x2b: {  	[tilespmem:s21], [sflag:$0x1] =	stream.indirect.gather [hbm4b:s1+s20], $0x80, s4, s20, $0xb8;
	[tilespmem:$0x1E400] =	vst v63  }
0x2c: {  	_ = 	snop  }
0x2d: {  	[tilespmem:s23], [sflag:$0x2] =	stream.indirect.gather [hbm4b:s1+s20], $0x80, s22, s20, $0xb8;
	[tilespmem:$0x1E400] =	vst v63  }
0x2e: {  	_ = 	snop  }
0x2f: {  	[tilespmem:s25], [sflag:$0x3] =	stream.indirect.gather [hbm4b:s1+s20], $0x80, s24, s20, $0xb8;
	[tilespmem:$0x1E400] =	vst v63  }
0x30: {  	_ =	swait.ge [sflag:s26], $0x2000  }
0x31: {  	[sflag:s26] =	ssyncset.done $0x0  }
0x32: {  	[sflag:s26] =	ssyncadd.s32 $0xFFFFE000  }
0x33: {  	[spmem:s2] =	stream.indirect.scatter.add.f32 [tilespmem:s21], [sflag:$0x5], $0x80, s19, s20, $0xb8;
	[tilespmem:$0x1E400] =	vst v63  }
0x34: {  	_ = 	snop  }
0x35: {  	[tilespmem:s29], [sflag:$0x4] =	stream.indirect.gather [hbm4b:s1+s20], $0x80, s28, s20, $0xb8;
	[tilespmem:$0x1E400] =	vst v63  }
0x36: {  	_ =	swait.ge [sflag:s30], $0x2000  }
0x37: {  	[sflag:s30] =	ssyncset.done $0x0  }
0x38: {  	[sflag:s30] =	ssyncadd.s32 $0xFFFFE000  }
0x39: {  	[spmem:s2] =	stream.indirect.scatter.add.f32 [tilespmem:s23], [sflag:$0x6], $0x80, s31, s20, $0xb8;
	[tilespmem:$0x1E400] =	vst v63  }
0x3a: {  	_ =	swait.ge [sflag:s0], $0x2000  }
0x3b: {  	[sflag:s0] =	ssyncset.done $0x0  }
0x3c: {  	s15 =	simm.s32 $0x200;
	[sflag:s0] =	ssyncadd.s32 $0xFFFFE000  }
0x3d: {  	[tilespmem:s21], [sflag:$0x1] =	stream.indirect.gather [hbm4b:s1+s20], $0x80, s15, s20, $0xb8;
	[tilespmem:$0x1E400] =	vst v63  }
0x3e: {  	_ =	swait.ge [sflag:s3], $0x2000  }
0x3f: {  	[sflag:s3] =	ssyncset.done $0x0  }
0x40: {  	s14 =	simm.s32 $0x1500;
	[sflag:s3] =	ssyncadd.s32 $0xFFFFE000  }
0x41: {  	[spmem:s2] =	stream.indirect.scatter.add.f32 [tilespmem:s25], [sflag:$0x7], $0x80, s14, s20, $0xb8;
	[tilespmem:$0x1E400] =	vst v63  }
0x42: {  	_ =	swait.ge [sflag:s5], $0x2000  }
0x43: {  	[sflag:s5] =	ssyncset.done $0x0  }
0x44: {  	s15 =	simm.s32 $0x280;
	[sflag:s5] =	ssyncadd.s32 $0xFFFFE000  }
0x45: {  	[tilespmem:s23], [sflag:$0x2] =	stream.indirect.gather [hbm4b:s1+s20], $0x80, s15, s20, $0xb8;
	[tilespmem:$0x1E400] =	vst v63  }
0x46: {  	_ =	swait.ge [sflag:s7], $0x2000  }
0x47: {  	[sflag:s7] =	ssyncset.done $0x0  }
0x48: {  	s14 =	simm.s32 $0x1580;
	[sflag:s7] =	ssyncadd.s32 $0xFFFFE000  }
0x49: {  	[spmem:s2] =	stream.indirect.scatter.add.f32 [tilespmem:s29], [sflag:$0x8], $0x80, s14, s20, $0xb8;
	[tilespmem:$0x1E400] =	vst v63  }
0x4a: {  	_ =	swait.ge [sflag:s8], $0x2000  }
0x4b: {  	[sflag:s8] =	ssyncset.done $0x0  }
0x4c: {  	s15 =	simm.s32 $0x300;
	[sflag:s8] =	ssyncadd.s32 $0xFFFFE000  }
0x4d: {  	[tilespmem:s25], [sflag:$0x3] =	stream.indirect.gather [hbm4b:s1+s20], $0x80, s15, s20, $0xb8;
	[tilespmem:$0x1E400] =	vst v63  }
0x4e: {  	_ =	swait.ge [sflag:s26], $0x2000  }
0x4f: {  	[sflag:s26] =	ssyncset.done $0x0  }
0x50: {  	s14 =	simm.s32 $0x1600;
	[sflag:s26] =	ssyncadd.s32 $0xFFFFE000  }
0x51: {  	[spmem:s2] =	stream.indirect.scatter.add.f32 [tilespmem:s21], [sflag:$0x5], $0x80, s14, s20, $0xb8;
	[tilespmem:$0x1E400] =	vst v63  }
0x52: {  	_ =	swait.ge [sflag:s9], $0x2000  }
0x53: {  	[sflag:s9] =	ssyncset.done $0x0  }
0x54: {  	s15 =	simm.s32 $0x380;
	[sflag:s9] =	ssyncadd.s32 $0xFFFFE000  }
0x55: {  	[tilespmem:s29], [sflag:$0x4] =	stream.indirect.gather [hbm4b:s1+s20], $0x80, s15, s20, $0xb8;
	[tilespmem:$0x1E400] =	vst v63  }
0x56: {  	_ =	swait.ge [sflag:s30], $0x2000  }
0x57: {  	[sflag:s30] =	ssyncset.done $0x0  }
0x58: {  	s13 =	simm.s32 $0x800;
	s14 =	simm.s32 $0x1680;
	[sflag:s30] =	ssyncadd.s32 $0xFFFFE000  }
.LBB2_2:
0x59: {  	[spmem:s2] =	stream.indirect.scatter.add.f32 [tilespmem:s23], [sflag:$0x6], $0x80, s14, s20, $0xb8;
	[tilespmem:$0x1E400] =	vst v63  }
0x5a: {  	s14 =	smov.u32 s13  }
0x5b: {  	p0 =	sne.s32 s13, $0x4000;
	s13 =	sadd.s32 $0x800, s13;
	_ =	swait.ge [sflag:s0], $0x2000  }
0x5c: {  	s14 =	sshra.s32 s14, $0x2;
	[sflag:s0] =	ssyncset.done $0x0  }
0x5d: {  	s15 =	sadd.s32 $0x200, s14;
	[sflag:s0] =	ssyncadd.s32 $0xFFFFE000  }
0x5e: {  	[tilespmem:s21], [sflag:$0x1] =	stream.indirect.gather [hbm4b:s1+s20], $0x80, s15, s20, $0xb8;
	[tilespmem:$0x1E400] =	vst v63  }
0x5f: {  	_ =	swait.ge [sflag:s3], $0x2000  }
0x60: {  	[sflag:s3] =	ssyncset.done $0x0  }
0x61: {  	s15 =	sadd.s32 $0x1500, s14;
	[sflag:s3] =	ssyncadd.s32 $0xFFFFE000  }
0x62: {  	[spmem:s2] =	stream.indirect.scatter.add.f32 [tilespmem:s25], [sflag:$0x7], $0x80, s15, s20, $0xb8;
	[tilespmem:$0x1E400] =	vst v63  }
0x63: {  	_ =	swait.ge [sflag:s5], $0x2000  }
0x64: {  	[sflag:s5] =	ssyncset.done $0x0  }
0x65: {  	s15 =	sadd.s32 $0x280, s14;
	[sflag:s5] =	ssyncadd.s32 $0xFFFFE000  }
0x66: {  	[tilespmem:s23], [sflag:$0x2] =	stream.indirect.gather [hbm4b:s1+s20], $0x80, s15, s20, $0xb8;
	[tilespmem:$0x1E400] =	vst v63  }
0x67: {  	_ =	swait.ge [sflag:s7], $0x2000  }
0x68: {  	[sflag:s7] =	ssyncset.done $0x0  }
0x69: {  	s15 =	sadd.s32 $0x1580, s14;
	[sflag:s7] =	ssyncadd.s32 $0xFFFFE000  }
0x6a: {  	[spmem:s2] =	stream.indirect.scatter.add.f32 [tilespmem:s29], [sflag:$0x8], $0x80, s15, s20, $0xb8;
	[tilespmem:$0x1E400] =	vst v63  }
0x6b: {  	_ =	swait.ge [sflag:s8], $0x2000  }
0x6c: {  	[sflag:s8] =	ssyncset.done $0x0  }
0x6d: {  	s15 =	sadd.s32 $0x300, s14;
	[sflag:s8] =	ssyncadd.s32 $0xFFFFE000  }
0x6e: {  	[tilespmem:s25], [sflag:$0x3] =	stream.indirect.gather [hbm4b:s1+s20], $0x80, s15, s20, $0xb8;
	[tilespmem:$0x1E400] =	vst v63  }
0x6f: {  	_ =	swait.ge [sflag:s26], $0x2000  }
0x70: {  	[sflag:s26] =	ssyncset.done $0x0  }
0x71: {  	s15 =	sadd.s32 $0x1600, s14;
	[sflag:s26] =	ssyncadd.s32 $0xFFFFE000  }
0x72: {  	[spmem:s2] =	stream.indirect.scatter.add.f32 [tilespmem:s21], [sflag:$0x5], $0x80, s15, s20, $0xb8;
	[tilespmem:$0x1E400] =	vst v63  }
0x73: {  	_ =	swait.ge [sflag:s9], $0x2000  }
0x74: {  	[sflag:s9] =	ssyncset.done $0x0  }
.Ltmp0:
0x75: {  	s15 =	sadd.s32 $0x380, s14;
	[sflag:s9] =	ssyncadd.s32 $0xFFFFE000;
	(pc) =	sbr.rel @p0 .LBB2_2-.Ltmp0, $4  }
0x76: {  	[tilespmem:s29], [sflag:$0x4] =	stream.indirect.gather [hbm4b:s1+s20], $0x80, s15, s20, $0xb8;
	[tilespmem:$0x1E400] =	vst v63  }
0x77: {  	_ =	swait.ge [sflag:s30], $0x2000  }
0x78: {  	[sflag:s30] =	ssyncset.done $0x0  }
0x79: {  	s14 =	sadd.s32 $0x1680, s14;
	[sflag:s30] =	ssyncadd.s32 $0xFFFFE000  }
0x7a: {  	[spmem:s2] =	stream.indirect.scatter.add.f32 [tilespmem:s23], [sflag:$0x6], $0x80, s14, s20, $0xb8;
	[tilespmem:$0x1E400] =	vst v63  }
0x7b: {  	_ =	swait.ge [sflag:s3], $0x2000  }
0x7c: {  	[sflag:s3] =	ssyncset.done $0x0  }
0x7d: {  	[sflag:s3] =	ssyncadd.s32 $0xFFFFE000  }
0x7e: {  	[spmem:s2] =	stream.indirect.scatter.add.f32 [tilespmem:s25], [sflag:$0x7], $0x80, s10, s20, $0xb8;
	[tilespmem:$0x1E400] =	vst v63  }
0x7f: {  	_ =	swait.ge [sflag:s7], $0x2000  }
0x80: {  	[sflag:s7] =	ssyncset.done $0x0  }
0x81: {  	[sflag:s7] =	ssyncadd.s32 $0xFFFFE000  }
0x82: {  	[spmem:s2] =	stream.indirect.scatter.add.f32 [tilespmem:s29], [sflag:$0x8], $0x80, s11, s20, $0xb8;
	[tilespmem:$0x1E400] =	vst v63  }
0x83: {  	_ =	swait.ge [sflag:s0], $0x2000  }
0x84: {  	[sflag:s0] =	ssyncset.done $0x0  }
0x85: {  	[sflag:s0] =	ssyncadd.s32 $0xFFFFE000  }
0x86: {  	_ =	swait.ge [sflag:s5], $0x2000  }
0x87: {  	[sflag:s5] =	ssyncset.done $0x0  }
0x88: {  	[sflag:s5] =	ssyncadd.s32 $0xFFFFE000  }
0x89: {  	_ =	swait.ge [sflag:s8], $0x2000  }
0x8a: {  	[sflag:s8] =	ssyncset.done $0x0  }
0x8b: {  	[sflag:s8] =	ssyncadd.s32 $0xFFFFE000  }
0x8c: {  	_ =	swait.ge [sflag:s9], $0x2000  }
0x8d: {  	[sflag:s9] =	ssyncset.done $0x0  }
0x8e: {  	s13 =	simm.s32 $0x0;
	s15 =	rddreg [dreg:$0x7];
	[sflag:s9] =	ssyncadd.s32 $0xFFFFE000  }
0x8f: {  	[tilespmem:s13], [sflag:$0x9] =	stream.linear.gather [hbm4b:s15+s13], $0x1400, $0x38;
	[tilespmem:$0x1E400] =	vst v63  }
0x90: {  	_ =	swait.ge [sflag:s18], $0x1400  }
0x91: {  	[sflag:s18] =	ssyncset.done $0x0  }
0x92: {  	s15 =	rddreg [dreg:$0x8];
	[sflag:s18] =	ssyncadd.s32 $0xFFFFEC00  }
0x93: {  	[tilespmem:s19], [sflag:$0x9] =	stream.linear.gather [hbm4b:s15+s13], $0x1400, $0x38;
	[tilespmem:$0x1E400] =	vst v63  }
0x94: {  	_ =	swait.ge [sflag:s18], $0x1400  }
0x95: {  	[sflag:s18] =	ssyncset.done $0x0  }
0x96: {  	[sflag:s18] =	ssyncadd.s32 $0xFFFFEC00  }
0x97: {  	[tilespmem:s21], [sflag:$0x1] =	stream.indirect.gather [hbm4b:s1+s20], $0x80, s13, s20, $0xb8;
	[tilespmem:$0x1E400] =	vst v63  }
0x98: {  	_ = 	snop  }
0x99: {  	[tilespmem:s23], [sflag:$0x2] =	stream.indirect.gather [hbm4b:s1+s20], $0x80, s22, s20, $0xb8;
	[tilespmem:$0x1E400] =	vst v63  }
0x9a: {  	_ = 	snop  }
0x9b: {  	[tilespmem:s25], [sflag:$0x3] =	stream.indirect.gather [hbm4b:s1+s20], $0x80, s24, s20, $0xb8;
	[tilespmem:$0x1E400] =	vst v63  }
0x9c: {  	_ =	swait.ge [sflag:s26], $0x2000  }
0x9d: {  	[sflag:s26] =	ssyncset.done $0x0  }
0x9e: {  	[sflag:s26] =	ssyncadd.s32 $0xFFFFE000  }
0x9f: {  	[spmem:s2] =	stream.indirect.scatter.add.f32 [tilespmem:s21], [sflag:$0x5], $0x80, s19, s20, $0xb8;
	[tilespmem:$0x1E400] =	vst v63  }
0xa0: {  	_ = 	snop  }
0xa1: {  	[tilespmem:s29], [sflag:$0x4] =	stream.indirect.gather [hbm4b:s1+s20], $0x80, s28, s20, $0xb8;
	[tilespmem:$0x1E400] =	vst v63  }
0xa2: {  	_ =	swait.ge [sflag:s30], $0x2000  }
0xa3: {  	[sflag:s30] =	ssyncset.done $0x0  }
0xa4: {  	[sflag:s30] =	ssyncadd.s32 $0xFFFFE000  }
0xa5: {  	[spmem:s2] =	stream.indirect.scatter.add.f32 [tilespmem:s23], [sflag:$0x6], $0x80, s31, s20, $0xb8;
	[tilespmem:$0x1E400] =	vst v63  }
0xa6: {  	_ =	swait.ge [sflag:s0], $0x2000  }
0xa7: {  	[sflag:s0] =	ssyncset.done $0x0  }
0xa8: {  	s15 =	simm.s32 $0x200;
	[sflag:s0] =	ssyncadd.s32 $0xFFFFE000  }
0xa9: {  	[tilespmem:s21], [sflag:$0x1] =	stream.indirect.gather [hbm4b:s1+s20], $0x80, s15, s20, $0xb8;
	[tilespmem:$0x1E400] =	vst v63  }
0xaa: {  	_ =	swait.ge [sflag:s3], $0x2000  }
0xab: {  	[sflag:s3] =	ssyncset.done $0x0  }
0xac: {  	s14 =	simm.s32 $0x1500;
	[sflag:s3] =	ssyncadd.s32 $0xFFFFE000  }
0xad: {  	[spmem:s2] =	stream.indirect.scatter.add.f32 [tilespmem:s25], [sflag:$0x7], $0x80, s14, s20, $0xb8;
	[tilespmem:$0x1E400] =	vst v63  }
0xae: {  	_ =	swait.ge [sflag:s5], $0x2000  }
0xaf: {  	[sflag:s5] =	ssyncset.done $0x0  }
0xb0: {  	s15 =	simm.s32 $0x280;
	[sflag:s5] =	ssyncadd.s32 $0xFFFFE000  }
0xb1: {  	[tilespmem:s23], [sflag:$0x2] =	stream.indirect.gather [hbm4b:s1+s20], $0x80, s15, s20, $0xb8;
	[tilespmem:$0x1E400] =	vst v63  }
0xb2: {  	_ =	swait.ge [sflag:s7], $0x2000  }
0xb3: {  	[sflag:s7] =	ssyncset.done $0x0  }
0xb4: {  	s14 =	simm.s32 $0x1580;
	[sflag:s7] =	ssyncadd.s32 $0xFFFFE000  }
0xb5: {  	[spmem:s2] =	stream.indirect.scatter.add.f32 [tilespmem:s29], [sflag:$0x8], $0x80, s14, s20, $0xb8;
	[tilespmem:$0x1E400] =	vst v63  }
0xb6: {  	_ =	swait.ge [sflag:s8], $0x2000  }
0xb7: {  	[sflag:s8] =	ssyncset.done $0x0  }
0xb8: {  	s15 =	simm.s32 $0x300;
	[sflag:s8] =	ssyncadd.s32 $0xFFFFE000  }
0xb9: {  	[tilespmem:s25], [sflag:$0x3] =	stream.indirect.gather [hbm4b:s1+s20], $0x80, s15, s20, $0xb8;
	[tilespmem:$0x1E400] =	vst v63  }
0xba: {  	_ =	swait.ge [sflag:s26], $0x2000  }
0xbb: {  	[sflag:s26] =	ssyncset.done $0x0  }
0xbc: {  	s14 =	simm.s32 $0x1600;
	[sflag:s26] =	ssyncadd.s32 $0xFFFFE000  }
0xbd: {  	[spmem:s2] =	stream.indirect.scatter.add.f32 [tilespmem:s21], [sflag:$0x5], $0x80, s14, s20, $0xb8;
	[tilespmem:$0x1E400] =	vst v63  }
0xbe: {  	_ =	swait.ge [sflag:s9], $0x2000  }
0xbf: {  	[sflag:s9] =	ssyncset.done $0x0  }
0xc0: {  	s15 =	simm.s32 $0x380;
	[sflag:s9] =	ssyncadd.s32 $0xFFFFE000  }
0xc1: {  	[tilespmem:s29], [sflag:$0x4] =	stream.indirect.gather [hbm4b:s1+s20], $0x80, s15, s20, $0xb8;
	[tilespmem:$0x1E400] =	vst v63  }
0xc2: {  	_ =	swait.ge [sflag:s30], $0x2000  }
0xc3: {  	[sflag:s30] =	ssyncset.done $0x0  }
0xc4: {  	s13 =	simm.s32 $0x800;
	s14 =	simm.s32 $0x1680;
	[sflag:s30] =	ssyncadd.s32 $0xFFFFE000  }
.LBB2_4:
0xc5: {  	[spmem:s2] =	stream.indirect.scatter.add.f32 [tilespmem:s23], [sflag:$0x6], $0x80, s14, s20, $0xb8;
	[tilespmem:$0x1E400] =	vst v63  }
0xc6: {  	s14 =	smov.u32 s13  }
0xc7: {  	p0 =	sne.s32 s13, $0x4000;
	s13 =	sadd.s32 $0x800, s13;
	_ =	swait.ge [sflag:s0], $0x2000  }
0xc8: {  	s14 =	sshra.s32 s14, $0x2;
	[sflag:s0] =	ssyncset.done $0x0  }
0xc9: {  	s15 =	sadd.s32 $0x200, s14;
	[sflag:s0] =	ssyncadd.s32 $0xFFFFE000  }
0xca: {  	[tilespmem:s21], [sflag:$0x1] =	stream.indirect.gather [hbm4b:s1+s20], $0x80, s15, s20, $0xb8;
	[tilespmem:$0x1E400] =	vst v63  }
0xcb: {  	_ =	swait.ge [sflag:s3], $0x2000  }
0xcc: {  	[sflag:s3] =	ssyncset.done $0x0  }
0xcd: {  	s15 =	sadd.s32 $0x1500, s14;
	[sflag:s3] =	ssyncadd.s32 $0xFFFFE000  }
0xce: {  	[spmem:s2] =	stream.indirect.scatter.add.f32 [tilespmem:s25], [sflag:$0x7], $0x80, s15, s20, $0xb8;
	[tilespmem:$0x1E400] =	vst v63  }
0xcf: {  	_ =	swait.ge [sflag:s5], $0x2000  }
0xd0: {  	[sflag:s5] =	ssyncset.done $0x0  }
0xd1: {  	s15 =	sadd.s32 $0x280, s14;
	[sflag:s5] =	ssyncadd.s32 $0xFFFFE000  }
0xd2: {  	[tilespmem:s23], [sflag:$0x2] =	stream.indirect.gather [hbm4b:s1+s20], $0x80, s15, s20, $0xb8;
	[tilespmem:$0x1E400] =	vst v63  }
0xd3: {  	_ =	swait.ge [sflag:s7], $0x2000  }
0xd4: {  	[sflag:s7] =	ssyncset.done $0x0  }
0xd5: {  	s15 =	sadd.s32 $0x1580, s14;
	[sflag:s7] =	ssyncadd.s32 $0xFFFFE000  }
0xd6: {  	[spmem:s2] =	stream.indirect.scatter.add.f32 [tilespmem:s29], [sflag:$0x8], $0x80, s15, s20, $0xb8;
	[tilespmem:$0x1E400] =	vst v63  }
0xd7: {  	_ =	swait.ge [sflag:s8], $0x2000  }
0xd8: {  	[sflag:s8] =	ssyncset.done $0x0  }
0xd9: {  	s15 =	sadd.s32 $0x300, s14;
	[sflag:s8] =	ssyncadd.s32 $0xFFFFE000  }
0xda: {  	[tilespmem:s25], [sflag:$0x3] =	stream.indirect.gather [hbm4b:s1+s20], $0x80, s15, s20, $0xb8;
	[tilespmem:$0x1E400] =	vst v63  }
0xdb: {  	_ =	swait.ge [sflag:s26], $0x2000  }
0xdc: {  	[sflag:s26] =	ssyncset.done $0x0  }
0xdd: {  	s15 =	sadd.s32 $0x1600, s14;
	[sflag:s26] =	ssyncadd.s32 $0xFFFFE000  }
0xde: {  	[spmem:s2] =	stream.indirect.scatter.add.f32 [tilespmem:s21], [sflag:$0x5], $0x80, s15, s20, $0xb8;
	[tilespmem:$0x1E400] =	vst v63  }
0xdf: {  	_ =	swait.ge [sflag:s9], $0x2000  }
0xe0: {  	[sflag:s9] =	ssyncset.done $0x0  }
.Ltmp1:
0xe1: {  	s15 =	sadd.s32 $0x380, s14;
	[sflag:s9] =	ssyncadd.s32 $0xFFFFE000;
	(pc) =	sbr.rel @p0 .LBB2_4-.Ltmp1, $4  }
0xe2: {  	[tilespmem:s29], [sflag:$0x4] =	stream.indirect.gather [hbm4b:s1+s20], $0x80, s15, s20, $0xb8;
	[tilespmem:$0x1E400] =	vst v63  }
0xe3: {  	_ =	swait.ge [sflag:s30], $0x2000  }
0xe4: {  	[sflag:s30] =	ssyncset.done $0x0  }
0xe5: {  	s14 =	sadd.s32 $0x1680, s14;
	[sflag:s30] =	ssyncadd.s32 $0xFFFFE000  }
0xe6: {  	[spmem:s2] =	stream.indirect.scatter.add.f32 [tilespmem:s23], [sflag:$0x6], $0x80, s14, s20, $0xb8;
	[tilespmem:$0x1E400] =	vst v63  }
0xe7: {  	_ =	swait.ge [sflag:s3], $0x2000  }
0xe8: {  	[sflag:s3] =	ssyncset.done $0x0  }
0xe9: {  	[sflag:s3] =	ssyncadd.s32 $0xFFFFE000  }
0xea: {  	[spmem:s2] =	stream.indirect.scatter.add.f32 [tilespmem:s25], [sflag:$0x7], $0x80, s10, s20, $0xb8;
	[tilespmem:$0x1E400] =	vst v63  }
0xeb: {  	_ =	swait.ge [sflag:s7], $0x2000  }
0xec: {  	[sflag:s7] =	ssyncset.done $0x0  }
0xed: {  	[sflag:s7] =	ssyncadd.s32 $0xFFFFE000  }
0xee: {  	[spmem:s2] =	stream.indirect.scatter.add.f32 [tilespmem:s29], [sflag:$0x8], $0x80, s11, s20, $0xb8;
	[tilespmem:$0x1E400] =	vst v63  }
0xef: {  	_ =	swait.ge [sflag:s0], $0x2000  }
0xf0: {  	[sflag:s0] =	ssyncset.done $0x0  }
0xf1: {  	[sflag:s0] =	ssyncadd.s32 $0xFFFFE000  }
0xf2: {  	_ =	swait.ge [sflag:s5], $0x2000  }
0xf3: {  	[sflag:s5] =	ssyncset.done $0x0  }
0xf4: {  	[sflag:s5] =	ssyncadd.s32 $0xFFFFE000  }
0xf5: {  	_ =	swait.ge [sflag:s8], $0x2000  }
0xf6: {  	[sflag:s8] =	ssyncset.done $0x0  }
0xf7: {  	[sflag:s8] =	ssyncadd.s32 $0xFFFFE000  }
0xf8: {  	_ =	swait.ge [sflag:s9], $0x2000  }
0xf9: {  	[sflag:s9] =	ssyncset.done $0x0  }
0xfa: {  	s13 =	simm.s32 $0x0;
	s15 =	rddreg [dreg:$0x9];
	[sflag:s9] =	ssyncadd.s32 $0xFFFFE000  }
0xfb: {  	[tilespmem:s13], [sflag:$0x9] =	stream.linear.gather [hbm4b:s15+s13], $0x1400, $0x38;
	[tilespmem:$0x1E400] =	vst v63  }
0xfc: {  	_ =	swait.ge [sflag:s18], $0x1400  }
0xfd: {  	[sflag:s18] =	ssyncset.done $0x0  }
0xfe: {  	s15 =	rddreg [dreg:$0xa];
	[sflag:s18] =	ssyncadd.s32 $0xFFFFEC00  }
0xff: {  	[tilespmem:s19], [sflag:$0x9] =	stream.linear.gather [hbm4b:s15+s13], $0x1400, $0x38;
	[tilespmem:$0x1E400] =	vst v63  }
0x100: {  	_ =	swait.ge [sflag:s18], $0x1400  }
0x101: {  	[sflag:s18] =	ssyncset.done $0x0  }
0x102: {  	[sflag:s18] =	ssyncadd.s32 $0xFFFFEC00  }
0x103: {  	[tilespmem:s21], [sflag:$0x1] =	stream.indirect.gather [hbm4b:s1+s20], $0x80, s13, s20, $0xb8;
	[tilespmem:$0x1E400] =	vst v63  }
0x104: {  	_ = 	snop  }
0x105: {  	[tilespmem:s23], [sflag:$0x2] =	stream.indirect.gather [hbm4b:s1+s20], $0x80, s22, s20, $0xb8;
	[tilespmem:$0x1E400] =	vst v63  }
0x106: {  	_ = 	snop  }
0x107: {  	[tilespmem:s25], [sflag:$0x3] =	stream.indirect.gather [hbm4b:s1+s20], $0x80, s24, s20, $0xb8;
	[tilespmem:$0x1E400] =	vst v63  }
0x108: {  	_ =	swait.ge [sflag:s26], $0x2000  }
0x109: {  	[sflag:s26] =	ssyncset.done $0x0  }
0x10a: {  	[sflag:s26] =	ssyncadd.s32 $0xFFFFE000  }
0x10b: {  	[spmem:s2] =	stream.indirect.scatter.add.f32 [tilespmem:s21], [sflag:$0x5], $0x80, s19, s20, $0xb8;
	[tilespmem:$0x1E400] =	vst v63  }
0x10c: {  	_ = 	snop  }
0x10d: {  	[tilespmem:s29], [sflag:$0x4] =	stream.indirect.gather [hbm4b:s1+s20], $0x80, s28, s20, $0xb8;
	[tilespmem:$0x1E400] =	vst v63  }
0x10e: {  	_ =	swait.ge [sflag:s30], $0x2000  }
0x10f: {  	[sflag:s30] =	ssyncset.done $0x0  }
0x110: {  	[sflag:s30] =	ssyncadd.s32 $0xFFFFE000  }
0x111: {  	[spmem:s2] =	stream.indirect.scatter.add.f32 [tilespmem:s23], [sflag:$0x6], $0x80, s31, s20, $0xb8;
	[tilespmem:$0x1E400] =	vst v63  }
0x112: {  	_ =	swait.ge [sflag:s0], $0x2000  }
0x113: {  	[sflag:s0] =	ssyncset.done $0x0  }
0x114: {  	s15 =	simm.s32 $0x200;
	[sflag:s0] =	ssyncadd.s32 $0xFFFFE000  }
0x115: {  	[tilespmem:s21], [sflag:$0x1] =	stream.indirect.gather [hbm4b:s1+s20], $0x80, s15, s20, $0xb8;
	[tilespmem:$0x1E400] =	vst v63  }
0x116: {  	_ =	swait.ge [sflag:s3], $0x2000  }
0x117: {  	[sflag:s3] =	ssyncset.done $0x0  }
0x118: {  	s14 =	simm.s32 $0x1500;
	[sflag:s3] =	ssyncadd.s32 $0xFFFFE000  }
0x119: {  	[spmem:s2] =	stream.indirect.scatter.add.f32 [tilespmem:s25], [sflag:$0x7], $0x80, s14, s20, $0xb8;
	[tilespmem:$0x1E400] =	vst v63  }
0x11a: {  	_ =	swait.ge [sflag:s5], $0x2000  }
0x11b: {  	[sflag:s5] =	ssyncset.done $0x0  }
0x11c: {  	s15 =	simm.s32 $0x280;
	[sflag:s5] =	ssyncadd.s32 $0xFFFFE000  }
0x11d: {  	[tilespmem:s23], [sflag:$0x2] =	stream.indirect.gather [hbm4b:s1+s20], $0x80, s15, s20, $0xb8;
	[tilespmem:$0x1E400] =	vst v63  }
0x11e: {  	_ =	swait.ge [sflag:s7], $0x2000  }
0x11f: {  	[sflag:s7] =	ssyncset.done $0x0  }
0x120: {  	s14 =	simm.s32 $0x1580;
	[sflag:s7] =	ssyncadd.s32 $0xFFFFE000  }
0x121: {  	[spmem:s2] =	stream.indirect.scatter.add.f32 [tilespmem:s29], [sflag:$0x8], $0x80, s14, s20, $0xb8;
	[tilespmem:$0x1E400] =	vst v63  }
0x122: {  	_ =	swait.ge [sflag:s8], $0x2000  }
0x123: {  	[sflag:s8] =	ssyncset.done $0x0  }
0x124: {  	s15 =	simm.s32 $0x300;
	[sflag:s8] =	ssyncadd.s32 $0xFFFFE000  }
0x125: {  	[tilespmem:s25], [sflag:$0x3] =	stream.indirect.gather [hbm4b:s1+s20], $0x80, s15, s20, $0xb8;
	[tilespmem:$0x1E400] =	vst v63  }
0x126: {  	_ =	swait.ge [sflag:s26], $0x2000  }
0x127: {  	[sflag:s26] =	ssyncset.done $0x0  }
0x128: {  	s14 =	simm.s32 $0x1600;
	[sflag:s26] =	ssyncadd.s32 $0xFFFFE000  }
0x129: {  	[spmem:s2] =	stream.indirect.scatter.add.f32 [tilespmem:s21], [sflag:$0x5], $0x80, s14, s20, $0xb8;
	[tilespmem:$0x1E400] =	vst v63  }
0x12a: {  	_ =	swait.ge [sflag:s9], $0x2000  }
0x12b: {  	[sflag:s9] =	ssyncset.done $0x0  }
0x12c: {  	s15 =	simm.s32 $0x380;
	[sflag:s9] =	ssyncadd.s32 $0xFFFFE000  }
0x12d: {  	[tilespmem:s29], [sflag:$0x4] =	stream.indirect.gather [hbm4b:s1+s20], $0x80, s15, s20, $0xb8;
	[tilespmem:$0x1E400] =	vst v63  }
0x12e: {  	_ =	swait.ge [sflag:s30], $0x2000  }
0x12f: {  	[sflag:s30] =	ssyncset.done $0x0  }
0x130: {  	s13 =	simm.s32 $0x800;
	s14 =	simm.s32 $0x1680;
	[sflag:s30] =	ssyncadd.s32 $0xFFFFE000  }
.LBB2_6:
0x131: {  	[spmem:s2] =	stream.indirect.scatter.add.f32 [tilespmem:s23], [sflag:$0x6], $0x80, s14, s20, $0xb8;
	[tilespmem:$0x1E400] =	vst v63  }
0x132: {  	s14 =	smov.u32 s13  }
0x133: {  	p0 =	sne.s32 s13, $0x4000;
	s13 =	sadd.s32 $0x800, s13;
	_ =	swait.ge [sflag:s0], $0x2000  }
0x134: {  	s14 =	sshra.s32 s14, $0x2;
	[sflag:s0] =	ssyncset.done $0x0  }
0x135: {  	s15 =	sadd.s32 $0x200, s14;
	[sflag:s0] =	ssyncadd.s32 $0xFFFFE000  }
0x136: {  	[tilespmem:s21], [sflag:$0x1] =	stream.indirect.gather [hbm4b:s1+s20], $0x80, s15, s20, $0xb8;
	[tilespmem:$0x1E400] =	vst v63  }
0x137: {  	_ =	swait.ge [sflag:s3], $0x2000  }
0x138: {  	[sflag:s3] =	ssyncset.done $0x0  }
0x139: {  	s15 =	sadd.s32 $0x1500, s14;
	[sflag:s3] =	ssyncadd.s32 $0xFFFFE000  }
0x13a: {  	[spmem:s2] =	stream.indirect.scatter.add.f32 [tilespmem:s25], [sflag:$0x7], $0x80, s15, s20, $0xb8;
	[tilespmem:$0x1E400] =	vst v63  }
0x13b: {  	_ =	swait.ge [sflag:s5], $0x2000  }
0x13c: {  	[sflag:s5] =	ssyncset.done $0x0  }
0x13d: {  	s15 =	sadd.s32 $0x280, s14;
	[sflag:s5] =	ssyncadd.s32 $0xFFFFE000  }
0x13e: {  	[tilespmem:s23], [sflag:$0x2] =	stream.indirect.gather [hbm4b:s1+s20], $0x80, s15, s20, $0xb8;
	[tilespmem:$0x1E400] =	vst v63  }
0x13f: {  	_ =	swait.ge [sflag:s7], $0x2000  }
0x140: {  	[sflag:s7] =	ssyncset.done $0x0  }
0x141: {  	s15 =	sadd.s32 $0x1580, s14;
	[sflag:s7] =	ssyncadd.s32 $0xFFFFE000  }
0x142: {  	[spmem:s2] =	stream.indirect.scatter.add.f32 [tilespmem:s29], [sflag:$0x8], $0x80, s15, s20, $0xb8;
	[tilespmem:$0x1E400] =	vst v63  }
0x143: {  	_ =	swait.ge [sflag:s8], $0x2000  }
0x144: {  	[sflag:s8] =	ssyncset.done $0x0  }
0x145: {  	s15 =	sadd.s32 $0x300, s14;
	[sflag:s8] =	ssyncadd.s32 $0xFFFFE000  }
0x146: {  	[tilespmem:s25], [sflag:$0x3] =	stream.indirect.gather [hbm4b:s1+s20], $0x80, s15, s20, $0xb8;
	[tilespmem:$0x1E400] =	vst v63  }
0x147: {  	_ =	swait.ge [sflag:s26], $0x2000  }
0x148: {  	[sflag:s26] =	ssyncset.done $0x0  }
0x149: {  	s15 =	sadd.s32 $0x1600, s14;
	[sflag:s26] =	ssyncadd.s32 $0xFFFFE000  }
0x14a: {  	[spmem:s2] =	stream.indirect.scatter.add.f32 [tilespmem:s21], [sflag:$0x5], $0x80, s15, s20, $0xb8;
	[tilespmem:$0x1E400] =	vst v63  }
0x14b: {  	_ =	swait.ge [sflag:s9], $0x2000  }
0x14c: {  	[sflag:s9] =	ssyncset.done $0x0  }
.Ltmp2:
0x14d: {  	s15 =	sadd.s32 $0x380, s14;
	[sflag:s9] =	ssyncadd.s32 $0xFFFFE000;
	(pc) =	sbr.rel @p0 .LBB2_6-.Ltmp2, $4  }
0x14e: {  	[tilespmem:s29], [sflag:$0x4] =	stream.indirect.gather [hbm4b:s1+s20], $0x80, s15, s20, $0xb8;
	[tilespmem:$0x1E400] =	vst v63  }
0x14f: {  	_ =	swait.ge [sflag:s30], $0x2000  }
0x150: {  	[sflag:s30] =	ssyncset.done $0x0  }
0x151: {  	s14 =	sadd.s32 $0x1680, s14;
	[sflag:s30] =	ssyncadd.s32 $0xFFFFE000  }
0x152: {  	[spmem:s2] =	stream.indirect.scatter.add.f32 [tilespmem:s23], [sflag:$0x6], $0x80, s14, s20, $0xb8;
	[tilespmem:$0x1E400] =	vst v63  }
0x153: {  	_ =	swait.ge [sflag:s3], $0x2000  }
0x154: {  	[sflag:s3] =	ssyncset.done $0x0  }
0x155: {  	[sflag:s3] =	ssyncadd.s32 $0xFFFFE000  }
0x156: {  	[spmem:s2] =	stream.indirect.scatter.add.f32 [tilespmem:s25], [sflag:$0x7], $0x80, s10, s20, $0xb8;
	[tilespmem:$0x1E400] =	vst v63  }
0x157: {  	_ =	swait.ge [sflag:s7], $0x2000  }
0x158: {  	[sflag:s7] =	ssyncset.done $0x0  }
0x159: {  	[sflag:s7] =	ssyncadd.s32 $0xFFFFE000  }
0x15a: {  	[spmem:s2] =	stream.indirect.scatter.add.f32 [tilespmem:s29], [sflag:$0x8], $0x80, s11, s20, $0xb8;
	[tilespmem:$0x1E400] =	vst v63  }
0x15b: {  	_ =	swait.ge [sflag:s0], $0x2000  }
0x15c: {  	[sflag:s0] =	ssyncset.done $0x0  }
0x15d: {  	[sflag:s0] =	ssyncadd.s32 $0xFFFFE000  }
0x15e: {  	_ =	swait.ge [sflag:s5], $0x2000  }
0x15f: {  	[sflag:s5] =	ssyncset.done $0x0  }
0x160: {  	[sflag:s5] =	ssyncadd.s32 $0xFFFFE000  }
0x161: {  	_ =	swait.ge [sflag:s8], $0x2000  }
0x162: {  	[sflag:s8] =	ssyncset.done $0x0  }
0x163: {  	[sflag:s8] =	ssyncadd.s32 $0xFFFFE000  }
0x164: {  	_ =	swait.ge [sflag:s9], $0x2000  }
0x165: {  	[sflag:s9] =	ssyncset.done $0x0  }
0x166: {  	s13 =	simm.s32 $0x0;
	s15 =	rddreg [dreg:$0xb];
	[sflag:s9] =	ssyncadd.s32 $0xFFFFE000  }
0x167: {  	[tilespmem:s13], [sflag:$0x9] =	stream.linear.gather [hbm4b:s15+s13], $0x1400, $0x38;
	[tilespmem:$0x1E400] =	vst v63  }
0x168: {  	_ =	swait.ge [sflag:s18], $0x1400  }
0x169: {  	[sflag:s18] =	ssyncset.done $0x0  }
0x16a: {  	s15 =	rddreg [dreg:$0xc];
	[sflag:s18] =	ssyncadd.s32 $0xFFFFEC00  }
0x16b: {  	[tilespmem:s19], [sflag:$0x9] =	stream.linear.gather [hbm4b:s15+s13], $0x1400, $0x38;
	[tilespmem:$0x1E400] =	vst v63  }
0x16c: {  	_ =	swait.ge [sflag:s18], $0x1400  }
0x16d: {  	[sflag:s18] =	ssyncset.done $0x0  }
0x16e: {  	[sflag:s18] =	ssyncadd.s32 $0xFFFFEC00  }
0x16f: {  	[tilespmem:s21], [sflag:$0x1] =	stream.indirect.gather [hbm4b:s1+s20], $0x80, s13, s20, $0xb8;
	[tilespmem:$0x1E400] =	vst v63  }
0x170: {  	_ = 	snop  }
0x171: {  	[tilespmem:s23], [sflag:$0x2] =	stream.indirect.gather [hbm4b:s1+s20], $0x80, s22, s20, $0xb8;
	[tilespmem:$0x1E400] =	vst v63  }
0x172: {  	_ = 	snop  }
0x173: {  	[tilespmem:s25], [sflag:$0x3] =	stream.indirect.gather [hbm4b:s1+s20], $0x80, s24, s20, $0xb8;
	[tilespmem:$0x1E400] =	vst v63  }
0x174: {  	_ =	swait.ge [sflag:s26], $0x2000  }
0x175: {  	[sflag:s26] =	ssyncset.done $0x0  }
0x176: {  	[sflag:s26] =	ssyncadd.s32 $0xFFFFE000  }
0x177: {  	[spmem:s2] =	stream.indirect.scatter.add.f32 [tilespmem:s21], [sflag:$0x5], $0x80, s19, s20, $0xb8;
	[tilespmem:$0x1E400] =	vst v63  }
0x178: {  	_ = 	snop  }
0x179: {  	[tilespmem:s29], [sflag:$0x4] =	stream.indirect.gather [hbm4b:s1+s20], $0x80, s28, s20, $0xb8;
	[tilespmem:$0x1E400] =	vst v63  }
0x17a: {  	_ =	swait.ge [sflag:s30], $0x2000  }
0x17b: {  	[sflag:s30] =	ssyncset.done $0x0  }
0x17c: {  	[sflag:s30] =	ssyncadd.s32 $0xFFFFE000  }
0x17d: {  	[spmem:s2] =	stream.indirect.scatter.add.f32 [tilespmem:s23], [sflag:$0x6], $0x80, s31, s20, $0xb8;
	[tilespmem:$0x1E400] =	vst v63  }
0x17e: {  	_ =	swait.ge [sflag:s0], $0x2000  }
0x17f: {  	[sflag:s0] =	ssyncset.done $0x0  }
0x180: {  	s15 =	simm.s32 $0x200;
	[sflag:s0] =	ssyncadd.s32 $0xFFFFE000  }
0x181: {  	[tilespmem:s21], [sflag:$0x1] =	stream.indirect.gather [hbm4b:s1+s20], $0x80, s15, s20, $0xb8;
	[tilespmem:$0x1E400] =	vst v63  }
0x182: {  	_ =	swait.ge [sflag:s3], $0x2000  }
0x183: {  	[sflag:s3] =	ssyncset.done $0x0  }
0x184: {  	s14 =	simm.s32 $0x1500;
	[sflag:s3] =	ssyncadd.s32 $0xFFFFE000  }
0x185: {  	[spmem:s2] =	stream.indirect.scatter.add.f32 [tilespmem:s25], [sflag:$0x7], $0x80, s14, s20, $0xb8;
	[tilespmem:$0x1E400] =	vst v63  }
0x186: {  	_ =	swait.ge [sflag:s5], $0x2000  }
0x187: {  	[sflag:s5] =	ssyncset.done $0x0  }
0x188: {  	s15 =	simm.s32 $0x280;
	[sflag:s5] =	ssyncadd.s32 $0xFFFFE000  }
0x189: {  	[tilespmem:s23], [sflag:$0x2] =	stream.indirect.gather [hbm4b:s1+s20], $0x80, s15, s20, $0xb8;
	[tilespmem:$0x1E400] =	vst v63  }
0x18a: {  	_ =	swait.ge [sflag:s7], $0x2000  }
0x18b: {  	[sflag:s7] =	ssyncset.done $0x0  }
0x18c: {  	s14 =	simm.s32 $0x1580;
	[sflag:s7] =	ssyncadd.s32 $0xFFFFE000  }
0x18d: {  	[spmem:s2] =	stream.indirect.scatter.add.f32 [tilespmem:s29], [sflag:$0x8], $0x80, s14, s20, $0xb8;
	[tilespmem:$0x1E400] =	vst v63  }
0x18e: {  	_ =	swait.ge [sflag:s8], $0x2000  }
0x18f: {  	[sflag:s8] =	ssyncset.done $0x0  }
0x190: {  	s15 =	simm.s32 $0x300;
	[sflag:s8] =	ssyncadd.s32 $0xFFFFE000  }
0x191: {  	[tilespmem:s25], [sflag:$0x3] =	stream.indirect.gather [hbm4b:s1+s20], $0x80, s15, s20, $0xb8;
	[tilespmem:$0x1E400] =	vst v63  }
0x192: {  	_ =	swait.ge [sflag:s26], $0x2000  }
0x193: {  	[sflag:s26] =	ssyncset.done $0x0  }
0x194: {  	s14 =	simm.s32 $0x1600;
	[sflag:s26] =	ssyncadd.s32 $0xFFFFE000  }
0x195: {  	[spmem:s2] =	stream.indirect.scatter.add.f32 [tilespmem:s21], [sflag:$0x5], $0x80, s14, s20, $0xb8;
	[tilespmem:$0x1E400] =	vst v63  }
0x196: {  	_ =	swait.ge [sflag:s9], $0x2000  }
0x197: {  	[sflag:s9] =	ssyncset.done $0x0  }
0x198: {  	s15 =	simm.s32 $0x380;
	[sflag:s9] =	ssyncadd.s32 $0xFFFFE000  }
0x199: {  	[tilespmem:s29], [sflag:$0x4] =	stream.indirect.gather [hbm4b:s1+s20], $0x80, s15, s20, $0xb8;
	[tilespmem:$0x1E400] =	vst v63  }
0x19a: {  	_ =	swait.ge [sflag:s30], $0x2000  }
0x19b: {  	[sflag:s30] =	ssyncset.done $0x0  }
0x19c: {  	s13 =	simm.s32 $0x800;
	s14 =	simm.s32 $0x1680;
	[sflag:s30] =	ssyncadd.s32 $0xFFFFE000  }
.LBB2_8:
0x19d: {  	[spmem:s2] =	stream.indirect.scatter.add.f32 [tilespmem:s23], [sflag:$0x6], $0x80, s14, s20, $0xb8;
	[tilespmem:$0x1E400] =	vst v63  }
0x19e: {  	s14 =	smov.u32 s13  }
0x19f: {  	p0 =	sne.s32 s13, $0x4000;
	s13 =	sadd.s32 $0x800, s13;
	_ =	swait.ge [sflag:s0], $0x2000  }
0x1a0: {  	s14 =	sshra.s32 s14, $0x2;
	[sflag:s0] =	ssyncset.done $0x0  }
0x1a1: {  	s15 =	sadd.s32 $0x200, s14;
	[sflag:s0] =	ssyncadd.s32 $0xFFFFE000  }
0x1a2: {  	[tilespmem:s21], [sflag:$0x1] =	stream.indirect.gather [hbm4b:s1+s20], $0x80, s15, s20, $0xb8;
	[tilespmem:$0x1E400] =	vst v63  }
0x1a3: {  	_ =	swait.ge [sflag:s3], $0x2000  }
0x1a4: {  	[sflag:s3] =	ssyncset.done $0x0  }
0x1a5: {  	s15 =	sadd.s32 $0x1500, s14;
	[sflag:s3] =	ssyncadd.s32 $0xFFFFE000  }
0x1a6: {  	[spmem:s2] =	stream.indirect.scatter.add.f32 [tilespmem:s25], [sflag:$0x7], $0x80, s15, s20, $0xb8;
	[tilespmem:$0x1E400] =	vst v63  }
0x1a7: {  	_ =	swait.ge [sflag:s5], $0x2000  }
0x1a8: {  	[sflag:s5] =	ssyncset.done $0x0  }
0x1a9: {  	s15 =	sadd.s32 $0x280, s14;
	[sflag:s5] =	ssyncadd.s32 $0xFFFFE000  }
0x1aa: {  	[tilespmem:s23], [sflag:$0x2] =	stream.indirect.gather [hbm4b:s1+s20], $0x80, s15, s20, $0xb8;
	[tilespmem:$0x1E400] =	vst v63  }
0x1ab: {  	_ =	swait.ge [sflag:s7], $0x2000  }
0x1ac: {  	[sflag:s7] =	ssyncset.done $0x0  }
0x1ad: {  	s15 =	sadd.s32 $0x1580, s14;
	[sflag:s7] =	ssyncadd.s32 $0xFFFFE000  }
0x1ae: {  	[spmem:s2] =	stream.indirect.scatter.add.f32 [tilespmem:s29], [sflag:$0x8], $0x80, s15, s20, $0xb8;
	[tilespmem:$0x1E400] =	vst v63  }
0x1af: {  	_ =	swait.ge [sflag:s8], $0x2000  }
0x1b0: {  	[sflag:s8] =	ssyncset.done $0x0  }
0x1b1: {  	s15 =	sadd.s32 $0x300, s14;
	[sflag:s8] =	ssyncadd.s32 $0xFFFFE000  }
0x1b2: {  	[tilespmem:s25], [sflag:$0x3] =	stream.indirect.gather [hbm4b:s1+s20], $0x80, s15, s20, $0xb8;
	[tilespmem:$0x1E400] =	vst v63  }
0x1b3: {  	_ =	swait.ge [sflag:s26], $0x2000  }
0x1b4: {  	[sflag:s26] =	ssyncset.done $0x0  }
0x1b5: {  	s15 =	sadd.s32 $0x1600, s14;
	[sflag:s26] =	ssyncadd.s32 $0xFFFFE000  }
0x1b6: {  	[spmem:s2] =	stream.indirect.scatter.add.f32 [tilespmem:s21], [sflag:$0x5], $0x80, s15, s20, $0xb8;
	[tilespmem:$0x1E400] =	vst v63  }
0x1b7: {  	_ =	swait.ge [sflag:s9], $0x2000  }
0x1b8: {  	[sflag:s9] =	ssyncset.done $0x0  }
.Ltmp3:
0x1b9: {  	s15 =	sadd.s32 $0x380, s14;
	[sflag:s9] =	ssyncadd.s32 $0xFFFFE000;
	(pc) =	sbr.rel @p0 .LBB2_8-.Ltmp3, $4  }
0x1ba: {  	[tilespmem:s29], [sflag:$0x4] =	stream.indirect.gather [hbm4b:s1+s20], $0x80, s15, s20, $0xb8;
	[tilespmem:$0x1E400] =	vst v63  }
0x1bb: {  	_ =	swait.ge [sflag:s30], $0x2000  }
0x1bc: {  	[sflag:s30] =	ssyncset.done $0x0  }
0x1bd: {  	s14 =	sadd.s32 $0x1680, s14;
	[sflag:s30] =	ssyncadd.s32 $0xFFFFE000  }
0x1be: {  	[spmem:s2] =	stream.indirect.scatter.add.f32 [tilespmem:s23], [sflag:$0x6], $0x80, s14, s20, $0xb8;
	[tilespmem:$0x1E400] =	vst v63  }
0x1bf: {  	_ =	swait.ge [sflag:s3], $0x2000  }
0x1c0: {  	[sflag:s3] =	ssyncset.done $0x0  }
0x1c1: {  	[sflag:s3] =	ssyncadd.s32 $0xFFFFE000  }
0x1c2: {  	[spmem:s2] =	stream.indirect.scatter.add.f32 [tilespmem:s25], [sflag:$0x7], $0x80, s10, s20, $0xb8;
	[tilespmem:$0x1E400] =	vst v63  }
0x1c3: {  	_ =	swait.ge [sflag:s7], $0x2000  }
0x1c4: {  	[sflag:s7] =	ssyncset.done $0x0  }
0x1c5: {  	[sflag:s7] =	ssyncadd.s32 $0xFFFFE000  }
0x1c6: {  	[spmem:s2] =	stream.indirect.scatter.add.f32 [tilespmem:s29], [sflag:$0x8], $0x80, s11, s20, $0xb8;
	[tilespmem:$0x1E400] =	vst v63  }
0x1c7: {  	_ =	swait.ge [sflag:s0], $0x2000  }
0x1c8: {  	[sflag:s0] =	ssyncset.done $0x0  }
0x1c9: {  	[sflag:s0] =	ssyncadd.s32 $0xFFFFE000  }
0x1ca: {  	_ =	swait.ge [sflag:s5], $0x2000  }
0x1cb: {  	[sflag:s5] =	ssyncset.done $0x0  }
0x1cc: {  	[sflag:s5] =	ssyncadd.s32 $0xFFFFE000  }
0x1cd: {  	_ =	swait.ge [sflag:s8], $0x2000  }
0x1ce: {  	[sflag:s8] =	ssyncset.done $0x0  }
0x1cf: {  	[sflag:s8] =	ssyncadd.s32 $0xFFFFE000  }
0x1d0: {  	_ =	swait.ge [sflag:s9], $0x2000  }
0x1d1: {  	[sflag:s9] =	ssyncset.done $0x0  }
0x1d2: {  	s12 =	sadd.s32 $0x1, s12;
	[sflag:s9] =	ssyncadd.s32 $0xFFFFE000  }
0x1d3: {  	p0 =	sne.s32 s12, s16;
	[bflag:$0x0] =	sbarrier.arrive $0xFFFF  }
.Ltmp4:
0x1d4: {  	s13 =	rddreg [dreg:$0xd];
	(pc) =	sbr.rel @p0 .LBB2_1-.Ltmp4, $4  }
0x1d5: {  	[hbm:s13], [sflag:s6] =	dma.local [spmem:s17], $0x2780  }
0x1d6: {  	_ =	swait.ge [sflag:s18], $0x2780  }
0x1d7: {  	[sflag:s18] =	ssyncset.done $0x0  }
0x1d8: {  	[sflag:s18] =	ssyncadd.s32 $0xFFFFD880  }
0x1d9: {  	_ =	sfence.sel $0x180000  }
0x1da: {  	[bflag:$0x0] =	sbarrier.arrive $0xFFFF  }
0x1db: {  	_ =	strace $0x9000004D  }
0x1dc: {  	s0 =	stileid.u32;
	[bflag:$0x2] =	sbarrier.arrive $0xFFFF  }
0x1dd: {  	p0 =	sne.s32 s0, $0x0;
	s0 =	rddreg [dreg:$0x3]  }
0x1de: {  	s0 =	sadd.s32 @!p0 $0x100000, s0  }
0x1df: {  	[sflag:s0] =	ssyncadd.tile.s32 @!p0 $0x1;
	_ =	shalt  }
.Lfunc_end2:
_tile_overlayer_lowered:
.L_overlay_start_2:
0x1e0: {  	(tag) =	ssettag $0x2  }
0x1e1: {  	s0 =	rddreg [dreg:$0x0];
	s2 =	stileid.u32  }
0x1e2: {  	s1 =	rddreg [dreg:$0x1];
	p0 =	sne.s32 s2, $0x0  }
0x1e3: {  	s3 =	rddreg [dreg:$0x2];
	[bflag:$0x3] =	sbarrier.arrive $0xFFFF;
	s2 =	simm.s32 @!p0 $0x1C09  }
0x1e4: {  	[timem:s3], [sflag:s2] =	dma.local @!p0 [hbm:s0], s1  }
0x1e5: {  	s0 =	simm.s32 @!p0 $0x9  }
0x1e6: {  	_ =	swait.ge @!p0 [sflag:s0], s1  }
0x1e7: {  	s1 =	ssub.s32 @!p0 $0x0, s1;
	[sflag:s0] =	ssyncset.done @!p0 $0x0  }
0x1e8: {  	[sflag:s0] =	ssyncadd.s32 @!p0 s1  }
0x1e9: {  	[bflag:$0x3] =	sbarrier.arrive $0xFFFF  }
0x1ea: {  	_ =	shalt  }

// kernel: kernel.8.cloned.1.call-start
scs
__scs_entry_jumppad:
0x0: {  	(pc) =	sbr.rel $0x88, $3  }
0x1: {  	(tag) =	ssettag $0x0;
	lr =	simm.s32 $0x1  }
0x2: {  	[smem:$0x3F9B] =	sst lr;
	_ =	strace $0xD0000000  }
0x3: {  	_ = 	snop  }
0x4: {  	_ = 	snop  }
0x5: {  	_ = 	snop  }
0x6: {  	_ = 	snop  }
0x7: {  	_ = 	snop  }
__scs_overlays_trampoline_lowered:
0x8: {  	[smem:$0x3FAA] =	sst s0  }
0x9: {  	[smem:$0x3FAB] =	sst s1  }
0xa: {  	[smem:$0x3FAC] =	sst s2  }
0xb: {  	[smem:$0x3FAD] =	sst s3  }
0xc: {  	[smem:$0x3FAE] =	sst s4  }
0xd: {  	[smem:$0x3FAF] =	sst s5  }
0xe: {  	[smem:$0x3FB0] =	sst s6  }
0xf: {  	[smem:$0x3FB1] =	sst s7  }
0x10: {  	[smem:$0x3FB2] =	sst s8  }
0x11: {  	[smem:$0x3FB3] =	sst s9;
	s0 =	simm.s32 @!p0 $0x0  }
0x12: {  	s1 =	sld [smem:$0x3F99];
	s0 =	simm.s32 @p0 $0x1  }
0x13: {  	[smem:$0x3FB4] =	sst s0;
	s0 =	simm.s32 @!p1 $0x0  }
0x14: {  	s2 =	sld [smem:$0x3F98];
	s0 =	simm.s32 @p1 $0x1  }
0x15: {  	[smem:$0x3FB5] =	sst s0;
	s0 =	simm.s32 @!p2 $0x0  }
0x16: {  	s3 =	sld [smem:$0x3FDB];
	s0 =	simm.s32 @p2 $0x1  }
0x17: {  	s4 =	simm.s32 $0x1BF5;
	[smem:$0x3FB7] =	sst s0  }
0x18: {  	s0 =	sld [smem:$0x3F9A];
	_ =	swait.ge [sflag:s4], $0x0  }
0x19: {  	s7 =	sld [smem:$0x3F9B]  }
0x1a: {  	s8 =	sadd.s32 $0xFFFFE003, lr  }
0x1b: {  	s9 =	sadd.s32 $0xFFFFFEF7, lr;
	s5 =	simm.s32 $0xFFFFFFFF;
	p2 =	slt.u32 s8, $0xFFFFF086  }
0x1c: {  	p1 =	slt.u32 s9, $0xF7A;
	s5 =	simm.s32 @!p2 $0x0  }
0x1d: {  	s5 =	simm.s32 @p1 $0x1;
	p0 =	seq.s32 s7, s2  }
0x1e: {  	s7 =	smul.u32 @!p0 $0xF7A, s2;
	p2 =	seq.s32 @!p0 s5, $0x0  }
0x1f: {  	s9 =	smul.u32 $0xF7A, s1;
	s8 =	simm.s32 @!p0 $0x1BF5;
	p2 =	por !p2, p0  }
0x20: {  	[sflag:s8] =	ssyncset.s32 @!p0 $0xFFFFF086;
	s6 =	sadd.s32 @!p0 s3, s7;
	s7 =	simm.s32 @!p0 $0x108  }
0x21: {  	s3 =	sadd.s32 s3, s9;
	s6 =	sadd.s32 @!p0 $0x88, s6;
	s7 =	simm.s32 @p2 $0x1082  }
0x22: {  	[simem:s7], [sflag:s8] =	dma.local @!p0 [hbm:s6], $0xF7A  }
0x23: {  	s9 =	sor.u32 $0xD0000000, s2;
	s6 =	simm.s32 $0x108;
	_ =	swait.ge @!p0 [sflag:s8], $0x0  }
0x24: {  	s3 =	sadd.s32 $0x88, s3;
	s6 =	simm.s32 @!p1 $0x1082;
	[sflag:s4] =	ssyncset.s32 $0xFFFFF086  }
0x25: {  	[simem:s6], [sflag:s4] =	dma.local [hbm:s3], $0xF7A  }
0x26: {  	[smem:$0x3F9B] =	sst s1;
	(tag) =	ssettag s2;
	_ =	strace s9  }
0x27: {  	s1 =	sld [smem:$0x3FAB]  }
0x28: {  	s2 =	sld [smem:$0x3FAC]  }
0x29: {  	s4 =	sld [smem:$0x3FAE]  }
0x2a: {  	p0 =	seq.s32 s5, $0x0;
	s5 =	sld [smem:$0x3FAF]  }
0x2b: {  	s6 =	sld [smem:$0x3FB0]  }
0x2c: {  	s7 =	sld [smem:$0x3FB1]  }
0x2d: {  	s3 =	simm.s32 $0x108;
	s8 =	sld [smem:$0x3FB2]  }
0x2e: {  	s3 =	simm.s32 @!p0 $0x1082;
	s9 =	sld [smem:$0x3FB3]  }
0x2f: {  	lr =	sadd.s32 s0, s3;
	s0 =	sld [smem:$0x3FAA]  }
0x30: {  	s3 =	sld [smem:$0x3FAD]  }
0x31: {  	[smem:$0x3FB6] =	sst s10  }
0x32: {  	s10 =	sld [smem:$0x3FB4];
	_ =	sdelay $0x3  }
0x33: {  	p0 =	seq.s32 s10, $0x1;
	s10 =	sld [smem:$0x3FB6];
	_ =	sdelay $0x3  }
0x34: {  	[smem:$0x3FB6] =	sst s10  }
0x35: {  	s10 =	sld [smem:$0x3FB5];
	_ =	sdelay $0x3  }
0x36: {  	p1 =	seq.s32 s10, $0x1;
	s10 =	sld [smem:$0x3FB6];
	_ =	sdelay $0x3  }
0x37: {  	[smem:$0x3FB6] =	sst s10  }
0x38: {  	s10 =	sld [smem:$0x3FB7]  }
0x39: {  	_ = 	snop;
	(pc) =	sbr.ind lr, $3  }
0x3a: {  	_ = 	snop  }
0x3b: {  	_ = 	snop  }
0x3c: {  	p2 =	seq.s32 s10, $0x1;
	s10 =	sld [smem:$0x3FB6]  }
0x3d: {  	_ =	shalt  }
0x3e: {  	_ =	shalt  }
0x3f: {  	_ =	shalt  }
0x40: {  	_ =	shalt  }
0x41: {  	_ =	shalt  }
0x42: {  	_ =	shalt  }
0x43: {  	_ =	shalt  }
0x44: {  	_ =	shalt  }
0x45: {  	_ =	shalt  }
0x46: {  	_ =	shalt  }
0x47: {  	_ =	shalt  }
0x48: {  	_ =	shalt  }
0x49: {  	_ =	shalt  }
0x4a: {  	_ =	shalt  }
0x4b: {  	_ =	shalt  }
0x4c: {  	_ =	shalt  }
0x4d: {  	_ =	shalt  }
0x4e: {  	_ =	shalt  }
0x4f: {  	_ =	shalt  }
0x50: {  	_ =	shalt  }
0x51: {  	_ =	shalt  }
0x52: {  	_ =	shalt  }
0x53: {  	_ =	shalt  }
0x54: {  	_ =	shalt  }
0x55: {  	_ =	shalt  }
0x56: {  	_ =	shalt  }
0x57: {  	_ =	shalt  }
0x58: {  	_ =	shalt  }
0x59: {  	_ =	shalt  }
0x5a: {  	_ =	shalt  }
0x5b: {  	_ =	shalt  }
0x5c: {  	_ =	shalt  }
0x5d: {  	_ =	shalt  }
0x5e: {  	_ =	shalt  }
0x5f: {  	_ =	shalt  }
0x60: {  	_ =	shalt  }
0x61: {  	_ =	shalt  }
0x62: {  	_ =	shalt  }
0x63: {  	_ =	shalt  }
0x64: {  	_ =	shalt  }
0x65: {  	_ =	shalt  }
0x66: {  	_ =	shalt  }
0x67: {  	_ =	shalt  }
0x68: {  	_ =	shalt  }
0x69: {  	_ =	shalt  }
0x6a: {  	_ =	shalt  }
0x6b: {  	_ =	shalt  }
0x6c: {  	_ =	shalt  }
0x6d: {  	_ =	shalt  }
0x6e: {  	_ =	shalt  }
0x6f: {  	_ =	shalt  }
0x70: {  	_ =	shalt  }
0x71: {  	_ =	shalt  }
0x72: {  	_ =	shalt  }
0x73: {  	_ =	shalt  }
0x74: {  	_ =	shalt  }
0x75: {  	_ =	shalt  }
0x76: {  	_ =	shalt  }
0x77: {  	_ =	shalt  }
0x78: {  	_ =	shalt  }
0x79: {  	_ =	shalt  }
0x7a: {  	_ =	shalt  }
0x7b: {  	_ =	shalt  }
0x7c: {  	_ =	shalt  }
0x7d: {  	_ =	shalt  }
0x7e: {  	_ =	shalt  }
0x7f: {  	_ =	shalt  }
0x80: {  	_ =	shalt  }
0x81: {  	_ =	shalt  }
0x82: {  	_ =	shalt  }
0x83: {  	_ =	shalt  }
0x84: {  	_ =	shalt  }
0x85: {  	_ =	shalt  }
0x86: {  	_ =	shalt  }
0x87: {  	_ =	shalt  }
.Lfunc_end0:
.L_simem_size_0:
called_computation_lowered:
.L_overlay_start_0:
0x88: {  	s2 =	sld [smem:$0x3FD9]  }
0x89: {  	s3 =	sld [smem:$0x3FFE];
	_ =	sdelay $0x1  }
0x8a: {  	s1 =	srdreg.scid  }
0x8b: {  	s0 =	sand.u32 $0x1, s1  }
0x8c: {  	s17 =	sshll.u32 s0, $0xA;
	s2 =	sadd.s32 s3, s2  }
0x8d: {  	s2 =	sadd.s32 s2, s17  }
0x8e: {  	[smem:$0x3FC2] =	sst s2  }
0x8f: {  	_ = 	snop  }
0x90: {  	s2 =	sld [smem:$0x3FD0];
	(tm) =	ssettm $0x1  }
0x91: {  	s18 =	sld [smem:$0x3FFB];
	_ =	sdelay $0x3  }
0x92: {  	_ =	strace s18  }
0x93: {  	s3 =	sld [smem:$0x3FFC];
	_ =	sdelay $0x3  }
0x94: {  	_ =	strace s3  }
0x95: {  	s3 =	sld [smem:$0x3FFD];
	_ =	sdelay $0x3  }
0x96: {  	_ =	strace s3  }
0x97: {  	_ =	strace $0x8FFFFFFF  }
0x98: {  	s19 =	sld [smem:$0x3FDB];
	_ =	sdelay $0x1  }
0x99: {  	s4 =	simm.s32 $_scs_section_size  }
0x9a: {  	s5 =	simm.s32 $_size__tile_overlayer_lowered;
	s6 =	simm.s32 $_tile_overlayer_lowered  }
0x9b: {  	s22 =	simm.s32 $0x1BFF;
	s21 =	sshll.u32 s6, $0x1;
	s3 =	sadd.s32 s4, s19  }
0x9c: {  	s7 =	simm.s32 $0x0;
	s20 =	sshll.u32 s5, $0x1;
	s5 =	sadd.s32 s21, s3  }
0x9d: {  	[timem:s7], [sflag:s22] =	dma.local [hbm:s5], s20  }
0x9e: {  	_ =	swait.ge [sflag:s22], s20  }
0x9f: {  	s4 =	ssub.s32 $0x0, s20;
	[sflag:s22] =	ssyncset.done $0x0  }
0xa0: {  	[sflag:s22] =	ssyncadd.s32 s4;
	_ =	sdelay $0x1  }
0xa1: {  	s23 =	simm.s32 $0x1B8B  }
0xa2: {  	_ =	swait.ge [sflag:s23], $0x1  }
0xa3: {  	[sflag:s23] =	ssyncset.done $0x0  }
0xa4: {  	s25 =	simm.s32 $0x1B8E;
	s24 =	sld [smem:$0x3FFE];
	[sflag:s23] =	ssyncadd.s32 $0xFFFFFFFF  }
0xa5: {  	s26 =	simm.s32 $execute0_lowered;
	[smem:$0x3FD2] =	sst s25  }
0xa6: {  	s5 =	sshll.u32 s26, $0x1;
	_ =	strace $0x80000046;
	[dreg:$0x1] =	wrdreg $0xFFFFFFFF  }
0xa7: {  	s28 =	simm.s32 $_size_execute0_lowered;
	s3 =	sadd.s32 s3, s5;
	[dreg:$0x0] =	wrdreg $0x0  }
0xa8: {  	s5 =	sshll.u32 s28, $0x1;
	[dreg:$0x2] =	wrdreg s3  }
0xa9: {  	[dreg:$0x3] =	wrdreg s5  }
0xaa: {  	[dreg:$0x4] =	wrdreg $0xC0  }
0xab: {  	_ =	task [dreg:s7], $0x5FFFF  }
0xac: {  	[dreg:$0x1] =	wrdreg $0xFFFFFFFF  }
0xad: {  	[dreg:$0x0] =	wrdreg $0x60  }
0xae: {  	[dreg:$0x2] =	wrdreg s24  }
0xaf: {  	[dreg:$0x3] =	wrdreg s2  }
0xb0: {  	[dreg:$0x4] =	wrdreg $0x50800  }
0xb1: {  	[dreg:$0x5] =	wrdreg $0x9  }
0xb2: {  	_ =	task.clear_ibuf [dreg:s7], $0x6FFFF;
	_ =	strace $0x90000046  }
0xb3: {  	s29 =	simm.s32 $0x9;
	_ =	strace $0x80000048  }
0xb4: {  	_ =	swait.ge [sflag:s29], $0x1  }
0xb5: {  	[sflag:s29] =	ssyncadd.s32 $0xFFFFFFFF  }
0xb6: {  	_ =	strace $0x90000048  }
0xb7: {  	_ =	sfence  }
0xb8: {  	s30 =	sld [smem:$0x0];
	_ =	sdelay $0x2  }
0xb9: {  	s31 =	sshll.u32 s1, $0xD;
	s1 =	sshrl.u32 s1, $0x2  }
0xba: {  	s3 =	sand.u32 $0x4000, s31;
	s1 =	sadd.s32 s1, s30  }
0xbb: {  	s0 =	sor.u32 s3, s0;
	s1 =	sshll.u32 s1, $0x11  }
0xbc: {  	s0 =	sor.u32 s1, s0  }
0xbd: {  	s0 =	sadd.s32 $0x8F2B, s0  }
0xbe: {  	[sflag:s0] =	ssyncadd.remote.s32 $0x1  }
0xbf: {  	_ =	sfence.sel $0xFFFF  }
0xc0: {  	[dreg:$0x0] =	wrdreg $0xFFFFFFFF;
	(pc) =	sbr.abs _section_cstart, $3  }
0xc1: {  	[dreg:$0x1] =	wrdreg $0xFFFFFFFF  }
0xc2: {  	_ =	task.clear_ibuf [dreg:s7], $0x2FFFF;
	_ =	strace $0x9FFFFFFF  }
0xc3: {  	(tm) =	ssettm $0x7FFFFFFF  }
tec
execute0_lowered:
.L_overlay_start_1:
0x0: {  	(tag) =	ssettag $0x1  }
0x1: {  	s4 =	rddreg [dreg:$0x0]  }
0x2: {  	s7 =	rddreg [dreg:$0x1]  }
0x3: {  	s0 =	srdreg.scid;
	s2 =	rddreg [dreg:$0x2]  }
0x4: {  	s3 =	simm.s32 $0x0;
	s13 =	simm.s32 $0x80;
	s14 =	simm.s32 $0x100  }
0x5: {  	s15 =	simm.s32 $0x180;
	s16 =	simm.s32 $0x1;
	s17 =	simm.s32 $0x2  }
0x6: {  	s18 =	simm.s32 $0x3;
	s19 =	simm.s32 $0x4;
	s20 =	simm.s32 $0x0  }
0x7: {  	s5 =	sand.u32 $0x1, s0;
	s0 =	stileid.u32;
	[smem:$0x7FF] =	sst s3  }
0x8: {  	s1 =	sshll.u32 s5, $0x4;
	s8 =	smul.u32 $0x280, s0;
	s9 =	ssub.s32 $0x2, s5  }
0x9: {  	s5 =	smul.u32 $0x2800, s5;
	s30 =	sshll.u32 s0, $0x6;
	s6 =	sor.u32 s0, s1  }
0xa: {  	s1 =	rddreg [dreg:$0x3];
	_ =	strace $0x80000047;
	s10 =	sshrl.u32 s9, $0x1  }
0xb: {  	s6 =	smul.u32 $0xA00, s6;
	s9 =	ssub.s32 s9, s10;
	s11 =	sadd.s32 s8, s5  }
0xc: {  	s12 =	sadd.s32 s8, s2;
	s5 =	sor.u32 $0x1C05, s30;
	s10 =	simm.s32 $0x5  }
0xd: {  	s31 =	sshrl.u32 s11, $0x3;
	s8 =	smax.u32 s9, $0x1;
	s9 =	sshrl.u32 s12, $0x3  }
0xe: {  	s11 =	simm.s32 $0x40;
	s12 =	simm.s32 $0x5000;
	s6 =	sadd.s32 s6, s4  }
0xf: {  	v0 =	vimm.f32 $1.000000000e+00;
	s4 =	sadd.s32 $0x16600, s4;
	s7 =	sadd.s32 s7, s31;
	s6 =	sadd.s32 $0x2600, s6  }
.LBB2_1:
0x10: {  	[spmem:s9], [sflag:s5] =	dma.local [hbm:s4], $0x50  }
0x11: {  	_ =	swait.ge [sflag:s10], $0x50  }
0x12: {  	[sflag:s10] =	ssyncset.done $0x0  }
0x13: {  	[sflag:s10] =	ssyncadd.s32 $0xFFFFFFB0  }
0x14: {  	[tilespmem:$0x5000] =	vst v0  }
0x15: {  	[tilespmem:$0x5010] =	vst v0  }
0x16: {  	[tilespmem:$0x5020] =	vst v0  }
0x17: {  	[tilespmem:$0x5030] =	vst v0  }
0x18: {  	[bflag:$0x0] =	sbarrier.arrive $0xFFFF  }
0x19: {  	[tilespmem:s3], [sflag:$0x5] =	stream.linear.gather [hbm4b:s6+s3], $0x5000, $0x38;
	[tilespmem:$0x5300] =	vst v63  }
0x1a: {  	_ =	swait.ge [sflag:s10], $0x5000  }
0x1b: {  	[sflag:s10] =	ssyncset.done $0x0  }
0x1c: {  	[sflag:s10] =	ssyncadd.s32 $0xFFFFB000  }
0x1d: {  	[spmem:s2] =	stream.indirect.scatter.add.f32 [tilespmem:s12], [sflag:$0x1], $0x1, s3, s11, $0xb8;
	[tilespmem:$0x5300] =	vst v63  }
0x1e: {  	_ = 	snop  }
0x1f: {  	[spmem:s2] =	stream.indirect.scatter.add.f32 [tilespmem:s12], [sflag:$0x2], $0x1, s13, s11, $0xb8;
	[tilespmem:$0x5300] =	vst v63  }
0x20: {  	_ = 	snop  }
0x21: {  	[spmem:s2] =	stream.indirect.scatter.add.f32 [tilespmem:s12], [sflag:$0x3], $0x1, s14, s11, $0xb8;
	[tilespmem:$0x5300] =	vst v63  }
0x22: {  	_ = 	snop  }
0x23: {  	[spmem:s2] =	stream.indirect.scatter.add.f32 [tilespmem:s12], [sflag:$0x4], $0x1, s15, s11, $0xb8;
	[tilespmem:$0x5300] =	vst v63  }
0x24: {  	_ =	swait.ge [sflag:s16], $0x40  }
0x25: {  	[sflag:s16] =	ssyncset.done $0x0  }
0x26: {  	s21 =	simm.s32 $0x200;
	[sflag:s16] =	ssyncadd.s32 $0xFFFFFFC0  }
0x27: {  	[spmem:s2] =	stream.indirect.scatter.add.f32 [tilespmem:s12], [sflag:$0x1], $0x1, s21, s11, $0xb8;
	[tilespmem:$0x5300] =	vst v63  }
0x28: {  	_ =	swait.ge [sflag:s17], $0x40  }
0x29: {  	[sflag:s17] =	ssyncset.done $0x0  }
0x2a: {  	s30 =	simm.s32 $0x280;
	[sflag:s17] =	ssyncadd.s32 $0xFFFFFFC0  }
0x2b: {  	[spmem:s2] =	stream.indirect.scatter.add.f32 [tilespmem:s12], [sflag:$0x2], $0x1, s30, s11, $0xb8;
	[tilespmem:$0x5300] =	vst v63  }
0x2c: {  	_ =	swait.ge [sflag:s18], $0x40  }
0x2d: {  	[sflag:s18] =	ssyncset.done $0x0  }
0x2e: {  	s31 =	simm.s32 $0x300;
	[sflag:s18] =	ssyncadd.s32 $0xFFFFFFC0  }
0x2f: {  	[spmem:s2] =	stream.indirect.scatter.add.f32 [tilespmem:s12], [sflag:$0x3], $0x1, s31, s11, $0xb8;
	[tilespmem:$0x5300] =	vst v63  }
0x30: {  	_ =	swait.ge [sflag:s19], $0x40  }
0x31: {  	[sflag:s19] =	ssyncset.done $0x0  }
0x32: {  	s22 =	simm.s32 $0x380;
	s21 =	simm.s32 $0xFFFED000;
	[sflag:s19] =	ssyncadd.s32 $0xFFFFFFC0  }
.LBB2_2:
0x33: {  	[spmem:s2] =	stream.indirect.scatter.add.f32 [tilespmem:s12], [sflag:$0x4], $0x1, s22, s11, $0xb8;
	[tilespmem:$0x5300] =	vst v63  }
0x34: {  	s22 =	smov.u32 s21  }
0x35: {  	p0 =	sne.s32 s21, $0xFFFFF800;
	s21 =	sadd.s32 $0x800, s21;
	_ =	swait.ge [sflag:s16], $0x40  }
0x36: {  	s22 =	sshra.s32 s22, $0x2;
	[sflag:s16] =	ssyncset.done $0x0  }
0x37: {  	s23 =	sadd.s32 $0x5000, s22;
	[sflag:s16] =	ssyncadd.s32 $0xFFFFFFC0  }
0x38: {  	[spmem:s2] =	stream.indirect.scatter.add.f32 [tilespmem:s12], [sflag:$0x1], $0x1, s23, s11, $0xb8;
	[tilespmem:$0x5300] =	vst v63  }
0x39: {  	_ =	swait.ge [sflag:s17], $0x40  }
0x3a: {  	[sflag:s17] =	ssyncset.done $0x0  }
0x3b: {  	s23 =	sadd.s32 $0x5080, s22;
	[sflag:s17] =	ssyncadd.s32 $0xFFFFFFC0  }
0x3c: {  	[spmem:s2] =	stream.indirect.scatter.add.f32 [tilespmem:s12], [sflag:$0x2], $0x1, s23, s11, $0xb8;
	[tilespmem:$0x5300] =	vst v63  }
0x3d: {  	_ =	swait.ge [sflag:s18], $0x40  }
0x3e: {  	[sflag:s18] =	ssyncset.done $0x0  }
.Ltmp0:
0x3f: {  	s23 =	sadd.s32 $0x5100, s22;
	[sflag:s18] =	ssyncadd.s32 $0xFFFFFFC0;
	(pc) =	sbr.rel @p0 .LBB2_2-.Ltmp0, $4  }
0x40: {  	[spmem:s2] =	stream.indirect.scatter.add.f32 [tilespmem:s12], [sflag:$0x3], $0x1, s23, s11, $0xb8;
	[tilespmem:$0x5300] =	vst v63  }
0x41: {  	_ =	swait.ge [sflag:s19], $0x40  }
0x42: {  	[sflag:s19] =	ssyncset.done $0x0  }
0x43: {  	s22 =	sadd.s32 $0x5180, s22;
	[sflag:s19] =	ssyncadd.s32 $0xFFFFFFC0  }
0x44: {  	[spmem:s2] =	stream.indirect.scatter.add.f32 [tilespmem:s12], [sflag:$0x4], $0x1, s22, s11, $0xb8;
	[tilespmem:$0x5300] =	vst v63  }
0x45: {  	_ =	swait.ge [sflag:s16], $0x40  }
0x46: {  	[sflag:s16] =	ssyncset.done $0x0  }
0x47: {  	[sflag:s16] =	ssyncadd.s32 $0xFFFFFFC0  }
0x48: {  	_ =	swait.ge [sflag:s17], $0x40  }
0x49: {  	[sflag:s17] =	ssyncset.done $0x0  }
0x4a: {  	[sflag:s17] =	ssyncadd.s32 $0xFFFFFFC0  }
0x4b: {  	_ =	swait.ge [sflag:s18], $0x40  }
0x4c: {  	[sflag:s18] =	ssyncset.done $0x0  }
0x4d: {  	[sflag:s18] =	ssyncadd.s32 $0xFFFFFFC0  }
0x4e: {  	_ =	swait.ge [sflag:s19], $0x40  }
0x4f: {  	s20 =	sadd.s32 $0x1, s20;
	[sflag:s19] =	ssyncset.done $0x0  }
0x50: {  	p0 =	sne.s32 s20, s8;
	[sflag:s19] =	ssyncadd.s32 $0xFFFFFFC0  }
.Ltmp1:
0x51: {  	[bflag:$0x0] =	sbarrier.arrive $0xFFFF;
	(pc) =	sbr.rel @p0 .LBB2_1-.Ltmp1, $4  }
0x52: {  	[hbm:s7], [sflag:s5] =	dma.local [spmem:s9], $0x50  }
0x53: {  	_ =	swait.ge [sflag:s10], $0x50  }
0x54: {  	[sflag:s10] =	ssyncset.done $0x0  }
0x55: {  	[sflag:s10] =	ssyncadd.s32 $0xFFFFFFB0  }
0x56: {  	_ =	sfence.sel $0x180000  }
0x57: {  	[bflag:$0x0] =	sbarrier.arrive $0xFFFF  }
0x58: {  	p0 =	sne.s32 s0, $0x0;
	_ =	strace $0x90000047  }
0x59: {  	s0 =	sadd.s32 @!p0 $0x100000, s1;
	[bflag:$0x2] =	sbarrier.arrive $0xFFFF  }
0x5a: {  	[sflag:s0] =	ssyncadd.tile.s32 @!p0 $0x1;
	_ =	shalt  }
.Lfunc_end2:
_tile_overlayer_lowered:
.L_overlay_start_2:
0x5b: {  	(tag) =	ssettag $0x2  }
0x5c: {  	s0 =	rddreg [dreg:$0x0];
	s2 =	stileid.u32  }
0x5d: {  	s1 =	rddreg [dreg:$0x1];
	p0 =	sne.s32 s2, $0x0  }
0x5e: {  	s3 =	rddreg [dreg:$0x2];
	[bflag:$0x3] =	sbarrier.arrive $0xFFFF;
	s2 =	simm.s32 @!p0 $0x1C05  }
0x5f: {  	[timem:s3], [sflag:s2] =	dma.local @!p0 [hbm:s0], s1  }
0x60: {  	s0 =	simm.s32 @!p0 $0x5  }
0x61: {  	_ =	swait.ge @!p0 [sflag:s0], s1  }
0x62: {  	s1 =	ssub.s32 @!p0 $0x0, s1;
	[sflag:s0] =	ssyncset.done @!p0 $0x0  }
0x63: {  	[sflag:s0] =	ssyncadd.s32 @!p0 s1  }
0x64: {  	[bflag:$0x3] =	sbarrier.arrive $0xFFFF  }
0x65: {  	_ =	shalt  }

</sc_bundles>
